<compile_context>
chip_gen: v7x
topology: tpu7x:2x2x1
jax: 0.10.2.dev20260603
libtpu: 0.0.44.dev20260713+nightly
codegen_flags: <defaults>
</compile_context>

<pallas_src>
import dataclasses
import functools
import math

import jax
import jax.numpy as jnp
from jax import lax
from jax.experimental import pallas as pl
from jax.experimental.pallas import tpu as pltpu
from jax.experimental.pallas import tpu_sc as plsc

N = 10000
E = 320000
HC = 128
NRBF = 16
CUTOFF = 10.0

NC = 2
NS = 16
L = 16
NW = NC * NS

CHUNK = 40
RBLK = 8
NRBLK = N // RBLK

NSPLIT = 2
EHALF = E // NSPLIT
EPW = EHALF // NW
NCHUNK = EPW // CHUNK

_TE = 8000
HC2 = HC // 2

_ZROWS = 48


def _pack_bf16_pairs(v):
    vb = v.astype(jnp.bfloat16)
    lo = jax.lax.bitcast_convert_type(vb[:, :HC2], jnp.uint16).astype(jnp.uint32)
    hi = jax.lax.bitcast_convert_type(vb[:, HC2:], jnp.uint16).astype(jnp.uint32)
    return ((hi << 16) | lo).astype(jnp.int32)


def _h_body(x_ref, w_ref, ew_ref, o_ref, c_ref):
    o_ref[...] = jnp.dot(x_ref[...], w_ref[...],
                         preferred_element_type=jnp.float32)
    ew = ew_ref[...]
    c2d = 0.5 * (jnp.cos(ew * (math.pi / CUTOFF)) + 1.0)
    c_ref[...] = c2d * (ew < CUTOFF).astype(jnp.float32)


def _compute_h(x, lin1_w, edge_weight):
    h, c2d = pl.pallas_call(
        _h_body,
        out_shape=(jax.ShapeDtypeStruct((N, HC), jnp.float32),
                   jax.ShapeDtypeStruct((E // 128, 128), jnp.float32)),
    )(x, lin1_w, edge_weight.reshape(E // 128, 128))
    return h, c2d.reshape(E)


def _filter_body(ea_ref, w1_ref, b1_ref, w2_ref, b2_ref, o_ref):
    t = jnp.tanh(jnp.dot(ea_ref[...].astype(jnp.bfloat16),
                         w1_ref[...].astype(jnp.bfloat16),
                         preferred_element_type=jnp.float32) + b1_ref[...])
    w = jnp.dot(t.astype(jnp.bfloat16), w2_ref[...].astype(jnp.bfloat16),
                preferred_element_type=jnp.float32) + b2_ref[...]
    o_ref[...] = _pack_bf16_pairs(w)


def _compute_w(edge_attr, fn1_w, fn1_b, fn2_w, fn2_b, half):
    grid = EHALF // _TE
    off = half * (EHALF // _TE)
    return pl.pallas_call(
        _filter_body,
        grid=(grid,),
        in_specs=[
            pl.BlockSpec((_TE, NRBF), lambda i: (i + off, 0)),
            pl.BlockSpec((NRBF, HC), lambda i: (0, 0)),
            pl.BlockSpec((1, HC), lambda i: (0, 0)),
            pl.BlockSpec((HC, HC), lambda i: (0, 0)),
            pl.BlockSpec((1, HC), lambda i: (0, 0)),
        ],
        out_specs=pl.BlockSpec((_TE, HC2), lambda i: (i, 0)),
        out_shape=jax.ShapeDtypeStruct((EHALF, HC2), jnp.int32),
    )(edge_attr, fn1_w, fn1_b.reshape(1, HC),
      fn2_w, fn2_b.reshape(1, HC))


def _sc_conv_body(h_hbm, w_hbm, src_hbm, dst_hbm, c_hbm, out_hbm,
                  src0, src1, dstS0, dstS1, rows0, rows1, wv0, wv1, cv0, cv1,
                  zbuf, acc_sh,
                  sem_i0, sem_i1, sem_d0, sem_d1, sem_g0, sem_g1,
                  sem_w0, sem_w1, sem_s0, sem_s1, sem_c0, sem_c1, sem_z,
                  half):
    cid = lax.axis_index("c")
    sid = lax.axis_index("s")
    wid = cid * NS + sid
    base = half * EHALF + wid * EPW
    wbase = wid * EPW

    srcb = (src0, src1)
    dstb = (dstS0, dstS1)
    rowsb = (rows0, rows1)
    wb = (wv0, wv1)
    cb = (cv0, cv1)
    sem_c = (sem_c0, sem_c1)
    sem_i = (sem_i0, sem_i1)
    sem_d = (sem_d0, sem_d1)
    sem_g = (sem_g0, sem_g1)
    sem_w = (sem_w0, sem_w1)
    sem_s = (sem_s0, sem_s1)

    @pl.loop(0, _ZROWS)
    def _zero_rows(r):
        @pl.loop(0, HC, step=L)
        def _zero_lanes(k):
            zbuf[r, pl.ds(k, L)] = jnp.zeros((L,), jnp.float32)

    zlo = sid * 624

    @pl.loop(0, 13)
    def _zero_issue(k):
        pltpu.async_copy(zbuf.at[pl.ds(0, _ZROWS)],
                         acc_sh.at[pl.ds(zlo + k * _ZROWS, _ZROWS)], sem_z)

    @pl.loop(0, 13)
    def _zero_drain(k):
        pltpu.make_async_copy(zbuf.at[pl.ds(0, _ZROWS)],
                              acc_sh.at[pl.ds(0, _ZROWS)], sem_z).wait()

    @pl.when(sid == NS - 1)
    def _zero_tail():
        pltpu.sync_copy(zbuf.at[pl.ds(0, 16)], acc_sh.at[pl.ds(9984, 16)])

    plsc.subcore_barrier()

    def issue_src(c, p):
        pltpu.async_copy(src_hbm.at[pl.ds(base + c * CHUNK, CHUNK)],
                         srcb[p], sem_i[p])

    def wait_src(p):
        pltpu.make_async_copy(src_hbm.at[pl.ds(0, CHUNK)], srcb[p],
                              sem_i[p]).wait()

    def issue_dst(c, p):
        pltpu.async_copy(dst_hbm.at[pl.ds(base + c * CHUNK, CHUNK)],
                         dstb[p], sem_d[p])

    def wait_dst(p):
        pltpu.make_async_copy(dst_hbm.at[pl.ds(0, CHUNK)], dstb[p],
                              sem_d[p]).wait()

    def issue_gw(c, p):
        pltpu.async_copy(h_hbm.at[srcb[p]], rowsb[p], sem_g[p])
        pltpu.async_copy(w_hbm.at[pl.ds(wbase + c * CHUNK, CHUNK)],
                         wb[p], sem_w[p])
        pltpu.async_copy(c_hbm.at[pl.ds(base + c * CHUNK, CHUNK)],
                         cb[p], sem_c[p])

    def wait_gw(p):
        pltpu.make_async_copy(h_hbm.at[srcb[p]], rowsb[p], sem_g[p]).wait()
        pltpu.make_async_copy(w_hbm.at[pl.ds(0, CHUNK)], wb[p],
                              sem_w[p]).wait()
        pltpu.make_async_copy(c_hbm.at[pl.ds(0, CHUNK)], cb[p],
                              sem_c[p]).wait()

    def issue_scatter(p):
        pltpu.async_copy(rowsb[p], acc_sh.at[dstb[p]], sem_s[p], add=True)

    def wait_scatter(p):
        pltpu.make_async_copy(rowsb[p], acc_sh.at[dstb[p]], sem_s[p]).wait()

    def multiply(p):
        rv, wv, cv = rowsb[p], wb[p], cb[p]
        hi = jnp.full((L,), -65536, dtype=jnp.int32)

        @pl.loop(0, CHUNK)
        def _row(r):
            csp = plsc.load_gather(cv, [jnp.full((L,), r, jnp.int32)])

            @pl.loop(0, HC2, step=L)
            def _lane(k):
                w32 = wv[r, pl.ds(k, L)]
                wa = plsc.bitcast(w32 << 16, jnp.float32) * csp
                wb_ = plsc.bitcast(w32 & hi, jnp.float32) * csp
                rv[r, pl.ds(k, L)] = rv[r, pl.ds(k, L)] * wa
                rv[r, pl.ds(k + HC2, L)] = rv[r, pl.ds(k + HC2, L)] * wb_

    def stage(c, p, first=False, issue_next=True, issue_src2=True):
        q = 1 - p
        if not first:
            wait_scatter(q)
        if issue_next:
            wait_src(q)
            issue_gw(c + 1, q)
            issue_dst(c + 1, q)
        wait_gw(p)
        if issue_src2:
            issue_src(c + 2, p)
        multiply(p)
        wait_dst(p)
        issue_scatter(p)

    issue_src(0, 0)
    issue_src(1, 1)
    issue_dst(0, 0)
    wait_src(0)
    issue_gw(0, 0)

    stage(0, 0, first=True)
    stage(1, 1)
    stage(2, 0)

    @pl.loop(0, (NCHUNK - 5) // 2)
    def _pair(t):
        c0 = 3 + 2 * t
        stage(c0, 1)
        stage(c0 + 1, 0)

    stage(NCHUNK - 2, 1, issue_src2=False)
    stage(NCHUNK - 1, 0, issue_next=False, issue_src2=False)
    wait_scatter(0)

    plsc.subcore_barrier()

    @pl.when(sid < NS - 1)
    def _wb_main():
        pltpu.sync_copy(acc_sh.at[pl.ds(zlo, 624)],
                        out_hbm.at[pl.ds(cid * N + zlo, 624)])

    @pl.when(sid == NS - 1)
    def _wb_last():
        pltpu.sync_copy(acc_sh.at[pl.ds(zlo, 640)],
                        out_hbm.at[pl.ds(cid * N + zlo, 640)])


def _sc_conv(h, wmat, src, dst, cvec, half):
    mesh = plsc.VectorSubcoreMesh(core_axis_name="c", subcore_axis_name="s",
                                  num_cores=NC, num_subcores=NS)
    cp = pltpu.CompilerParams()
    if "needs_layout_passes" in pltpu.CompilerParams.__dataclass_fields__:
        cp = dataclasses.replace(cp, needs_layout_passes=False)
    kern = pl.kernel(
        functools.partial(_sc_conv_body, half=half),
        out_type=jax.ShapeDtypeStruct((NC * N, HC), jnp.float32),
        mesh=mesh,
        compiler_params=cp,
        scratch_types=[
            pltpu.VMEM((CHUNK,), jnp.int32),
            pltpu.VMEM((CHUNK,), jnp.int32),
            pltpu.VMEM((CHUNK,), jnp.int32),
            pltpu.VMEM((CHUNK,), jnp.int32),
            pltpu.VMEM((CHUNK, HC), jnp.float32),
            pltpu.VMEM((CHUNK, HC), jnp.float32),
            pltpu.VMEM((CHUNK, HC2), jnp.int32),
            pltpu.VMEM((CHUNK, HC2), jnp.int32),
            pltpu.VMEM((CHUNK,), jnp.float32),
            pltpu.VMEM((CHUNK,), jnp.float32),
            pltpu.VMEM((_ZROWS, HC), jnp.float32),
            pltpu.VMEM_SHARED((N, HC), jnp.float32),
        ] + [pltpu.SemaphoreType.DMA] * 13,
    )
    return kern(h, wmat, src, dst, cvec)


def _out_body(p0_ref, p1_ref, w2_ref, b2_ref, wo_ref, bo_ref, o_ref):
    agg = (p0_ref[:N, :] + p0_ref[N:, :]) + (p1_ref[:N, :] + p1_ref[N:, :])
    conv = jnp.dot(agg, w2_ref[...], preferred_element_type=jnp.float32) + b2_ref[...]
    o_ref[...] = jnp.dot(jnp.tanh(conv), wo_ref[...],
                         preferred_element_type=jnp.float32) + bo_ref[...]


def _compute_out(parts0, parts1, lin2_w, lin2_b, lin_w, lin_b):
    return pl.pallas_call(
        _out_body,
        out_shape=jax.ShapeDtypeStruct((N, HC), jnp.float32),
    )(parts0, parts1, lin2_w, lin2_b.reshape(1, HC), lin_w, lin_b.reshape(1, HC))


def kernel(x, edge_index, edge_weight, edge_attr,
           lin1_w, fn1_w, fn1_b, fn2_w, fn2_b, lin2_w, lin2_b, lin_w, lin_b):
    src = edge_index[0]
    dst = edge_index[1]
    h, cvec = _compute_h(x, lin1_w, edge_weight)
    parts = []
    for s in range(NSPLIT):
        wm = _compute_w(edge_attr, fn1_w, fn1_b, fn2_w, fn2_b, s)
        parts.append(_sc_conv(h, wm, src, dst, cvec, s))
    return _compute_out(parts[0], parts[1], lin2_w, lin2_b, lin_w, lin_b)

# --- scband reference (transcript-rebuilt; emitter-appended) ---
"""Pipeline reference for scband-interaction-block-39084202393769 (READ-ONLY COPY).

The authoritative reference and input builder live on the scoring server;
editing this copy changes nothing except your own understanding.
"""

import jax, jax.numpy as jnp
import numpy as np

N = 10000
E = 320000
HC = 128
NRBF = 16
CUTOFF = 10.0


def setup_inputs(seed: int = 0) -> dict:
    key = jax.random.key(seed)
    ks = [jax.random.fold_in(key, i) for i in range(16)]
    x = jax.random.normal(ks[0], (N, HC), dtype=jnp.float32)
    edge_index = jax.random.randint(ks[1], (2, E), 0, N)
    edge_weight = jax.random.uniform(ks[2], (E,), dtype=jnp.float32) * CUTOFF * 0.9
    edge_attr = jax.random.normal(ks[3], (E, NRBF), dtype=jnp.float32)
    s = 0.05
    lin1_w = jax.random.normal(ks[4], (HC, HC), dtype=jnp.float32) * s
    fn1_w = jax.random.normal(ks[5], (NRBF, HC), dtype=jnp.float32) * s
    fn1_b = jnp.zeros((HC,), dtype=jnp.float32)
    fn2_w = jax.random.normal(ks[6], (HC, HC), dtype=jnp.float32) * s
    fn2_b = jnp.zeros((HC,), dtype=jnp.float32)
    lin2_w = jax.random.normal(ks[7], (HC, HC), dtype=jnp.float32) * s
    lin2_b = jnp.zeros((HC,), dtype=jnp.float32)
    lin_w = jax.random.normal(ks[8], (HC, HC), dtype=jnp.float32) * s
    lin_b = jnp.zeros((HC,), dtype=jnp.float32)
    return {
        'x': x, 'edge_index': edge_index, 'edge_weight': edge_weight, 'edge_attr': edge_attr,
        'lin1_w': lin1_w, 'fn1_w': fn1_w, 'fn1_b': fn1_b, 'fn2_w': fn2_w, 'fn2_b': fn2_b,
        'lin2_w': lin2_w, 'lin2_b': lin2_b, 'lin_w': lin_w, 'lin_b': lin_b,
    }


def reference(x, edge_index, edge_weight, edge_attr,
              lin1_w, fn1_w, fn1_b, fn2_w, fn2_b, lin2_w, lin2_b, lin_w, lin_b):
    src = edge_index[0]
    dst = edge_index[1]
    # CFConv: atomwise lin1 (no bias), filter network on rbf-expanded distances
    h = x @ lin1_w
    W = jnp.tanh(edge_attr @ fn1_w + fn1_b) @ fn2_w + fn2_b
    # cosine cutoff on raw distances
    C = 0.5 * (jnp.cos(edge_weight * jnp.pi / CUTOFF) + 1.0)
    C = C * (edge_weight < CUTOFF).astype(jnp.float32)
    W = W * C[:, None]
    # gather source features, modulate by filters, scatter-add to destination
    msg = jnp.take(h, src, axis=0) * W
    agg = jnp.zeros((N, HC), dtype=jnp.float32).at[dst].add(msg)
    conv_out = agg @ lin2_w + lin2_b
    # InteractionBlock: activation (Tanh) + Linear
    out = jnp.tanh(conv_out) @ lin_w + lin_b
    return out

if __name__ == "__main__":
    import jax
    _d = setup_inputs()
    print(jax.jit(kernel)(*tuple(_d.values())))

</pallas_src>

<mosaic_0001>
#map = affine_map<(d0, d1) -> (0, 0)>
#map1 = affine_map<(d0, d1) -> (0)>
module attributes {stable_mosaic.version = 14 : i64} {
  func.func @_sc_conv_body(%arg0: i32, %arg1: i32, %arg2: memref<10000x128xf32, #tpu.memory_space<hbm>>, %arg3: memref<160000x64xi32, #tpu.memory_space<hbm>>, %arg4: memref<320000xi32, #tpu.memory_space<hbm>>, %arg5: memref<320000xi32, #tpu.memory_space<hbm>>, %arg6: memref<320000xf32, #tpu.memory_space<hbm>>, %arg7: memref<20000x128xf32, #tpu.memory_space<hbm>>, %arg8: memref<40xi32, #tpu.memory_space<vmem>>, %arg9: memref<40xi32, #tpu.memory_space<vmem>>, %arg10: memref<40xi32, #tpu.memory_space<vmem>>, %arg11: memref<40xi32, #tpu.memory_space<vmem>>, %arg12: memref<40x128xf32, #tpu.memory_space<vmem>>, %arg13: memref<40x128xf32, #tpu.memory_space<vmem>>, %arg14: memref<40x64xi32, #tpu.memory_space<vmem>>, %arg15: memref<40x64xi32, #tpu.memory_space<vmem>>, %arg16: memref<40xf32, #tpu.memory_space<vmem>>, %arg17: memref<40xf32, #tpu.memory_space<vmem>>, %arg18: memref<48x128xf32, #tpu.memory_space<vmem>>, %arg19: memref<10000x128xf32, #tpu.memory_space<vmem_shared>>, %arg20: memref<!tpu.dma_semaphore, #tpu.memory_space<semaphore_mem>>, %arg21: memref<!tpu.dma_semaphore, #tpu.memory_space<semaphore_mem>>, %arg22: memref<!tpu.dma_semaphore, #tpu.memory_space<semaphore_mem>>, %arg23: memref<!tpu.dma_semaphore, #tpu.memory_space<semaphore_mem>>, %arg24: memref<!tpu.dma_semaphore, #tpu.memory_space<semaphore_mem>>, %arg25: memref<!tpu.dma_semaphore, #tpu.memory_space<semaphore_mem>>, %arg26: memref<!tpu.dma_semaphore, #tpu.memory_space<semaphore_mem>>, %arg27: memref<!tpu.dma_semaphore, #tpu.memory_space<semaphore_mem>>, %arg28: memref<!tpu.dma_semaphore, #tpu.memory_space<semaphore_mem>>, %arg29: memref<!tpu.dma_semaphore, #tpu.memory_space<semaphore_mem>>, %arg30: memref<!tpu.dma_semaphore, #tpu.memory_space<semaphore_mem>>, %arg31: memref<!tpu.dma_semaphore, #tpu.memory_space<semaphore_mem>>, %arg32: memref<!tpu.dma_semaphore, #tpu.memory_space<semaphore_mem>>) attributes {dimension_semantics = [#tpu.dimension_semantics<core_parallel>, #tpu.dimension_semantics<subcore_parallel>], iteration_bounds = array<i64: 2, 16>, scalar_prefetch = 0 : i64, scratch_operands = 25 : i64, tpu.core_type = #tpu.core_type<sc_vector_subcore>, window_params = [{transform_indices = #map}, {transform_indices = #map}, {transform_indices = #map1}, {transform_indices = #map1}, {transform_indices = #map1}, {transform_indices = #map}]} {
    %mul3A = arith.constant 16 : i32
    %mul3A_0 = arith.muli %arg0, %mul3A : i32
    %add3A = arith.addi %mul3A_0, %arg1 : i32
    %mul3A_1 = arith.constant 5000 : i32
    %mul3A_2 = arith.muli %add3A, %mul3A_1 : i32
    %add3A_3 = arith.constant 0 : i32
    %add3A_4 = arith.addi %add3A_3, %mul3A_2 : i32
    %mul3A_5 = arith.constant 5000 : i32
    %mul3A_6 = arith.muli %add3A, %mul3A_5 : i32
    %scan3A = arith.constant 0 : i32
    %scan3A_7 = arith.constant 48 : i32
    %scan3A_8 = arith.addi %scan3A, %scan3A_7 : i32
    %scan3A_9 = arith.constant 1 : i32
    scf.for %scan3A_312 = %scan3A to %scan3A_8 step %scan3A_9  : i32 {
      %mul3A_313 = arith.constant 1 : i32
      %mul3A_314 = arith.muli %scan3A_312, %mul3A_313 : i32
      %add3A_315 = arith.constant 0 : i32
      %add3A_316 = arith.addi %add3A_315, %mul3A_314 : i32
      %scan3A_317 = arith.constant 0 : i32
      %scan3A_318 = arith.constant 8 : i32
      %scan3A_319 = arith.addi %scan3A_317, %scan3A_318 : i32
      %scan3A_320 = arith.constant 1 : i32
      scf.for %scan3A_322 = %scan3A_317 to %scan3A_319 step %scan3A_320  : i32 {
        %mul3A_323 = arith.constant 16 : i32
        %mul3A_324 = arith.muli %scan3A_322, %mul3A_323 : i32
        %add3A_325 = arith.constant 0 : i32
        %add3A_326 = arith.addi %add3A_325, %mul3A_324 : i32
        %broadcast_in_dim3A_327 = arith.constant 0.000000e+00 : f32
        %broadcast_in_dim3A_328 = vector.broadcast %broadcast_in_dim3A_327 : f32 to vector<16xf32>
        %swap3A = arith.index_cast %add3A_316 : i32 to index
        %swap3A_329 = arith.index_cast %add3A_326 : i32 to index
        %swap3A_330 = tpu.vector_load %arg18[%swap3A, %swap3A_329] {strides = array<i32>} : memref<48x128xf32, #tpu.memory_space<vmem>>, vector<16xf32>,
        tpu.vector_store %arg18[%swap3A, %swap3A_329], %broadcast_in_dim3A_328 {strides = array<i32>} : memref<48x128xf32, #tpu.memory_space<vmem>>, vector<16xf32>,
      }
      %scan3A_321 = arith.constant 8 : i32
    }
    %scan3A_10 = arith.constant 48 : i32
    %mul3A_11 = arith.constant 624 : i32
    %mul3A_12 = arith.muli %arg1, %mul3A_11 : i32
    %scan3A_13 = arith.constant 0 : i32
    %scan3A_14 = arith.constant 13 : i32
    %scan3A_15 = arith.addi %scan3A_13, %scan3A_14 : i32
    %scan3A_16 = arith.constant 1 : i32
    scf.for %scan3A_312 = %scan3A_13 to %scan3A_15 step %scan3A_16  : i32 {
      %mul3A_313 = arith.constant 1 : i32
      %mul3A_314 = arith.muli %scan3A_312, %mul3A_313 : i32
      %add3A_315 = arith.constant 0 : i32
      %add3A_316 = arith.addi %add3A_315, %mul3A_314 : i32
      %mul3A_317 = arith.constant 48 : i32
      %mul3A_318 = arith.muli %add3A_316, %mul3A_317 : i32
      %add3A_319 = arith.addi %mul3A_12, %mul3A_318 : i32
      %dma_start3A_320 = arith.constant 0 : i32
      %dma_start3A_321 = arith.constant 0 : i32
      %dma_start3A_322 = tpu.memref_slice %arg18[%dma_start3A_320, %dma_start3A_321] : memref<48x128xf32, #tpu.memory_space<vmem>> -> memref<48x128xf32, #tpu.memory_space<vmem>>
      %dma_start3A_323 = arith.constant 0 : i32
      %dma_start3A_324 = tpu.memref_slice %arg19[%add3A_319, %dma_start3A_323] : memref<10000x128xf32, #tpu.memory_space<vmem_shared>> -> memref<48x128xf32, #tpu.memory_space<vmem_shared>>
      %dma_start3A_325 = arith.constant 0 : i32
      %dma_start3A_326 = tpu.memref_slice %arg19[%add3A_319, %dma_start3A_325] : memref<10000x128xf32, #tpu.memory_space<vmem_shared>> -> memref<48x128xf32, #tpu.memory_space<vmem_shared>>
      %dma_start3A_327 = arith.constant 0 : i32
      %dma_start3A_328 = arith.constant 0 : i32
      %dma_start3A_329 = tpu.memref_slice %arg18[%dma_start3A_327, %dma_start3A_328] : memref<48x128xf32, #tpu.memory_space<vmem>> -> memref<48x128xf32, #tpu.memory_space<vmem>>
      tpu.enqueue_dma source(%dma_start3A_329 : memref<48x128xf32, #tpu.memory_space<vmem>>) target(%dma_start3A_326 : memref<48x128xf32, #tpu.memory_space<vmem_shared>>) target_semaphore(%arg32 : memref<!tpu.dma_semaphore, #tpu.memory_space<semaphore_mem>>)
    }
    %scan3A_17 = arith.constant 13 : i32
    %scan3A_18 = arith.constant 0 : i32
    %scan3A_19 = arith.constant 13 : i32
    %scan3A_20 = arith.addi %scan3A_18, %scan3A_19 : i32
    %scan3A_21 = arith.constant 1 : i32
    scf.for %scan3A_312 = %scan3A_18 to %scan3A_20 step %scan3A_21  : i32 {
      %mul3A_313 = arith.constant 1 : i32
      %mul3A_314 = arith.muli %scan3A_312, %mul3A_313 : i32
      %add3A_315 = arith.constant 0 : i32
      %add3A_316 = arith.addi %add3A_315, %mul3A_314 : i32
      %dma_wait3A_317 = arith.constant 0 : i32
      %dma_wait3A_318 = arith.constant 0 : i32
      %dma_wait3A_319 = tpu.memref_slice %arg18[%dma_wait3A_317, %dma_wait3A_318] : memref<48x128xf32, #tpu.memory_space<vmem>> -> memref<48x128xf32, #tpu.memory_space<vmem>>
      %dma_wait3A_320 = arith.constant 0 : i32
      %dma_wait3A_321 = arith.constant 0 : i32
      %dma_wait3A_322 = tpu.memref_slice %arg19[%dma_wait3A_320, %dma_wait3A_321] : memref<10000x128xf32, #tpu.memory_space<vmem_shared>> -> memref<48x128xf32, #tpu.memory_space<vmem_shared>>
      %dma_wait3A_323 = arith.constant 0 : i32
      %dma_wait3A_324 = arith.constant 0 : i32
      %dma_wait3A_325 = tpu.memref_slice %arg19[%dma_wait3A_323, %dma_wait3A_324] : memref<10000x128xf32, #tpu.memory_space<vmem_shared>> -> memref<48x128xf32, #tpu.memory_space<vmem_shared>>
      %dma_wait3A_326 = arith.constant 0 : i32
      %dma_wait3A_327 = arith.constant 0 : i32
      %dma_wait3A_328 = tpu.memref_slice %arg18[%dma_wait3A_326, %dma_wait3A_327] : memref<48x128xf32, #tpu.memory_space<vmem>> -> memref<48x128xf32, #tpu.memory_space<vmem>>
      tpu.wait_dma2 semaphore(%arg32 : memref<!tpu.dma_semaphore, #tpu.memory_space<semaphore_mem>>) src(%dma_wait3A_328 : memref<48x128xf32, #tpu.memory_space<vmem>>) dst(%dma_wait3A_325 : memref<48x128xf32, #tpu.memory_space<vmem_shared>>)
    }
    %scan3A_22 = arith.constant 13 : i32
    %eq3A = arith.constant 15 : i32
    %eq3A_23 = arith.cmpi eq, %arg1, %eq3A : i32
    %convert_element_type3A = arith.extui %eq3A_23 : i1 to i32
    %cond3A = arith.constant 0 : i32
    %cond3A_24 = arith.cmpi ne, %convert_element_type3A, %cond3A : i32
    scf.if %cond3A_24 {
      "tpu.region"() ({
        %run_scoped3A = tpu.sem_alloc : memref<!tpu.dma_semaphore, #tpu.memory_space<semaphore_mem>>
        %dma_start3A_312 = arith.constant 0 : i32
        %dma_start3A_313 = arith.constant 0 : i32
        %dma_start3A_314 = tpu.memref_slice %arg18[%dma_start3A_312, %dma_start3A_313] : memref<48x128xf32, #tpu.memory_space<vmem>> -> memref<16x128xf32, #tpu.memory_space<vmem>>
        %dma_start3A_315 = arith.constant 9984 : i32
        %dma_start3A_316 = arith.constant 0 : i32
        %dma_start3A_317 = tpu.memref_slice %arg19[%dma_start3A_315, %dma_start3A_316] : memref<10000x128xf32, #tpu.memory_space<vmem_shared>> -> memref<16x128xf32, #tpu.memory_space<vmem_shared>>
        %dma_start3A_318 = arith.constant 9984 : i32
        %dma_start3A_319 = arith.constant 0 : i32
        %dma_start3A_320 = tpu.memref_slice %arg19[%dma_start3A_318, %dma_start3A_319] : memref<10000x128xf32, #tpu.memory_space<vmem_shared>> -> memref<16x128xf32, #tpu.memory_space<vmem_shared>>
        %dma_start3A_321 = arith.constant 0 : i32
        %dma_start3A_322 = arith.constant 0 : i32
        %dma_start3A_323 = tpu.memref_slice %arg18[%dma_start3A_321, %dma_start3A_322] : memref<48x128xf32, #tpu.memory_space<vmem>> -> memref<16x128xf32, #tpu.memory_space<vmem>>
        tpu.enqueue_dma source(%dma_start3A_323 : memref<16x128xf32, #tpu.memory_space<vmem>>) target(%dma_start3A_320 : memref<16x128xf32, #tpu.memory_space<vmem_shared>>) target_semaphore(%run_scoped3A : memref<!tpu.dma_semaphore, #tpu.memory_space<semaphore_mem>>)
        %dma_wait3A_324 = arith.constant 0 : i32
        %dma_wait3A_325 = arith.constant 0 : i32
        %dma_wait3A_326 = tpu.memref_slice %arg18[%dma_wait3A_324, %dma_wait3A_325] : memref<48x128xf32, #tpu.memory_space<vmem>> -> memref<16x128xf32, #tpu.memory_space<vmem>>
        %dma_wait3A_327 = arith.constant 9984 : i32
        %dma_wait3A_328 = arith.constant 0 : i32
        %dma_wait3A_329 = tpu.memref_slice %arg19[%dma_wait3A_327, %dma_wait3A_328] : memref<10000x128xf32, #tpu.memory_space<vmem_shared>> -> memref<16x128xf32, #tpu.memory_space<vmem_shared>>
        %dma_wait3A_330 = arith.constant 9984 : i32
        %dma_wait3A_331 = arith.constant 0 : i32
        %dma_wait3A_332 = tpu.memref_slice %arg19[%dma_wait3A_330, %dma_wait3A_331] : memref<10000x128xf32, #tpu.memory_space<vmem_shared>> -> memref<16x128xf32, #tpu.memory_space<vmem_shared>>
        %dma_wait3A_333 = arith.constant 0 : i32
        %dma_wait3A_334 = arith.constant 0 : i32
        %dma_wait3A_335 = tpu.memref_slice %arg18[%dma_wait3A_333, %dma_wait3A_334] : memref<48x128xf32, #tpu.memory_space<vmem>> -> memref<16x128xf32, #tpu.memory_space<vmem>>
        tpu.wait_dma2 semaphore(%run_scoped3A : memref<!tpu.dma_semaphore, #tpu.memory_space<semaphore_mem>>) src(%dma_wait3A_335 : memref<16x128xf32, #tpu.memory_space<vmem>>) dst(%dma_wait3A_332 : memref<16x128xf32, #tpu.memory_space<vmem_shared>>)
        tpu.yield
      }) : () -> ()
    } else {
    }
    %barrier3A = arith.constant 0 : index
    tpu.barrier barrier_id(%barrier3A)
    %add3A_25 = arith.constant 0 : i32
    %add3A_26 = arith.addi %add3A_4, %add3A_25 : i32
    %dma_start3A = tpu.memref_slice %arg4[%add3A_26] : memref<320000xi32, #tpu.memory_space<hbm>> -> memref<40xi32, #tpu.memory_space<hbm>>
    %dma_start3A_27 = tpu.memref_slice %arg4[%add3A_26] : memref<320000xi32, #tpu.memory_space<hbm>> -> memref<40xi32, #tpu.memory_space<hbm>>
    tpu.enqueue_dma source(%dma_start3A_27 : memref<40xi32, #tpu.memory_space<hbm>>) target(%arg8 : memref<40xi32, #tpu.memory_space<vmem>>) target_semaphore(%arg20 : memref<!tpu.dma_semaphore, #tpu.memory_space<semaphore_mem>>)
    %add3A_28 = arith.constant 40 : i32
    %add3A_29 = arith.addi %add3A_4, %add3A_28 : i32
    %dma_start3A_30 = tpu.memref_slice %arg4[%add3A_29] : memref<320000xi32, #tpu.memory_space<hbm>> -> memref<40xi32, #tpu.memory_space<hbm>>
    %dma_start3A_31 = tpu.memref_slice %arg4[%add3A_29] : memref<320000xi32, #tpu.memory_space<hbm>> -> memref<40xi32, #tpu.memory_space<hbm>>
    tpu.enqueue_dma source(%dma_start3A_31 : memref<40xi32, #tpu.memory_space<hbm>>) target(%arg9 : memref<40xi32, #tpu.memory_space<vmem>>) target_semaphore(%arg21 : memref<!tpu.dma_semaphore, #tpu.memory_space<semaphore_mem>>)
    %add3A_32 = arith.constant 0 : i32
    %add3A_33 = arith.addi %add3A_4, %add3A_32 : i32
    %dma_start3A_34 = tpu.memref_slice %arg5[%add3A_33] : memref<320000xi32, #tpu.memory_space<hbm>> -> memref<40xi32, #tpu.memory_space<hbm>>
    %dma_start3A_35 = tpu.memref_slice %arg5[%add3A_33] : memref<320000xi32, #tpu.memory_space<hbm>> -> memref<40xi32, #tpu.memory_space<hbm>>
    tpu.enqueue_dma source(%dma_start3A_35 : memref<40xi32, #tpu.memory_space<hbm>>) target(%arg10 : memref<40xi32, #tpu.memory_space<vmem>>) target_semaphore(%arg22 : memref<!tpu.dma_semaphore, #tpu.memory_space<semaphore_mem>>)
    %dma_wait3A = arith.constant 0 : i32
    %dma_wait3A_36 = tpu.memref_slice %arg4[%dma_wait3A] : memref<320000xi32, #tpu.memory_space<hbm>> -> memref<40xi32, #tpu.memory_space<hbm>>
    %dma_wait3A_37 = arith.constant 0 : i32
    %dma_wait3A_38 = tpu.memref_slice %arg4[%dma_wait3A_37] : memref<320000xi32, #tpu.memory_space<hbm>> -> memref<40xi32, #tpu.memory_space<hbm>>
    tpu.wait_dma2 semaphore(%arg20 : memref<!tpu.dma_semaphore, #tpu.memory_space<semaphore_mem>>) src(%dma_wait3A_38 : memref<40xi32, #tpu.memory_space<hbm>>) dst(%arg8 : memref<40xi32, #tpu.memory_space<vmem>>)
    %dma_start3A_39 = arith.constant 0 : i32
    %dma_start3A_40 = arith.constant 0 : i32
    %dma_start3A_41 = tpu.memref_slice %arg2[%dma_start3A_39, %dma_start3A_40] : memref<10000x128xf32, #tpu.memory_space<hbm>> -> memref<10000x128xf32, #tpu.memory_space<hbm>>
    tpu.enqueue_indirect_dma source(%dma_start3A_41 : memref<10000x128xf32, #tpu.memory_space<hbm>>) target(%arg12 : memref<40x128xf32, #tpu.memory_space<vmem>>) offsets(%arg8 : memref<40xi32, #tpu.memory_space<vmem>>) semaphore(%arg24 : memref<!tpu.dma_semaphore, #tpu.memory_space<semaphore_mem>>)
    %add3A_42 = arith.constant 0 : i32
    %add3A_43 = arith.addi %mul3A_6, %add3A_42 : i32
    %dma_start3A_44 = arith.constant 0 : i32
    %dma_start3A_45 = tpu.memref_slice %arg3[%add3A_43, %dma_start3A_44] : memref<160000x64xi32, #tpu.memory_space<hbm>> -> memref<40x64xi32, #tpu.memory_space<hbm>>
    %dma_start3A_46 = arith.constant 0 : i32
    %dma_start3A_47 = tpu.memref_slice %arg3[%add3A_43, %dma_start3A_46] : memref<160000x64xi32, #tpu.memory_space<hbm>> -> memref<40x64xi32, #tpu.memory_space<hbm>>
    tpu.enqueue_dma source(%dma_start3A_47 : memref<40x64xi32, #tpu.memory_space<hbm>>) target(%arg14 : memref<40x64xi32, #tpu.memory_space<vmem>>) target_semaphore(%arg26 : memref<!tpu.dma_semaphore, #tpu.memory_space<semaphore_mem>>)
    %add3A_48 = arith.constant 0 : i32
    %add3A_49 = arith.addi %add3A_4, %add3A_48 : i32
    %dma_start3A_50 = tpu.memref_slice %arg6[%add3A_49] : memref<320000xf32, #tpu.memory_space<hbm>> -> memref<40xf32, #tpu.memory_space<hbm>>
    %dma_start3A_51 = tpu.memref_slice %arg6[%add3A_49] : memref<320000xf32, #tpu.memory_space<hbm>> -> memref<40xf32, #tpu.memory_space<hbm>>
    tpu.enqueue_dma source(%dma_start3A_51 : memref<40xf32, #tpu.memory_space<hbm>>) target(%arg16 : memref<40xf32, #tpu.memory_space<vmem>>) target_semaphore(%arg30 : memref<!tpu.dma_semaphore, #tpu.memory_space<semaphore_mem>>)
    %dma_wait3A_52 = arith.constant 0 : i32
    %dma_wait3A_53 = tpu.memref_slice %arg4[%dma_wait3A_52] : memref<320000xi32, #tpu.memory_space<hbm>> -> memref<40xi32, #tpu.memory_space<hbm>>
    %dma_wait3A_54 = arith.constant 0 : i32
    %dma_wait3A_55 = tpu.memref_slice %arg4[%dma_wait3A_54] : memref<320000xi32, #tpu.memory_space<hbm>> -> memref<40xi32, #tpu.memory_space<hbm>>
    tpu.wait_dma2 semaphore(%arg21 : memref<!tpu.dma_semaphore, #tpu.memory_space<semaphore_mem>>) src(%dma_wait3A_55 : memref<40xi32, #tpu.memory_space<hbm>>) dst(%arg9 : memref<40xi32, #tpu.memory_space<vmem>>)
    %dma_start3A_56 = arith.constant 0 : i32
    %dma_start3A_57 = arith.constant 0 : i32
    %dma_start3A_58 = tpu.memref_slice %arg2[%dma_start3A_56, %dma_start3A_57] : memref<10000x128xf32, #tpu.memory_space<hbm>> -> memref<10000x128xf32, #tpu.memory_space<hbm>>
    tpu.enqueue_indirect_dma source(%dma_start3A_58 : memref<10000x128xf32, #tpu.memory_space<hbm>>) target(%arg13 : memref<40x128xf32, #tpu.memory_space<vmem>>) offsets(%arg9 : memref<40xi32, #tpu.memory_space<vmem>>) semaphore(%arg25 : memref<!tpu.dma_semaphore, #tpu.memory_space<semaphore_mem>>)
    %add3A_59 = arith.constant 40 : i32
    %add3A_60 = arith.addi %mul3A_6, %add3A_59 : i32
    %dma_start3A_61 = arith.constant 0 : i32
    %dma_start3A_62 = tpu.memref_slice %arg3[%add3A_60, %dma_start3A_61] : memref<160000x64xi32, #tpu.memory_space<hbm>> -> memref<40x64xi32, #tpu.memory_space<hbm>>
    %dma_start3A_63 = arith.constant 0 : i32
    %dma_start3A_64 = tpu.memref_slice %arg3[%add3A_60, %dma_start3A_63] : memref<160000x64xi32, #tpu.memory_space<hbm>> -> memref<40x64xi32, #tpu.memory_space<hbm>>
    tpu.enqueue_dma source(%dma_start3A_64 : memref<40x64xi32, #tpu.memory_space<hbm>>) target(%arg15 : memref<40x64xi32, #tpu.memory_space<vmem>>) target_semaphore(%arg27 : memref<!tpu.dma_semaphore, #tpu.memory_space<semaphore_mem>>)
    %add3A_65 = arith.constant 40 : i32
    %add3A_66 = arith.addi %add3A_4, %add3A_65 : i32
    %dma_start3A_67 = tpu.memref_slice %arg6[%add3A_66] : memref<320000xf32, #tpu.memory_space<hbm>> -> memref<40xf32, #tpu.memory_space<hbm>>
    %dma_start3A_68 = tpu.memref_slice %arg6[%add3A_66] : memref<320000xf32, #tpu.memory_space<hbm>> -> memref<40xf32, #tpu.memory_space<hbm>>
    tpu.enqueue_dma source(%dma_start3A_68 : memref<40xf32, #tpu.memory_space<hbm>>) target(%arg17 : memref<40xf32, #tpu.memory_space<vmem>>) target_semaphore(%arg31 : memref<!tpu.dma_semaphore, #tpu.memory_space<semaphore_mem>>)
    %add3A_69 = arith.constant 40 : i32
    %add3A_70 = arith.addi %add3A_4, %add3A_69 : i32
    %dma_start3A_71 = tpu.memref_slice %arg5[%add3A_70] : memref<320000xi32, #tpu.memory_space<hbm>> -> memref<40xi32, #tpu.memory_space<hbm>>
    %dma_start3A_72 = tpu.memref_slice %arg5[%add3A_70] : memref<320000xi32, #tpu.memory_space<hbm>> -> memref<40xi32, #tpu.memory_space<hbm>>
    tpu.enqueue_dma source(%dma_start3A_72 : memref<40xi32, #tpu.memory_space<hbm>>) target(%arg11 : memref<40xi32, #tpu.memory_space<vmem>>) target_semaphore(%arg23 : memref<!tpu.dma_semaphore, #tpu.memory_space<semaphore_mem>>)
    %dma_wait3A_73 = arith.constant 0 : i32
    %dma_wait3A_74 = arith.constant 0 : i32
    %dma_wait3A_75 = tpu.memref_slice %arg2[%dma_wait3A_73, %dma_wait3A_74] : memref<10000x128xf32, #tpu.memory_space<hbm>> -> memref<10000x128xf32, #tpu.memory_space<hbm>>
    tpu.wait_indirect_dma semaphore(%arg24 : memref<!tpu.dma_semaphore, #tpu.memory_space<semaphore_mem>>) src(%dma_wait3A_75 : memref<10000x128xf32, #tpu.memory_space<hbm>>) dst(%arg12 : memref<40x128xf32, #tpu.memory_space<vmem>>)
    %dma_wait3A_76 = arith.constant 0 : i32
    %dma_wait3A_77 = arith.constant 0 : i32
    %dma_wait3A_78 = tpu.memref_slice %arg3[%dma_wait3A_76, %dma_wait3A_77] : memref<160000x64xi32, #tpu.memory_space<hbm>> -> memref<40x64xi32, #tpu.memory_space<hbm>>
    %dma_wait3A_79 = arith.constant 0 : i32
    %dma_wait3A_80 = arith.constant 0 : i32
    %dma_wait3A_81 = tpu.memref_slice %arg3[%dma_wait3A_79, %dma_wait3A_80] : memref<160000x64xi32, #tpu.memory_space<hbm>> -> memref<40x64xi32, #tpu.memory_space<hbm>>
    tpu.wait_dma2 semaphore(%arg26 : memref<!tpu.dma_semaphore, #tpu.memory_space<semaphore_mem>>) src(%dma_wait3A_81 : memref<40x64xi32, #tpu.memory_space<hbm>>) dst(%arg14 : memref<40x64xi32, #tpu.memory_space<vmem>>)
    %dma_wait3A_82 = arith.constant 0 : i32
    %dma_wait3A_83 = tpu.memref_slice %arg6[%dma_wait3A_82] : memref<320000xf32, #tpu.memory_space<hbm>> -> memref<40xf32, #tpu.memory_space<hbm>>
    %dma_wait3A_84 = arith.constant 0 : i32
    %dma_wait3A_85 = tpu.memref_slice %arg6[%dma_wait3A_84] : memref<320000xf32, #tpu.memory_space<hbm>> -> memref<40xf32, #tpu.memory_space<hbm>>
    tpu.wait_dma2 semaphore(%arg30 : memref<!tpu.dma_semaphore, #tpu.memory_space<semaphore_mem>>) src(%dma_wait3A_85 : memref<40xf32, #tpu.memory_space<hbm>>) dst(%arg16 : memref<40xf32, #tpu.memory_space<vmem>>)
    %add3A_86 = arith.constant 80 : i32
    %add3A_87 = arith.addi %add3A_4, %add3A_86 : i32
    %dma_start3A_88 = tpu.memref_slice %arg4[%add3A_87] : memref<320000xi32, #tpu.memory_space<hbm>> -> memref<40xi32, #tpu.memory_space<hbm>>
    %dma_start3A_89 = tpu.memref_slice %arg4[%add3A_87] : memref<320000xi32, #tpu.memory_space<hbm>> -> memref<40xi32, #tpu.memory_space<hbm>>
    tpu.enqueue_dma source(%dma_start3A_89 : memref<40xi32, #tpu.memory_space<hbm>>) target(%arg8 : memref<40xi32, #tpu.memory_space<vmem>>) target_semaphore(%arg20 : memref<!tpu.dma_semaphore, #tpu.memory_space<semaphore_mem>>)
    %broadcast_in_dim3A = arith.constant -65536 : i32
    %broadcast_in_dim3A_90 = vector.broadcast %broadcast_in_dim3A : i32 to vector<16xi32>
    %scan3A_91 = arith.constant 0 : i32
    %scan3A_92 = arith.constant 40 : i32
    %scan3A_93 = arith.addi %scan3A_91, %scan3A_92 : i32
    %scan3A_94 = arith.constant 1 : i32
    scf.for %scan3A_312 = %scan3A_91 to %scan3A_93 step %scan3A_94  : i32 {
      %mul3A_313 = arith.constant 1 : i32
      %mul3A_314 = arith.muli %scan3A_312, %mul3A_313 : i32
      %add3A_315 = arith.constant 0 : i32
      %add3A_316 = arith.addi %add3A_315, %mul3A_314 : i32
      %broadcast_in_dim3A_317 = vector.broadcast %add3A_316 : i32 to vector<16xi32>
      %gather3A = tpu.vector_load_idx %arg16[%broadcast_in_dim3A_317] : memref<40xf32, #tpu.memory_space<vmem>>[vector<16xi32>], vector<16xf32>,
      %scan3A_318 = arith.constant 0 : i32
      %scan3A_319 = arith.constant 4 : i32
      %scan3A_320 = arith.addi %scan3A_318, %scan3A_319 : i32
      %scan3A_321 = arith.constant 1 : i32
      scf.for %scan3A_323 = %scan3A_318 to %scan3A_320 step %scan3A_321  : i32 {
        %mul3A_324 = arith.constant 16 : i32
        %mul3A_325 = arith.muli %scan3A_323, %mul3A_324 : i32
        %add3A_326 = arith.constant 0 : i32
        %add3A_327 = arith.addi %add3A_326, %mul3A_325 : i32
        %get3A = arith.index_cast %add3A_316 : i32 to index
        %get3A_328 = arith.index_cast %add3A_327 : i32 to index
        %get3A_329 = tpu.vector_load %arg14[%get3A, %get3A_328] {strides = array<i32>} : memref<40x64xi32, #tpu.memory_space<vmem>>, vector<16xi32>,
        %shift_left3A = arith.constant 16 : i32
        %shift_left3A_330 = vector.broadcast %shift_left3A : i32 to vector<16xi32>
        %shift_left3A_331 = arith.shli %get3A_329, %shift_left3A_330 : vector<16xi32>
        %bitcast3A = vector.bitcast %shift_left3A_331 : vector<16xi32> to vector<16xf32>
        %mul3A_332 = arith.mulf %bitcast3A, %gather3A : vector<16xf32>
        %and3A = arith.andi %get3A_329, %broadcast_in_dim3A_90 : vector<16xi32>
        %bitcast3A_333 = vector.bitcast %and3A : vector<16xi32> to vector<16xf32>
        %mul3A_334 = arith.mulf %bitcast3A_333, %gather3A : vector<16xf32>
        %get3A_335 = arith.index_cast %add3A_316 : i32 to index
        %get3A_336 = arith.index_cast %add3A_327 : i32 to index
        %get3A_337 = tpu.vector_load %arg12[%get3A_335, %get3A_336] {strides = array<i32>} : memref<40x128xf32, #tpu.memory_space<vmem>>, vector<16xf32>,
        %mul3A_338 = arith.mulf %get3A_337, %mul3A_332 : vector<16xf32>
        %swap3A = arith.index_cast %add3A_316 : i32 to index
        %swap3A_339 = arith.index_cast %add3A_327 : i32 to index
        %swap3A_340 = tpu.vector_load %arg12[%swap3A, %swap3A_339] {strides = array<i32>} : memref<40x128xf32, #tpu.memory_space<vmem>>, vector<16xf32>,
        tpu.vector_store %arg12[%swap3A, %swap3A_339], %mul3A_338 {strides = array<i32>} : memref<40x128xf32, #tpu.memory_space<vmem>>, vector<16xf32>,
        %add3A_341 = arith.constant 64 : i32
        %add3A_342 = arith.addi %add3A_327, %add3A_341 : i32
        %get3A_343 = arith.index_cast %add3A_316 : i32 to index
        %get3A_344 = arith.index_cast %add3A_342 : i32 to index
        %get3A_345 = tpu.vector_load %arg12[%get3A_343, %get3A_344] {strides = array<i32>} : memref<40x128xf32, #tpu.memory_space<vmem>>, vector<16xf32>,
        %mul3A_346 = arith.mulf %get3A_345, %mul3A_334 : vector<16xf32>
        %add3A_347 = arith.constant 64 : i32
        %add3A_348 = arith.addi %add3A_327, %add3A_347 : i32
        %swap3A_349 = arith.index_cast %add3A_316 : i32 to index
        %swap3A_350 = arith.index_cast %add3A_348 : i32 to index
        %swap3A_351 = tpu.vector_load %arg12[%swap3A_349, %swap3A_350] {strides = array<i32>} : memref<40x128xf32, #tpu.memory_space<vmem>>, vector<16xf32>,
        tpu.vector_store %arg12[%swap3A_349, %swap3A_350], %mul3A_346 {strides = array<i32>} : memref<40x128xf32, #tpu.memory_space<vmem>>, vector<16xf32>,
      }
      %scan3A_322 = arith.constant 4 : i32
    }
    %scan3A_95 = arith.constant 40 : i32
    %dma_wait3A_96 = arith.constant 0 : i32
    %dma_wait3A_97 = tpu.memref_slice %arg5[%dma_wait3A_96] : memref<320000xi32, #tpu.memory_space<hbm>> -> memref<40xi32, #tpu.memory_space<hbm>>
    %dma_wait3A_98 = arith.constant 0 : i32
    %dma_wait3A_99 = tpu.memref_slice %arg5[%dma_wait3A_98] : memref<320000xi32, #tpu.memory_space<hbm>> -> memref<40xi32, #tpu.memory_space<hbm>>
    tpu.wait_dma2 semaphore(%arg22 : memref<!tpu.dma_semaphore, #tpu.memory_space<semaphore_mem>>) src(%dma_wait3A_99 : memref<40xi32, #tpu.memory_space<hbm>>) dst(%arg10 : memref<40xi32, #tpu.memory_space<vmem>>)
    %dma_start3A_100 = arith.constant 0 : i32
    %dma_start3A_101 = arith.constant 0 : i32
    %dma_start3A_102 = tpu.memref_slice %arg19[%dma_start3A_100, %dma_start3A_101] : memref<10000x128xf32, #tpu.memory_space<vmem_shared>> -> memref<10000x128xf32, #tpu.memory_space<vmem_shared>>
    tpu.enqueue_indirect_dma source(%arg12 : memref<40x128xf32, #tpu.memory_space<vmem>>) target(%dma_start3A_102 : memref<10000x128xf32, #tpu.memory_space<vmem_shared>>) offsets(%arg10 : memref<40xi32, #tpu.memory_space<vmem>>) semaphore(%arg28 : memref<!tpu.dma_semaphore, #tpu.memory_space<semaphore_mem>>) {add = true}
    %dma_wait3A_103 = arith.constant 0 : i32
    %dma_wait3A_104 = arith.constant 0 : i32
    %dma_wait3A_105 = tpu.memref_slice %arg19[%dma_wait3A_103, %dma_wait3A_104] : memref<10000x128xf32, #tpu.memory_space<vmem_shared>> -> memref<10000x128xf32, #tpu.memory_space<vmem_shared>>
    tpu.wait_indirect_dma semaphore(%arg28 : memref<!tpu.dma_semaphore, #tpu.memory_space<semaphore_mem>>) src(%arg12 : memref<40x128xf32, #tpu.memory_space<vmem>>) dst(%dma_wait3A_105 : memref<10000x128xf32, #tpu.memory_space<vmem_shared>>)
    %dma_wait3A_106 = arith.constant 0 : i32
    %dma_wait3A_107 = tpu.memref_slice %arg4[%dma_wait3A_106] : memref<320000xi32, #tpu.memory_space<hbm>> -> memref<40xi32, #tpu.memory_space<hbm>>
    %dma_wait3A_108 = arith.constant 0 : i32
    %dma_wait3A_109 = tpu.memref_slice %arg4[%dma_wait3A_108] : memref<320000xi32, #tpu.memory_space<hbm>> -> memref<40xi32, #tpu.memory_space<hbm>>
    tpu.wait_dma2 semaphore(%arg20 : memref<!tpu.dma_semaphore, #tpu.memory_space<semaphore_mem>>) src(%dma_wait3A_109 : memref<40xi32, #tpu.memory_space<hbm>>) dst(%arg8 : memref<40xi32, #tpu.memory_space<vmem>>)
    %dma_start3A_110 = arith.constant 0 : i32
    %dma_start3A_111 = arith.constant 0 : i32
    %dma_start3A_112 = tpu.memref_slice %arg2[%dma_start3A_110, %dma_start3A_111] : memref<10000x128xf32, #tpu.memory_space<hbm>> -> memref<10000x128xf32, #tpu.memory_space<hbm>>
    tpu.enqueue_indirect_dma source(%dma_start3A_112 : memref<10000x128xf32, #tpu.memory_space<hbm>>) target(%arg12 : memref<40x128xf32, #tpu.memory_space<vmem>>) offsets(%arg8 : memref<40xi32, #tpu.memory_space<vmem>>) semaphore(%arg24 : memref<!tpu.dma_semaphore, #tpu.memory_space<semaphore_mem>>)
    %add3A_113 = arith.constant 80 : i32
    %add3A_114 = arith.addi %mul3A_6, %add3A_113 : i32
    %dma_start3A_115 = arith.constant 0 : i32
    %dma_start3A_116 = tpu.memref_slice %arg3[%add3A_114, %dma_start3A_115] : memref<160000x64xi32, #tpu.memory_space<hbm>> -> memref<40x64xi32, #tpu.memory_space<hbm>>
    %dma_start3A_117 = arith.constant 0 : i32
    %dma_start3A_118 = tpu.memref_slice %arg3[%add3A_114, %dma_start3A_117] : memref<160000x64xi32, #tpu.memory_space<hbm>> -> memref<40x64xi32, #tpu.memory_space<hbm>>
    tpu.enqueue_dma source(%dma_start3A_118 : memref<40x64xi32, #tpu.memory_space<hbm>>) target(%arg14 : memref<40x64xi32, #tpu.memory_space<vmem>>) target_semaphore(%arg26 : memref<!tpu.dma_semaphore, #tpu.memory_space<semaphore_mem>>)
    %add3A_119 = arith.constant 80 : i32
    %add3A_120 = arith.addi %add3A_4, %add3A_119 : i32
    %dma_start3A_121 = tpu.memref_slice %arg6[%add3A_120] : memref<320000xf32, #tpu.memory_space<hbm>> -> memref<40xf32, #tpu.memory_space<hbm>>
    %dma_start3A_122 = tpu.memref_slice %arg6[%add3A_120] : memref<320000xf32, #tpu.memory_space<hbm>> -> memref<40xf32, #tpu.memory_space<hbm>>
    tpu.enqueue_dma source(%dma_start3A_122 : memref<40xf32, #tpu.memory_space<hbm>>) target(%arg16 : memref<40xf32, #tpu.memory_space<vmem>>) target_semaphore(%arg30 : memref<!tpu.dma_semaphore, #tpu.memory_space<semaphore_mem>>)
    %add3A_123 = arith.constant 80 : i32
    %add3A_124 = arith.addi %add3A_4, %add3A_123 : i32
    %dma_start3A_125 = tpu.memref_slice %arg5[%add3A_124] : memref<320000xi32, #tpu.memory_space<hbm>> -> memref<40xi32, #tpu.memory_space<hbm>>
    %dma_start3A_126 = tpu.memref_slice %arg5[%add3A_124] : memref<320000xi32, #tpu.memory_space<hbm>> -> memref<40xi32, #tpu.memory_space<hbm>>
    tpu.enqueue_dma source(%dma_start3A_126 : memref<40xi32, #tpu.memory_space<hbm>>) target(%arg10 : memref<40xi32, #tpu.memory_space<vmem>>) target_semaphore(%arg22 : memref<!tpu.dma_semaphore, #tpu.memory_space<semaphore_mem>>)
    %dma_wait3A_127 = arith.constant 0 : i32
    %dma_wait3A_128 = arith.constant 0 : i32
    %dma_wait3A_129 = tpu.memref_slice %arg2[%dma_wait3A_127, %dma_wait3A_128] : memref<10000x128xf32, #tpu.memory_space<hbm>> -> memref<10000x128xf32, #tpu.memory_space<hbm>>
    tpu.wait_indirect_dma semaphore(%arg25 : memref<!tpu.dma_semaphore, #tpu.memory_space<semaphore_mem>>) src(%dma_wait3A_129 : memref<10000x128xf32, #tpu.memory_space<hbm>>) dst(%arg13 : memref<40x128xf32, #tpu.memory_space<vmem>>)
    %dma_wait3A_130 = arith.constant 0 : i32
    %dma_wait3A_131 = arith.constant 0 : i32
    %dma_wait3A_132 = tpu.memref_slice %arg3[%dma_wait3A_130, %dma_wait3A_131] : memref<160000x64xi32, #tpu.memory_space<hbm>> -> memref<40x64xi32, #tpu.memory_space<hbm>>
    %dma_wait3A_133 = arith.constant 0 : i32
    %dma_wait3A_134 = arith.constant 0 : i32
    %dma_wait3A_135 = tpu.memref_slice %arg3[%dma_wait3A_133, %dma_wait3A_134] : memref<160000x64xi32, #tpu.memory_space<hbm>> -> memref<40x64xi32, #tpu.memory_space<hbm>>
    tpu.wait_dma2 semaphore(%arg27 : memref<!tpu.dma_semaphore, #tpu.memory_space<semaphore_mem>>) src(%dma_wait3A_135 : memref<40x64xi32, #tpu.memory_space<hbm>>) dst(%arg15 : memref<40x64xi32, #tpu.memory_space<vmem>>)
    %dma_wait3A_136 = arith.constant 0 : i32
    %dma_wait3A_137 = tpu.memref_slice %arg6[%dma_wait3A_136] : memref<320000xf32, #tpu.memory_space<hbm>> -> memref<40xf32, #tpu.memory_space<hbm>>
    %dma_wait3A_138 = arith.constant 0 : i32
    %dma_wait3A_139 = tpu.memref_slice %arg6[%dma_wait3A_138] : memref<320000xf32, #tpu.memory_space<hbm>> -> memref<40xf32, #tpu.memory_space<hbm>>
    tpu.wait_dma2 semaphore(%arg31 : memref<!tpu.dma_semaphore, #tpu.memory_space<semaphore_mem>>) src(%dma_wait3A_139 : memref<40xf32, #tpu.memory_space<hbm>>) dst(%arg17 : memref<40xf32, #tpu.memory_space<vmem>>)
    %add3A_140 = arith.constant 120 : i32
    %add3A_141 = arith.addi %add3A_4, %add3A_140 : i32
    %dma_start3A_142 = tpu.memref_slice %arg4[%add3A_141] : memref<320000xi32, #tpu.memory_space<hbm>> -> memref<40xi32, #tpu.memory_space<hbm>>
    %dma_start3A_143 = tpu.memref_slice %arg4[%add3A_141] : memref<320000xi32, #tpu.memory_space<hbm>> -> memref<40xi32, #tpu.memory_space<hbm>>
    tpu.enqueue_dma source(%dma_start3A_143 : memref<40xi32, #tpu.memory_space<hbm>>) target(%arg9 : memref<40xi32, #tpu.memory_space<vmem>>) target_semaphore(%arg21 : memref<!tpu.dma_semaphore, #tpu.memory_space<semaphore_mem>>)
    %broadcast_in_dim3A_144 = arith.constant -65536 : i32
    %broadcast_in_dim3A_145 = vector.broadcast %broadcast_in_dim3A_144 : i32 to vector<16xi32>
    %scan3A_146 = arith.constant 0 : i32
    %scan3A_147 = arith.constant 40 : i32
    %scan3A_148 = arith.addi %scan3A_146, %scan3A_147 : i32
    %scan3A_149 = arith.constant 1 : i32
    scf.for %scan3A_312 = %scan3A_146 to %scan3A_148 step %scan3A_149  : i32 {
      %mul3A_313 = arith.constant 1 : i32
      %mul3A_314 = arith.muli %scan3A_312, %mul3A_313 : i32
      %add3A_315 = arith.constant 0 : i32
      %add3A_316 = arith.addi %add3A_315, %mul3A_314 : i32
      %broadcast_in_dim3A_317 = vector.broadcast %add3A_316 : i32 to vector<16xi32>
      %gather3A = tpu.vector_load_idx %arg17[%broadcast_in_dim3A_317] : memref<40xf32, #tpu.memory_space<vmem>>[vector<16xi32>], vector<16xf32>,
      %scan3A_318 = arith.constant 0 : i32
      %scan3A_319 = arith.constant 4 : i32
      %scan3A_320 = arith.addi %scan3A_318, %scan3A_319 : i32
      %scan3A_321 = arith.constant 1 : i32
      scf.for %scan3A_323 = %scan3A_318 to %scan3A_320 step %scan3A_321  : i32 {
        %mul3A_324 = arith.constant 16 : i32
        %mul3A_325 = arith.muli %scan3A_323, %mul3A_324 : i32
        %add3A_326 = arith.constant 0 : i32
        %add3A_327 = arith.addi %add3A_326, %mul3A_325 : i32
        %get3A = arith.index_cast %add3A_316 : i32 to index
        %get3A_328 = arith.index_cast %add3A_327 : i32 to index
        %get3A_329 = tpu.vector_load %arg15[%get3A, %get3A_328] {strides = array<i32>} : memref<40x64xi32, #tpu.memory_space<vmem>>, vector<16xi32>,
        %shift_left3A = arith.constant 16 : i32
        %shift_left3A_330 = vector.broadcast %shift_left3A : i32 to vector<16xi32>
        %shift_left3A_331 = arith.shli %get3A_329, %shift_left3A_330 : vector<16xi32>
        %bitcast3A = vector.bitcast %shift_left3A_331 : vector<16xi32> to vector<16xf32>
        %mul3A_332 = arith.mulf %bitcast3A, %gather3A : vector<16xf32>
        %and3A = arith.andi %get3A_329, %broadcast_in_dim3A_145 : vector<16xi32>
        %bitcast3A_333 = vector.bitcast %and3A : vector<16xi32> to vector<16xf32>
        %mul3A_334 = arith.mulf %bitcast3A_333, %gather3A : vector<16xf32>
        %get3A_335 = arith.index_cast %add3A_316 : i32 to index
        %get3A_336 = arith.index_cast %add3A_327 : i32 to index
        %get3A_337 = tpu.vector_load %arg13[%get3A_335, %get3A_336] {strides = array<i32>} : memref<40x128xf32, #tpu.memory_space<vmem>>, vector<16xf32>,
        %mul3A_338 = arith.mulf %get3A_337, %mul3A_332 : vector<16xf32>
        %swap3A = arith.index_cast %add3A_316 : i32 to index
        %swap3A_339 = arith.index_cast %add3A_327 : i32 to index
        %swap3A_340 = tpu.vector_load %arg13[%swap3A, %swap3A_339] {strides = array<i32>} : memref<40x128xf32, #tpu.memory_space<vmem>>, vector<16xf32>,
        tpu.vector_store %arg13[%swap3A, %swap3A_339], %mul3A_338 {strides = array<i32>} : memref<40x128xf32, #tpu.memory_space<vmem>>, vector<16xf32>,
        %add3A_341 = arith.constant 64 : i32
        %add3A_342 = arith.addi %add3A_327, %add3A_341 : i32
        %get3A_343 = arith.index_cast %add3A_316 : i32 to index
        %get3A_344 = arith.index_cast %add3A_342 : i32 to index
        %get3A_345 = tpu.vector_load %arg13[%get3A_343, %get3A_344] {strides = array<i32>} : memref<40x128xf32, #tpu.memory_space<vmem>>, vector<16xf32>,
        %mul3A_346 = arith.mulf %get3A_345, %mul3A_334 : vector<16xf32>
        %add3A_347 = arith.constant 64 : i32
        %add3A_348 = arith.addi %add3A_327, %add3A_347 : i32
        %swap3A_349 = arith.index_cast %add3A_316 : i32 to index
        %swap3A_350 = arith.index_cast %add3A_348 : i32 to index
        %swap3A_351 = tpu.vector_load %arg13[%swap3A_349, %swap3A_350] {strides = array<i32>} : memref<40x128xf32, #tpu.memory_space<vmem>>, vector<16xf32>,
        tpu.vector_store %arg13[%swap3A_349, %swap3A_350], %mul3A_346 {strides = array<i32>} : memref<40x128xf32, #tpu.memory_space<vmem>>, vector<16xf32>,
      }
      %scan3A_322 = arith.constant 4 : i32
    }
    %scan3A_150 = arith.constant 40 : i32
    %dma_wait3A_151 = arith.constant 0 : i32
    %dma_wait3A_152 = tpu.memref_slice %arg5[%dma_wait3A_151] : memref<320000xi32, #tpu.memory_space<hbm>> -> memref<40xi32, #tpu.memory_space<hbm>>
    %dma_wait3A_153 = arith.constant 0 : i32
    %dma_wait3A_154 = tpu.memref_slice %arg5[%dma_wait3A_153] : memref<320000xi32, #tpu.memory_space<hbm>> -> memref<40xi32, #tpu.memory_space<hbm>>
    tpu.wait_dma2 semaphore(%arg23 : memref<!tpu.dma_semaphore, #tpu.memory_space<semaphore_mem>>) src(%dma_wait3A_154 : memref<40xi32, #tpu.memory_space<hbm>>) dst(%arg11 : memref<40xi32, #tpu.memory_space<vmem>>)
    %dma_start3A_155 = arith.constant 0 : i32
    %dma_start3A_156 = arith.constant 0 : i32
    %dma_start3A_157 = tpu.memref_slice %arg19[%dma_start3A_155, %dma_start3A_156] : memref<10000x128xf32, #tpu.memory_space<vmem_shared>> -> memref<10000x128xf32, #tpu.memory_space<vmem_shared>>
    tpu.enqueue_indirect_dma source(%arg13 : memref<40x128xf32, #tpu.memory_space<vmem>>) target(%dma_start3A_157 : memref<10000x128xf32, #tpu.memory_space<vmem_shared>>) offsets(%arg11 : memref<40xi32, #tpu.memory_space<vmem>>) semaphore(%arg29 : memref<!tpu.dma_semaphore, #tpu.memory_space<semaphore_mem>>) {add = true}
    %dma_wait3A_158 = arith.constant 0 : i32
    %dma_wait3A_159 = arith.constant 0 : i32
    %dma_wait3A_160 = tpu.memref_slice %arg19[%dma_wait3A_158, %dma_wait3A_159] : memref<10000x128xf32, #tpu.memory_space<vmem_shared>> -> memref<10000x128xf32, #tpu.memory_space<vmem_shared>>
    tpu.wait_indirect_dma semaphore(%arg29 : memref<!tpu.dma_semaphore, #tpu.memory_space<semaphore_mem>>) src(%arg13 : memref<40x128xf32, #tpu.memory_space<vmem>>) dst(%dma_wait3A_160 : memref<10000x128xf32, #tpu.memory_space<vmem_shared>>)
    %dma_wait3A_161 = arith.constant 0 : i32
    %dma_wait3A_162 = tpu.memref_slice %arg4[%dma_wait3A_161] : memref<320000xi32, #tpu.memory_space<hbm>> -> memref<40xi32, #tpu.memory_space<hbm>>
    %dma_wait3A_163 = arith.constant 0 : i32
    %dma_wait3A_164 = tpu.memref_slice %arg4[%dma_wait3A_163] : memref<320000xi32, #tpu.memory_space<hbm>> -> memref<40xi32, #tpu.memory_space<hbm>>
    tpu.wait_dma2 semaphore(%arg21 : memref<!tpu.dma_semaphore, #tpu.memory_space<semaphore_mem>>) src(%dma_wait3A_164 : memref<40xi32, #tpu.memory_space<hbm>>) dst(%arg9 : memref<40xi32, #tpu.memory_space<vmem>>)
    %dma_start3A_165 = arith.constant 0 : i32
    %dma_start3A_166 = arith.constant 0 : i32
    %dma_start3A_167 = tpu.memref_slice %arg2[%dma_start3A_165, %dma_start3A_166] : memref<10000x128xf32, #tpu.memory_space<hbm>> -> memref<10000x128xf32, #tpu.memory_space<hbm>>
    tpu.enqueue_indirect_dma source(%dma_start3A_167 : memref<10000x128xf32, #tpu.memory_space<hbm>>) target(%arg13 : memref<40x128xf32, #tpu.memory_space<vmem>>) offsets(%arg9 : memref<40xi32, #tpu.memory_space<vmem>>) semaphore(%arg25 : memref<!tpu.dma_semaphore, #tpu.memory_space<semaphore_mem>>)
    %add3A_168 = arith.constant 120 : i32
    %add3A_169 = arith.addi %mul3A_6, %add3A_168 : i32
    %dma_start3A_170 = arith.constant 0 : i32
    %dma_start3A_171 = tpu.memref_slice %arg3[%add3A_169, %dma_start3A_170] : memref<160000x64xi32, #tpu.memory_space<hbm>> -> memref<40x64xi32, #tpu.memory_space<hbm>>
    %dma_start3A_172 = arith.constant 0 : i32
    %dma_start3A_173 = tpu.memref_slice %arg3[%add3A_169, %dma_start3A_172] : memref<160000x64xi32, #tpu.memory_space<hbm>> -> memref<40x64xi32, #tpu.memory_space<hbm>>
    tpu.enqueue_dma source(%dma_start3A_173 : memref<40x64xi32, #tpu.memory_space<hbm>>) target(%arg15 : memref<40x64xi32, #tpu.memory_space<vmem>>) target_semaphore(%arg27 : memref<!tpu.dma_semaphore, #tpu.memory_space<semaphore_mem>>)
    %add3A_174 = arith.constant 120 : i32
    %add3A_175 = arith.addi %add3A_4, %add3A_174 : i32
    %dma_start3A_176 = tpu.memref_slice %arg6[%add3A_175] : memref<320000xf32, #tpu.memory_space<hbm>> -> memref<40xf32, #tpu.memory_space<hbm>>
    %dma_start3A_177 = tpu.memref_slice %arg6[%add3A_175] : memref<320000xf32, #tpu.memory_space<hbm>> -> memref<40xf32, #tpu.memory_space<hbm>>
    tpu.enqueue_dma source(%dma_start3A_177 : memref<40xf32, #tpu.memory_space<hbm>>) target(%arg17 : memref<40xf32, #tpu.memory_space<vmem>>) target_semaphore(%arg31 : memref<!tpu.dma_semaphore, #tpu.memory_space<semaphore_mem>>)
    %add3A_178 = arith.constant 120 : i32
    %add3A_179 = arith.addi %add3A_4, %add3A_178 : i32
    %dma_start3A_180 = tpu.memref_slice %arg5[%add3A_179] : memref<320000xi32, #tpu.memory_space<hbm>> -> memref<40xi32, #tpu.memory_space<hbm>>
    %dma_start3A_181 = tpu.memref_slice %arg5[%add3A_179] : memref<320000xi32, #tpu.memory_space<hbm>> -> memref<40xi32, #tpu.memory_space<hbm>>
    tpu.enqueue_dma source(%dma_start3A_181 : memref<40xi32, #tpu.memory_space<hbm>>) target(%arg11 : memref<40xi32, #tpu.memory_space<vmem>>) target_semaphore(%arg23 : memref<!tpu.dma_semaphore, #tpu.memory_space<semaphore_mem>>)
    %dma_wait3A_182 = arith.constant 0 : i32
    %dma_wait3A_183 = arith.constant 0 : i32
    %dma_wait3A_184 = tpu.memref_slice %arg2[%dma_wait3A_182, %dma_wait3A_183] : memref<10000x128xf32, #tpu.memory_space<hbm>> -> memref<10000x128xf32, #tpu.memory_space<hbm>>
    tpu.wait_indirect_dma semaphore(%arg24 : memref<!tpu.dma_semaphore, #tpu.memory_space<semaphore_mem>>) src(%dma_wait3A_184 : memref<10000x128xf32, #tpu.memory_space<hbm>>) dst(%arg12 : memref<40x128xf32, #tpu.memory_space<vmem>>)
    %dma_wait3A_185 = arith.constant 0 : i32
    %dma_wait3A_186 = arith.constant 0 : i32
    %dma_wait3A_187 = tpu.memref_slice %arg3[%dma_wait3A_185, %dma_wait3A_186] : memref<160000x64xi32, #tpu.memory_space<hbm>> -> memref<40x64xi32, #tpu.memory_space<hbm>>
    %dma_wait3A_188 = arith.constant 0 : i32
    %dma_wait3A_189 = arith.constant 0 : i32
    %dma_wait3A_190 = tpu.memref_slice %arg3[%dma_wait3A_188, %dma_wait3A_189] : memref<160000x64xi32, #tpu.memory_space<hbm>> -> memref<40x64xi32, #tpu.memory_space<hbm>>
    tpu.wait_dma2 semaphore(%arg26 : memref<!tpu.dma_semaphore, #tpu.memory_space<semaphore_mem>>) src(%dma_wait3A_190 : memref<40x64xi32, #tpu.memory_space<hbm>>) dst(%arg14 : memref<40x64xi32, #tpu.memory_space<vmem>>)
    %dma_wait3A_191 = arith.constant 0 : i32
    %dma_wait3A_192 = tpu.memref_slice %arg6[%dma_wait3A_191] : memref<320000xf32, #tpu.memory_space<hbm>> -> memref<40xf32, #tpu.memory_space<hbm>>
    %dma_wait3A_193 = arith.constant 0 : i32
    %dma_wait3A_194 = tpu.memref_slice %arg6[%dma_wait3A_193] : memref<320000xf32, #tpu.memory_space<hbm>> -> memref<40xf32, #tpu.memory_space<hbm>>
    tpu.wait_dma2 semaphore(%arg30 : memref<!tpu.dma_semaphore, #tpu.memory_space<semaphore_mem>>) src(%dma_wait3A_194 : memref<40xf32, #tpu.memory_space<hbm>>) dst(%arg16 : memref<40xf32, #tpu.memory_space<vmem>>)
    %add3A_195 = arith.constant 160 : i32
    %add3A_196 = arith.addi %add3A_4, %add3A_195 : i32
    %dma_start3A_197 = tpu.memref_slice %arg4[%add3A_196] : memref<320000xi32, #tpu.memory_space<hbm>> -> memref<40xi32, #tpu.memory_space<hbm>>
    %dma_start3A_198 = tpu.memref_slice %arg4[%add3A_196] : memref<320000xi32, #tpu.memory_space<hbm>> -> memref<40xi32, #tpu.memory_space<hbm>>
    tpu.enqueue_dma source(%dma_start3A_198 : memref<40xi32, #tpu.memory_space<hbm>>) target(%arg8 : memref<40xi32, #tpu.memory_space<vmem>>) target_semaphore(%arg20 : memref<!tpu.dma_semaphore, #tpu.memory_space<semaphore_mem>>)
    %broadcast_in_dim3A_199 = arith.constant -65536 : i32
    %broadcast_in_dim3A_200 = vector.broadcast %broadcast_in_dim3A_199 : i32 to vector<16xi32>
    %scan3A_201 = arith.constant 0 : i32
    %scan3A_202 = arith.constant 40 : i32
    %scan3A_203 = arith.addi %scan3A_201, %scan3A_202 : i32
    %scan3A_204 = arith.constant 1 : i32
    scf.for %scan3A_312 = %scan3A_201 to %scan3A_203 step %scan3A_204  : i32 {
      %mul3A_313 = arith.constant 1 : i32
      %mul3A_314 = arith.muli %scan3A_312, %mul3A_313 : i32
      %add3A_315 = arith.constant 0 : i32
      %add3A_316 = arith.addi %add3A_315, %mul3A_314 : i32
      %broadcast_in_dim3A_317 = vector.broadcast %add3A_316 : i32 to vector<16xi32>
      %gather3A = tpu.vector_load_idx %arg16[%broadcast_in_dim3A_317] : memref<40xf32, #tpu.memory_space<vmem>>[vector<16xi32>], vector<16xf32>,
      %scan3A_318 = arith.constant 0 : i32
      %scan3A_319 = arith.constant 4 : i32
      %scan3A_320 = arith.addi %scan3A_318, %scan3A_319 : i32
      %scan3A_321 = arith.constant 1 : i32
      scf.for %scan3A_323 = %scan3A_318 to %scan3A_320 step %scan3A_321  : i32 {
        %mul3A_324 = arith.constant 16 : i32
        %mul3A_325 = arith.muli %scan3A_323, %mul3A_324 : i32
        %add3A_326 = arith.constant 0 : i32
        %add3A_327 = arith.addi %add3A_326, %mul3A_325 : i32
        %get3A = arith.index_cast %add3A_316 : i32 to index
        %get3A_328 = arith.index_cast %add3A_327 : i32 to index
        %get3A_329 = tpu.vector_load %arg14[%get3A, %get3A_328] {strides = array<i32>} : memref<40x64xi32, #tpu.memory_space<vmem>>, vector<16xi32>,
        %shift_left3A = arith.constant 16 : i32
        %shift_left3A_330 = vector.broadcast %shift_left3A : i32 to vector<16xi32>
        %shift_left3A_331 = arith.shli %get3A_329, %shift_left3A_330 : vector<16xi32>
        %bitcast3A = vector.bitcast %shift_left3A_331 : vector<16xi32> to vector<16xf32>
        %mul3A_332 = arith.mulf %bitcast3A, %gather3A : vector<16xf32>
        %and3A = arith.andi %get3A_329, %broadcast_in_dim3A_200 : vector<16xi32>
        %bitcast3A_333 = vector.bitcast %and3A : vector<16xi32> to vector<16xf32>
        %mul3A_334 = arith.mulf %bitcast3A_333, %gather3A : vector<16xf32>
        %get3A_335 = arith.index_cast %add3A_316 : i32 to index
        %get3A_336 = arith.index_cast %add3A_327 : i32 to index
        %get3A_337 = tpu.vector_load %arg12[%get3A_335, %get3A_336] {strides = array<i32>} : memref<40x128xf32, #tpu.memory_space<vmem>>, vector<16xf32>,
        %mul3A_338 = arith.mulf %get3A_337, %mul3A_332 : vector<16xf32>
        %swap3A = arith.index_cast %add3A_316 : i32 to index
        %swap3A_339 = arith.index_cast %add3A_327 : i32 to index
        %swap3A_340 = tpu.vector_load %arg12[%swap3A, %swap3A_339] {strides = array<i32>} : memref<40x128xf32, #tpu.memory_space<vmem>>, vector<16xf32>,
        tpu.vector_store %arg12[%swap3A, %swap3A_339], %mul3A_338 {strides = array<i32>} : memref<40x128xf32, #tpu.memory_space<vmem>>, vector<16xf32>,
        %add3A_341 = arith.constant 64 : i32
        %add3A_342 = arith.addi %add3A_327, %add3A_341 : i32
        %get3A_343 = arith.index_cast %add3A_316 : i32 to index
        %get3A_344 = arith.index_cast %add3A_342 : i32 to index
        %get3A_345 = tpu.vector_load %arg12[%get3A_343, %get3A_344] {strides = array<i32>} : memref<40x128xf32, #tpu.memory_space<vmem>>, vector<16xf32>,
        %mul3A_346 = arith.mulf %get3A_345, %mul3A_334 : vector<16xf32>
        %add3A_347 = arith.constant 64 : i32
        %add3A_348 = arith.addi %add3A_327, %add3A_347 : i32
        %swap3A_349 = arith.index_cast %add3A_316 : i32 to index
        %swap3A_350 = arith.index_cast %add3A_348 : i32 to index
        %swap3A_351 = tpu.vector_load %arg12[%swap3A_349, %swap3A_350] {strides = array<i32>} : memref<40x128xf32, #tpu.memory_space<vmem>>, vector<16xf32>,
        tpu.vector_store %arg12[%swap3A_349, %swap3A_350], %mul3A_346 {strides = array<i32>} : memref<40x128xf32, #tpu.memory_space<vmem>>, vector<16xf32>,
      }
      %scan3A_322 = arith.constant 4 : i32
    }
    %scan3A_205 = arith.constant 40 : i32
    %dma_wait3A_206 = arith.constant 0 : i32
    %dma_wait3A_207 = tpu.memref_slice %arg5[%dma_wait3A_206] : memref<320000xi32, #tpu.memory_space<hbm>> -> memref<40xi32, #tpu.memory_space<hbm>>
    %dma_wait3A_208 = arith.constant 0 : i32
    %dma_wait3A_209 = tpu.memref_slice %arg5[%dma_wait3A_208] : memref<320000xi32, #tpu.memory_space<hbm>> -> memref<40xi32, #tpu.memory_space<hbm>>
    tpu.wait_dma2 semaphore(%arg22 : memref<!tpu.dma_semaphore, #tpu.memory_space<semaphore_mem>>) src(%dma_wait3A_209 : memref<40xi32, #tpu.memory_space<hbm>>) dst(%arg10 : memref<40xi32, #tpu.memory_space<vmem>>)
    %dma_start3A_210 = arith.constant 0 : i32
    %dma_start3A_211 = arith.constant 0 : i32
    %dma_start3A_212 = tpu.memref_slice %arg19[%dma_start3A_210, %dma_start3A_211] : memref<10000x128xf32, #tpu.memory_space<vmem_shared>> -> memref<10000x128xf32, #tpu.memory_space<vmem_shared>>
    tpu.enqueue_indirect_dma source(%arg12 : memref<40x128xf32, #tpu.memory_space<vmem>>) target(%dma_start3A_212 : memref<10000x128xf32, #tpu.memory_space<vmem_shared>>) offsets(%arg10 : memref<40xi32, #tpu.memory_space<vmem>>) semaphore(%arg28 : memref<!tpu.dma_semaphore, #tpu.memory_space<semaphore_mem>>) {add = true}
    %scan3A_213 = arith.constant 0 : i32
    %scan3A_214 = arith.constant 60 : i32
    %scan3A_215 = arith.addi %scan3A_213, %scan3A_214 : i32
    %scan3A_216 = arith.constant 1 : i32
    scf.for %scan3A_312 = %scan3A_213 to %scan3A_215 step %scan3A_216  : i32 {
      %mul3A_313 = arith.constant 1 : i32
      %mul3A_314 = arith.muli %scan3A_312, %mul3A_313 : i32
      %add3A_315 = arith.constant 0 : i32
      %add3A_316 = arith.addi %add3A_315, %mul3A_314 : i32
      %mul3A_317 = arith.constant 2 : i32
      %mul3A_318 = arith.muli %mul3A_317, %add3A_316 : i32
      %add3A_319 = arith.constant 3 : i32
      %add3A_320 = arith.addi %add3A_319, %mul3A_318 : i32
      %dma_wait3A_321 = arith.constant 0 : i32
      %dma_wait3A_322 = arith.constant 0 : i32
      %dma_wait3A_323 = tpu.memref_slice %arg19[%dma_wait3A_321, %dma_wait3A_322] : memref<10000x128xf32, #tpu.memory_space<vmem_shared>> -> memref<10000x128xf32, #tpu.memory_space<vmem_shared>>
      tpu.wait_indirect_dma semaphore(%arg28 : memref<!tpu.dma_semaphore, #tpu.memory_space<semaphore_mem>>) src(%arg12 : memref<40x128xf32, #tpu.memory_space<vmem>>) dst(%dma_wait3A_323 : memref<10000x128xf32, #tpu.memory_space<vmem_shared>>)
      %dma_wait3A_324 = arith.constant 0 : i32
      %dma_wait3A_325 = tpu.memref_slice %arg4[%dma_wait3A_324] : memref<320000xi32, #tpu.memory_space<hbm>> -> memref<40xi32, #tpu.memory_space<hbm>>
      %dma_wait3A_326 = arith.constant 0 : i32
      %dma_wait3A_327 = tpu.memref_slice %arg4[%dma_wait3A_326] : memref<320000xi32, #tpu.memory_space<hbm>> -> memref<40xi32, #tpu.memory_space<hbm>>
      tpu.wait_dma2 semaphore(%arg20 : memref<!tpu.dma_semaphore, #tpu.memory_space<semaphore_mem>>) src(%dma_wait3A_327 : memref<40xi32, #tpu.memory_space<hbm>>) dst(%arg8 : memref<40xi32, #tpu.memory_space<vmem>>)
      %add3A_328 = arith.constant 1 : i32
      %add3A_329 = arith.addi %add3A_320, %add3A_328 : i32
      %dma_start3A_330 = arith.constant 0 : i32
      %dma_start3A_331 = arith.constant 0 : i32
      %dma_start3A_332 = tpu.memref_slice %arg2[%dma_start3A_330, %dma_start3A_331] : memref<10000x128xf32, #tpu.memory_space<hbm>> -> memref<10000x128xf32, #tpu.memory_space<hbm>>
      tpu.enqueue_indirect_dma source(%dma_start3A_332 : memref<10000x128xf32, #tpu.memory_space<hbm>>) target(%arg12 : memref<40x128xf32, #tpu.memory_space<vmem>>) offsets(%arg8 : memref<40xi32, #tpu.memory_space<vmem>>) semaphore(%arg24 : memref<!tpu.dma_semaphore, #tpu.memory_space<semaphore_mem>>)
      %mul3A_333 = arith.constant 40 : i32
      %mul3A_334 = arith.muli %add3A_329, %mul3A_333 : i32
      %add3A_335 = arith.addi %mul3A_6, %mul3A_334 : i32
      %dma_start3A_336 = arith.constant 0 : i32
      %dma_start3A_337 = tpu.memref_slice %arg3[%add3A_335, %dma_start3A_336] : memref<160000x64xi32, #tpu.memory_space<hbm>> -> memref<40x64xi32, #tpu.memory_space<hbm>>
      %dma_start3A_338 = arith.constant 0 : i32
      %dma_start3A_339 = tpu.memref_slice %arg3[%add3A_335, %dma_start3A_338] : memref<160000x64xi32, #tpu.memory_space<hbm>> -> memref<40x64xi32, #tpu.memory_space<hbm>>
      tpu.enqueue_dma source(%dma_start3A_339 : memref<40x64xi32, #tpu.memory_space<hbm>>) target(%arg14 : memref<40x64xi32, #tpu.memory_space<vmem>>) target_semaphore(%arg26 : memref<!tpu.dma_semaphore, #tpu.memory_space<semaphore_mem>>)
      %mul3A_340 = arith.constant 40 : i32
      %mul3A_341 = arith.muli %add3A_329, %mul3A_340 : i32
      %add3A_342 = arith.addi %add3A_4, %mul3A_341 : i32
      %dma_start3A_343 = tpu.memref_slice %arg6[%add3A_342] : memref<320000xf32, #tpu.memory_space<hbm>> -> memref<40xf32, #tpu.memory_space<hbm>>
      %dma_start3A_344 = tpu.memref_slice %arg6[%add3A_342] : memref<320000xf32, #tpu.memory_space<hbm>> -> memref<40xf32, #tpu.memory_space<hbm>>
      tpu.enqueue_dma source(%dma_start3A_344 : memref<40xf32, #tpu.memory_space<hbm>>) target(%arg16 : memref<40xf32, #tpu.memory_space<vmem>>) target_semaphore(%arg30 : memref<!tpu.dma_semaphore, #tpu.memory_space<semaphore_mem>>)
      %add3A_345 = arith.constant 1 : i32
      %add3A_346 = arith.addi %add3A_320, %add3A_345 : i32
      %mul3A_347 = arith.constant 40 : i32
      %mul3A_348 = arith.muli %add3A_346, %mul3A_347 : i32
      %add3A_349 = arith.addi %add3A_4, %mul3A_348 : i32
      %dma_start3A_350 = tpu.memref_slice %arg5[%add3A_349] : memref<320000xi32, #tpu.memory_space<hbm>> -> memref<40xi32, #tpu.memory_space<hbm>>
      %dma_start3A_351 = tpu.memref_slice %arg5[%add3A_349] : memref<320000xi32, #tpu.memory_space<hbm>> -> memref<40xi32, #tpu.memory_space<hbm>>
      tpu.enqueue_dma source(%dma_start3A_351 : memref<40xi32, #tpu.memory_space<hbm>>) target(%arg10 : memref<40xi32, #tpu.memory_space<vmem>>) target_semaphore(%arg22 : memref<!tpu.dma_semaphore, #tpu.memory_space<semaphore_mem>>)
      %dma_wait3A_352 = arith.constant 0 : i32
      %dma_wait3A_353 = arith.constant 0 : i32
      %dma_wait3A_354 = tpu.memref_slice %arg2[%dma_wait3A_352, %dma_wait3A_353] : memref<10000x128xf32, #tpu.memory_space<hbm>> -> memref<10000x128xf32, #tpu.memory_space<hbm>>
      tpu.wait_indirect_dma semaphore(%arg25 : memref<!tpu.dma_semaphore, #tpu.memory_space<semaphore_mem>>) src(%dma_wait3A_354 : memref<10000x128xf32, #tpu.memory_space<hbm>>) dst(%arg13 : memref<40x128xf32, #tpu.memory_space<vmem>>)
      %dma_wait3A_355 = arith.constant 0 : i32
      %dma_wait3A_356 = arith.constant 0 : i32
      %dma_wait3A_357 = tpu.memref_slice %arg3[%dma_wait3A_355, %dma_wait3A_356] : memref<160000x64xi32, #tpu.memory_space<hbm>> -> memref<40x64xi32, #tpu.memory_space<hbm>>
      %dma_wait3A_358 = arith.constant 0 : i32
      %dma_wait3A_359 = arith.constant 0 : i32
      %dma_wait3A_360 = tpu.memref_slice %arg3[%dma_wait3A_358, %dma_wait3A_359] : memref<160000x64xi32, #tpu.memory_space<hbm>> -> memref<40x64xi32, #tpu.memory_space<hbm>>
      tpu.wait_dma2 semaphore(%arg27 : memref<!tpu.dma_semaphore, #tpu.memory_space<semaphore_mem>>) src(%dma_wait3A_360 : memref<40x64xi32, #tpu.memory_space<hbm>>) dst(%arg15 : memref<40x64xi32, #tpu.memory_space<vmem>>)
      %dma_wait3A_361 = arith.constant 0 : i32
      %dma_wait3A_362 = tpu.memref_slice %arg6[%dma_wait3A_361] : memref<320000xf32, #tpu.memory_space<hbm>> -> memref<40xf32, #tpu.memory_space<hbm>>
      %dma_wait3A_363 = arith.constant 0 : i32
      %dma_wait3A_364 = tpu.memref_slice %arg6[%dma_wait3A_363] : memref<320000xf32, #tpu.memory_space<hbm>> -> memref<40xf32, #tpu.memory_space<hbm>>
      tpu.wait_dma2 semaphore(%arg31 : memref<!tpu.dma_semaphore, #tpu.memory_space<semaphore_mem>>) src(%dma_wait3A_364 : memref<40xf32, #tpu.memory_space<hbm>>) dst(%arg17 : memref<40xf32, #tpu.memory_space<vmem>>)
      %add3A_365 = arith.constant 2 : i32
      %add3A_366 = arith.addi %add3A_320, %add3A_365 : i32
      %mul3A_367 = arith.constant 40 : i32
      %mul3A_368 = arith.muli %add3A_366, %mul3A_367 : i32
      %add3A_369 = arith.addi %add3A_4, %mul3A_368 : i32
      %dma_start3A_370 = tpu.memref_slice %arg4[%add3A_369] : memref<320000xi32, #tpu.memory_space<hbm>> -> memref<40xi32, #tpu.memory_space<hbm>>
      %dma_start3A_371 = tpu.memref_slice %arg4[%add3A_369] : memref<320000xi32, #tpu.memory_space<hbm>> -> memref<40xi32, #tpu.memory_space<hbm>>
      tpu.enqueue_dma source(%dma_start3A_371 : memref<40xi32, #tpu.memory_space<hbm>>) target(%arg9 : memref<40xi32, #tpu.memory_space<vmem>>) target_semaphore(%arg21 : memref<!tpu.dma_semaphore, #tpu.memory_space<semaphore_mem>>)
      %broadcast_in_dim3A_372 = arith.constant -65536 : i32
      %broadcast_in_dim3A_373 = vector.broadcast %broadcast_in_dim3A_372 : i32 to vector<16xi32>
      %scan3A_374 = arith.constant 0 : i32
      %scan3A_375 = arith.constant 40 : i32
      %scan3A_376 = arith.addi %scan3A_374, %scan3A_375 : i32
      %scan3A_377 = arith.constant 1 : i32
      scf.for %scan3A_453 = %scan3A_374 to %scan3A_376 step %scan3A_377  : i32 {
        %mul3A_454 = arith.constant 1 : i32
        %mul3A_455 = arith.muli %scan3A_453, %mul3A_454 : i32
        %add3A_456 = arith.constant 0 : i32
        %add3A_457 = arith.addi %add3A_456, %mul3A_455 : i32
        %broadcast_in_dim3A_458 = vector.broadcast %add3A_457 : i32 to vector<16xi32>
        %gather3A = tpu.vector_load_idx %arg17[%broadcast_in_dim3A_458] : memref<40xf32, #tpu.memory_space<vmem>>[vector<16xi32>], vector<16xf32>,
        %scan3A_459 = arith.constant 0 : i32
        %scan3A_460 = arith.constant 4 : i32
        %scan3A_461 = arith.addi %scan3A_459, %scan3A_460 : i32
        %scan3A_462 = arith.constant 1 : i32
        scf.for %scan3A_464 = %scan3A_459 to %scan3A_461 step %scan3A_462  : i32 {
          %mul3A_465 = arith.constant 16 : i32
          %mul3A_466 = arith.muli %scan3A_464, %mul3A_465 : i32
          %add3A_467 = arith.constant 0 : i32
          %add3A_468 = arith.addi %add3A_467, %mul3A_466 : i32
          %get3A = arith.index_cast %add3A_457 : i32 to index
          %get3A_469 = arith.index_cast %add3A_468 : i32 to index
          %get3A_470 = tpu.vector_load %arg15[%get3A, %get3A_469] {strides = array<i32>} : memref<40x64xi32, #tpu.memory_space<vmem>>, vector<16xi32>,
          %shift_left3A = arith.constant 16 : i32
          %shift_left3A_471 = vector.broadcast %shift_left3A : i32 to vector<16xi32>
          %shift_left3A_472 = arith.shli %get3A_470, %shift_left3A_471 : vector<16xi32>
          %bitcast3A = vector.bitcast %shift_left3A_472 : vector<16xi32> to vector<16xf32>
          %mul3A_473 = arith.mulf %bitcast3A, %gather3A : vector<16xf32>
          %and3A = arith.andi %get3A_470, %broadcast_in_dim3A_373 : vector<16xi32>
          %bitcast3A_474 = vector.bitcast %and3A : vector<16xi32> to vector<16xf32>
          %mul3A_475 = arith.mulf %bitcast3A_474, %gather3A : vector<16xf32>
          %get3A_476 = arith.index_cast %add3A_457 : i32 to index
          %get3A_477 = arith.index_cast %add3A_468 : i32 to index
          %get3A_478 = tpu.vector_load %arg13[%get3A_476, %get3A_477] {strides = array<i32>} : memref<40x128xf32, #tpu.memory_space<vmem>>, vector<16xf32>,
          %mul3A_479 = arith.mulf %get3A_478, %mul3A_473 : vector<16xf32>
          %swap3A = arith.index_cast %add3A_457 : i32 to index
          %swap3A_480 = arith.index_cast %add3A_468 : i32 to index
          %swap3A_481 = tpu.vector_load %arg13[%swap3A, %swap3A_480] {strides = array<i32>} : memref<40x128xf32, #tpu.memory_space<vmem>>, vector<16xf32>,
          tpu.vector_store %arg13[%swap3A, %swap3A_480], %mul3A_479 {strides = array<i32>} : memref<40x128xf32, #tpu.memory_space<vmem>>, vector<16xf32>,
          %add3A_482 = arith.constant 64 : i32
          %add3A_483 = arith.addi %add3A_468, %add3A_482 : i32
          %get3A_484 = arith.index_cast %add3A_457 : i32 to index
          %get3A_485 = arith.index_cast %add3A_483 : i32 to index
          %get3A_486 = tpu.vector_load %arg13[%get3A_484, %get3A_485] {strides = array<i32>} : memref<40x128xf32, #tpu.memory_space<vmem>>, vector<16xf32>,
          %mul3A_487 = arith.mulf %get3A_486, %mul3A_475 : vector<16xf32>
          %add3A_488 = arith.constant 64 : i32
          %add3A_489 = arith.addi %add3A_468, %add3A_488 : i32
          %swap3A_490 = arith.index_cast %add3A_457 : i32 to index
          %swap3A_491 = arith.index_cast %add3A_489 : i32 to index
          %swap3A_492 = tpu.vector_load %arg13[%swap3A_490, %swap3A_491] {strides = array<i32>} : memref<40x128xf32, #tpu.memory_space<vmem>>, vector<16xf32>,
          tpu.vector_store %arg13[%swap3A_490, %swap3A_491], %mul3A_487 {strides = array<i32>} : memref<40x128xf32, #tpu.memory_space<vmem>>, vector<16xf32>,
        }
        %scan3A_463 = arith.constant 4 : i32
      }
      %scan3A_378 = arith.constant 40 : i32
      %dma_wait3A_379 = arith.constant 0 : i32
      %dma_wait3A_380 = tpu.memref_slice %arg5[%dma_wait3A_379] : memref<320000xi32, #tpu.memory_space<hbm>> -> memref<40xi32, #tpu.memory_space<hbm>>
      %dma_wait3A_381 = arith.constant 0 : i32
      %dma_wait3A_382 = tpu.memref_slice %arg5[%dma_wait3A_381] : memref<320000xi32, #tpu.memory_space<hbm>> -> memref<40xi32, #tpu.memory_space<hbm>>
      tpu.wait_dma2 semaphore(%arg23 : memref<!tpu.dma_semaphore, #tpu.memory_space<semaphore_mem>>) src(%dma_wait3A_382 : memref<40xi32, #tpu.memory_space<hbm>>) dst(%arg11 : memref<40xi32, #tpu.memory_space<vmem>>)
      %dma_start3A_383 = arith.constant 0 : i32
      %dma_start3A_384 = arith.constant 0 : i32
      %dma_start3A_385 = tpu.memref_slice %arg19[%dma_start3A_383, %dma_start3A_384] : memref<10000x128xf32, #tpu.memory_space<vmem_shared>> -> memref<10000x128xf32, #tpu.memory_space<vmem_shared>>
      tpu.enqueue_indirect_dma source(%arg13 : memref<40x128xf32, #tpu.memory_space<vmem>>) target(%dma_start3A_385 : memref<10000x128xf32, #tpu.memory_space<vmem_shared>>) offsets(%arg11 : memref<40xi32, #tpu.memory_space<vmem>>) semaphore(%arg29 : memref<!tpu.dma_semaphore, #tpu.memory_space<semaphore_mem>>) {add = true}
      %add3A_386 = arith.constant 1 : i32
      %add3A_387 = arith.addi %add3A_320, %add3A_386 : i32
      %dma_wait3A_388 = arith.constant 0 : i32
      %dma_wait3A_389 = arith.constant 0 : i32
      %dma_wait3A_390 = tpu.memref_slice %arg19[%dma_wait3A_388, %dma_wait3A_389] : memref<10000x128xf32, #tpu.memory_space<vmem_shared>> -> memref<10000x128xf32, #tpu.memory_space<vmem_shared>>
      tpu.wait_indirect_dma semaphore(%arg29 : memref<!tpu.dma_semaphore, #tpu.memory_space<semaphore_mem>>) src(%arg13 : memref<40x128xf32, #tpu.memory_space<vmem>>) dst(%dma_wait3A_390 : memref<10000x128xf32, #tpu.memory_space<vmem_shared>>)
      %dma_wait3A_391 = arith.constant 0 : i32
      %dma_wait3A_392 = tpu.memref_slice %arg4[%dma_wait3A_391] : memref<320000xi32, #tpu.memory_space<hbm>> -> memref<40xi32, #tpu.memory_space<hbm>>
      %dma_wait3A_393 = arith.constant 0 : i32
      %dma_wait3A_394 = tpu.memref_slice %arg4[%dma_wait3A_393] : memref<320000xi32, #tpu.memory_space<hbm>> -> memref<40xi32, #tpu.memory_space<hbm>>
      tpu.wait_dma2 semaphore(%arg21 : memref<!tpu.dma_semaphore, #tpu.memory_space<semaphore_mem>>) src(%dma_wait3A_394 : memref<40xi32, #tpu.memory_space<hbm>>) dst(%arg9 : memref<40xi32, #tpu.memory_space<vmem>>)
      %add3A_395 = arith.constant 1 : i32
      %add3A_396 = arith.addi %add3A_387, %add3A_395 : i32
      %dma_start3A_397 = arith.constant 0 : i32
      %dma_start3A_398 = arith.constant 0 : i32
      %dma_start3A_399 = tpu.memref_slice %arg2[%dma_start3A_397, %dma_start3A_398] : memref<10000x128xf32, #tpu.memory_space<hbm>> -> memref<10000x128xf32, #tpu.memory_space<hbm>>
      tpu.enqueue_indirect_dma source(%dma_start3A_399 : memref<10000x128xf32, #tpu.memory_space<hbm>>) target(%arg13 : memref<40x128xf32, #tpu.memory_space<vmem>>) offsets(%arg9 : memref<40xi32, #tpu.memory_space<vmem>>) semaphore(%arg25 : memref<!tpu.dma_semaphore, #tpu.memory_space<semaphore_mem>>)
      %mul3A_400 = arith.constant 40 : i32
      %mul3A_401 = arith.muli %add3A_396, %mul3A_400 : i32
      %add3A_402 = arith.addi %mul3A_6, %mul3A_401 : i32
      %dma_start3A_403 = arith.constant 0 : i32
      %dma_start3A_404 = tpu.memref_slice %arg3[%add3A_402, %dma_start3A_403] : memref<160000x64xi32, #tpu.memory_space<hbm>> -> memref<40x64xi32, #tpu.memory_space<hbm>>
      %dma_start3A_405 = arith.constant 0 : i32
      %dma_start3A_406 = tpu.memref_slice %arg3[%add3A_402, %dma_start3A_405] : memref<160000x64xi32, #tpu.memory_space<hbm>> -> memref<40x64xi32, #tpu.memory_space<hbm>>
      tpu.enqueue_dma source(%dma_start3A_406 : memref<40x64xi32, #tpu.memory_space<hbm>>) target(%arg15 : memref<40x64xi32, #tpu.memory_space<vmem>>) target_semaphore(%arg27 : memref<!tpu.dma_semaphore, #tpu.memory_space<semaphore_mem>>)
      %mul3A_407 = arith.constant 40 : i32
      %mul3A_408 = arith.muli %add3A_396, %mul3A_407 : i32
      %add3A_409 = arith.addi %add3A_4, %mul3A_408 : i32
      %dma_start3A_410 = tpu.memref_slice %arg6[%add3A_409] : memref<320000xf32, #tpu.memory_space<hbm>> -> memref<40xf32, #tpu.memory_space<hbm>>
      %dma_start3A_411 = tpu.memref_slice %arg6[%add3A_409] : memref<320000xf32, #tpu.memory_space<hbm>> -> memref<40xf32, #tpu.memory_space<hbm>>
      tpu.enqueue_dma source(%dma_start3A_411 : memref<40xf32, #tpu.memory_space<hbm>>) target(%arg17 : memref<40xf32, #tpu.memory_space<vmem>>) target_semaphore(%arg31 : memref<!tpu.dma_semaphore, #tpu.memory_space<semaphore_mem>>)
      %add3A_412 = arith.constant 1 : i32
      %add3A_413 = arith.addi %add3A_387, %add3A_412 : i32
      %mul3A_414 = arith.constant 40 : i32
      %mul3A_415 = arith.muli %add3A_413, %mul3A_414 : i32
      %add3A_416 = arith.addi %add3A_4, %mul3A_415 : i32
      %dma_start3A_417 = tpu.memref_slice %arg5[%add3A_416] : memref<320000xi32, #tpu.memory_space<hbm>> -> memref<40xi32, #tpu.memory_space<hbm>>
      %dma_start3A_418 = tpu.memref_slice %arg5[%add3A_416] : memref<320000xi32, #tpu.memory_space<hbm>> -> memref<40xi32, #tpu.memory_space<hbm>>
      tpu.enqueue_dma source(%dma_start3A_418 : memref<40xi32, #tpu.memory_space<hbm>>) target(%arg11 : memref<40xi32, #tpu.memory_space<vmem>>) target_semaphore(%arg23 : memref<!tpu.dma_semaphore, #tpu.memory_space<semaphore_mem>>)
      %dma_wait3A_419 = arith.constant 0 : i32
      %dma_wait3A_420 = arith.constant 0 : i32
      %dma_wait3A_421 = tpu.memref_slice %arg2[%dma_wait3A_419, %dma_wait3A_420] : memref<10000x128xf32, #tpu.memory_space<hbm>> -> memref<10000x128xf32, #tpu.memory_space<hbm>>
      tpu.wait_indirect_dma semaphore(%arg24 : memref<!tpu.dma_semaphore, #tpu.memory_space<semaphore_mem>>) src(%dma_wait3A_421 : memref<10000x128xf32, #tpu.memory_space<hbm>>) dst(%arg12 : memref<40x128xf32, #tpu.memory_space<vmem>>)
      %dma_wait3A_422 = arith.constant 0 : i32
      %dma_wait3A_423 = arith.constant 0 : i32
      %dma_wait3A_424 = tpu.memref_slice %arg3[%dma_wait3A_422, %dma_wait3A_423] : memref<160000x64xi32, #tpu.memory_space<hbm>> -> memref<40x64xi32, #tpu.memory_space<hbm>>
      %dma_wait3A_425 = arith.constant 0 : i32
      %dma_wait3A_426 = arith.constant 0 : i32
      %dma_wait3A_427 = tpu.memref_slice %arg3[%dma_wait3A_425, %dma_wait3A_426] : memref<160000x64xi32, #tpu.memory_space<hbm>> -> memref<40x64xi32, #tpu.memory_space<hbm>>
      tpu.wait_dma2 semaphore(%arg26 : memref<!tpu.dma_semaphore, #tpu.memory_space<semaphore_mem>>) src(%dma_wait3A_427 : memref<40x64xi32, #tpu.memory_space<hbm>>) dst(%arg14 : memref<40x64xi32, #tpu.memory_space<vmem>>)
      %dma_wait3A_428 = arith.constant 0 : i32
      %dma_wait3A_429 = tpu.memref_slice %arg6[%dma_wait3A_428] : memref<320000xf32, #tpu.memory_space<hbm>> -> memref<40xf32, #tpu.memory_space<hbm>>
      %dma_wait3A_430 = arith.constant 0 : i32
      %dma_wait3A_431 = tpu.memref_slice %arg6[%dma_wait3A_430] : memref<320000xf32, #tpu.memory_space<hbm>> -> memref<40xf32, #tpu.memory_space<hbm>>
      tpu.wait_dma2 semaphore(%arg30 : memref<!tpu.dma_semaphore, #tpu.memory_space<semaphore_mem>>) src(%dma_wait3A_431 : memref<40xf32, #tpu.memory_space<hbm>>) dst(%arg16 : memref<40xf32, #tpu.memory_space<vmem>>)
      %add3A_432 = arith.constant 2 : i32
      %add3A_433 = arith.addi %add3A_387, %add3A_432 : i32
      %mul3A_434 = arith.constant 40 : i32
      %mul3A_435 = arith.muli %add3A_433, %mul3A_434 : i32
      %add3A_436 = arith.addi %add3A_4, %mul3A_435 : i32
      %dma_start3A_437 = tpu.memref_slice %arg4[%add3A_436] : memref<320000xi32, #tpu.memory_space<hbm>> -> memref<40xi32, #tpu.memory_space<hbm>>
      %dma_start3A_438 = tpu.memref_slice %arg4[%add3A_436] : memref<320000xi32, #tpu.memory_space<hbm>> -> memref<40xi32, #tpu.memory_space<hbm>>
      tpu.enqueue_dma source(%dma_start3A_438 : memref<40xi32, #tpu.memory_space<hbm>>) target(%arg8 : memref<40xi32, #tpu.memory_space<vmem>>) target_semaphore(%arg20 : memref<!tpu.dma_semaphore, #tpu.memory_space<semaphore_mem>>)
      %broadcast_in_dim3A_439 = arith.constant -65536 : i32
      %broadcast_in_dim3A_440 = vector.broadcast %broadcast_in_dim3A_439 : i32 to vector<16xi32>
      %scan3A_441 = arith.constant 0 : i32
      %scan3A_442 = arith.constant 40 : i32
      %scan3A_443 = arith.addi %scan3A_441, %scan3A_442 : i32
      %scan3A_444 = arith.constant 1 : i32
      scf.for %scan3A_453 = %scan3A_441 to %scan3A_443 step %scan3A_444  : i32 {
        %mul3A_454 = arith.constant 1 : i32
        %mul3A_455 = arith.muli %scan3A_453, %mul3A_454 : i32
        %add3A_456 = arith.constant 0 : i32
        %add3A_457 = arith.addi %add3A_456, %mul3A_455 : i32
        %broadcast_in_dim3A_458 = vector.broadcast %add3A_457 : i32 to vector<16xi32>
        %gather3A = tpu.vector_load_idx %arg16[%broadcast_in_dim3A_458] : memref<40xf32, #tpu.memory_space<vmem>>[vector<16xi32>], vector<16xf32>,
        %scan3A_459 = arith.constant 0 : i32
        %scan3A_460 = arith.constant 4 : i32
        %scan3A_461 = arith.addi %scan3A_459, %scan3A_460 : i32
        %scan3A_462 = arith.constant 1 : i32
        scf.for %scan3A_464 = %scan3A_459 to %scan3A_461 step %scan3A_462  : i32 {
          %mul3A_465 = arith.constant 16 : i32
          %mul3A_466 = arith.muli %scan3A_464, %mul3A_465 : i32
          %add3A_467 = arith.constant 0 : i32
          %add3A_468 = arith.addi %add3A_467, %mul3A_466 : i32
          %get3A = arith.index_cast %add3A_457 : i32 to index
          %get3A_469 = arith.index_cast %add3A_468 : i32 to index
          %get3A_470 = tpu.vector_load %arg14[%get3A, %get3A_469] {strides = array<i32>} : memref<40x64xi32, #tpu.memory_space<vmem>>, vector<16xi32>,
          %shift_left3A = arith.constant 16 : i32
          %shift_left3A_471 = vector.broadcast %shift_left3A : i32 to vector<16xi32>
          %shift_left3A_472 = arith.shli %get3A_470, %shift_left3A_471 : vector<16xi32>
          %bitcast3A = vector.bitcast %shift_left3A_472 : vector<16xi32> to vector<16xf32>
          %mul3A_473 = arith.mulf %bitcast3A, %gather3A : vector<16xf32>
          %and3A = arith.andi %get3A_470, %broadcast_in_dim3A_440 : vector<16xi32>
          %bitcast3A_474 = vector.bitcast %and3A : vector<16xi32> to vector<16xf32>
          %mul3A_475 = arith.mulf %bitcast3A_474, %gather3A : vector<16xf32>
          %get3A_476 = arith.index_cast %add3A_457 : i32 to index
          %get3A_477 = arith.index_cast %add3A_468 : i32 to index
          %get3A_478 = tpu.vector_load %arg12[%get3A_476, %get3A_477] {strides = array<i32>} : memref<40x128xf32, #tpu.memory_space<vmem>>, vector<16xf32>,
          %mul3A_479 = arith.mulf %get3A_478, %mul3A_473 : vector<16xf32>
          %swap3A = arith.index_cast %add3A_457 : i32 to index
          %swap3A_480 = arith.index_cast %add3A_468 : i32 to index
          %swap3A_481 = tpu.vector_load %arg12[%swap3A, %swap3A_480] {strides = array<i32>} : memref<40x128xf32, #tpu.memory_space<vmem>>, vector<16xf32>,
          tpu.vector_store %arg12[%swap3A, %swap3A_480], %mul3A_479 {strides = array<i32>} : memref<40x128xf32, #tpu.memory_space<vmem>>, vector<16xf32>,
          %add3A_482 = arith.constant 64 : i32
          %add3A_483 = arith.addi %add3A_468, %add3A_482 : i32
          %get3A_484 = arith.index_cast %add3A_457 : i32 to index
          %get3A_485 = arith.index_cast %add3A_483 : i32 to index
          %get3A_486 = tpu.vector_load %arg12[%get3A_484, %get3A_485] {strides = array<i32>} : memref<40x128xf32, #tpu.memory_space<vmem>>, vector<16xf32>,
          %mul3A_487 = arith.mulf %get3A_486, %mul3A_475 : vector<16xf32>
          %add3A_488 = arith.constant 64 : i32
          %add3A_489 = arith.addi %add3A_468, %add3A_488 : i32
          %swap3A_490 = arith.index_cast %add3A_457 : i32 to index
          %swap3A_491 = arith.index_cast %add3A_489 : i32 to index
          %swap3A_492 = tpu.vector_load %arg12[%swap3A_490, %swap3A_491] {strides = array<i32>} : memref<40x128xf32, #tpu.memory_space<vmem>>, vector<16xf32>,
          tpu.vector_store %arg12[%swap3A_490, %swap3A_491], %mul3A_487 {strides = array<i32>} : memref<40x128xf32, #tpu.memory_space<vmem>>, vector<16xf32>,
        }
        %scan3A_463 = arith.constant 4 : i32
      }
      %scan3A_445 = arith.constant 40 : i32
      %dma_wait3A_446 = arith.constant 0 : i32
      %dma_wait3A_447 = tpu.memref_slice %arg5[%dma_wait3A_446] : memref<320000xi32, #tpu.memory_space<hbm>> -> memref<40xi32, #tpu.memory_space<hbm>>
      %dma_wait3A_448 = arith.constant 0 : i32
      %dma_wait3A_449 = tpu.memref_slice %arg5[%dma_wait3A_448] : memref<320000xi32, #tpu.memory_space<hbm>> -> memref<40xi32, #tpu.memory_space<hbm>>
      tpu.wait_dma2 semaphore(%arg22 : memref<!tpu.dma_semaphore, #tpu.memory_space<semaphore_mem>>) src(%dma_wait3A_449 : memref<40xi32, #tpu.memory_space<hbm>>) dst(%arg10 : memref<40xi32, #tpu.memory_space<vmem>>)
      %dma_start3A_450 = arith.constant 0 : i32
      %dma_start3A_451 = arith.constant 0 : i32
      %dma_start3A_452 = tpu.memref_slice %arg19[%dma_start3A_450, %dma_start3A_451] : memref<10000x128xf32, #tpu.memory_space<vmem_shared>> -> memref<10000x128xf32, #tpu.memory_space<vmem_shared>>
      tpu.enqueue_indirect_dma source(%arg12 : memref<40x128xf32, #tpu.memory_space<vmem>>) target(%dma_start3A_452 : memref<10000x128xf32, #tpu.memory_space<vmem_shared>>) offsets(%arg10 : memref<40xi32, #tpu.memory_space<vmem>>) semaphore(%arg28 : memref<!tpu.dma_semaphore, #tpu.memory_space<semaphore_mem>>) {add = true}
    }
    %scan3A_217 = arith.constant 60 : i32
    %dma_wait3A_218 = arith.constant 0 : i32
    %dma_wait3A_219 = arith.constant 0 : i32
    %dma_wait3A_220 = tpu.memref_slice %arg19[%dma_wait3A_218, %dma_wait3A_219] : memref<10000x128xf32, #tpu.memory_space<vmem_shared>> -> memref<10000x128xf32, #tpu.memory_space<vmem_shared>>
    tpu.wait_indirect_dma semaphore(%arg28 : memref<!tpu.dma_semaphore, #tpu.memory_space<semaphore_mem>>) src(%arg12 : memref<40x128xf32, #tpu.memory_space<vmem>>) dst(%dma_wait3A_220 : memref<10000x128xf32, #tpu.memory_space<vmem_shared>>)
    %dma_wait3A_221 = arith.constant 0 : i32
    %dma_wait3A_222 = tpu.memref_slice %arg4[%dma_wait3A_221] : memref<320000xi32, #tpu.memory_space<hbm>> -> memref<40xi32, #tpu.memory_space<hbm>>
    %dma_wait3A_223 = arith.constant 0 : i32
    %dma_wait3A_224 = tpu.memref_slice %arg4[%dma_wait3A_223] : memref<320000xi32, #tpu.memory_space<hbm>> -> memref<40xi32, #tpu.memory_space<hbm>>
    tpu.wait_dma2 semaphore(%arg20 : memref<!tpu.dma_semaphore, #tpu.memory_space<semaphore_mem>>) src(%dma_wait3A_224 : memref<40xi32, #tpu.memory_space<hbm>>) dst(%arg8 : memref<40xi32, #tpu.memory_space<vmem>>)
    %dma_start3A_225 = arith.constant 0 : i32
    %dma_start3A_226 = arith.constant 0 : i32
    %dma_start3A_227 = tpu.memref_slice %arg2[%dma_start3A_225, %dma_start3A_226] : memref<10000x128xf32, #tpu.memory_space<hbm>> -> memref<10000x128xf32, #tpu.memory_space<hbm>>
    tpu.enqueue_indirect_dma source(%dma_start3A_227 : memref<10000x128xf32, #tpu.memory_space<hbm>>) target(%arg12 : memref<40x128xf32, #tpu.memory_space<vmem>>) offsets(%arg8 : memref<40xi32, #tpu.memory_space<vmem>>) semaphore(%arg24 : memref<!tpu.dma_semaphore, #tpu.memory_space<semaphore_mem>>)
    %add3A_228 = arith.constant 4960 : i32
    %add3A_229 = arith.addi %mul3A_6, %add3A_228 : i32
    %dma_start3A_230 = arith.constant 0 : i32
    %dma_start3A_231 = tpu.memref_slice %arg3[%add3A_229, %dma_start3A_230] : memref<160000x64xi32, #tpu.memory_space<hbm>> -> memref<40x64xi32, #tpu.memory_space<hbm>>
    %dma_start3A_232 = arith.constant 0 : i32
    %dma_start3A_233 = tpu.memref_slice %arg3[%add3A_229, %dma_start3A_232] : memref<160000x64xi32, #tpu.memory_space<hbm>> -> memref<40x64xi32, #tpu.memory_space<hbm>>
    tpu.enqueue_dma source(%dma_start3A_233 : memref<40x64xi32, #tpu.memory_space<hbm>>) target(%arg14 : memref<40x64xi32, #tpu.memory_space<vmem>>) target_semaphore(%arg26 : memref<!tpu.dma_semaphore, #tpu.memory_space<semaphore_mem>>)
    %add3A_234 = arith.constant 4960 : i32
    %add3A_235 = arith.addi %add3A_4, %add3A_234 : i32
    %dma_start3A_236 = tpu.memref_slice %arg6[%add3A_235] : memref<320000xf32, #tpu.memory_space<hbm>> -> memref<40xf32, #tpu.memory_space<hbm>>
    %dma_start3A_237 = tpu.memref_slice %arg6[%add3A_235] : memref<320000xf32, #tpu.memory_space<hbm>> -> memref<40xf32, #tpu.memory_space<hbm>>
    tpu.enqueue_dma source(%dma_start3A_237 : memref<40xf32, #tpu.memory_space<hbm>>) target(%arg16 : memref<40xf32, #tpu.memory_space<vmem>>) target_semaphore(%arg30 : memref<!tpu.dma_semaphore, #tpu.memory_space<semaphore_mem>>)
    %add3A_238 = arith.constant 4960 : i32
    %add3A_239 = arith.addi %add3A_4, %add3A_238 : i32
    %dma_start3A_240 = tpu.memref_slice %arg5[%add3A_239] : memref<320000xi32, #tpu.memory_space<hbm>> -> memref<40xi32, #tpu.memory_space<hbm>>
    %dma_start3A_241 = tpu.memref_slice %arg5[%add3A_239] : memref<320000xi32, #tpu.memory_space<hbm>> -> memref<40xi32, #tpu.memory_space<hbm>>
    tpu.enqueue_dma source(%dma_start3A_241 : memref<40xi32, #tpu.memory_space<hbm>>) target(%arg10 : memref<40xi32, #tpu.memory_space<vmem>>) target_semaphore(%arg22 : memref<!tpu.dma_semaphore, #tpu.memory_space<semaphore_mem>>)
    %dma_wait3A_242 = arith.constant 0 : i32
    %dma_wait3A_243 = arith.constant 0 : i32
    %dma_wait3A_244 = tpu.memref_slice %arg2[%dma_wait3A_242, %dma_wait3A_243] : memref<10000x128xf32, #tpu.memory_space<hbm>> -> memref<10000x128xf32, #tpu.memory_space<hbm>>
    tpu.wait_indirect_dma semaphore(%arg25 : memref<!tpu.dma_semaphore, #tpu.memory_space<semaphore_mem>>) src(%dma_wait3A_244 : memref<10000x128xf32, #tpu.memory_space<hbm>>) dst(%arg13 : memref<40x128xf32, #tpu.memory_space<vmem>>)
    %dma_wait3A_245 = arith.constant 0 : i32
    %dma_wait3A_246 = arith.constant 0 : i32
    %dma_wait3A_247 = tpu.memref_slice %arg3[%dma_wait3A_245, %dma_wait3A_246] : memref<160000x64xi32, #tpu.memory_space<hbm>> -> memref<40x64xi32, #tpu.memory_space<hbm>>
    %dma_wait3A_248 = arith.constant 0 : i32
    %dma_wait3A_249 = arith.constant 0 : i32
    %dma_wait3A_250 = tpu.memref_slice %arg3[%dma_wait3A_248, %dma_wait3A_249] : memref<160000x64xi32, #tpu.memory_space<hbm>> -> memref<40x64xi32, #tpu.memory_space<hbm>>
    tpu.wait_dma2 semaphore(%arg27 : memref<!tpu.dma_semaphore, #tpu.memory_space<semaphore_mem>>) src(%dma_wait3A_250 : memref<40x64xi32, #tpu.memory_space<hbm>>) dst(%arg15 : memref<40x64xi32, #tpu.memory_space<vmem>>)
    %dma_wait3A_251 = arith.constant 0 : i32
    %dma_wait3A_252 = tpu.memref_slice %arg6[%dma_wait3A_251] : memref<320000xf32, #tpu.memory_space<hbm>> -> memref<40xf32, #tpu.memory_space<hbm>>
    %dma_wait3A_253 = arith.constant 0 : i32
    %dma_wait3A_254 = tpu.memref_slice %arg6[%dma_wait3A_253] : memref<320000xf32, #tpu.memory_space<hbm>> -> memref<40xf32, #tpu.memory_space<hbm>>
    tpu.wait_dma2 semaphore(%arg31 : memref<!tpu.dma_semaphore, #tpu.memory_space<semaphore_mem>>) src(%dma_wait3A_254 : memref<40xf32, #tpu.memory_space<hbm>>) dst(%arg17 : memref<40xf32, #tpu.memory_space<vmem>>)
    %broadcast_in_dim3A_255 = arith.constant -65536 : i32
    %broadcast_in_dim3A_256 = vector.broadcast %broadcast_in_dim3A_255 : i32 to vector<16xi32>
    %scan3A_257 = arith.constant 0 : i32
    %scan3A_258 = arith.constant 40 : i32
    %scan3A_259 = arith.addi %scan3A_257, %scan3A_258 : i32
    %scan3A_260 = arith.constant 1 : i32
    scf.for %scan3A_312 = %scan3A_257 to %scan3A_259 step %scan3A_260  : i32 {
      %mul3A_313 = arith.constant 1 : i32
      %mul3A_314 = arith.muli %scan3A_312, %mul3A_313 : i32
      %add3A_315 = arith.constant 0 : i32
      %add3A_316 = arith.addi %add3A_315, %mul3A_314 : i32
      %broadcast_in_dim3A_317 = vector.broadcast %add3A_316 : i32 to vector<16xi32>
      %gather3A = tpu.vector_load_idx %arg17[%broadcast_in_dim3A_317] : memref<40xf32, #tpu.memory_space<vmem>>[vector<16xi32>], vector<16xf32>,
      %scan3A_318 = arith.constant 0 : i32
      %scan3A_319 = arith.constant 4 : i32
      %scan3A_320 = arith.addi %scan3A_318, %scan3A_319 : i32
      %scan3A_321 = arith.constant 1 : i32
      scf.for %scan3A_323 = %scan3A_318 to %scan3A_320 step %scan3A_321  : i32 {
        %mul3A_324 = arith.constant 16 : i32
        %mul3A_325 = arith.muli %scan3A_323, %mul3A_324 : i32
        %add3A_326 = arith.constant 0 : i32
        %add3A_327 = arith.addi %add3A_326, %mul3A_325 : i32
        %get3A = arith.index_cast %add3A_316 : i32 to index
        %get3A_328 = arith.index_cast %add3A_327 : i32 to index
        %get3A_329 = tpu.vector_load %arg15[%get3A, %get3A_328] {strides = array<i32>} : memref<40x64xi32, #tpu.memory_space<vmem>>, vector<16xi32>,
        %shift_left3A = arith.constant 16 : i32
        %shift_left3A_330 = vector.broadcast %shift_left3A : i32 to vector<16xi32>
        %shift_left3A_331 = arith.shli %get3A_329, %shift_left3A_330 : vector<16xi32>
        %bitcast3A = vector.bitcast %shift_left3A_331 : vector<16xi32> to vector<16xf32>
        %mul3A_332 = arith.mulf %bitcast3A, %gather3A : vector<16xf32>
        %and3A = arith.andi %get3A_329, %broadcast_in_dim3A_256 : vector<16xi32>
        %bitcast3A_333 = vector.bitcast %and3A : vector<16xi32> to vector<16xf32>
        %mul3A_334 = arith.mulf %bitcast3A_333, %gather3A : vector<16xf32>
        %get3A_335 = arith.index_cast %add3A_316 : i32 to index
        %get3A_336 = arith.index_cast %add3A_327 : i32 to index
        %get3A_337 = tpu.vector_load %arg13[%get3A_335, %get3A_336] {strides = array<i32>} : memref<40x128xf32, #tpu.memory_space<vmem>>, vector<16xf32>,
        %mul3A_338 = arith.mulf %get3A_337, %mul3A_332 : vector<16xf32>
        %swap3A = arith.index_cast %add3A_316 : i32 to index
        %swap3A_339 = arith.index_cast %add3A_327 : i32 to index
        %swap3A_340 = tpu.vector_load %arg13[%swap3A, %swap3A_339] {strides = array<i32>} : memref<40x128xf32, #tpu.memory_space<vmem>>, vector<16xf32>,
        tpu.vector_store %arg13[%swap3A, %swap3A_339], %mul3A_338 {strides = array<i32>} : memref<40x128xf32, #tpu.memory_space<vmem>>, vector<16xf32>,
        %add3A_341 = arith.constant 64 : i32
        %add3A_342 = arith.addi %add3A_327, %add3A_341 : i32
        %get3A_343 = arith.index_cast %add3A_316 : i32 to index
        %get3A_344 = arith.index_cast %add3A_342 : i32 to index
        %get3A_345 = tpu.vector_load %arg13[%get3A_343, %get3A_344] {strides = array<i32>} : memref<40x128xf32, #tpu.memory_space<vmem>>, vector<16xf32>,
        %mul3A_346 = arith.mulf %get3A_345, %mul3A_334 : vector<16xf32>
        %add3A_347 = arith.constant 64 : i32
        %add3A_348 = arith.addi %add3A_327, %add3A_347 : i32
        %swap3A_349 = arith.index_cast %add3A_316 : i32 to index
        %swap3A_350 = arith.index_cast %add3A_348 : i32 to index
        %swap3A_351 = tpu.vector_load %arg13[%swap3A_349, %swap3A_350] {strides = array<i32>} : memref<40x128xf32, #tpu.memory_space<vmem>>, vector<16xf32>,
        tpu.vector_store %arg13[%swap3A_349, %swap3A_350], %mul3A_346 {strides = array<i32>} : memref<40x128xf32, #tpu.memory_space<vmem>>, vector<16xf32>,
      }
      %scan3A_322 = arith.constant 4 : i32
    }
    %scan3A_261 = arith.constant 40 : i32
    %dma_wait3A_262 = arith.constant 0 : i32
    %dma_wait3A_263 = tpu.memref_slice %arg5[%dma_wait3A_262] : memref<320000xi32, #tpu.memory_space<hbm>> -> memref<40xi32, #tpu.memory_space<hbm>>
    %dma_wait3A_264 = arith.constant 0 : i32
    %dma_wait3A_265 = tpu.memref_slice %arg5[%dma_wait3A_264] : memref<320000xi32, #tpu.memory_space<hbm>> -> memref<40xi32, #tpu.memory_space<hbm>>
    tpu.wait_dma2 semaphore(%arg23 : memref<!tpu.dma_semaphore, #tpu.memory_space<semaphore_mem>>) src(%dma_wait3A_265 : memref<40xi32, #tpu.memory_space<hbm>>) dst(%arg11 : memref<40xi32, #tpu.memory_space<vmem>>)
    %dma_start3A_266 = arith.constant 0 : i32
    %dma_start3A_267 = arith.constant 0 : i32
    %dma_start3A_268 = tpu.memref_slice %arg19[%dma_start3A_266, %dma_start3A_267] : memref<10000x128xf32, #tpu.memory_space<vmem_shared>> -> memref<10000x128xf32, #tpu.memory_space<vmem_shared>>
    tpu.enqueue_indirect_dma source(%arg13 : memref<40x128xf32, #tpu.memory_space<vmem>>) target(%dma_start3A_268 : memref<10000x128xf32, #tpu.memory_space<vmem_shared>>) offsets(%arg11 : memref<40xi32, #tpu.memory_space<vmem>>) semaphore(%arg29 : memref<!tpu.dma_semaphore, #tpu.memory_space<semaphore_mem>>) {add = true}
    %dma_wait3A_269 = arith.constant 0 : i32
    %dma_wait3A_270 = arith.constant 0 : i32
    %dma_wait3A_271 = tpu.memref_slice %arg19[%dma_wait3A_269, %dma_wait3A_270] : memref<10000x128xf32, #tpu.memory_space<vmem_shared>> -> memref<10000x128xf32, #tpu.memory_space<vmem_shared>>
    tpu.wait_indirect_dma semaphore(%arg29 : memref<!tpu.dma_semaphore, #tpu.memory_space<semaphore_mem>>) src(%arg13 : memref<40x128xf32, #tpu.memory_space<vmem>>) dst(%dma_wait3A_271 : memref<10000x128xf32, #tpu.memory_space<vmem_shared>>)
    %dma_wait3A_272 = arith.constant 0 : i32
    %dma_wait3A_273 = arith.constant 0 : i32
    %dma_wait3A_274 = tpu.memref_slice %arg2[%dma_wait3A_272, %dma_wait3A_273] : memref<10000x128xf32, #tpu.memory_space<hbm>> -> memref<10000x128xf32, #tpu.memory_space<hbm>>
    tpu.wait_indirect_dma semaphore(%arg24 : memref<!tpu.dma_semaphore, #tpu.memory_space<semaphore_mem>>) src(%dma_wait3A_274 : memref<10000x128xf32, #tpu.memory_space<hbm>>) dst(%arg12 : memref<40x128xf32, #tpu.memory_space<vmem>>)
    %dma_wait3A_275 = arith.constant 0 : i32
    %dma_wait3A_276 = arith.constant 0 : i32
    %dma_wait3A_277 = tpu.memref_slice %arg3[%dma_wait3A_275, %dma_wait3A_276] : memref<160000x64xi32, #tpu.memory_space<hbm>> -> memref<40x64xi32, #tpu.memory_space<hbm>>
    %dma_wait3A_278 = arith.constant 0 : i32
    %dma_wait3A_279 = arith.constant 0 : i32
    %dma_wait3A_280 = tpu.memref_slice %arg3[%dma_wait3A_278, %dma_wait3A_279] : memref<160000x64xi32, #tpu.memory_space<hbm>> -> memref<40x64xi32, #tpu.memory_space<hbm>>
    tpu.wait_dma2 semaphore(%arg26 : memref<!tpu.dma_semaphore, #tpu.memory_space<semaphore_mem>>) src(%dma_wait3A_280 : memref<40x64xi32, #tpu.memory_space<hbm>>) dst(%arg14 : memref<40x64xi32, #tpu.memory_space<vmem>>)
    %dma_wait3A_281 = arith.constant 0 : i32
    %dma_wait3A_282 = tpu.memref_slice %arg6[%dma_wait3A_281] : memref<320000xf32, #tpu.memory_space<hbm>> -> memref<40xf32, #tpu.memory_space<hbm>>
    %dma_wait3A_283 = arith.constant 0 : i32
    %dma_wait3A_284 = tpu.memref_slice %arg6[%dma_wait3A_283] : memref<320000xf32, #tpu.memory_space<hbm>> -> memref<40xf32, #tpu.memory_space<hbm>>
    tpu.wait_dma2 semaphore(%arg30 : memref<!tpu.dma_semaphore, #tpu.memory_space<semaphore_mem>>) src(%dma_wait3A_284 : memref<40xf32, #tpu.memory_space<hbm>>) dst(%arg16 : memref<40xf32, #tpu.memory_space<vmem>>)
    %broadcast_in_dim3A_285 = arith.constant -65536 : i32
    %broadcast_in_dim3A_286 = vector.broadcast %broadcast_in_dim3A_285 : i32 to vector<16xi32>
    %scan3A_287 = arith.constant 0 : i32
    %scan3A_288 = arith.constant 40 : i32
    %scan3A_289 = arith.addi %scan3A_287, %scan3A_288 : i32
    %scan3A_290 = arith.constant 1 : i32
    scf.for %scan3A_312 = %scan3A_287 to %scan3A_289 step %scan3A_290  : i32 {
      %mul3A_313 = arith.constant 1 : i32
      %mul3A_314 = arith.muli %scan3A_312, %mul3A_313 : i32
      %add3A_315 = arith.constant 0 : i32
      %add3A_316 = arith.addi %add3A_315, %mul3A_314 : i32
      %broadcast_in_dim3A_317 = vector.broadcast %add3A_316 : i32 to vector<16xi32>
      %gather3A = tpu.vector_load_idx %arg16[%broadcast_in_dim3A_317] : memref<40xf32, #tpu.memory_space<vmem>>[vector<16xi32>], vector<16xf32>,
      %scan3A_318 = arith.constant 0 : i32
      %scan3A_319 = arith.constant 4 : i32
      %scan3A_320 = arith.addi %scan3A_318, %scan3A_319 : i32
      %scan3A_321 = arith.constant 1 : i32
      scf.for %scan3A_323 = %scan3A_318 to %scan3A_320 step %scan3A_321  : i32 {
        %mul3A_324 = arith.constant 16 : i32
        %mul3A_325 = arith.muli %scan3A_323, %mul3A_324 : i32
        %add3A_326 = arith.constant 0 : i32
        %add3A_327 = arith.addi %add3A_326, %mul3A_325 : i32
        %get3A = arith.index_cast %add3A_316 : i32 to index
        %get3A_328 = arith.index_cast %add3A_327 : i32 to index
        %get3A_329 = tpu.vector_load %arg14[%get3A, %get3A_328] {strides = array<i32>} : memref<40x64xi32, #tpu.memory_space<vmem>>, vector<16xi32>,
        %shift_left3A = arith.constant 16 : i32
        %shift_left3A_330 = vector.broadcast %shift_left3A : i32 to vector<16xi32>
        %shift_left3A_331 = arith.shli %get3A_329, %shift_left3A_330 : vector<16xi32>
        %bitcast3A = vector.bitcast %shift_left3A_331 : vector<16xi32> to vector<16xf32>
        %mul3A_332 = arith.mulf %bitcast3A, %gather3A : vector<16xf32>
        %and3A = arith.andi %get3A_329, %broadcast_in_dim3A_286 : vector<16xi32>
        %bitcast3A_333 = vector.bitcast %and3A : vector<16xi32> to vector<16xf32>
        %mul3A_334 = arith.mulf %bitcast3A_333, %gather3A : vector<16xf32>
        %get3A_335 = arith.index_cast %add3A_316 : i32 to index
        %get3A_336 = arith.index_cast %add3A_327 : i32 to index
        %get3A_337 = tpu.vector_load %arg12[%get3A_335, %get3A_336] {strides = array<i32>} : memref<40x128xf32, #tpu.memory_space<vmem>>, vector<16xf32>,
        %mul3A_338 = arith.mulf %get3A_337, %mul3A_332 : vector<16xf32>
        %swap3A = arith.index_cast %add3A_316 : i32 to index
        %swap3A_339 = arith.index_cast %add3A_327 : i32 to index
        %swap3A_340 = tpu.vector_load %arg12[%swap3A, %swap3A_339] {strides = array<i32>} : memref<40x128xf32, #tpu.memory_space<vmem>>, vector<16xf32>,
        tpu.vector_store %arg12[%swap3A, %swap3A_339], %mul3A_338 {strides = array<i32>} : memref<40x128xf32, #tpu.memory_space<vmem>>, vector<16xf32>,
        %add3A_341 = arith.constant 64 : i32
        %add3A_342 = arith.addi %add3A_327, %add3A_341 : i32
        %get3A_343 = arith.index_cast %add3A_316 : i32 to index
        %get3A_344 = arith.index_cast %add3A_342 : i32 to index
        %get3A_345 = tpu.vector_load %arg12[%get3A_343, %get3A_344] {strides = array<i32>} : memref<40x128xf32, #tpu.memory_space<vmem>>, vector<16xf32>,
        %mul3A_346 = arith.mulf %get3A_345, %mul3A_334 : vector<16xf32>
        %add3A_347 = arith.constant 64 : i32
        %add3A_348 = arith.addi %add3A_327, %add3A_347 : i32
        %swap3A_349 = arith.index_cast %add3A_316 : i32 to index
        %swap3A_350 = arith.index_cast %add3A_348 : i32 to index
        %swap3A_351 = tpu.vector_load %arg12[%swap3A_349, %swap3A_350] {strides = array<i32>} : memref<40x128xf32, #tpu.memory_space<vmem>>, vector<16xf32>,
        tpu.vector_store %arg12[%swap3A_349, %swap3A_350], %mul3A_346 {strides = array<i32>} : memref<40x128xf32, #tpu.memory_space<vmem>>, vector<16xf32>,
      }
      %scan3A_322 = arith.constant 4 : i32
    }
    %scan3A_291 = arith.constant 40 : i32
    %dma_wait3A_292 = arith.constant 0 : i32
    %dma_wait3A_293 = tpu.memref_slice %arg5[%dma_wait3A_292] : memref<320000xi32, #tpu.memory_space<hbm>> -> memref<40xi32, #tpu.memory_space<hbm>>
    %dma_wait3A_294 = arith.constant 0 : i32
    %dma_wait3A_295 = tpu.memref_slice %arg5[%dma_wait3A_294] : memref<320000xi32, #tpu.memory_space<hbm>> -> memref<40xi32, #tpu.memory_space<hbm>>
    tpu.wait_dma2 semaphore(%arg22 : memref<!tpu.dma_semaphore, #tpu.memory_space<semaphore_mem>>) src(%dma_wait3A_295 : memref<40xi32, #tpu.memory_space<hbm>>) dst(%arg10 : memref<40xi32, #tpu.memory_space<vmem>>)
    %dma_start3A_296 = arith.constant 0 : i32
    %dma_start3A_297 = arith.constant 0 : i32
    %dma_start3A_298 = tpu.memref_slice %arg19[%dma_start3A_296, %dma_start3A_297] : memref<10000x128xf32, #tpu.memory_space<vmem_shared>> -> memref<10000x128xf32, #tpu.memory_space<vmem_shared>>
    tpu.enqueue_indirect_dma source(%arg12 : memref<40x128xf32, #tpu.memory_space<vmem>>) target(%dma_start3A_298 : memref<10000x128xf32, #tpu.memory_space<vmem_shared>>) offsets(%arg10 : memref<40xi32, #tpu.memory_space<vmem>>) semaphore(%arg28 : memref<!tpu.dma_semaphore, #tpu.memory_space<semaphore_mem>>) {add = true}
    %dma_wait3A_299 = arith.constant 0 : i32
    %dma_wait3A_300 = arith.constant 0 : i32
    %dma_wait3A_301 = tpu.memref_slice %arg19[%dma_wait3A_299, %dma_wait3A_300] : memref<10000x128xf32, #tpu.memory_space<vmem_shared>> -> memref<10000x128xf32, #tpu.memory_space<vmem_shared>>
    tpu.wait_indirect_dma semaphore(%arg28 : memref<!tpu.dma_semaphore, #tpu.memory_space<semaphore_mem>>) src(%arg12 : memref<40x128xf32, #tpu.memory_space<vmem>>) dst(%dma_wait3A_301 : memref<10000x128xf32, #tpu.memory_space<vmem_shared>>)
    %barrier3A_302 = arith.constant 0 : index
    tpu.barrier barrier_id(%barrier3A_302)
    %lt3A = arith.constant 15 : i32
    %lt3A_303 = arith.cmpi slt, %arg1, %lt3A : i32
    %convert_element_type3A_304 = arith.extui %lt3A_303 : i1 to i32
    %cond3A_305 = arith.constant 0 : i32
    %cond3A_306 = arith.cmpi ne, %convert_element_type3A_304, %cond3A_305 : i32
    scf.if %cond3A_306 {
      %mul3A_312 = arith.constant 10000 : i32
      %mul3A_313 = arith.muli %arg0, %mul3A_312 : i32
      %add3A_314 = arith.addi %mul3A_313, %mul3A_12 : i32
      "tpu.region"() ({
        %run_scoped3A = tpu.sem_alloc : memref<!tpu.dma_semaphore, #tpu.memory_space<semaphore_mem>>
        %dma_start3A_315 = arith.constant 0 : i32
        %dma_start3A_316 = tpu.memref_slice %arg7[%add3A_314, %dma_start3A_315] : memref<20000x128xf32, #tpu.memory_space<hbm>> -> memref<624x128xf32, #tpu.memory_space<hbm>>
        %dma_start3A_317 = arith.constant 0 : i32
        %dma_start3A_318 = tpu.memref_slice %arg19[%mul3A_12, %dma_start3A_317] : memref<10000x128xf32, #tpu.memory_space<vmem_shared>> -> memref<624x128xf32, #tpu.memory_space<vmem_shared>>
        tpu.enqueue_dma source(%dma_start3A_318 : memref<624x128xf32, #tpu.memory_space<vmem_shared>>) target(%dma_start3A_316 : memref<624x128xf32, #tpu.memory_space<hbm>>) target_semaphore(%run_scoped3A : memref<!tpu.dma_semaphore, #tpu.memory_space<semaphore_mem>>)
        %dma_wait3A_319 = arith.constant 0 : i32
        %dma_wait3A_320 = tpu.memref_slice %arg7[%add3A_314, %dma_wait3A_319] : memref<20000x128xf32, #tpu.memory_space<hbm>> -> memref<624x128xf32, #tpu.memory_space<hbm>>
        %dma_wait3A_321 = arith.constant 0 : i32
        %dma_wait3A_322 = tpu.memref_slice %arg19[%mul3A_12, %dma_wait3A_321] : memref<10000x128xf32, #tpu.memory_space<vmem_shared>> -> memref<624x128xf32, #tpu.memory_space<vmem_shared>>
        tpu.wait_dma2 semaphore(%run_scoped3A : memref<!tpu.dma_semaphore, #tpu.memory_space<semaphore_mem>>) src(%dma_wait3A_322 : memref<624x128xf32, #tpu.memory_space<vmem_shared>>) dst(%dma_wait3A_320 : memref<624x128xf32, #tpu.memory_space<hbm>>)
        tpu.yield
      }) : () -> ()
    } else {
    }
    %eq3A_307 = arith.constant 15 : i32
    %eq3A_308 = arith.cmpi eq, %arg1, %eq3A_307 : i32
    %convert_element_type3A_309 = arith.extui %eq3A_308 : i1 to i32
    %cond3A_310 = arith.constant 0 : i32
    %cond3A_311 = arith.cmpi ne, %convert_element_type3A_309, %cond3A_310 : i32
    scf.if %cond3A_311 {
      %mul3A_312 = arith.constant 10000 : i32
      %mul3A_313 = arith.muli %arg0, %mul3A_312 : i32
      %add3A_314 = arith.addi %mul3A_313, %mul3A_12 : i32
      "tpu.region"() ({
        %run_scoped3A = tpu.sem_alloc : memref<!tpu.dma_semaphore, #tpu.memory_space<semaphore_mem>>
        %dma_start3A_315 = arith.constant 0 : i32
        %dma_start3A_316 = tpu.memref_slice %arg7[%add3A_314, %dma_start3A_315] : memref<20000x128xf32, #tpu.memory_space<hbm>> -> memref<640x128xf32, #tpu.memory_space<hbm>>
        %dma_start3A_317 = arith.constant 0 : i32
        %dma_start3A_318 = tpu.memref_slice %arg19[%mul3A_12, %dma_start3A_317] : memref<10000x128xf32, #tpu.memory_space<vmem_shared>> -> memref<640x128xf32, #tpu.memory_space<vmem_shared>>
        tpu.enqueue_dma source(%dma_start3A_318 : memref<640x128xf32, #tpu.memory_space<vmem_shared>>) target(%dma_start3A_316 : memref<640x128xf32, #tpu.memory_space<hbm>>) target_semaphore(%run_scoped3A : memref<!tpu.dma_semaphore, #tpu.memory_space<semaphore_mem>>)
        %dma_wait3A_319 = arith.constant 0 : i32
        %dma_wait3A_320 = tpu.memref_slice %arg7[%add3A_314, %dma_wait3A_319] : memref<20000x128xf32, #tpu.memory_space<hbm>> -> memref<640x128xf32, #tpu.memory_space<hbm>>
        %dma_wait3A_321 = arith.constant 0 : i32
        %dma_wait3A_322 = tpu.memref_slice %arg19[%mul3A_12, %dma_wait3A_321] : memref<10000x128xf32, #tpu.memory_space<vmem_shared>> -> memref<640x128xf32, #tpu.memory_space<vmem_shared>>
        tpu.wait_dma2 semaphore(%run_scoped3A : memref<!tpu.dma_semaphore, #tpu.memory_space<semaphore_mem>>) src(%dma_wait3A_322 : memref<640x128xf32, #tpu.memory_space<vmem_shared>>) dst(%dma_wait3A_320 : memref<640x128xf32, #tpu.memory_space<hbm>>)
        tpu.yield
      }) : () -> ()
    } else {
    }
    return
  }
}

#map = affine_map<(d0, d1) -> (0, 0)>
#map1 = affine_map<(d0, d1) -> (0)>
module attributes {stable_mosaic.version = 14 : i64} {
  func.func @_sc_conv_body(%arg0: i32, %arg1: i32, %arg2: memref<10000x128xf32, #tpu.memory_space<hbm>>, %arg3: memref<160000x64xi32, #tpu.memory_space<hbm>>, %arg4: memref<320000xi32, #tpu.memory_space<hbm>>, %arg5: memref<320000xi32, #tpu.memory_space<hbm>>, %arg6: memref<320000xf32, #tpu.memory_space<hbm>>, %arg7: memref<20000x128xf32, #tpu.memory_space<hbm>>, %arg8: memref<40xi32, #tpu.memory_space<vmem>>, %arg9: memref<40xi32, #tpu.memory_space<vmem>>, %arg10: memref<40xi32, #tpu.memory_space<vmem>>, %arg11: memref<40xi32, #tpu.memory_space<vmem>>, %arg12: memref<40x128xf32, #tpu.memory_space<vmem>>, %arg13: memref<40x128xf32, #tpu.memory_space<vmem>>, %arg14: memref<40x64xi32, #tpu.memory_space<vmem>>, %arg15: memref<40x64xi32, #tpu.memory_space<vmem>>, %arg16: memref<40xf32, #tpu.memory_space<vmem>>, %arg17: memref<40xf32, #tpu.memory_space<vmem>>, %arg18: memref<48x128xf32, #tpu.memory_space<vmem>>, %arg19: memref<10000x128xf32, #tpu.memory_space<vmem_shared>>, %arg20: memref<!tpu.dma_semaphore, #tpu.memory_space<semaphore_mem>>, %arg21: memref<!tpu.dma_semaphore, #tpu.memory_space<semaphore_mem>>, %arg22: memref<!tpu.dma_semaphore, #tpu.memory_space<semaphore_mem>>, %arg23: memref<!tpu.dma_semaphore, #tpu.memory_space<semaphore_mem>>, %arg24: memref<!tpu.dma_semaphore, #tpu.memory_space<semaphore_mem>>, %arg25: memref<!tpu.dma_semaphore, #tpu.memory_space<semaphore_mem>>, %arg26: memref<!tpu.dma_semaphore, #tpu.memory_space<semaphore_mem>>, %arg27: memref<!tpu.dma_semaphore, #tpu.memory_space<semaphore_mem>>, %arg28: memref<!tpu.dma_semaphore, #tpu.memory_space<semaphore_mem>>, %arg29: memref<!tpu.dma_semaphore, #tpu.memory_space<semaphore_mem>>, %arg30: memref<!tpu.dma_semaphore, #tpu.memory_space<semaphore_mem>>, %arg31: memref<!tpu.dma_semaphore, #tpu.memory_space<semaphore_mem>>, %arg32: memref<!tpu.dma_semaphore, #tpu.memory_space<semaphore_mem>>) attributes {dimension_semantics = [#tpu.dimension_semantics<core_parallel>, #tpu.dimension_semantics<subcore_parallel>], iteration_bounds = array<i64: 2, 16>, scalar_prefetch = 0 : i64, scratch_operands = 25 : i64, tpu.core_type = #tpu.core_type<sc_vector_subcore>, window_params = [{transform_indices = #map}, {transform_indices = #map}, {transform_indices = #map1}, {transform_indices = #map1}, {transform_indices = #map1}, {transform_indices = #map}]} {
    %mul3A = arith.constant 16 : i32
    %mul3A_0 = arith.muli %arg0, %mul3A : i32
    %add3A = arith.addi %mul3A_0, %arg1 : i32
    %mul3A_1 = arith.constant 5000 : i32
    %mul3A_2 = arith.muli %add3A, %mul3A_1 : i32
    %add3A_3 = arith.constant 160000 : i32
    %add3A_4 = arith.addi %add3A_3, %mul3A_2 : i32
    %mul3A_5 = arith.constant 5000 : i32
    %mul3A_6 = arith.muli %add3A, %mul3A_5 : i32
    %scan3A = arith.constant 0 : i32
    %scan3A_7 = arith.constant 48 : i32
    %scan3A_8 = arith.addi %scan3A, %scan3A_7 : i32
    %scan3A_9 = arith.constant 1 : i32
    scf.for %scan3A_312 = %scan3A to %scan3A_8 step %scan3A_9  : i32 {
      %mul3A_313 = arith.constant 1 : i32
      %mul3A_314 = arith.muli %scan3A_312, %mul3A_313 : i32
      %add3A_315 = arith.constant 0 : i32
      %add3A_316 = arith.addi %add3A_315, %mul3A_314 : i32
      %scan3A_317 = arith.constant 0 : i32
      %scan3A_318 = arith.constant 8 : i32
      %scan3A_319 = arith.addi %scan3A_317, %scan3A_318 : i32
      %scan3A_320 = arith.constant 1 : i32
      scf.for %scan3A_322 = %scan3A_317 to %scan3A_319 step %scan3A_320  : i32 {
        %mul3A_323 = arith.constant 16 : i32
        %mul3A_324 = arith.muli %scan3A_322, %mul3A_323 : i32
        %add3A_325 = arith.constant 0 : i32
        %add3A_326 = arith.addi %add3A_325, %mul3A_324 : i32
        %broadcast_in_dim3A_327 = arith.constant 0.000000e+00 : f32
        %broadcast_in_dim3A_328 = vector.broadcast %broadcast_in_dim3A_327 : f32 to vector<16xf32>
        %swap3A = arith.index_cast %add3A_316 : i32 to index
        %swap3A_329 = arith.index_cast %add3A_326 : i32 to index
        %swap3A_330 = tpu.vector_load %arg18[%swap3A, %swap3A_329] {strides = array<i32>} : memref<48x128xf32, #tpu.memory_space<vmem>>, vector<16xf32>,
        tpu.vector_store %arg18[%swap3A, %swap3A_329], %broadcast_in_dim3A_328 {strides = array<i32>} : memref<48x128xf32, #tpu.memory_space<vmem>>, vector<16xf32>,
      }
      %scan3A_321 = arith.constant 8 : i32
    }
    %scan3A_10 = arith.constant 48 : i32
    %mul3A_11 = arith.constant 624 : i32
    %mul3A_12 = arith.muli %arg1, %mul3A_11 : i32
    %scan3A_13 = arith.constant 0 : i32
    %scan3A_14 = arith.constant 13 : i32
    %scan3A_15 = arith.addi %scan3A_13, %scan3A_14 : i32
    %scan3A_16 = arith.constant 1 : i32
    scf.for %scan3A_312 = %scan3A_13 to %scan3A_15 step %scan3A_16  : i32 {
      %mul3A_313 = arith.constant 1 : i32
      %mul3A_314 = arith.muli %scan3A_312, %mul3A_313 : i32
      %add3A_315 = arith.constant 0 : i32
      %add3A_316 = arith.addi %add3A_315, %mul3A_314 : i32
      %mul3A_317 = arith.constant 48 : i32
      %mul3A_318 = arith.muli %add3A_316, %mul3A_317 : i32
      %add3A_319 = arith.addi %mul3A_12, %mul3A_318 : i32
      %dma_start3A_320 = arith.constant 0 : i32
      %dma_start3A_321 = arith.constant 0 : i32
      %dma_start3A_322 = tpu.memref_slice %arg18[%dma_start3A_320, %dma_start3A_321] : memref<48x128xf32, #tpu.memory_space<vmem>> -> memref<48x128xf32, #tpu.memory_space<vmem>>
      %dma_start3A_323 = arith.constant 0 : i32
      %dma_start3A_324 = tpu.memref_slice %arg19[%add3A_319, %dma_start3A_323] : memref<10000x128xf32, #tpu.memory_space<vmem_shared>> -> memref<48x128xf32, #tpu.memory_space<vmem_shared>>
      %dma_start3A_325 = arith.constant 0 : i32
      %dma_start3A_326 = tpu.memref_slice %arg19[%add3A_319, %dma_start3A_325] : memref<10000x128xf32, #tpu.memory_space<vmem_shared>> -> memref<48x128xf32, #tpu.memory_space<vmem_shared>>
      %dma_start3A_327 = arith.constant 0 : i32
      %dma_start3A_328 = arith.constant 0 : i32
      %dma_start3A_329 = tpu.memref_slice %arg18[%dma_start3A_327, %dma_start3A_328] : memref<48x128xf32, #tpu.memory_space<vmem>> -> memref<48x128xf32, #tpu.memory_space<vmem>>
      tpu.enqueue_dma source(%dma_start3A_329 : memref<48x128xf32, #tpu.memory_space<vmem>>) target(%dma_start3A_326 : memref<48x128xf32, #tpu.memory_space<vmem_shared>>) target_semaphore(%arg32 : memref<!tpu.dma_semaphore, #tpu.memory_space<semaphore_mem>>)
    }
    %scan3A_17 = arith.constant 13 : i32
    %scan3A_18 = arith.constant 0 : i32
    %scan3A_19 = arith.constant 13 : i32
    %scan3A_20 = arith.addi %scan3A_18, %scan3A_19 : i32
    %scan3A_21 = arith.constant 1 : i32
    scf.for %scan3A_312 = %scan3A_18 to %scan3A_20 step %scan3A_21  : i32 {
      %mul3A_313 = arith.constant 1 : i32
      %mul3A_314 = arith.muli %scan3A_312, %mul3A_313 : i32
      %add3A_315 = arith.constant 0 : i32
      %add3A_316 = arith.addi %add3A_315, %mul3A_314 : i32
      %dma_wait3A_317 = arith.constant 0 : i32
      %dma_wait3A_318 = arith.constant 0 : i32
      %dma_wait3A_319 = tpu.memref_slice %arg18[%dma_wait3A_317, %dma_wait3A_318] : memref<48x128xf32, #tpu.memory_space<vmem>> -> memref<48x128xf32, #tpu.memory_space<vmem>>
      %dma_wait3A_320 = arith.constant 0 : i32
      %dma_wait3A_321 = arith.constant 0 : i32
      %dma_wait3A_322 = tpu.memref_slice %arg19[%dma_wait3A_320, %dma_wait3A_321] : memref<10000x128xf32, #tpu.memory_space<vmem_shared>> -> memref<48x128xf32, #tpu.memory_space<vmem_shared>>
      %dma_wait3A_323 = arith.constant 0 : i32
      %dma_wait3A_324 = arith.constant 0 : i32
      %dma_wait3A_325 = tpu.memref_slice %arg19[%dma_wait3A_323, %dma_wait3A_324] : memref<10000x128xf32, #tpu.memory_space<vmem_shared>> -> memref<48x128xf32, #tpu.memory_space<vmem_shared>>
      %dma_wait3A_326 = arith.constant 0 : i32
      %dma_wait3A_327 = arith.constant 0 : i32
      %dma_wait3A_328 = tpu.memref_slice %arg18[%dma_wait3A_326, %dma_wait3A_327] : memref<48x128xf32, #tpu.memory_space<vmem>> -> memref<48x128xf32, #tpu.memory_space<vmem>>
      tpu.wait_dma2 semaphore(%arg32 : memref<!tpu.dma_semaphore, #tpu.memory_space<semaphore_mem>>) src(%dma_wait3A_328 : memref<48x128xf32, #tpu.memory_space<vmem>>) dst(%dma_wait3A_325 : memref<48x128xf32, #tpu.memory_space<vmem_shared>>)
    }
    %scan3A_22 = arith.constant 13 : i32
    %eq3A = arith.constant 15 : i32
    %eq3A_23 = arith.cmpi eq, %arg1, %eq3A : i32
    %convert_element_type3A = arith.extui %eq3A_23 : i1 to i32
    %cond3A = arith.constant 0 : i32
    %cond3A_24 = arith.cmpi ne, %convert_element_type3A, %cond3A : i32
    scf.if %cond3A_24 {
      "tpu.region"() ({
        %run_scoped3A = tpu.sem_alloc : memref<!tpu.dma_semaphore, #tpu.memory_space<semaphore_mem>>
        %dma_start3A_312 = arith.constant 0 : i32
        %dma_start3A_313 = arith.constant 0 : i32
        %dma_start3A_314 = tpu.memref_slice %arg18[%dma_start3A_312, %dma_start3A_313] : memref<48x128xf32, #tpu.memory_space<vmem>> -> memref<16x128xf32, #tpu.memory_space<vmem>>
        %dma_start3A_315 = arith.constant 9984 : i32
        %dma_start3A_316 = arith.constant 0 : i32
        %dma_start3A_317 = tpu.memref_slice %arg19[%dma_start3A_315, %dma_start3A_316] : memref<10000x128xf32, #tpu.memory_space<vmem_shared>> -> memref<16x128xf32, #tpu.memory_space<vmem_shared>>
        %dma_start3A_318 = arith.constant 9984 : i32
        %dma_start3A_319 = arith.constant 0 : i32
        %dma_start3A_320 = tpu.memref_slice %arg19[%dma_start3A_318, %dma_start3A_319] : memref<10000x128xf32, #tpu.memory_space<vmem_shared>> -> memref<16x128xf32, #tpu.memory_space<vmem_shared>>
        %dma_start3A_321 = arith.constant 0 : i32
        %dma_start3A_322 = arith.constant 0 : i32
        %dma_start3A_323 = tpu.memref_slice %arg18[%dma_start3A_321, %dma_start3A_322] : memref<48x128xf32, #tpu.memory_space<vmem>> -> memref<16x128xf32, #tpu.memory_space<vmem>>
        tpu.enqueue_dma source(%dma_start3A_323 : memref<16x128xf32, #tpu.memory_space<vmem>>) target(%dma_start3A_320 : memref<16x128xf32, #tpu.memory_space<vmem_shared>>) target_semaphore(%run_scoped3A : memref<!tpu.dma_semaphore, #tpu.memory_space<semaphore_mem>>)
        %dma_wait3A_324 = arith.constant 0 : i32
        %dma_wait3A_325 = arith.constant 0 : i32
        %dma_wait3A_326 = tpu.memref_slice %arg18[%dma_wait3A_324, %dma_wait3A_325] : memref<48x128xf32, #tpu.memory_space<vmem>> -> memref<16x128xf32, #tpu.memory_space<vmem>>
        %dma_wait3A_327 = arith.constant 9984 : i32
        %dma_wait3A_328 = arith.constant 0 : i32
        %dma_wait3A_329 = tpu.memref_slice %arg19[%dma_wait3A_327, %dma_wait3A_328] : memref<10000x128xf32, #tpu.memory_space<vmem_shared>> -> memref<16x128xf32, #tpu.memory_space<vmem_shared>>
        %dma_wait3A_330 = arith.constant 9984 : i32
        %dma_wait3A_331 = arith.constant 0 : i32
        %dma_wait3A_332 = tpu.memref_slice %arg19[%dma_wait3A_330, %dma_wait3A_331] : memref<10000x128xf32, #tpu.memory_space<vmem_shared>> -> memref<16x128xf32, #tpu.memory_space<vmem_shared>>
        %dma_wait3A_333 = arith.constant 0 : i32
        %dma_wait3A_334 = arith.constant 0 : i32
        %dma_wait3A_335 = tpu.memref_slice %arg18[%dma_wait3A_333, %dma_wait3A_334] : memref<48x128xf32, #tpu.memory_space<vmem>> -> memref<16x128xf32, #tpu.memory_space<vmem>>
        tpu.wait_dma2 semaphore(%run_scoped3A : memref<!tpu.dma_semaphore, #tpu.memory_space<semaphore_mem>>) src(%dma_wait3A_335 : memref<16x128xf32, #tpu.memory_space<vmem>>) dst(%dma_wait3A_332 : memref<16x128xf32, #tpu.memory_space<vmem_shared>>)
        tpu.yield
      }) : () -> ()
    } else {
    }
    %barrier3A = arith.constant 0 : index
    tpu.barrier barrier_id(%barrier3A)
    %add3A_25 = arith.constant 0 : i32
    %add3A_26 = arith.addi %add3A_4, %add3A_25 : i32
    %dma_start3A = tpu.memref_slice %arg4[%add3A_26] : memref<320000xi32, #tpu.memory_space<hbm>> -> memref<40xi32, #tpu.memory_space<hbm>>
    %dma_start3A_27 = tpu.memref_slice %arg4[%add3A_26] : memref<320000xi32, #tpu.memory_space<hbm>> -> memref<40xi32, #tpu.memory_space<hbm>>
    tpu.enqueue_dma source(%dma_start3A_27 : memref<40xi32, #tpu.memory_space<hbm>>) target(%arg8 : memref<40xi32, #tpu.memory_space<vmem>>) target_semaphore(%arg20 : memref<!tpu.dma_semaphore, #tpu.memory_space<semaphore_mem>>)
    %add3A_28 = arith.constant 40 : i32
    %add3A_29 = arith.addi %add3A_4, %add3A_28 : i32
    %dma_start3A_30 = tpu.memref_slice %arg4[%add3A_29] : memref<320000xi32, #tpu.memory_space<hbm>> -> memref<40xi32, #tpu.memory_space<hbm>>
    %dma_start3A_31 = tpu.memref_slice %arg4[%add3A_29] : memref<320000xi32, #tpu.memory_space<hbm>> -> memref<40xi32, #tpu.memory_space<hbm>>
    tpu.enqueue_dma source(%dma_start3A_31 : memref<40xi32, #tpu.memory_space<hbm>>) target(%arg9 : memref<40xi32, #tpu.memory_space<vmem>>) target_semaphore(%arg21 : memref<!tpu.dma_semaphore, #tpu.memory_space<semaphore_mem>>)
    %add3A_32 = arith.constant 0 : i32
    %add3A_33 = arith.addi %add3A_4, %add3A_32 : i32
    %dma_start3A_34 = tpu.memref_slice %arg5[%add3A_33] : memref<320000xi32, #tpu.memory_space<hbm>> -> memref<40xi32, #tpu.memory_space<hbm>>
    %dma_start3A_35 = tpu.memref_slice %arg5[%add3A_33] : memref<320000xi32, #tpu.memory_space<hbm>> -> memref<40xi32, #tpu.memory_space<hbm>>
    tpu.enqueue_dma source(%dma_start3A_35 : memref<40xi32, #tpu.memory_space<hbm>>) target(%arg10 : memref<40xi32, #tpu.memory_space<vmem>>) target_semaphore(%arg22 : memref<!tpu.dma_semaphore, #tpu.memory_space<semaphore_mem>>)
    %dma_wait3A = arith.constant 0 : i32
    %dma_wait3A_36 = tpu.memref_slice %arg4[%dma_wait3A] : memref<320000xi32, #tpu.memory_space<hbm>> -> memref<40xi32, #tpu.memory_space<hbm>>
    %dma_wait3A_37 = arith.constant 0 : i32
    %dma_wait3A_38 = tpu.memref_slice %arg4[%dma_wait3A_37] : memref<320000xi32, #tpu.memory_space<hbm>> -> memref<40xi32, #tpu.memory_space<hbm>>
    tpu.wait_dma2 semaphore(%arg20 : memref<!tpu.dma_semaphore, #tpu.memory_space<semaphore_mem>>) src(%dma_wait3A_38 : memref<40xi32, #tpu.memory_space<hbm>>) dst(%arg8 : memref<40xi32, #tpu.memory_space<vmem>>)
    %dma_start3A_39 = arith.constant 0 : i32
    %dma_start3A_40 = arith.constant 0 : i32
    %dma_start3A_41 = tpu.memref_slice %arg2[%dma_start3A_39, %dma_start3A_40] : memref<10000x128xf32, #tpu.memory_space<hbm>> -> memref<10000x128xf32, #tpu.memory_space<hbm>>
    tpu.enqueue_indirect_dma source(%dma_start3A_41 : memref<10000x128xf32, #tpu.memory_space<hbm>>) target(%arg12 : memref<40x128xf32, #tpu.memory_space<vmem>>) offsets(%arg8 : memref<40xi32, #tpu.memory_space<vmem>>) semaphore(%arg24 : memref<!tpu.dma_semaphore, #tpu.memory_space<semaphore_mem>>)
    %add3A_42 = arith.constant 0 : i32
    %add3A_43 = arith.addi %mul3A_6, %add3A_42 : i32
    %dma_start3A_44 = arith.constant 0 : i32
    %dma_start3A_45 = tpu.memref_slice %arg3[%add3A_43, %dma_start3A_44] : memref<160000x64xi32, #tpu.memory_space<hbm>> -> memref<40x64xi32, #tpu.memory_space<hbm>>
    %dma_start3A_46 = arith.constant 0 : i32
    %dma_start3A_47 = tpu.memref_slice %arg3[%add3A_43, %dma_start3A_46] : memref<160000x64xi32, #tpu.memory_space<hbm>> -> memref<40x64xi32, #tpu.memory_space<hbm>>
    tpu.enqueue_dma source(%dma_start3A_47 : memref<40x64xi32, #tpu.memory_space<hbm>>) target(%arg14 : memref<40x64xi32, #tpu.memory_space<vmem>>) target_semaphore(%arg26 : memref<!tpu.dma_semaphore, #tpu.memory_space<semaphore_mem>>)
    %add3A_48 = arith.constant 0 : i32
    %add3A_49 = arith.addi %add3A_4, %add3A_48 : i32
    %dma_start3A_50 = tpu.memref_slice %arg6[%add3A_49] : memref<320000xf32, #tpu.memory_space<hbm>> -> memref<40xf32, #tpu.memory_space<hbm>>
    %dma_start3A_51 = tpu.memref_slice %arg6[%add3A_49] : memref<320000xf32, #tpu.memory_space<hbm>> -> memref<40xf32, #tpu.memory_space<hbm>>
    tpu.enqueue_dma source(%dma_start3A_51 : memref<40xf32, #tpu.memory_space<hbm>>) target(%arg16 : memref<40xf32, #tpu.memory_space<vmem>>) target_semaphore(%arg30 : memref<!tpu.dma_semaphore, #tpu.memory_space<semaphore_mem>>)
    %dma_wait3A_52 = arith.constant 0 : i32
    %dma_wait3A_53 = tpu.memref_slice %arg4[%dma_wait3A_52] : memref<320000xi32, #tpu.memory_space<hbm>> -> memref<40xi32, #tpu.memory_space<hbm>>
    %dma_wait3A_54 = arith.constant 0 : i32
    %dma_wait3A_55 = tpu.memref_slice %arg4[%dma_wait3A_54] : memref<320000xi32, #tpu.memory_space<hbm>> -> memref<40xi32, #tpu.memory_space<hbm>>
    tpu.wait_dma2 semaphore(%arg21 : memref<!tpu.dma_semaphore, #tpu.memory_space<semaphore_mem>>) src(%dma_wait3A_55 : memref<40xi32, #tpu.memory_space<hbm>>) dst(%arg9 : memref<40xi32, #tpu.memory_space<vmem>>)
    %dma_start3A_56 = arith.constant 0 : i32
    %dma_start3A_57 = arith.constant 0 : i32
    %dma_start3A_58 = tpu.memref_slice %arg2[%dma_start3A_56, %dma_start3A_57] : memref<10000x128xf32, #tpu.memory_space<hbm>> -> memref<10000x128xf32, #tpu.memory_space<hbm>>
    tpu.enqueue_indirect_dma source(%dma_start3A_58 : memref<10000x128xf32, #tpu.memory_space<hbm>>) target(%arg13 : memref<40x128xf32, #tpu.memory_space<vmem>>) offsets(%arg9 : memref<40xi32, #tpu.memory_space<vmem>>) semaphore(%arg25 : memref<!tpu.dma_semaphore, #tpu.memory_space<semaphore_mem>>)
    %add3A_59 = arith.constant 40 : i32
    %add3A_60 = arith.addi %mul3A_6, %add3A_59 : i32
    %dma_start3A_61 = arith.constant 0 : i32
    %dma_start3A_62 = tpu.memref_slice %arg3[%add3A_60, %dma_start3A_61] : memref<160000x64xi32, #tpu.memory_space<hbm>> -> memref<40x64xi32, #tpu.memory_space<hbm>>
    %dma_start3A_63 = arith.constant 0 : i32
    %dma_start3A_64 = tpu.memref_slice %arg3[%add3A_60, %dma_start3A_63] : memref<160000x64xi32, #tpu.memory_space<hbm>> -> memref<40x64xi32, #tpu.memory_space<hbm>>
    tpu.enqueue_dma source(%dma_start3A_64 : memref<40x64xi32, #tpu.memory_space<hbm>>) target(%arg15 : memref<40x64xi32, #tpu.memory_space<vmem>>) target_semaphore(%arg27 : memref<!tpu.dma_semaphore, #tpu.memory_space<semaphore_mem>>)
    %add3A_65 = arith.constant 40 : i32
    %add3A_66 = arith.addi %add3A_4, %add3A_65 : i32
    %dma_start3A_67 = tpu.memref_slice %arg6[%add3A_66] : memref<320000xf32, #tpu.memory_space<hbm>> -> memref<40xf32, #tpu.memory_space<hbm>>
    %dma_start3A_68 = tpu.memref_slice %arg6[%add3A_66] : memref<320000xf32, #tpu.memory_space<hbm>> -> memref<40xf32, #tpu.memory_space<hbm>>
    tpu.enqueue_dma source(%dma_start3A_68 : memref<40xf32, #tpu.memory_space<hbm>>) target(%arg17 : memref<40xf32, #tpu.memory_space<vmem>>) target_semaphore(%arg31 : memref<!tpu.dma_semaphore, #tpu.memory_space<semaphore_mem>>)
    %add3A_69 = arith.constant 40 : i32
    %add3A_70 = arith.addi %add3A_4, %add3A_69 : i32
    %dma_start3A_71 = tpu.memref_slice %arg5[%add3A_70] : memref<320000xi32, #tpu.memory_space<hbm>> -> memref<40xi32, #tpu.memory_space<hbm>>
    %dma_start3A_72 = tpu.memref_slice %arg5[%add3A_70] : memref<320000xi32, #tpu.memory_space<hbm>> -> memref<40xi32, #tpu.memory_space<hbm>>
    tpu.enqueue_dma source(%dma_start3A_72 : memref<40xi32, #tpu.memory_space<hbm>>) target(%arg11 : memref<40xi32, #tpu.memory_space<vmem>>) target_semaphore(%arg23 : memref<!tpu.dma_semaphore, #tpu.memory_space<semaphore_mem>>)
    %dma_wait3A_73 = arith.constant 0 : i32
    %dma_wait3A_74 = arith.constant 0 : i32
    %dma_wait3A_75 = tpu.memref_slice %arg2[%dma_wait3A_73, %dma_wait3A_74] : memref<10000x128xf32, #tpu.memory_space<hbm>> -> memref<10000x128xf32, #tpu.memory_space<hbm>>
    tpu.wait_indirect_dma semaphore(%arg24 : memref<!tpu.dma_semaphore, #tpu.memory_space<semaphore_mem>>) src(%dma_wait3A_75 : memref<10000x128xf32, #tpu.memory_space<hbm>>) dst(%arg12 : memref<40x128xf32, #tpu.memory_space<vmem>>)
    %dma_wait3A_76 = arith.constant 0 : i32
    %dma_wait3A_77 = arith.constant 0 : i32
    %dma_wait3A_78 = tpu.memref_slice %arg3[%dma_wait3A_76, %dma_wait3A_77] : memref<160000x64xi32, #tpu.memory_space<hbm>> -> memref<40x64xi32, #tpu.memory_space<hbm>>
    %dma_wait3A_79 = arith.constant 0 : i32
    %dma_wait3A_80 = arith.constant 0 : i32
    %dma_wait3A_81 = tpu.memref_slice %arg3[%dma_wait3A_79, %dma_wait3A_80] : memref<160000x64xi32, #tpu.memory_space<hbm>> -> memref<40x64xi32, #tpu.memory_space<hbm>>
    tpu.wait_dma2 semaphore(%arg26 : memref<!tpu.dma_semaphore, #tpu.memory_space<semaphore_mem>>) src(%dma_wait3A_81 : memref<40x64xi32, #tpu.memory_space<hbm>>) dst(%arg14 : memref<40x64xi32, #tpu.memory_space<vmem>>)
    %dma_wait3A_82 = arith.constant 0 : i32
    %dma_wait3A_83 = tpu.memref_slice %arg6[%dma_wait3A_82] : memref<320000xf32, #tpu.memory_space<hbm>> -> memref<40xf32, #tpu.memory_space<hbm>>
    %dma_wait3A_84 = arith.constant 0 : i32
    %dma_wait3A_85 = tpu.memref_slice %arg6[%dma_wait3A_84] : memref<320000xf32, #tpu.memory_space<hbm>> -> memref<40xf32, #tpu.memory_space<hbm>>
    tpu.wait_dma2 semaphore(%arg30 : memref<!tpu.dma_semaphore, #tpu.memory_space<semaphore_mem>>) src(%dma_wait3A_85 : memref<40xf32, #tpu.memory_space<hbm>>) dst(%arg16 : memref<40xf32, #tpu.memory_space<vmem>>)
    %add3A_86 = arith.constant 80 : i32
    %add3A_87 = arith.addi %add3A_4, %add3A_86 : i32
    %dma_start3A_88 = tpu.memref_slice %arg4[%add3A_87] : memref<320000xi32, #tpu.memory_space<hbm>> -> memref<40xi32, #tpu.memory_space<hbm>>
    %dma_start3A_89 = tpu.memref_slice %arg4[%add3A_87] : memref<320000xi32, #tpu.memory_space<hbm>> -> memref<40xi32, #tpu.memory_space<hbm>>
    tpu.enqueue_dma source(%dma_start3A_89 : memref<40xi32, #tpu.memory_space<hbm>>) target(%arg8 : memref<40xi32, #tpu.memory_space<vmem>>) target_semaphore(%arg20 : memref<!tpu.dma_semaphore, #tpu.memory_space<semaphore_mem>>)
    %broadcast_in_dim3A = arith.constant -65536 : i32
    %broadcast_in_dim3A_90 = vector.broadcast %broadcast_in_dim3A : i32 to vector<16xi32>
    %scan3A_91 = arith.constant 0 : i32
    %scan3A_92 = arith.constant 40 : i32
    %scan3A_93 = arith.addi %scan3A_91, %scan3A_92 : i32
    %scan3A_94 = arith.constant 1 : i32
    scf.for %scan3A_312 = %scan3A_91 to %scan3A_93 step %scan3A_94  : i32 {
      %mul3A_313 = arith.constant 1 : i32
      %mul3A_314 = arith.muli %scan3A_312, %mul3A_313 : i32
      %add3A_315 = arith.constant 0 : i32
      %add3A_316 = arith.addi %add3A_315, %mul3A_314 : i32
      %broadcast_in_dim3A_317 = vector.broadcast %add3A_316 : i32 to vector<16xi32>
      %gather3A = tpu.vector_load_idx %arg16[%broadcast_in_dim3A_317] : memref<40xf32, #tpu.memory_space<vmem>>[vector<16xi32>], vector<16xf32>,
      %scan3A_318 = arith.constant 0 : i32
      %scan3A_319 = arith.constant 4 : i32
      %scan3A_320 = arith.addi %scan3A_318, %scan3A_319 : i32
      %scan3A_321 = arith.constant 1 : i32
      scf.for %scan3A_323 = %scan3A_318 to %scan3A_320 step %scan3A_321  : i32 {
        %mul3A_324 = arith.constant 16 : i32
        %mul3A_325 = arith.muli %scan3A_323, %mul3A_324 : i32
        %add3A_326 = arith.constant 0 : i32
        %add3A_327 = arith.addi %add3A_326, %mul3A_325 : i32
        %get3A = arith.index_cast %add3A_316 : i32 to index
        %get3A_328 = arith.index_cast %add3A_327 : i32 to index
        %get3A_329 = tpu.vector_load %arg14[%get3A, %get3A_328] {strides = array<i32>} : memref<40x64xi32, #tpu.memory_space<vmem>>, vector<16xi32>,
        %shift_left3A = arith.constant 16 : i32
        %shift_left3A_330 = vector.broadcast %shift_left3A : i32 to vector<16xi32>
        %shift_left3A_331 = arith.shli %get3A_329, %shift_left3A_330 : vector<16xi32>
        %bitcast3A = vector.bitcast %shift_left3A_331 : vector<16xi32> to vector<16xf32>
        %mul3A_332 = arith.mulf %bitcast3A, %gather3A : vector<16xf32>
        %and3A = arith.andi %get3A_329, %broadcast_in_dim3A_90 : vector<16xi32>
        %bitcast3A_333 = vector.bitcast %and3A : vector<16xi32> to vector<16xf32>
        %mul3A_334 = arith.mulf %bitcast3A_333, %gather3A : vector<16xf32>
        %get3A_335 = arith.index_cast %add3A_316 : i32 to index
        %get3A_336 = arith.index_cast %add3A_327 : i32 to index
        %get3A_337 = tpu.vector_load %arg12[%get3A_335, %get3A_336] {strides = array<i32>} : memref<40x128xf32, #tpu.memory_space<vmem>>, vector<16xf32>,
        %mul3A_338 = arith.mulf %get3A_337, %mul3A_332 : vector<16xf32>
        %swap3A = arith.index_cast %add3A_316 : i32 to index
        %swap3A_339 = arith.index_cast %add3A_327 : i32 to index
        %swap3A_340 = tpu.vector_load %arg12[%swap3A, %swap3A_339] {strides = array<i32>} : memref<40x128xf32, #tpu.memory_space<vmem>>, vector<16xf32>,
        tpu.vector_store %arg12[%swap3A, %swap3A_339], %mul3A_338 {strides = array<i32>} : memref<40x128xf32, #tpu.memory_space<vmem>>, vector<16xf32>,
        %add3A_341 = arith.constant 64 : i32
        %add3A_342 = arith.addi %add3A_327, %add3A_341 : i32
        %get3A_343 = arith.index_cast %add3A_316 : i32 to index
        %get3A_344 = arith.index_cast %add3A_342 : i32 to index
        %get3A_345 = tpu.vector_load %arg12[%get3A_343, %get3A_344] {strides = array<i32>} : memref<40x128xf32, #tpu.memory_space<vmem>>, vector<16xf32>,
        %mul3A_346 = arith.mulf %get3A_345, %mul3A_334 : vector<16xf32>
        %add3A_347 = arith.constant 64 : i32
        %add3A_348 = arith.addi %add3A_327, %add3A_347 : i32
        %swap3A_349 = arith.index_cast %add3A_316 : i32 to index
        %swap3A_350 = arith.index_cast %add3A_348 : i32 to index
        %swap3A_351 = tpu.vector_load %arg12[%swap3A_349, %swap3A_350] {strides = array<i32>} : memref<40x128xf32, #tpu.memory_space<vmem>>, vector<16xf32>,
        tpu.vector_store %arg12[%swap3A_349, %swap3A_350], %mul3A_346 {strides = array<i32>} : memref<40x128xf32, #tpu.memory_space<vmem>>, vector<16xf32>,
      }
      %scan3A_322 = arith.constant 4 : i32
    }
    %scan3A_95 = arith.constant 40 : i32
    %dma_wait3A_96 = arith.constant 0 : i32
    %dma_wait3A_97 = tpu.memref_slice %arg5[%dma_wait3A_96] : memref<320000xi32, #tpu.memory_space<hbm>> -> memref<40xi32, #tpu.memory_space<hbm>>
    %dma_wait3A_98 = arith.constant 0 : i32
    %dma_wait3A_99 = tpu.memref_slice %arg5[%dma_wait3A_98] : memref<320000xi32, #tpu.memory_space<hbm>> -> memref<40xi32, #tpu.memory_space<hbm>>
    tpu.wait_dma2 semaphore(%arg22 : memref<!tpu.dma_semaphore, #tpu.memory_space<semaphore_mem>>) src(%dma_wait3A_99 : memref<40xi32, #tpu.memory_space<hbm>>) dst(%arg10 : memref<40xi32, #tpu.memory_space<vmem>>)
    %dma_start3A_100 = arith.constant 0 : i32
    %dma_start3A_101 = arith.constant 0 : i32
    %dma_start3A_102 = tpu.memref_slice %arg19[%dma_start3A_100, %dma_start3A_101] : memref<10000x128xf32, #tpu.memory_space<vmem_shared>> -> memref<10000x128xf32, #tpu.memory_space<vmem_shared>>
    tpu.enqueue_indirect_dma source(%arg12 : memref<40x128xf32, #tpu.memory_space<vmem>>) target(%dma_start3A_102 : memref<10000x128xf32, #tpu.memory_space<vmem_shared>>) offsets(%arg10 : memref<40xi32, #tpu.memory_space<vmem>>) semaphore(%arg28 : memref<!tpu.dma_semaphore, #tpu.memory_space<semaphore_mem>>) {add = true}
    %dma_wait3A_103 = arith.constant 0 : i32
    %dma_wait3A_104 = arith.constant 0 : i32
    %dma_wait3A_105 = tpu.memref_slice %arg19[%dma_wait3A_103, %dma_wait3A_104] : memref<10000x128xf32, #tpu.memory_space<vmem_shared>> -> memref<10000x128xf32, #tpu.memory_space<vmem_shared>>
    tpu.wait_indirect_dma semaphore(%arg28 : memref<!tpu.dma_semaphore, #tpu.memory_space<semaphore_mem>>) src(%arg12 : memref<40x128xf32, #tpu.memory_space<vmem>>) dst(%dma_wait3A_105 : memref<10000x128xf32, #tpu.memory_space<vmem_shared>>)
    %dma_wait3A_106 = arith.constant 0 : i32
    %dma_wait3A_107 = tpu.memref_slice %arg4[%dma_wait3A_106] : memref<320000xi32, #tpu.memory_space<hbm>> -> memref<40xi32, #tpu.memory_space<hbm>>
    %dma_wait3A_108 = arith.constant 0 : i32
    %dma_wait3A_109 = tpu.memref_slice %arg4[%dma_wait3A_108] : memref<320000xi32, #tpu.memory_space<hbm>> -> memref<40xi32, #tpu.memory_space<hbm>>
    tpu.wait_dma2 semaphore(%arg20 : memref<!tpu.dma_semaphore, #tpu.memory_space<semaphore_mem>>) src(%dma_wait3A_109 : memref<40xi32, #tpu.memory_space<hbm>>) dst(%arg8 : memref<40xi32, #tpu.memory_space<vmem>>)
    %dma_start3A_110 = arith.constant 0 : i32
    %dma_start3A_111 = arith.constant 0 : i32
    %dma_start3A_112 = tpu.memref_slice %arg2[%dma_start3A_110, %dma_start3A_111] : memref<10000x128xf32, #tpu.memory_space<hbm>> -> memref<10000x128xf32, #tpu.memory_space<hbm>>
    tpu.enqueue_indirect_dma source(%dma_start3A_112 : memref<10000x128xf32, #tpu.memory_space<hbm>>) target(%arg12 : memref<40x128xf32, #tpu.memory_space<vmem>>) offsets(%arg8 : memref<40xi32, #tpu.memory_space<vmem>>) semaphore(%arg24 : memref<!tpu.dma_semaphore, #tpu.memory_space<semaphore_mem>>)
    %add3A_113 = arith.constant 80 : i32
    %add3A_114 = arith.addi %mul3A_6, %add3A_113 : i32
    %dma_start3A_115 = arith.constant 0 : i32
    %dma_start3A_116 = tpu.memref_slice %arg3[%add3A_114, %dma_start3A_115] : memref<160000x64xi32, #tpu.memory_space<hbm>> -> memref<40x64xi32, #tpu.memory_space<hbm>>
    %dma_start3A_117 = arith.constant 0 : i32
    %dma_start3A_118 = tpu.memref_slice %arg3[%add3A_114, %dma_start3A_117] : memref<160000x64xi32, #tpu.memory_space<hbm>> -> memref<40x64xi32, #tpu.memory_space<hbm>>
    tpu.enqueue_dma source(%dma_start3A_118 : memref<40x64xi32, #tpu.memory_space<hbm>>) target(%arg14 : memref<40x64xi32, #tpu.memory_space<vmem>>) target_semaphore(%arg26 : memref<!tpu.dma_semaphore, #tpu.memory_space<semaphore_mem>>)
    %add3A_119 = arith.constant 80 : i32
    %add3A_120 = arith.addi %add3A_4, %add3A_119 : i32
    %dma_start3A_121 = tpu.memref_slice %arg6[%add3A_120] : memref<320000xf32, #tpu.memory_space<hbm>> -> memref<40xf32, #tpu.memory_space<hbm>>
    %dma_start3A_122 = tpu.memref_slice %arg6[%add3A_120] : memref<320000xf32, #tpu.memory_space<hbm>> -> memref<40xf32, #tpu.memory_space<hbm>>
    tpu.enqueue_dma source(%dma_start3A_122 : memref<40xf32, #tpu.memory_space<hbm>>) target(%arg16 : memref<40xf32, #tpu.memory_space<vmem>>) target_semaphore(%arg30 : memref<!tpu.dma_semaphore, #tpu.memory_space<semaphore_mem>>)
    %add3A_123 = arith.constant 80 : i32
    %add3A_124 = arith.addi %add3A_4, %add3A_123 : i32
    %dma_start3A_125 = tpu.memref_slice %arg5[%add3A_124] : memref<320000xi32, #tpu.memory_space<hbm>> -> memref<40xi32, #tpu.memory_space<hbm>>
    %dma_start3A_126 = tpu.memref_slice %arg5[%add3A_124] : memref<320000xi32, #tpu.memory_space<hbm>> -> memref<40xi32, #tpu.memory_space<hbm>>
    tpu.enqueue_dma source(%dma_start3A_126 : memref<40xi32, #tpu.memory_space<hbm>>) target(%arg10 : memref<40xi32, #tpu.memory_space<vmem>>) target_semaphore(%arg22 : memref<!tpu.dma_semaphore, #tpu.memory_space<semaphore_mem>>)
    %dma_wait3A_127 = arith.constant 0 : i32
    %dma_wait3A_128 = arith.constant 0 : i32
    %dma_wait3A_129 = tpu.memref_slice %arg2[%dma_wait3A_127, %dma_wait3A_128] : memref<10000x128xf32, #tpu.memory_space<hbm>> -> memref<10000x128xf32, #tpu.memory_space<hbm>>
    tpu.wait_indirect_dma semaphore(%arg25 : memref<!tpu.dma_semaphore, #tpu.memory_space<semaphore_mem>>) src(%dma_wait3A_129 : memref<10000x128xf32, #tpu.memory_space<hbm>>) dst(%arg13 : memref<40x128xf32, #tpu.memory_space<vmem>>)
    %dma_wait3A_130 = arith.constant 0 : i32
    %dma_wait3A_131 = arith.constant 0 : i32
    %dma_wait3A_132 = tpu.memref_slice %arg3[%dma_wait3A_130, %dma_wait3A_131] : memref<160000x64xi32, #tpu.memory_space<hbm>> -> memref<40x64xi32, #tpu.memory_space<hbm>>
    %dma_wait3A_133 = arith.constant 0 : i32
    %dma_wait3A_134 = arith.constant 0 : i32
    %dma_wait3A_135 = tpu.memref_slice %arg3[%dma_wait3A_133, %dma_wait3A_134] : memref<160000x64xi32, #tpu.memory_space<hbm>> -> memref<40x64xi32, #tpu.memory_space<hbm>>
    tpu.wait_dma2 semaphore(%arg27 : memref<!tpu.dma_semaphore, #tpu.memory_space<semaphore_mem>>) src(%dma_wait3A_135 : memref<40x64xi32, #tpu.memory_space<hbm>>) dst(%arg15 : memref<40x64xi32, #tpu.memory_space<vmem>>)
    %dma_wait3A_136 = arith.constant 0 : i32
    %dma_wait3A_137 = tpu.memref_slice %arg6[%dma_wait3A_136] : memref<320000xf32, #tpu.memory_space<hbm>> -> memref<40xf32, #tpu.memory_space<hbm>>
    %dma_wait3A_138 = arith.constant 0 : i32
    %dma_wait3A_139 = tpu.memref_slice %arg6[%dma_wait3A_138] : memref<320000xf32, #tpu.memory_space<hbm>> -> memref<40xf32, #tpu.memory_space<hbm>>
    tpu.wait_dma2 semaphore(%arg31 : memref<!tpu.dma_semaphore, #tpu.memory_space<semaphore_mem>>) src(%dma_wait3A_139 : memref<40xf32, #tpu.memory_space<hbm>>) dst(%arg17 : memref<40xf32, #tpu.memory_space<vmem>>)
    %add3A_140 = arith.constant 120 : i32
    %add3A_141 = arith.addi %add3A_4, %add3A_140 : i32
    %dma_start3A_142 = tpu.memref_slice %arg4[%add3A_141] : memref<320000xi32, #tpu.memory_space<hbm>> -> memref<40xi32, #tpu.memory_space<hbm>>
    %dma_start3A_143 = tpu.memref_slice %arg4[%add3A_141] : memref<320000xi32, #tpu.memory_space<hbm>> -> memref<40xi32, #tpu.memory_space<hbm>>
    tpu.enqueue_dma source(%dma_start3A_143 : memref<40xi32, #tpu.memory_space<hbm>>) target(%arg9 : memref<40xi32, #tpu.memory_space<vmem>>) target_semaphore(%arg21 : memref<!tpu.dma_semaphore, #tpu.memory_space<semaphore_mem>>)
    %broadcast_in_dim3A_144 = arith.constant -65536 : i32
    %broadcast_in_dim3A_145 = vector.broadcast %broadcast_in_dim3A_144 : i32 to vector<16xi32>
    %scan3A_146 = arith.constant 0 : i32
    %scan3A_147 = arith.constant 40 : i32
    %scan3A_148 = arith.addi %scan3A_146, %scan3A_147 : i32
    %scan3A_149 = arith.constant 1 : i32
    scf.for %scan3A_312 = %scan3A_146 to %scan3A_148 step %scan3A_149  : i32 {
      %mul3A_313 = arith.constant 1 : i32
      %mul3A_314 = arith.muli %scan3A_312, %mul3A_313 : i32
      %add3A_315 = arith.constant 0 : i32
      %add3A_316 = arith.addi %add3A_315, %mul3A_314 : i32
      %broadcast_in_dim3A_317 = vector.broadcast %add3A_316 : i32 to vector<16xi32>
      %gather3A = tpu.vector_load_idx %arg17[%broadcast_in_dim3A_317] : memref<40xf32, #tpu.memory_space<vmem>>[vector<16xi32>], vector<16xf32>,
      %scan3A_318 = arith.constant 0 : i32
      %scan3A_319 = arith.constant 4 : i32
      %scan3A_320 = arith.addi %scan3A_318, %scan3A_319 : i32
      %scan3A_321 = arith.constant 1 : i32
      scf.for %scan3A_323 = %scan3A_318 to %scan3A_320 step %scan3A_321  : i32 {
        %mul3A_324 = arith.constant 16 : i32
        %mul3A_325 = arith.muli %scan3A_323, %mul3A_324 : i32
        %add3A_326 = arith.constant 0 : i32
        %add3A_327 = arith.addi %add3A_326, %mul3A_325 : i32
        %get3A = arith.index_cast %add3A_316 : i32 to index
        %get3A_328 = arith.index_cast %add3A_327 : i32 to index
        %get3A_329 = tpu.vector_load %arg15[%get3A, %get3A_328] {strides = array<i32>} : memref<40x64xi32, #tpu.memory_space<vmem>>, vector<16xi32>,
        %shift_left3A = arith.constant 16 : i32
        %shift_left3A_330 = vector.broadcast %shift_left3A : i32 to vector<16xi32>
        %shift_left3A_331 = arith.shli %get3A_329, %shift_left3A_330 : vector<16xi32>
        %bitcast3A = vector.bitcast %shift_left3A_331 : vector<16xi32> to vector<16xf32>
        %mul3A_332 = arith.mulf %bitcast3A, %gather3A : vector<16xf32>
        %and3A = arith.andi %get3A_329, %broadcast_in_dim3A_145 : vector<16xi32>
        %bitcast3A_333 = vector.bitcast %and3A : vector<16xi32> to vector<16xf32>
        %mul3A_334 = arith.mulf %bitcast3A_333, %gather3A : vector<16xf32>
        %get3A_335 = arith.index_cast %add3A_316 : i32 to index
        %get3A_336 = arith.index_cast %add3A_327 : i32 to index
        %get3A_337 = tpu.vector_load %arg13[%get3A_335, %get3A_336] {strides = array<i32>} : memref<40x128xf32, #tpu.memory_space<vmem>>, vector<16xf32>,
        %mul3A_338 = arith.mulf %get3A_337, %mul3A_332 : vector<16xf32>
        %swap3A = arith.index_cast %add3A_316 : i32 to index
        %swap3A_339 = arith.index_cast %add3A_327 : i32 to index
        %swap3A_340 = tpu.vector_load %arg13[%swap3A, %swap3A_339] {strides = array<i32>} : memref<40x128xf32, #tpu.memory_space<vmem>>, vector<16xf32>,
        tpu.vector_store %arg13[%swap3A, %swap3A_339], %mul3A_338 {strides = array<i32>} : memref<40x128xf32, #tpu.memory_space<vmem>>, vector<16xf32>,
        %add3A_341 = arith.constant 64 : i32
        %add3A_342 = arith.addi %add3A_327, %add3A_341 : i32
        %get3A_343 = arith.index_cast %add3A_316 : i32 to index
        %get3A_344 = arith.index_cast %add3A_342 : i32 to index
        %get3A_345 = tpu.vector_load %arg13[%get3A_343, %get3A_344] {strides = array<i32>} : memref<40x128xf32, #tpu.memory_space<vmem>>, vector<16xf32>,
        %mul3A_346 = arith.mulf %get3A_345, %mul3A_334 : vector<16xf32>
        %add3A_347 = arith.constant 64 : i32
        %add3A_348 = arith.addi %add3A_327, %add3A_347 : i32
        %swap3A_349 = arith.index_cast %add3A_316 : i32 to index
        %swap3A_350 = arith.index_cast %add3A_348 : i32 to index
        %swap3A_351 = tpu.vector_load %arg13[%swap3A_349, %swap3A_350] {strides = array<i32>} : memref<40x128xf32, #tpu.memory_space<vmem>>, vector<16xf32>,
        tpu.vector_store %arg13[%swap3A_349, %swap3A_350], %mul3A_346 {strides = array<i32>} : memref<40x128xf32, #tpu.memory_space<vmem>>, vector<16xf32>,
      }
      %scan3A_322 = arith.constant 4 : i32
    }
    %scan3A_150 = arith.constant 40 : i32
    %dma_wait3A_151 = arith.constant 0 : i32
    %dma_wait3A_152 = tpu.memref_slice %arg5[%dma_wait3A_151] : memref<320000xi32, #tpu.memory_space<hbm>> -> memref<40xi32, #tpu.memory_space<hbm>>
    %dma_wait3A_153 = arith.constant 0 : i32
    %dma_wait3A_154 = tpu.memref_slice %arg5[%dma_wait3A_153] : memref<320000xi32, #tpu.memory_space<hbm>> -> memref<40xi32, #tpu.memory_space<hbm>>
    tpu.wait_dma2 semaphore(%arg23 : memref<!tpu.dma_semaphore, #tpu.memory_space<semaphore_mem>>) src(%dma_wait3A_154 : memref<40xi32, #tpu.memory_space<hbm>>) dst(%arg11 : memref<40xi32, #tpu.memory_space<vmem>>)
    %dma_start3A_155 = arith.constant 0 : i32
    %dma_start3A_156 = arith.constant 0 : i32
    %dma_start3A_157 = tpu.memref_slice %arg19[%dma_start3A_155, %dma_start3A_156] : memref<10000x128xf32, #tpu.memory_space<vmem_shared>> -> memref<10000x128xf32, #tpu.memory_space<vmem_shared>>
    tpu.enqueue_indirect_dma source(%arg13 : memref<40x128xf32, #tpu.memory_space<vmem>>) target(%dma_start3A_157 : memref<10000x128xf32, #tpu.memory_space<vmem_shared>>) offsets(%arg11 : memref<40xi32, #tpu.memory_space<vmem>>) semaphore(%arg29 : memref<!tpu.dma_semaphore, #tpu.memory_space<semaphore_mem>>) {add = true}
    %dma_wait3A_158 = arith.constant 0 : i32
    %dma_wait3A_159 = arith.constant 0 : i32
    %dma_wait3A_160 = tpu.memref_slice %arg19[%dma_wait3A_158, %dma_wait3A_159] : memref<10000x128xf32, #tpu.memory_space<vmem_shared>> -> memref<10000x128xf32, #tpu.memory_space<vmem_shared>>
    tpu.wait_indirect_dma semaphore(%arg29 : memref<!tpu.dma_semaphore, #tpu.memory_space<semaphore_mem>>) src(%arg13 : memref<40x128xf32, #tpu.memory_space<vmem>>) dst(%dma_wait3A_160 : memref<10000x128xf32, #tpu.memory_space<vmem_shared>>)
    %dma_wait3A_161 = arith.constant 0 : i32
    %dma_wait3A_162 = tpu.memref_slice %arg4[%dma_wait3A_161] : memref<320000xi32, #tpu.memory_space<hbm>> -> memref<40xi32, #tpu.memory_space<hbm>>
    %dma_wait3A_163 = arith.constant 0 : i32
    %dma_wait3A_164 = tpu.memref_slice %arg4[%dma_wait3A_163] : memref<320000xi32, #tpu.memory_space<hbm>> -> memref<40xi32, #tpu.memory_space<hbm>>
    tpu.wait_dma2 semaphore(%arg21 : memref<!tpu.dma_semaphore, #tpu.memory_space<semaphore_mem>>) src(%dma_wait3A_164 : memref<40xi32, #tpu.memory_space<hbm>>) dst(%arg9 : memref<40xi32, #tpu.memory_space<vmem>>)
    %dma_start3A_165 = arith.constant 0 : i32
    %dma_start3A_166 = arith.constant 0 : i32
    %dma_start3A_167 = tpu.memref_slice %arg2[%dma_start3A_165, %dma_start3A_166] : memref<10000x128xf32, #tpu.memory_space<hbm>> -> memref<10000x128xf32, #tpu.memory_space<hbm>>
    tpu.enqueue_indirect_dma source(%dma_start3A_167 : memref<10000x128xf32, #tpu.memory_space<hbm>>) target(%arg13 : memref<40x128xf32, #tpu.memory_space<vmem>>) offsets(%arg9 : memref<40xi32, #tpu.memory_space<vmem>>) semaphore(%arg25 : memref<!tpu.dma_semaphore, #tpu.memory_space<semaphore_mem>>)
    %add3A_168 = arith.constant 120 : i32
    %add3A_169 = arith.addi %mul3A_6, %add3A_168 : i32
    %dma_start3A_170 = arith.constant 0 : i32
    %dma_start3A_171 = tpu.memref_slice %arg3[%add3A_169, %dma_start3A_170] : memref<160000x64xi32, #tpu.memory_space<hbm>> -> memref<40x64xi32, #tpu.memory_space<hbm>>
    %dma_start3A_172 = arith.constant 0 : i32
    %dma_start3A_173 = tpu.memref_slice %arg3[%add3A_169, %dma_start3A_172] : memref<160000x64xi32, #tpu.memory_space<hbm>> -> memref<40x64xi32, #tpu.memory_space<hbm>>
    tpu.enqueue_dma source(%dma_start3A_173 : memref<40x64xi32, #tpu.memory_space<hbm>>) target(%arg15 : memref<40x64xi32, #tpu.memory_space<vmem>>) target_semaphore(%arg27 : memref<!tpu.dma_semaphore, #tpu.memory_space<semaphore_mem>>)
    %add3A_174 = arith.constant 120 : i32
    %add3A_175 = arith.addi %add3A_4, %add3A_174 : i32
    %dma_start3A_176 = tpu.memref_slice %arg6[%add3A_175] : memref<320000xf32, #tpu.memory_space<hbm>> -> memref<40xf32, #tpu.memory_space<hbm>>
    %dma_start3A_177 = tpu.memref_slice %arg6[%add3A_175] : memref<320000xf32, #tpu.memory_space<hbm>> -> memref<40xf32, #tpu.memory_space<hbm>>
    tpu.enqueue_dma source(%dma_start3A_177 : memref<40xf32, #tpu.memory_space<hbm>>) target(%arg17 : memref<40xf32, #tpu.memory_space<vmem>>) target_semaphore(%arg31 : memref<!tpu.dma_semaphore, #tpu.memory_space<semaphore_mem>>)
    %add3A_178 = arith.constant 120 : i32
    %add3A_179 = arith.addi %add3A_4, %add3A_178 : i32
    %dma_start3A_180 = tpu.memref_slice %arg5[%add3A_179] : memref<320000xi32, #tpu.memory_space<hbm>> -> memref<40xi32, #tpu.memory_space<hbm>>
    %dma_start3A_181 = tpu.memref_slice %arg5[%add3A_179] : memref<320000xi32, #tpu.memory_space<hbm>> -> memref<40xi32, #tpu.memory_space<hbm>>
    tpu.enqueue_dma source(%dma_start3A_181 : memref<40xi32, #tpu.memory_space<hbm>>) target(%arg11 : memref<40xi32, #tpu.memory_space<vmem>>) target_semaphore(%arg23 : memref<!tpu.dma_semaphore, #tpu.memory_space<semaphore_mem>>)
    %dma_wait3A_182 = arith.constant 0 : i32
    %dma_wait3A_183 = arith.constant 0 : i32
    %dma_wait3A_184 = tpu.memref_slice %arg2[%dma_wait3A_182, %dma_wait3A_183] : memref<10000x128xf32, #tpu.memory_space<hbm>> -> memref<10000x128xf32, #tpu.memory_space<hbm>>
    tpu.wait_indirect_dma semaphore(%arg24 : memref<!tpu.dma_semaphore, #tpu.memory_space<semaphore_mem>>) src(%dma_wait3A_184 : memref<10000x128xf32, #tpu.memory_space<hbm>>) dst(%arg12 : memref<40x128xf32, #tpu.memory_space<vmem>>)
    %dma_wait3A_185 = arith.constant 0 : i32
    %dma_wait3A_186 = arith.constant 0 : i32
    %dma_wait3A_187 = tpu.memref_slice %arg3[%dma_wait3A_185, %dma_wait3A_186] : memref<160000x64xi32, #tpu.memory_space<hbm>> -> memref<40x64xi32, #tpu.memory_space<hbm>>
    %dma_wait3A_188 = arith.constant 0 : i32
    %dma_wait3A_189 = arith.constant 0 : i32
    %dma_wait3A_190 = tpu.memref_slice %arg3[%dma_wait3A_188, %dma_wait3A_189] : memref<160000x64xi32, #tpu.memory_space<hbm>> -> memref<40x64xi32, #tpu.memory_space<hbm>>
    tpu.wait_dma2 semaphore(%arg26 : memref<!tpu.dma_semaphore, #tpu.memory_space<semaphore_mem>>) src(%dma_wait3A_190 : memref<40x64xi32, #tpu.memory_space<hbm>>) dst(%arg14 : memref<40x64xi32, #tpu.memory_space<vmem>>)
    %dma_wait3A_191 = arith.constant 0 : i32
    %dma_wait3A_192 = tpu.memref_slice %arg6[%dma_wait3A_191] : memref<320000xf32, #tpu.memory_space<hbm>> -> memref<40xf32, #tpu.memory_space<hbm>>
    %dma_wait3A_193 = arith.constant 0 : i32
    %dma_wait3A_194 = tpu.memref_slice %arg6[%dma_wait3A_193] : memref<320000xf32, #tpu.memory_space<hbm>> -> memref<40xf32, #tpu.memory_space<hbm>>
    tpu.wait_dma2 semaphore(%arg30 : memref<!tpu.dma_semaphore, #tpu.memory_space<semaphore_mem>>) src(%dma_wait3A_194 : memref<40xf32, #tpu.memory_space<hbm>>) dst(%arg16 : memref<40xf32, #tpu.memory_space<vmem>>)
    %add3A_195 = arith.constant 160 : i32
    %add3A_196 = arith.addi %add3A_4, %add3A_195 : i32
    %dma_start3A_197 = tpu.memref_slice %arg4[%add3A_196] : memref<320000xi32, #tpu.memory_space<hbm>> -> memref<40xi32, #tpu.memory_space<hbm>>
    %dma_start3A_198 = tpu.memref_slice %arg4[%add3A_196] : memref<320000xi32, #tpu.memory_space<hbm>> -> memref<40xi32, #tpu.memory_space<hbm>>
    tpu.enqueue_dma source(%dma_start3A_198 : memref<40xi32, #tpu.memory_space<hbm>>) target(%arg8 : memref<40xi32, #tpu.memory_space<vmem>>) target_semaphore(%arg20 : memref<!tpu.dma_semaphore, #tpu.memory_space<semaphore_mem>>)
    %broadcast_in_dim3A_199 = arith.constant -65536 : i32
    %broadcast_in_dim3A_200 = vector.broadcast %broadcast_in_dim3A_199 : i32 to vector<16xi32>
    %scan3A_201 = arith.constant 0 : i32
    %scan3A_202 = arith.constant 40 : i32
    %scan3A_203 = arith.addi %scan3A_201, %scan3A_202 : i32
    %scan3A_204 = arith.constant 1 : i32
    scf.for %scan3A_312 = %scan3A_201 to %scan3A_203 step %scan3A_204  : i32 {
      %mul3A_313 = arith.constant 1 : i32
      %mul3A_314 = arith.muli %scan3A_312, %mul3A_313 : i32
      %add3A_315 = arith.constant 0 : i32
      %add3A_316 = arith.addi %add3A_315, %mul3A_314 : i32
      %broadcast_in_dim3A_317 = vector.broadcast %add3A_316 : i32 to vector<16xi32>
      %gather3A = tpu.vector_load_idx %arg16[%broadcast_in_dim3A_317] : memref<40xf32, #tpu.memory_space<vmem>>[vector<16xi32>], vector<16xf32>,
      %scan3A_318 = arith.constant 0 : i32
      %scan3A_319 = arith.constant 4 : i32
      %scan3A_320 = arith.addi %scan3A_318, %scan3A_319 : i32
      %scan3A_321 = arith.constant 1 : i32
      scf.for %scan3A_323 = %scan3A_318 to %scan3A_320 step %scan3A_321  : i32 {
        %mul3A_324 = arith.constant 16 : i32
        %mul3A_325 = arith.muli %scan3A_323, %mul3A_324 : i32
        %add3A_326 = arith.constant 0 : i32
        %add3A_327 = arith.addi %add3A_326, %mul3A_325 : i32
        %get3A = arith.index_cast %add3A_316 : i32 to index
        %get3A_328 = arith.index_cast %add3A_327 : i32 to index
        %get3A_329 = tpu.vector_load %arg14[%get3A, %get3A_328] {strides = array<i32>} : memref<40x64xi32, #tpu.memory_space<vmem>>, vector<16xi32>,
        %shift_left3A = arith.constant 16 : i32
        %shift_left3A_330 = vector.broadcast %shift_left3A : i32 to vector<16xi32>
        %shift_left3A_331 = arith.shli %get3A_329, %shift_left3A_330 : vector<16xi32>
        %bitcast3A = vector.bitcast %shift_left3A_331 : vector<16xi32> to vector<16xf32>
        %mul3A_332 = arith.mulf %bitcast3A, %gather3A : vector<16xf32>
        %and3A = arith.andi %get3A_329, %broadcast_in_dim3A_200 : vector<16xi32>
        %bitcast3A_333 = vector.bitcast %and3A : vector<16xi32> to vector<16xf32>
        %mul3A_334 = arith.mulf %bitcast3A_333, %gather3A : vector<16xf32>
        %get3A_335 = arith.index_cast %add3A_316 : i32 to index
        %get3A_336 = arith.index_cast %add3A_327 : i32 to index
        %get3A_337 = tpu.vector_load %arg12[%get3A_335, %get3A_336] {strides = array<i32>} : memref<40x128xf32, #tpu.memory_space<vmem>>, vector<16xf32>,
        %mul3A_338 = arith.mulf %get3A_337, %mul3A_332 : vector<16xf32>
        %swap3A = arith.index_cast %add3A_316 : i32 to index
        %swap3A_339 = arith.index_cast %add3A_327 : i32 to index
        %swap3A_340 = tpu.vector_load %arg12[%swap3A, %swap3A_339] {strides = array<i32>} : memref<40x128xf32, #tpu.memory_space<vmem>>, vector<16xf32>,
        tpu.vector_store %arg12[%swap3A, %swap3A_339], %mul3A_338 {strides = array<i32>} : memref<40x128xf32, #tpu.memory_space<vmem>>, vector<16xf32>,
        %add3A_341 = arith.constant 64 : i32
        %add3A_342 = arith.addi %add3A_327, %add3A_341 : i32
        %get3A_343 = arith.index_cast %add3A_316 : i32 to index
        %get3A_344 = arith.index_cast %add3A_342 : i32 to index
        %get3A_345 = tpu.vector_load %arg12[%get3A_343, %get3A_344] {strides = array<i32>} : memref<40x128xf32, #tpu.memory_space<vmem>>, vector<16xf32>,
        %mul3A_346 = arith.mulf %get3A_345, %mul3A_334 : vector<16xf32>
        %add3A_347 = arith.constant 64 : i32
        %add3A_348 = arith.addi %add3A_327, %add3A_347 : i32
        %swap3A_349 = arith.index_cast %add3A_316 : i32 to index
        %swap3A_350 = arith.index_cast %add3A_348 : i32 to index
        %swap3A_351 = tpu.vector_load %arg12[%swap3A_349, %swap3A_350] {strides = array<i32>} : memref<40x128xf32, #tpu.memory_space<vmem>>, vector<16xf32>,
        tpu.vector_store %arg12[%swap3A_349, %swap3A_350], %mul3A_346 {strides = array<i32>} : memref<40x128xf32, #tpu.memory_space<vmem>>, vector<16xf32>,
      }
      %scan3A_322 = arith.constant 4 : i32
    }
    %scan3A_205 = arith.constant 40 : i32
    %dma_wait3A_206 = arith.constant 0 : i32
    %dma_wait3A_207 = tpu.memref_slice %arg5[%dma_wait3A_206] : memref<320000xi32, #tpu.memory_space<hbm>> -> memref<40xi32, #tpu.memory_space<hbm>>
    %dma_wait3A_208 = arith.constant 0 : i32
    %dma_wait3A_209 = tpu.memref_slice %arg5[%dma_wait3A_208] : memref<320000xi32, #tpu.memory_space<hbm>> -> memref<40xi32, #tpu.memory_space<hbm>>
    tpu.wait_dma2 semaphore(%arg22 : memref<!tpu.dma_semaphore, #tpu.memory_space<semaphore_mem>>) src(%dma_wait3A_209 : memref<40xi32, #tpu.memory_space<hbm>>) dst(%arg10 : memref<40xi32, #tpu.memory_space<vmem>>)
    %dma_start3A_210 = arith.constant 0 : i32
    %dma_start3A_211 = arith.constant 0 : i32
    %dma_start3A_212 = tpu.memref_slice %arg19[%dma_start3A_210, %dma_start3A_211] : memref<10000x128xf32, #tpu.memory_space<vmem_shared>> -> memref<10000x128xf32, #tpu.memory_space<vmem_shared>>
    tpu.enqueue_indirect_dma source(%arg12 : memref<40x128xf32, #tpu.memory_space<vmem>>) target(%dma_start3A_212 : memref<10000x128xf32, #tpu.memory_space<vmem_shared>>) offsets(%arg10 : memref<40xi32, #tpu.memory_space<vmem>>) semaphore(%arg28 : memref<!tpu.dma_semaphore, #tpu.memory_space<semaphore_mem>>) {add = true}
    %scan3A_213 = arith.constant 0 : i32
    %scan3A_214 = arith.constant 60 : i32
    %scan3A_215 = arith.addi %scan3A_213, %scan3A_214 : i32
    %scan3A_216 = arith.constant 1 : i32
    scf.for %scan3A_312 = %scan3A_213 to %scan3A_215 step %scan3A_216  : i32 {
      %mul3A_313 = arith.constant 1 : i32
      %mul3A_314 = arith.muli %scan3A_312, %mul3A_313 : i32
      %add3A_315 = arith.constant 0 : i32
      %add3A_316 = arith.addi %add3A_315, %mul3A_314 : i32
      %mul3A_317 = arith.constant 2 : i32
      %mul3A_318 = arith.muli %mul3A_317, %add3A_316 : i32
      %add3A_319 = arith.constant 3 : i32
      %add3A_320 = arith.addi %add3A_319, %mul3A_318 : i32
      %dma_wait3A_321 = arith.constant 0 : i32
      %dma_wait3A_322 = arith.constant 0 : i32
      %dma_wait3A_323 = tpu.memref_slice %arg19[%dma_wait3A_321, %dma_wait3A_322] : memref<10000x128xf32, #tpu.memory_space<vmem_shared>> -> memref<10000x128xf32, #tpu.memory_space<vmem_shared>>
      tpu.wait_indirect_dma semaphore(%arg28 : memref<!tpu.dma_semaphore, #tpu.memory_space<semaphore_mem>>) src(%arg12 : memref<40x128xf32, #tpu.memory_space<vmem>>) dst(%dma_wait3A_323 : memref<10000x128xf32, #tpu.memory_space<vmem_shared>>)
      %dma_wait3A_324 = arith.constant 0 : i32
      %dma_wait3A_325 = tpu.memref_slice %arg4[%dma_wait3A_324] : memref<320000xi32, #tpu.memory_space<hbm>> -> memref<40xi32, #tpu.memory_space<hbm>>
      %dma_wait3A_326 = arith.constant 0 : i32
      %dma_wait3A_327 = tpu.memref_slice %arg4[%dma_wait3A_326] : memref<320000xi32, #tpu.memory_space<hbm>> -> memref<40xi32, #tpu.memory_space<hbm>>
      tpu.wait_dma2 semaphore(%arg20 : memref<!tpu.dma_semaphore, #tpu.memory_space<semaphore_mem>>) src(%dma_wait3A_327 : memref<40xi32, #tpu.memory_space<hbm>>) dst(%arg8 : memref<40xi32, #tpu.memory_space<vmem>>)
      %add3A_328 = arith.constant 1 : i32
      %add3A_329 = arith.addi %add3A_320, %add3A_328 : i32
      %dma_start3A_330 = arith.constant 0 : i32
      %dma_start3A_331 = arith.constant 0 : i32
      %dma_start3A_332 = tpu.memref_slice %arg2[%dma_start3A_330, %dma_start3A_331] : memref<10000x128xf32, #tpu.memory_space<hbm>> -> memref<10000x128xf32, #tpu.memory_space<hbm>>
      tpu.enqueue_indirect_dma source(%dma_start3A_332 : memref<10000x128xf32, #tpu.memory_space<hbm>>) target(%arg12 : memref<40x128xf32, #tpu.memory_space<vmem>>) offsets(%arg8 : memref<40xi32, #tpu.memory_space<vmem>>) semaphore(%arg24 : memref<!tpu.dma_semaphore, #tpu.memory_space<semaphore_mem>>)
      %mul3A_333 = arith.constant 40 : i32
      %mul3A_334 = arith.muli %add3A_329, %mul3A_333 : i32
      %add3A_335 = arith.addi %mul3A_6, %mul3A_334 : i32
      %dma_start3A_336 = arith.constant 0 : i32
      %dma_start3A_337 = tpu.memref_slice %arg3[%add3A_335, %dma_start3A_336] : memref<160000x64xi32, #tpu.memory_space<hbm>> -> memref<40x64xi32, #tpu.memory_space<hbm>>
      %dma_start3A_338 = arith.constant 0 : i32
      %dma_start3A_339 = tpu.memref_slice %arg3[%add3A_335, %dma_start3A_338] : memref<160000x64xi32, #tpu.memory_space<hbm>> -> memref<40x64xi32, #tpu.memory_space<hbm>>
      tpu.enqueue_dma source(%dma_start3A_339 : memref<40x64xi32, #tpu.memory_space<hbm>>) target(%arg14 : memref<40x64xi32, #tpu.memory_space<vmem>>) target_semaphore(%arg26 : memref<!tpu.dma_semaphore, #tpu.memory_space<semaphore_mem>>)
      %mul3A_340 = arith.constant 40 : i32
      %mul3A_341 = arith.muli %add3A_329, %mul3A_340 : i32
      %add3A_342 = arith.addi %add3A_4, %mul3A_341 : i32
      %dma_start3A_343 = tpu.memref_slice %arg6[%add3A_342] : memref<320000xf32, #tpu.memory_space<hbm>> -> memref<40xf32, #tpu.memory_space<hbm>>
      %dma_start3A_344 = tpu.memref_slice %arg6[%add3A_342] : memref<320000xf32, #tpu.memory_space<hbm>> -> memref<40xf32, #tpu.memory_space<hbm>>
      tpu.enqueue_dma source(%dma_start3A_344 : memref<40xf32, #tpu.memory_space<hbm>>) target(%arg16 : memref<40xf32, #tpu.memory_space<vmem>>) target_semaphore(%arg30 : memref<!tpu.dma_semaphore, #tpu.memory_space<semaphore_mem>>)
      %add3A_345 = arith.constant 1 : i32
      %add3A_346 = arith.addi %add3A_320, %add3A_345 : i32
      %mul3A_347 = arith.constant 40 : i32
      %mul3A_348 = arith.muli %add3A_346, %mul3A_347 : i32
      %add3A_349 = arith.addi %add3A_4, %mul3A_348 : i32
      %dma_start3A_350 = tpu.memref_slice %arg5[%add3A_349] : memref<320000xi32, #tpu.memory_space<hbm>> -> memref<40xi32, #tpu.memory_space<hbm>>
      %dma_start3A_351 = tpu.memref_slice %arg5[%add3A_349] : memref<320000xi32, #tpu.memory_space<hbm>> -> memref<40xi32, #tpu.memory_space<hbm>>
      tpu.enqueue_dma source(%dma_start3A_351 : memref<40xi32, #tpu.memory_space<hbm>>) target(%arg10 : memref<40xi32, #tpu.memory_space<vmem>>) target_semaphore(%arg22 : memref<!tpu.dma_semaphore, #tpu.memory_space<semaphore_mem>>)
      %dma_wait3A_352 = arith.constant 0 : i32
      %dma_wait3A_353 = arith.constant 0 : i32
      %dma_wait3A_354 = tpu.memref_slice %arg2[%dma_wait3A_352, %dma_wait3A_353] : memref<10000x128xf32, #tpu.memory_space<hbm>> -> memref<10000x128xf32, #tpu.memory_space<hbm>>
      tpu.wait_indirect_dma semaphore(%arg25 : memref<!tpu.dma_semaphore, #tpu.memory_space<semaphore_mem>>) src(%dma_wait3A_354 : memref<10000x128xf32, #tpu.memory_space<hbm>>) dst(%arg13 : memref<40x128xf32, #tpu.memory_space<vmem>>)
      %dma_wait3A_355 = arith.constant 0 : i32
      %dma_wait3A_356 = arith.constant 0 : i32
      %dma_wait3A_357 = tpu.memref_slice %arg3[%dma_wait3A_355, %dma_wait3A_356] : memref<160000x64xi32, #tpu.memory_space<hbm>> -> memref<40x64xi32, #tpu.memory_space<hbm>>
      %dma_wait3A_358 = arith.constant 0 : i32
      %dma_wait3A_359 = arith.constant 0 : i32
      %dma_wait3A_360 = tpu.memref_slice %arg3[%dma_wait3A_358, %dma_wait3A_359] : memref<160000x64xi32, #tpu.memory_space<hbm>> -> memref<40x64xi32, #tpu.memory_space<hbm>>
      tpu.wait_dma2 semaphore(%arg27 : memref<!tpu.dma_semaphore, #tpu.memory_space<semaphore_mem>>) src(%dma_wait3A_360 : memref<40x64xi32, #tpu.memory_space<hbm>>) dst(%arg15 : memref<40x64xi32, #tpu.memory_space<vmem>>)
      %dma_wait3A_361 = arith.constant 0 : i32
      %dma_wait3A_362 = tpu.memref_slice %arg6[%dma_wait3A_361] : memref<320000xf32, #tpu.memory_space<hbm>> -> memref<40xf32, #tpu.memory_space<hbm>>
      %dma_wait3A_363 = arith.constant 0 : i32
      %dma_wait3A_364 = tpu.memref_slice %arg6[%dma_wait3A_363] : memref<320000xf32, #tpu.memory_space<hbm>> -> memref<40xf32, #tpu.memory_space<hbm>>
      tpu.wait_dma2 semaphore(%arg31 : memref<!tpu.dma_semaphore, #tpu.memory_space<semaphore_mem>>) src(%dma_wait3A_364 : memref<40xf32, #tpu.memory_space<hbm>>) dst(%arg17 : memref<40xf32, #tpu.memory_space<vmem>>)
      %add3A_365 = arith.constant 2 : i32
      %add3A_366 = arith.addi %add3A_320, %add3A_365 : i32
      %mul3A_367 = arith.constant 40 : i32
      %mul3A_368 = arith.muli %add3A_366, %mul3A_367 : i32
      %add3A_369 = arith.addi %add3A_4, %mul3A_368 : i32
      %dma_start3A_370 = tpu.memref_slice %arg4[%add3A_369] : memref<320000xi32, #tpu.memory_space<hbm>> -> memref<40xi32, #tpu.memory_space<hbm>>
      %dma_start3A_371 = tpu.memref_slice %arg4[%add3A_369] : memref<320000xi32, #tpu.memory_space<hbm>> -> memref<40xi32, #tpu.memory_space<hbm>>
      tpu.enqueue_dma source(%dma_start3A_371 : memref<40xi32, #tpu.memory_space<hbm>>) target(%arg9 : memref<40xi32, #tpu.memory_space<vmem>>) target_semaphore(%arg21 : memref<!tpu.dma_semaphore, #tpu.memory_space<semaphore_mem>>)
      %broadcast_in_dim3A_372 = arith.constant -65536 : i32
      %broadcast_in_dim3A_373 = vector.broadcast %broadcast_in_dim3A_372 : i32 to vector<16xi32>
      %scan3A_374 = arith.constant 0 : i32
      %scan3A_375 = arith.constant 40 : i32
      %scan3A_376 = arith.addi %scan3A_374, %scan3A_375 : i32
      %scan3A_377 = arith.constant 1 : i32
      scf.for %scan3A_453 = %scan3A_374 to %scan3A_376 step %scan3A_377  : i32 {
        %mul3A_454 = arith.constant 1 : i32
        %mul3A_455 = arith.muli %scan3A_453, %mul3A_454 : i32
        %add3A_456 = arith.constant 0 : i32
        %add3A_457 = arith.addi %add3A_456, %mul3A_455 : i32
        %broadcast_in_dim3A_458 = vector.broadcast %add3A_457 : i32 to vector<16xi32>
        %gather3A = tpu.vector_load_idx %arg17[%broadcast_in_dim3A_458] : memref<40xf32, #tpu.memory_space<vmem>>[vector<16xi32>], vector<16xf32>,
        %scan3A_459 = arith.constant 0 : i32
        %scan3A_460 = arith.constant 4 : i32
        %scan3A_461 = arith.addi %scan3A_459, %scan3A_460 : i32
        %scan3A_462 = arith.constant 1 : i32
        scf.for %scan3A_464 = %scan3A_459 to %scan3A_461 step %scan3A_462  : i32 {
          %mul3A_465 = arith.constant 16 : i32
          %mul3A_466 = arith.muli %scan3A_464, %mul3A_465 : i32
          %add3A_467 = arith.constant 0 : i32
          %add3A_468 = arith.addi %add3A_467, %mul3A_466 : i32
          %get3A = arith.index_cast %add3A_457 : i32 to index
          %get3A_469 = arith.index_cast %add3A_468 : i32 to index
          %get3A_470 = tpu.vector_load %arg15[%get3A, %get3A_469] {strides = array<i32>} : memref<40x64xi32, #tpu.memory_space<vmem>>, vector<16xi32>,
          %shift_left3A = arith.constant 16 : i32
          %shift_left3A_471 = vector.broadcast %shift_left3A : i32 to vector<16xi32>
          %shift_left3A_472 = arith.shli %get3A_470, %shift_left3A_471 : vector<16xi32>
          %bitcast3A = vector.bitcast %shift_left3A_472 : vector<16xi32> to vector<16xf32>
          %mul3A_473 = arith.mulf %bitcast3A, %gather3A : vector<16xf32>
          %and3A = arith.andi %get3A_470, %broadcast_in_dim3A_373 : vector<16xi32>
          %bitcast3A_474 = vector.bitcast %and3A : vector<16xi32> to vector<16xf32>
          %mul3A_475 = arith.mulf %bitcast3A_474, %gather3A : vector<16xf32>
          %get3A_476 = arith.index_cast %add3A_457 : i32 to index
          %get3A_477 = arith.index_cast %add3A_468 : i32 to index
          %get3A_478 = tpu.vector_load %arg13[%get3A_476, %get3A_477] {strides = array<i32>} : memref<40x128xf32, #tpu.memory_space<vmem>>, vector<16xf32>,
          %mul3A_479 = arith.mulf %get3A_478, %mul3A_473 : vector<16xf32>
          %swap3A = arith.index_cast %add3A_457 : i32 to index
          %swap3A_480 = arith.index_cast %add3A_468 : i32 to index
          %swap3A_481 = tpu.vector_load %arg13[%swap3A, %swap3A_480] {strides = array<i32>} : memref<40x128xf32, #tpu.memory_space<vmem>>, vector<16xf32>,
          tpu.vector_store %arg13[%swap3A, %swap3A_480], %mul3A_479 {strides = array<i32>} : memref<40x128xf32, #tpu.memory_space<vmem>>, vector<16xf32>,
          %add3A_482 = arith.constant 64 : i32
          %add3A_483 = arith.addi %add3A_468, %add3A_482 : i32
          %get3A_484 = arith.index_cast %add3A_457 : i32 to index
          %get3A_485 = arith.index_cast %add3A_483 : i32 to index
          %get3A_486 = tpu.vector_load %arg13[%get3A_484, %get3A_485] {strides = array<i32>} : memref<40x128xf32, #tpu.memory_space<vmem>>, vector<16xf32>,
          %mul3A_487 = arith.mulf %get3A_486, %mul3A_475 : vector<16xf32>
          %add3A_488 = arith.constant 64 : i32
          %add3A_489 = arith.addi %add3A_468, %add3A_488 : i32
          %swap3A_490 = arith.index_cast %add3A_457 : i32 to index
          %swap3A_491 = arith.index_cast %add3A_489 : i32 to index
          %swap3A_492 = tpu.vector_load %arg13[%swap3A_490, %swap3A_491] {strides = array<i32>} : memref<40x128xf32, #tpu.memory_space<vmem>>, vector<16xf32>,
          tpu.vector_store %arg13[%swap3A_490, %swap3A_491], %mul3A_487 {strides = array<i32>} : memref<40x128xf32, #tpu.memory_space<vmem>>, vector<16xf32>,
        }
        %scan3A_463 = arith.constant 4 : i32
      }
      %scan3A_378 = arith.constant 40 : i32
      %dma_wait3A_379 = arith.constant 0 : i32
      %dma_wait3A_380 = tpu.memref_slice %arg5[%dma_wait3A_379] : memref<320000xi32, #tpu.memory_space<hbm>> -> memref<40xi32, #tpu.memory_space<hbm>>
      %dma_wait3A_381 = arith.constant 0 : i32
      %dma_wait3A_382 = tpu.memref_slice %arg5[%dma_wait3A_381] : memref<320000xi32, #tpu.memory_space<hbm>> -> memref<40xi32, #tpu.memory_space<hbm>>
      tpu.wait_dma2 semaphore(%arg23 : memref<!tpu.dma_semaphore, #tpu.memory_space<semaphore_mem>>) src(%dma_wait3A_382 : memref<40xi32, #tpu.memory_space<hbm>>) dst(%arg11 : memref<40xi32, #tpu.memory_space<vmem>>)
      %dma_start3A_383 = arith.constant 0 : i32
      %dma_start3A_384 = arith.constant 0 : i32
      %dma_start3A_385 = tpu.memref_slice %arg19[%dma_start3A_383, %dma_start3A_384] : memref<10000x128xf32, #tpu.memory_space<vmem_shared>> -> memref<10000x128xf32, #tpu.memory_space<vmem_shared>>
      tpu.enqueue_indirect_dma source(%arg13 : memref<40x128xf32, #tpu.memory_space<vmem>>) target(%dma_start3A_385 : memref<10000x128xf32, #tpu.memory_space<vmem_shared>>) offsets(%arg11 : memref<40xi32, #tpu.memory_space<vmem>>) semaphore(%arg29 : memref<!tpu.dma_semaphore, #tpu.memory_space<semaphore_mem>>) {add = true}
      %add3A_386 = arith.constant 1 : i32
      %add3A_387 = arith.addi %add3A_320, %add3A_386 : i32
      %dma_wait3A_388 = arith.constant 0 : i32
      %dma_wait3A_389 = arith.constant 0 : i32
      %dma_wait3A_390 = tpu.memref_slice %arg19[%dma_wait3A_388, %dma_wait3A_389] : memref<10000x128xf32, #tpu.memory_space<vmem_shared>> -> memref<10000x128xf32, #tpu.memory_space<vmem_shared>>
      tpu.wait_indirect_dma semaphore(%arg29 : memref<!tpu.dma_semaphore, #tpu.memory_space<semaphore_mem>>) src(%arg13 : memref<40x128xf32, #tpu.memory_space<vmem>>) dst(%dma_wait3A_390 : memref<10000x128xf32, #tpu.memory_space<vmem_shared>>)
      %dma_wait3A_391 = arith.constant 0 : i32
      %dma_wait3A_392 = tpu.memref_slice %arg4[%dma_wait3A_391] : memref<320000xi32, #tpu.memory_space<hbm>> -> memref<40xi32, #tpu.memory_space<hbm>>
      %dma_wait3A_393 = arith.constant 0 : i32
      %dma_wait3A_394 = tpu.memref_slice %arg4[%dma_wait3A_393] : memref<320000xi32, #tpu.memory_space<hbm>> -> memref<40xi32, #tpu.memory_space<hbm>>
      tpu.wait_dma2 semaphore(%arg21 : memref<!tpu.dma_semaphore, #tpu.memory_space<semaphore_mem>>) src(%dma_wait3A_394 : memref<40xi32, #tpu.memory_space<hbm>>) dst(%arg9 : memref<40xi32, #tpu.memory_space<vmem>>)
      %add3A_395 = arith.constant 1 : i32
      %add3A_396 = arith.addi %add3A_387, %add3A_395 : i32
      %dma_start3A_397 = arith.constant 0 : i32
      %dma_start3A_398 = arith.constant 0 : i32
      %dma_start3A_399 = tpu.memref_slice %arg2[%dma_start3A_397, %dma_start3A_398] : memref<10000x128xf32, #tpu.memory_space<hbm>> -> memref<10000x128xf32, #tpu.memory_space<hbm>>
      tpu.enqueue_indirect_dma source(%dma_start3A_399 : memref<10000x128xf32, #tpu.memory_space<hbm>>) target(%arg13 : memref<40x128xf32, #tpu.memory_space<vmem>>) offsets(%arg9 : memref<40xi32, #tpu.memory_space<vmem>>) semaphore(%arg25 : memref<!tpu.dma_semaphore, #tpu.memory_space<semaphore_mem>>)
      %mul3A_400 = arith.constant 40 : i32
      %mul3A_401 = arith.muli %add3A_396, %mul3A_400 : i32
      %add3A_402 = arith.addi %mul3A_6, %mul3A_401 : i32
      %dma_start3A_403 = arith.constant 0 : i32
      %dma_start3A_404 = tpu.memref_slice %arg3[%add3A_402, %dma_start3A_403] : memref<160000x64xi32, #tpu.memory_space<hbm>> -> memref<40x64xi32, #tpu.memory_space<hbm>>
      %dma_start3A_405 = arith.constant 0 : i32
      %dma_start3A_406 = tpu.memref_slice %arg3[%add3A_402, %dma_start3A_405] : memref<160000x64xi32, #tpu.memory_space<hbm>> -> memref<40x64xi32, #tpu.memory_space<hbm>>
      tpu.enqueue_dma source(%dma_start3A_406 : memref<40x64xi32, #tpu.memory_space<hbm>>) target(%arg15 : memref<40x64xi32, #tpu.memory_space<vmem>>) target_semaphore(%arg27 : memref<!tpu.dma_semaphore, #tpu.memory_space<semaphore_mem>>)
      %mul3A_407 = arith.constant 40 : i32
      %mul3A_408 = arith.muli %add3A_396, %mul3A_407 : i32
      %add3A_409 = arith.addi %add3A_4, %mul3A_408 : i32
      %dma_start3A_410 = tpu.memref_slice %arg6[%add3A_409] : memref<320000xf32, #tpu.memory_space<hbm>> -> memref<40xf32, #tpu.memory_space<hbm>>
      %dma_start3A_411 = tpu.memref_slice %arg6[%add3A_409] : memref<320000xf32, #tpu.memory_space<hbm>> -> memref<40xf32, #tpu.memory_space<hbm>>
      tpu.enqueue_dma source(%dma_start3A_411 : memref<40xf32, #tpu.memory_space<hbm>>) target(%arg17 : memref<40xf32, #tpu.memory_space<vmem>>) target_semaphore(%arg31 : memref<!tpu.dma_semaphore, #tpu.memory_space<semaphore_mem>>)
      %add3A_412 = arith.constant 1 : i32
      %add3A_413 = arith.addi %add3A_387, %add3A_412 : i32
      %mul3A_414 = arith.constant 40 : i32
      %mul3A_415 = arith.muli %add3A_413, %mul3A_414 : i32
      %add3A_416 = arith.addi %add3A_4, %mul3A_415 : i32
      %dma_start3A_417 = tpu.memref_slice %arg5[%add3A_416] : memref<320000xi32, #tpu.memory_space<hbm>> -> memref<40xi32, #tpu.memory_space<hbm>>
      %dma_start3A_418 = tpu.memref_slice %arg5[%add3A_416] : memref<320000xi32, #tpu.memory_space<hbm>> -> memref<40xi32, #tpu.memory_space<hbm>>
      tpu.enqueue_dma source(%dma_start3A_418 : memref<40xi32, #tpu.memory_space<hbm>>) target(%arg11 : memref<40xi32, #tpu.memory_space<vmem>>) target_semaphore(%arg23 : memref<!tpu.dma_semaphore, #tpu.memory_space<semaphore_mem>>)
      %dma_wait3A_419 = arith.constant 0 : i32
      %dma_wait3A_420 = arith.constant 0 : i32
      %dma_wait3A_421 = tpu.memref_slice %arg2[%dma_wait3A_419, %dma_wait3A_420] : memref<10000x128xf32, #tpu.memory_space<hbm>> -> memref<10000x128xf32, #tpu.memory_space<hbm>>
      tpu.wait_indirect_dma semaphore(%arg24 : memref<!tpu.dma_semaphore, #tpu.memory_space<semaphore_mem>>) src(%dma_wait3A_421 : memref<10000x128xf32, #tpu.memory_space<hbm>>) dst(%arg12 : memref<40x128xf32, #tpu.memory_space<vmem>>)
      %dma_wait3A_422 = arith.constant 0 : i32
      %dma_wait3A_423 = arith.constant 0 : i32
      %dma_wait3A_424 = tpu.memref_slice %arg3[%dma_wait3A_422, %dma_wait3A_423] : memref<160000x64xi32, #tpu.memory_space<hbm>> -> memref<40x64xi32, #tpu.memory_space<hbm>>
      %dma_wait3A_425 = arith.constant 0 : i32
      %dma_wait3A_426 = arith.constant 0 : i32
      %dma_wait3A_427 = tpu.memref_slice %arg3[%dma_wait3A_425, %dma_wait3A_426] : memref<160000x64xi32, #tpu.memory_space<hbm>> -> memref<40x64xi32, #tpu.memory_space<hbm>>
      tpu.wait_dma2 semaphore(%arg26 : memref<!tpu.dma_semaphore, #tpu.memory_space<semaphore_mem>>) src(%dma_wait3A_427 : memref<40x64xi32, #tpu.memory_space<hbm>>) dst(%arg14 : memref<40x64xi32, #tpu.memory_space<vmem>>)
      %dma_wait3A_428 = arith.constant 0 : i32
      %dma_wait3A_429 = tpu.memref_slice %arg6[%dma_wait3A_428] : memref<320000xf32, #tpu.memory_space<hbm>> -> memref<40xf32, #tpu.memory_space<hbm>>
      %dma_wait3A_430 = arith.constant 0 : i32
      %dma_wait3A_431 = tpu.memref_slice %arg6[%dma_wait3A_430] : memref<320000xf32, #tpu.memory_space<hbm>> -> memref<40xf32, #tpu.memory_space<hbm>>
      tpu.wait_dma2 semaphore(%arg30 : memref<!tpu.dma_semaphore, #tpu.memory_space<semaphore_mem>>) src(%dma_wait3A_431 : memref<40xf32, #tpu.memory_space<hbm>>) dst(%arg16 : memref<40xf32, #tpu.memory_space<vmem>>)
      %add3A_432 = arith.constant 2 : i32
      %add3A_433 = arith.addi %add3A_387, %add3A_432 : i32
      %mul3A_434 = arith.constant 40 : i32
      %mul3A_435 = arith.muli %add3A_433, %mul3A_434 : i32
      %add3A_436 = arith.addi %add3A_4, %mul3A_435 : i32
      %dma_start3A_437 = tpu.memref_slice %arg4[%add3A_436] : memref<320000xi32, #tpu.memory_space<hbm>> -> memref<40xi32, #tpu.memory_space<hbm>>
      %dma_start3A_438 = tpu.memref_slice %arg4[%add3A_436] : memref<320000xi32, #tpu.memory_space<hbm>> -> memref<40xi32, #tpu.memory_space<hbm>>
      tpu.enqueue_dma source(%dma_start3A_438 : memref<40xi32, #tpu.memory_space<hbm>>) target(%arg8 : memref<40xi32, #tpu.memory_space<vmem>>) target_semaphore(%arg20 : memref<!tpu.dma_semaphore, #tpu.memory_space<semaphore_mem>>)
      %broadcast_in_dim3A_439 = arith.constant -65536 : i32
      %broadcast_in_dim3A_440 = vector.broadcast %broadcast_in_dim3A_439 : i32 to vector<16xi32>
      %scan3A_441 = arith.constant 0 : i32
      %scan3A_442 = arith.constant 40 : i32
      %scan3A_443 = arith.addi %scan3A_441, %scan3A_442 : i32
      %scan3A_444 = arith.constant 1 : i32
      scf.for %scan3A_453 = %scan3A_441 to %scan3A_443 step %scan3A_444  : i32 {
        %mul3A_454 = arith.constant 1 : i32
        %mul3A_455 = arith.muli %scan3A_453, %mul3A_454 : i32
        %add3A_456 = arith.constant 0 : i32
        %add3A_457 = arith.addi %add3A_456, %mul3A_455 : i32
        %broadcast_in_dim3A_458 = vector.broadcast %add3A_457 : i32 to vector<16xi32>
        %gather3A = tpu.vector_load_idx %arg16[%broadcast_in_dim3A_458] : memref<40xf32, #tpu.memory_space<vmem>>[vector<16xi32>], vector<16xf32>,
        %scan3A_459 = arith.constant 0 : i32
        %scan3A_460 = arith.constant 4 : i32
        %scan3A_461 = arith.addi %scan3A_459, %scan3A_460 : i32
        %scan3A_462 = arith.constant 1 : i32
        scf.for %scan3A_464 = %scan3A_459 to %scan3A_461 step %scan3A_462  : i32 {
          %mul3A_465 = arith.constant 16 : i32
          %mul3A_466 = arith.muli %scan3A_464, %mul3A_465 : i32
          %add3A_467 = arith.constant 0 : i32
          %add3A_468 = arith.addi %add3A_467, %mul3A_466 : i32
          %get3A = arith.index_cast %add3A_457 : i32 to index
          %get3A_469 = arith.index_cast %add3A_468 : i32 to index
          %get3A_470 = tpu.vector_load %arg14[%get3A, %get3A_469] {strides = array<i32>} : memref<40x64xi32, #tpu.memory_space<vmem>>, vector<16xi32>,
          %shift_left3A = arith.constant 16 : i32
          %shift_left3A_471 = vector.broadcast %shift_left3A : i32 to vector<16xi32>
          %shift_left3A_472 = arith.shli %get3A_470, %shift_left3A_471 : vector<16xi32>
          %bitcast3A = vector.bitcast %shift_left3A_472 : vector<16xi32> to vector<16xf32>
          %mul3A_473 = arith.mulf %bitcast3A, %gather3A : vector<16xf32>
          %and3A = arith.andi %get3A_470, %broadcast_in_dim3A_440 : vector<16xi32>
          %bitcast3A_474 = vector.bitcast %and3A : vector<16xi32> to vector<16xf32>
          %mul3A_475 = arith.mulf %bitcast3A_474, %gather3A : vector<16xf32>
          %get3A_476 = arith.index_cast %add3A_457 : i32 to index
          %get3A_477 = arith.index_cast %add3A_468 : i32 to index
          %get3A_478 = tpu.vector_load %arg12[%get3A_476, %get3A_477] {strides = array<i32>} : memref<40x128xf32, #tpu.memory_space<vmem>>, vector<16xf32>,
          %mul3A_479 = arith.mulf %get3A_478, %mul3A_473 : vector<16xf32>
          %swap3A = arith.index_cast %add3A_457 : i32 to index
          %swap3A_480 = arith.index_cast %add3A_468 : i32 to index
          %swap3A_481 = tpu.vector_load %arg12[%swap3A, %swap3A_480] {strides = array<i32>} : memref<40x128xf32, #tpu.memory_space<vmem>>, vector<16xf32>,
          tpu.vector_store %arg12[%swap3A, %swap3A_480], %mul3A_479 {strides = array<i32>} : memref<40x128xf32, #tpu.memory_space<vmem>>, vector<16xf32>,
          %add3A_482 = arith.constant 64 : i32
          %add3A_483 = arith.addi %add3A_468, %add3A_482 : i32
          %get3A_484 = arith.index_cast %add3A_457 : i32 to index
          %get3A_485 = arith.index_cast %add3A_483 : i32 to index
          %get3A_486 = tpu.vector_load %arg12[%get3A_484, %get3A_485] {strides = array<i32>} : memref<40x128xf32, #tpu.memory_space<vmem>>, vector<16xf32>,
          %mul3A_487 = arith.mulf %get3A_486, %mul3A_475 : vector<16xf32>
          %add3A_488 = arith.constant 64 : i32
          %add3A_489 = arith.addi %add3A_468, %add3A_488 : i32
          %swap3A_490 = arith.index_cast %add3A_457 : i32 to index
          %swap3A_491 = arith.index_cast %add3A_489 : i32 to index
          %swap3A_492 = tpu.vector_load %arg12[%swap3A_490, %swap3A_491] {strides = array<i32>} : memref<40x128xf32, #tpu.memory_space<vmem>>, vector<16xf32>,
          tpu.vector_store %arg12[%swap3A_490, %swap3A_491], %mul3A_487 {strides = array<i32>} : memref<40x128xf32, #tpu.memory_space<vmem>>, vector<16xf32>,
        }
        %scan3A_463 = arith.constant 4 : i32
      }
      %scan3A_445 = arith.constant 40 : i32
      %dma_wait3A_446 = arith.constant 0 : i32
      %dma_wait3A_447 = tpu.memref_slice %arg5[%dma_wait3A_446] : memref<320000xi32, #tpu.memory_space<hbm>> -> memref<40xi32, #tpu.memory_space<hbm>>
      %dma_wait3A_448 = arith.constant 0 : i32
      %dma_wait3A_449 = tpu.memref_slice %arg5[%dma_wait3A_448] : memref<320000xi32, #tpu.memory_space<hbm>> -> memref<40xi32, #tpu.memory_space<hbm>>
      tpu.wait_dma2 semaphore(%arg22 : memref<!tpu.dma_semaphore, #tpu.memory_space<semaphore_mem>>) src(%dma_wait3A_449 : memref<40xi32, #tpu.memory_space<hbm>>) dst(%arg10 : memref<40xi32, #tpu.memory_space<vmem>>)
      %dma_start3A_450 = arith.constant 0 : i32
      %dma_start3A_451 = arith.constant 0 : i32
      %dma_start3A_452 = tpu.memref_slice %arg19[%dma_start3A_450, %dma_start3A_451] : memref<10000x128xf32, #tpu.memory_space<vmem_shared>> -> memref<10000x128xf32, #tpu.memory_space<vmem_shared>>
      tpu.enqueue_indirect_dma source(%arg12 : memref<40x128xf32, #tpu.memory_space<vmem>>) target(%dma_start3A_452 : memref<10000x128xf32, #tpu.memory_space<vmem_shared>>) offsets(%arg10 : memref<40xi32, #tpu.memory_space<vmem>>) semaphore(%arg28 : memref<!tpu.dma_semaphore, #tpu.memory_space<semaphore_mem>>) {add = true}
    }
    %scan3A_217 = arith.constant 60 : i32
    %dma_wait3A_218 = arith.constant 0 : i32
    %dma_wait3A_219 = arith.constant 0 : i32
    %dma_wait3A_220 = tpu.memref_slice %arg19[%dma_wait3A_218, %dma_wait3A_219] : memref<10000x128xf32, #tpu.memory_space<vmem_shared>> -> memref<10000x128xf32, #tpu.memory_space<vmem_shared>>
    tpu.wait_indirect_dma semaphore(%arg28 : memref<!tpu.dma_semaphore, #tpu.memory_space<semaphore_mem>>) src(%arg12 : memref<40x128xf32, #tpu.memory_space<vmem>>) dst(%dma_wait3A_220 : memref<10000x128xf32, #tpu.memory_space<vmem_shared>>)
    %dma_wait3A_221 = arith.constant 0 : i32
    %dma_wait3A_222 = tpu.memref_slice %arg4[%dma_wait3A_221] : memref<320000xi32, #tpu.memory_space<hbm>> -> memref<40xi32, #tpu.memory_space<hbm>>
    %dma_wait3A_223 = arith.constant 0 : i32
    %dma_wait3A_224 = tpu.memref_slice %arg4[%dma_wait3A_223] : memref<320000xi32, #tpu.memory_space<hbm>> -> memref<40xi32, #tpu.memory_space<hbm>>
    tpu.wait_dma2 semaphore(%arg20 : memref<!tpu.dma_semaphore, #tpu.memory_space<semaphore_mem>>) src(%dma_wait3A_224 : memref<40xi32, #tpu.memory_space<hbm>>) dst(%arg8 : memref<40xi32, #tpu.memory_space<vmem>>)
    %dma_start3A_225 = arith.constant 0 : i32
    %dma_start3A_226 = arith.constant 0 : i32
    %dma_start3A_227 = tpu.memref_slice %arg2[%dma_start3A_225, %dma_start3A_226] : memref<10000x128xf32, #tpu.memory_space<hbm>> -> memref<10000x128xf32, #tpu.memory_space<hbm>>
    tpu.enqueue_indirect_dma source(%dma_start3A_227 : memref<10000x128xf32, #tpu.memory_space<hbm>>) target(%arg12 : memref<40x128xf32, #tpu.memory_space<vmem>>) offsets(%arg8 : memref<40xi32, #tpu.memory_space<vmem>>) semaphore(%arg24 : memref<!tpu.dma_semaphore, #tpu.memory_space<semaphore_mem>>)
    %add3A_228 = arith.constant 4960 : i32
    %add3A_229 = arith.addi %mul3A_6, %add3A_228 : i32
    %dma_start3A_230 = arith.constant 0 : i32
    %dma_start3A_231 = tpu.memref_slice %arg3[%add3A_229, %dma_start3A_230] : memref<160000x64xi32, #tpu.memory_space<hbm>> -> memref<40x64xi32, #tpu.memory_space<hbm>>
    %dma_start3A_232 = arith.constant 0 : i32
    %dma_start3A_233 = tpu.memref_slice %arg3[%add3A_229, %dma_start3A_232] : memref<160000x64xi32, #tpu.memory_space<hbm>> -> memref<40x64xi32, #tpu.memory_space<hbm>>
    tpu.enqueue_dma source(%dma_start3A_233 : memref<40x64xi32, #tpu.memory_space<hbm>>) target(%arg14 : memref<40x64xi32, #tpu.memory_space<vmem>>) target_semaphore(%arg26 : memref<!tpu.dma_semaphore, #tpu.memory_space<semaphore_mem>>)
    %add3A_234 = arith.constant 4960 : i32
    %add3A_235 = arith.addi %add3A_4, %add3A_234 : i32
    %dma_start3A_236 = tpu.memref_slice %arg6[%add3A_235] : memref<320000xf32, #tpu.memory_space<hbm>> -> memref<40xf32, #tpu.memory_space<hbm>>
    %dma_start3A_237 = tpu.memref_slice %arg6[%add3A_235] : memref<320000xf32, #tpu.memory_space<hbm>> -> memref<40xf32, #tpu.memory_space<hbm>>
    tpu.enqueue_dma source(%dma_start3A_237 : memref<40xf32, #tpu.memory_space<hbm>>) target(%arg16 : memref<40xf32, #tpu.memory_space<vmem>>) target_semaphore(%arg30 : memref<!tpu.dma_semaphore, #tpu.memory_space<semaphore_mem>>)
    %add3A_238 = arith.constant 4960 : i32
    %add3A_239 = arith.addi %add3A_4, %add3A_238 : i32
    %dma_start3A_240 = tpu.memref_slice %arg5[%add3A_239] : memref<320000xi32, #tpu.memory_space<hbm>> -> memref<40xi32, #tpu.memory_space<hbm>>
    %dma_start3A_241 = tpu.memref_slice %arg5[%add3A_239] : memref<320000xi32, #tpu.memory_space<hbm>> -> memref<40xi32, #tpu.memory_space<hbm>>
    tpu.enqueue_dma source(%dma_start3A_241 : memref<40xi32, #tpu.memory_space<hbm>>) target(%arg10 : memref<40xi32, #tpu.memory_space<vmem>>) target_semaphore(%arg22 : memref<!tpu.dma_semaphore, #tpu.memory_space<semaphore_mem>>)
    %dma_wait3A_242 = arith.constant 0 : i32
    %dma_wait3A_243 = arith.constant 0 : i32
    %dma_wait3A_244 = tpu.memref_slice %arg2[%dma_wait3A_242, %dma_wait3A_243] : memref<10000x128xf32, #tpu.memory_space<hbm>> -> memref<10000x128xf32, #tpu.memory_space<hbm>>
    tpu.wait_indirect_dma semaphore(%arg25 : memref<!tpu.dma_semaphore, #tpu.memory_space<semaphore_mem>>) src(%dma_wait3A_244 : memref<10000x128xf32, #tpu.memory_space<hbm>>) dst(%arg13 : memref<40x128xf32, #tpu.memory_space<vmem>>)
    %dma_wait3A_245 = arith.constant 0 : i32
    %dma_wait3A_246 = arith.constant 0 : i32
    %dma_wait3A_247 = tpu.memref_slice %arg3[%dma_wait3A_245, %dma_wait3A_246] : memref<160000x64xi32, #tpu.memory_space<hbm>> -> memref<40x64xi32, #tpu.memory_space<hbm>>
    %dma_wait3A_248 = arith.constant 0 : i32
    %dma_wait3A_249 = arith.constant 0 : i32
    %dma_wait3A_250 = tpu.memref_slice %arg3[%dma_wait3A_248, %dma_wait3A_249] : memref<160000x64xi32, #tpu.memory_space<hbm>> -> memref<40x64xi32, #tpu.memory_space<hbm>>
    tpu.wait_dma2 semaphore(%arg27 : memref<!tpu.dma_semaphore, #tpu.memory_space<semaphore_mem>>) src(%dma_wait3A_250 : memref<40x64xi32, #tpu.memory_space<hbm>>) dst(%arg15 : memref<40x64xi32, #tpu.memory_space<vmem>>)
    %dma_wait3A_251 = arith.constant 0 : i32
    %dma_wait3A_252 = tpu.memref_slice %arg6[%dma_wait3A_251] : memref<320000xf32, #tpu.memory_space<hbm>> -> memref<40xf32, #tpu.memory_space<hbm>>
    %dma_wait3A_253 = arith.constant 0 : i32
    %dma_wait3A_254 = tpu.memref_slice %arg6[%dma_wait3A_253] : memref<320000xf32, #tpu.memory_space<hbm>> -> memref<40xf32, #tpu.memory_space<hbm>>
    tpu.wait_dma2 semaphore(%arg31 : memref<!tpu.dma_semaphore, #tpu.memory_space<semaphore_mem>>) src(%dma_wait3A_254 : memref<40xf32, #tpu.memory_space<hbm>>) dst(%arg17 : memref<40xf32, #tpu.memory_space<vmem>>)
    %broadcast_in_dim3A_255 = arith.constant -65536 : i32
    %broadcast_in_dim3A_256 = vector.broadcast %broadcast_in_dim3A_255 : i32 to vector<16xi32>
    %scan3A_257 = arith.constant 0 : i32
    %scan3A_258 = arith.constant 40 : i32
    %scan3A_259 = arith.addi %scan3A_257, %scan3A_258 : i32
    %scan3A_260 = arith.constant 1 : i32
    scf.for %scan3A_312 = %scan3A_257 to %scan3A_259 step %scan3A_260  : i32 {
      %mul3A_313 = arith.constant 1 : i32
      %mul3A_314 = arith.muli %scan3A_312, %mul3A_313 : i32
      %add3A_315 = arith.constant 0 : i32
      %add3A_316 = arith.addi %add3A_315, %mul3A_314 : i32
      %broadcast_in_dim3A_317 = vector.broadcast %add3A_316 : i32 to vector<16xi32>
      %gather3A = tpu.vector_load_idx %arg17[%broadcast_in_dim3A_317] : memref<40xf32, #tpu.memory_space<vmem>>[vector<16xi32>], vector<16xf32>,
      %scan3A_318 = arith.constant 0 : i32
      %scan3A_319 = arith.constant 4 : i32
      %scan3A_320 = arith.addi %scan3A_318, %scan3A_319 : i32
      %scan3A_321 = arith.constant 1 : i32
      scf.for %scan3A_323 = %scan3A_318 to %scan3A_320 step %scan3A_321  : i32 {
        %mul3A_324 = arith.constant 16 : i32
        %mul3A_325 = arith.muli %scan3A_323, %mul3A_324 : i32
        %add3A_326 = arith.constant 0 : i32
        %add3A_327 = arith.addi %add3A_326, %mul3A_325 : i32
        %get3A = arith.index_cast %add3A_316 : i32 to index
        %get3A_328 = arith.index_cast %add3A_327 : i32 to index
        %get3A_329 = tpu.vector_load %arg15[%get3A, %get3A_328] {strides = array<i32>} : memref<40x64xi32, #tpu.memory_space<vmem>>, vector<16xi32>,
        %shift_left3A = arith.constant 16 : i32
        %shift_left3A_330 = vector.broadcast %shift_left3A : i32 to vector<16xi32>
        %shift_left3A_331 = arith.shli %get3A_329, %shift_left3A_330 : vector<16xi32>
        %bitcast3A = vector.bitcast %shift_left3A_331 : vector<16xi32> to vector<16xf32>
        %mul3A_332 = arith.mulf %bitcast3A, %gather3A : vector<16xf32>
        %and3A = arith.andi %get3A_329, %broadcast_in_dim3A_256 : vector<16xi32>
        %bitcast3A_333 = vector.bitcast %and3A : vector<16xi32> to vector<16xf32>
        %mul3A_334 = arith.mulf %bitcast3A_333, %gather3A : vector<16xf32>
        %get3A_335 = arith.index_cast %add3A_316 : i32 to index
        %get3A_336 = arith.index_cast %add3A_327 : i32 to index
        %get3A_337 = tpu.vector_load %arg13[%get3A_335, %get3A_336] {strides = array<i32>} : memref<40x128xf32, #tpu.memory_space<vmem>>, vector<16xf32>,
        %mul3A_338 = arith.mulf %get3A_337, %mul3A_332 : vector<16xf32>
        %swap3A = arith.index_cast %add3A_316 : i32 to index
        %swap3A_339 = arith.index_cast %add3A_327 : i32 to index
        %swap3A_340 = tpu.vector_load %arg13[%swap3A, %swap3A_339] {strides = array<i32>} : memref<40x128xf32, #tpu.memory_space<vmem>>, vector<16xf32>,
        tpu.vector_store %arg13[%swap3A, %swap3A_339], %mul3A_338 {strides = array<i32>} : memref<40x128xf32, #tpu.memory_space<vmem>>, vector<16xf32>,
        %add3A_341 = arith.constant 64 : i32
        %add3A_342 = arith.addi %add3A_327, %add3A_341 : i32
        %get3A_343 = arith.index_cast %add3A_316 : i32 to index
        %get3A_344 = arith.index_cast %add3A_342 : i32 to index
        %get3A_345 = tpu.vector_load %arg13[%get3A_343, %get3A_344] {strides = array<i32>} : memref<40x128xf32, #tpu.memory_space<vmem>>, vector<16xf32>,
        %mul3A_346 = arith.mulf %get3A_345, %mul3A_334 : vector<16xf32>
        %add3A_347 = arith.constant 64 : i32
        %add3A_348 = arith.addi %add3A_327, %add3A_347 : i32
        %swap3A_349 = arith.index_cast %add3A_316 : i32 to index
        %swap3A_350 = arith.index_cast %add3A_348 : i32 to index
        %swap3A_351 = tpu.vector_load %arg13[%swap3A_349, %swap3A_350] {strides = array<i32>} : memref<40x128xf32, #tpu.memory_space<vmem>>, vector<16xf32>,
        tpu.vector_store %arg13[%swap3A_349, %swap3A_350], %mul3A_346 {strides = array<i32>} : memref<40x128xf32, #tpu.memory_space<vmem>>, vector<16xf32>,
      }
      %scan3A_322 = arith.constant 4 : i32
    }
    %scan3A_261 = arith.constant 40 : i32
    %dma_wait3A_262 = arith.constant 0 : i32
    %dma_wait3A_263 = tpu.memref_slice %arg5[%dma_wait3A_262] : memref<320000xi32, #tpu.memory_space<hbm>> -> memref<40xi32, #tpu.memory_space<hbm>>
    %dma_wait3A_264 = arith.constant 0 : i32
    %dma_wait3A_265 = tpu.memref_slice %arg5[%dma_wait3A_264] : memref<320000xi32, #tpu.memory_space<hbm>> -> memref<40xi32, #tpu.memory_space<hbm>>
    tpu.wait_dma2 semaphore(%arg23 : memref<!tpu.dma_semaphore, #tpu.memory_space<semaphore_mem>>) src(%dma_wait3A_265 : memref<40xi32, #tpu.memory_space<hbm>>) dst(%arg11 : memref<40xi32, #tpu.memory_space<vmem>>)
    %dma_start3A_266 = arith.constant 0 : i32
    %dma_start3A_267 = arith.constant 0 : i32
    %dma_start3A_268 = tpu.memref_slice %arg19[%dma_start3A_266, %dma_start3A_267] : memref<10000x128xf32, #tpu.memory_space<vmem_shared>> -> memref<10000x128xf32, #tpu.memory_space<vmem_shared>>
    tpu.enqueue_indirect_dma source(%arg13 : memref<40x128xf32, #tpu.memory_space<vmem>>) target(%dma_start3A_268 : memref<10000x128xf32, #tpu.memory_space<vmem_shared>>) offsets(%arg11 : memref<40xi32, #tpu.memory_space<vmem>>) semaphore(%arg29 : memref<!tpu.dma_semaphore, #tpu.memory_space<semaphore_mem>>) {add = true}
    %dma_wait3A_269 = arith.constant 0 : i32
    %dma_wait3A_270 = arith.constant 0 : i32
    %dma_wait3A_271 = tpu.memref_slice %arg19[%dma_wait3A_269, %dma_wait3A_270] : memref<10000x128xf32, #tpu.memory_space<vmem_shared>> -> memref<10000x128xf32, #tpu.memory_space<vmem_shared>>
    tpu.wait_indirect_dma semaphore(%arg29 : memref<!tpu.dma_semaphore, #tpu.memory_space<semaphore_mem>>) src(%arg13 : memref<40x128xf32, #tpu.memory_space<vmem>>) dst(%dma_wait3A_271 : memref<10000x128xf32, #tpu.memory_space<vmem_shared>>)
    %dma_wait3A_272 = arith.constant 0 : i32
    %dma_wait3A_273 = arith.constant 0 : i32
    %dma_wait3A_274 = tpu.memref_slice %arg2[%dma_wait3A_272, %dma_wait3A_273] : memref<10000x128xf32, #tpu.memory_space<hbm>> -> memref<10000x128xf32, #tpu.memory_space<hbm>>
    tpu.wait_indirect_dma semaphore(%arg24 : memref<!tpu.dma_semaphore, #tpu.memory_space<semaphore_mem>>) src(%dma_wait3A_274 : memref<10000x128xf32, #tpu.memory_space<hbm>>) dst(%arg12 : memref<40x128xf32, #tpu.memory_space<vmem>>)
    %dma_wait3A_275 = arith.constant 0 : i32
    %dma_wait3A_276 = arith.constant 0 : i32
    %dma_wait3A_277 = tpu.memref_slice %arg3[%dma_wait3A_275, %dma_wait3A_276] : memref<160000x64xi32, #tpu.memory_space<hbm>> -> memref<40x64xi32, #tpu.memory_space<hbm>>
    %dma_wait3A_278 = arith.constant 0 : i32
    %dma_wait3A_279 = arith.constant 0 : i32
    %dma_wait3A_280 = tpu.memref_slice %arg3[%dma_wait3A_278, %dma_wait3A_279] : memref<160000x64xi32, #tpu.memory_space<hbm>> -> memref<40x64xi32, #tpu.memory_space<hbm>>
    tpu.wait_dma2 semaphore(%arg26 : memref<!tpu.dma_semaphore, #tpu.memory_space<semaphore_mem>>) src(%dma_wait3A_280 : memref<40x64xi32, #tpu.memory_space<hbm>>) dst(%arg14 : memref<40x64xi32, #tpu.memory_space<vmem>>)
    %dma_wait3A_281 = arith.constant 0 : i32
    %dma_wait3A_282 = tpu.memref_slice %arg6[%dma_wait3A_281] : memref<320000xf32, #tpu.memory_space<hbm>> -> memref<40xf32, #tpu.memory_space<hbm>>
    %dma_wait3A_283 = arith.constant 0 : i32
    %dma_wait3A_284 = tpu.memref_slice %arg6[%dma_wait3A_283] : memref<320000xf32, #tpu.memory_space<hbm>> -> memref<40xf32, #tpu.memory_space<hbm>>
    tpu.wait_dma2 semaphore(%arg30 : memref<!tpu.dma_semaphore, #tpu.memory_space<semaphore_mem>>) src(%dma_wait3A_284 : memref<40xf32, #tpu.memory_space<hbm>>) dst(%arg16 : memref<40xf32, #tpu.memory_space<vmem>>)
    %broadcast_in_dim3A_285 = arith.constant -65536 : i32
    %broadcast_in_dim3A_286 = vector.broadcast %broadcast_in_dim3A_285 : i32 to vector<16xi32>
    %scan3A_287 = arith.constant 0 : i32
    %scan3A_288 = arith.constant 40 : i32
    %scan3A_289 = arith.addi %scan3A_287, %scan3A_288 : i32
    %scan3A_290 = arith.constant 1 : i32
    scf.for %scan3A_312 = %scan3A_287 to %scan3A_289 step %scan3A_290  : i32 {
      %mul3A_313 = arith.constant 1 : i32
      %mul3A_314 = arith.muli %scan3A_312, %mul3A_313 : i32
      %add3A_315 = arith.constant 0 : i32
      %add3A_316 = arith.addi %add3A_315, %mul3A_314 : i32
      %broadcast_in_dim3A_317 = vector.broadcast %add3A_316 : i32 to vector<16xi32>
      %gather3A = tpu.vector_load_idx %arg16[%broadcast_in_dim3A_317] : memref<40xf32, #tpu.memory_space<vmem>>[vector<16xi32>], vector<16xf32>,
      %scan3A_318 = arith.constant 0 : i32
      %scan3A_319 = arith.constant 4 : i32
      %scan3A_320 = arith.addi %scan3A_318, %scan3A_319 : i32
      %scan3A_321 = arith.constant 1 : i32
      scf.for %scan3A_323 = %scan3A_318 to %scan3A_320 step %scan3A_321  : i32 {
        %mul3A_324 = arith.constant 16 : i32
        %mul3A_325 = arith.muli %scan3A_323, %mul3A_324 : i32
        %add3A_326 = arith.constant 0 : i32
        %add3A_327 = arith.addi %add3A_326, %mul3A_325 : i32
        %get3A = arith.index_cast %add3A_316 : i32 to index
        %get3A_328 = arith.index_cast %add3A_327 : i32 to index
        %get3A_329 = tpu.vector_load %arg14[%get3A, %get3A_328] {strides = array<i32>} : memref<40x64xi32, #tpu.memory_space<vmem>>, vector<16xi32>,
        %shift_left3A = arith.constant 16 : i32
        %shift_left3A_330 = vector.broadcast %shift_left3A : i32 to vector<16xi32>
        %shift_left3A_331 = arith.shli %get3A_329, %shift_left3A_330 : vector<16xi32>
        %bitcast3A = vector.bitcast %shift_left3A_331 : vector<16xi32> to vector<16xf32>
        %mul3A_332 = arith.mulf %bitcast3A, %gather3A : vector<16xf32>
        %and3A = arith.andi %get3A_329, %broadcast_in_dim3A_286 : vector<16xi32>
        %bitcast3A_333 = vector.bitcast %and3A : vector<16xi32> to vector<16xf32>
        %mul3A_334 = arith.mulf %bitcast3A_333, %gather3A : vector<16xf32>
        %get3A_335 = arith.index_cast %add3A_316 : i32 to index
        %get3A_336 = arith.index_cast %add3A_327 : i32 to index
        %get3A_337 = tpu.vector_load %arg12[%get3A_335, %get3A_336] {strides = array<i32>} : memref<40x128xf32, #tpu.memory_space<vmem>>, vector<16xf32>,
        %mul3A_338 = arith.mulf %get3A_337, %mul3A_332 : vector<16xf32>
        %swap3A = arith.index_cast %add3A_316 : i32 to index
        %swap3A_339 = arith.index_cast %add3A_327 : i32 to index
        %swap3A_340 = tpu.vector_load %arg12[%swap3A, %swap3A_339] {strides = array<i32>} : memref<40x128xf32, #tpu.memory_space<vmem>>, vector<16xf32>,
        tpu.vector_store %arg12[%swap3A, %swap3A_339], %mul3A_338 {strides = array<i32>} : memref<40x128xf32, #tpu.memory_space<vmem>>, vector<16xf32>,
        %add3A_341 = arith.constant 64 : i32
        %add3A_342 = arith.addi %add3A_327, %add3A_341 : i32
        %get3A_343 = arith.index_cast %add3A_316 : i32 to index
        %get3A_344 = arith.index_cast %add3A_342 : i32 to index
        %get3A_345 = tpu.vector_load %arg12[%get3A_343, %get3A_344] {strides = array<i32>} : memref<40x128xf32, #tpu.memory_space<vmem>>, vector<16xf32>,
        %mul3A_346 = arith.mulf %get3A_345, %mul3A_334 : vector<16xf32>
        %add3A_347 = arith.constant 64 : i32
        %add3A_348 = arith.addi %add3A_327, %add3A_347 : i32
        %swap3A_349 = arith.index_cast %add3A_316 : i32 to index
        %swap3A_350 = arith.index_cast %add3A_348 : i32 to index
        %swap3A_351 = tpu.vector_load %arg12[%swap3A_349, %swap3A_350] {strides = array<i32>} : memref<40x128xf32, #tpu.memory_space<vmem>>, vector<16xf32>,
        tpu.vector_store %arg12[%swap3A_349, %swap3A_350], %mul3A_346 {strides = array<i32>} : memref<40x128xf32, #tpu.memory_space<vmem>>, vector<16xf32>,
      }
      %scan3A_322 = arith.constant 4 : i32
    }
    %scan3A_291 = arith.constant 40 : i32
    %dma_wait3A_292 = arith.constant 0 : i32
    %dma_wait3A_293 = tpu.memref_slice %arg5[%dma_wait3A_292] : memref<320000xi32, #tpu.memory_space<hbm>> -> memref<40xi32, #tpu.memory_space<hbm>>
    %dma_wait3A_294 = arith.constant 0 : i32
    %dma_wait3A_295 = tpu.memref_slice %arg5[%dma_wait3A_294] : memref<320000xi32, #tpu.memory_space<hbm>> -> memref<40xi32, #tpu.memory_space<hbm>>
    tpu.wait_dma2 semaphore(%arg22 : memref<!tpu.dma_semaphore, #tpu.memory_space<semaphore_mem>>) src(%dma_wait3A_295 : memref<40xi32, #tpu.memory_space<hbm>>) dst(%arg10 : memref<40xi32, #tpu.memory_space<vmem>>)
    %dma_start3A_296 = arith.constant 0 : i32
    %dma_start3A_297 = arith.constant 0 : i32
    %dma_start3A_298 = tpu.memref_slice %arg19[%dma_start3A_296, %dma_start3A_297] : memref<10000x128xf32, #tpu.memory_space<vmem_shared>> -> memref<10000x128xf32, #tpu.memory_space<vmem_shared>>
    tpu.enqueue_indirect_dma source(%arg12 : memref<40x128xf32, #tpu.memory_space<vmem>>) target(%dma_start3A_298 : memref<10000x128xf32, #tpu.memory_space<vmem_shared>>) offsets(%arg10 : memref<40xi32, #tpu.memory_space<vmem>>) semaphore(%arg28 : memref<!tpu.dma_semaphore, #tpu.memory_space<semaphore_mem>>) {add = true}
    %dma_wait3A_299 = arith.constant 0 : i32
    %dma_wait3A_300 = arith.constant 0 : i32
    %dma_wait3A_301 = tpu.memref_slice %arg19[%dma_wait3A_299, %dma_wait3A_300] : memref<10000x128xf32, #tpu.memory_space<vmem_shared>> -> memref<10000x128xf32, #tpu.memory_space<vmem_shared>>
    tpu.wait_indirect_dma semaphore(%arg28 : memref<!tpu.dma_semaphore, #tpu.memory_space<semaphore_mem>>) src(%arg12 : memref<40x128xf32, #tpu.memory_space<vmem>>) dst(%dma_wait3A_301 : memref<10000x128xf32, #tpu.memory_space<vmem_shared>>)
    %barrier3A_302 = arith.constant 0 : index
    tpu.barrier barrier_id(%barrier3A_302)
    %lt3A = arith.constant 15 : i32
    %lt3A_303 = arith.cmpi slt, %arg1, %lt3A : i32
    %convert_element_type3A_304 = arith.extui %lt3A_303 : i1 to i32
    %cond3A_305 = arith.constant 0 : i32
    %cond3A_306 = arith.cmpi ne, %convert_element_type3A_304, %cond3A_305 : i32
    scf.if %cond3A_306 {
      %mul3A_312 = arith.constant 10000 : i32
      %mul3A_313 = arith.muli %arg0, %mul3A_312 : i32
      %add3A_314 = arith.addi %mul3A_313, %mul3A_12 : i32
      "tpu.region"() ({
        %run_scoped3A = tpu.sem_alloc : memref<!tpu.dma_semaphore, #tpu.memory_space<semaphore_mem>>
        %dma_start3A_315 = arith.constant 0 : i32
        %dma_start3A_316 = tpu.memref_slice %arg7[%add3A_314, %dma_start3A_315] : memref<20000x128xf32, #tpu.memory_space<hbm>> -> memref<624x128xf32, #tpu.memory_space<hbm>>
        %dma_start3A_317 = arith.constant 0 : i32
        %dma_start3A_318 = tpu.memref_slice %arg19[%mul3A_12, %dma_start3A_317] : memref<10000x128xf32, #tpu.memory_space<vmem_shared>> -> memref<624x128xf32, #tpu.memory_space<vmem_shared>>
        tpu.enqueue_dma source(%dma_start3A_318 : memref<624x128xf32, #tpu.memory_space<vmem_shared>>) target(%dma_start3A_316 : memref<624x128xf32, #tpu.memory_space<hbm>>) target_semaphore(%run_scoped3A : memref<!tpu.dma_semaphore, #tpu.memory_space<semaphore_mem>>)
        %dma_wait3A_319 = arith.constant 0 : i32
        %dma_wait3A_320 = tpu.memref_slice %arg7[%add3A_314, %dma_wait3A_319] : memref<20000x128xf32, #tpu.memory_space<hbm>> -> memref<624x128xf32, #tpu.memory_space<hbm>>
        %dma_wait3A_321 = arith.constant 0 : i32
        %dma_wait3A_322 = tpu.memref_slice %arg19[%mul3A_12, %dma_wait3A_321] : memref<10000x128xf32, #tpu.memory_space<vmem_shared>> -> memref<624x128xf32, #tpu.memory_space<vmem_shared>>
        tpu.wait_dma2 semaphore(%run_scoped3A : memref<!tpu.dma_semaphore, #tpu.memory_space<semaphore_mem>>) src(%dma_wait3A_322 : memref<624x128xf32, #tpu.memory_space<vmem_shared>>) dst(%dma_wait3A_320 : memref<624x128xf32, #tpu.memory_space<hbm>>)
        tpu.yield
      }) : () -> ()
    } else {
    }
    %eq3A_307 = arith.constant 15 : i32
    %eq3A_308 = arith.cmpi eq, %arg1, %eq3A_307 : i32
    %convert_element_type3A_309 = arith.extui %eq3A_308 : i1 to i32
    %cond3A_310 = arith.constant 0 : i32
    %cond3A_311 = arith.cmpi ne, %convert_element_type3A_309, %cond3A_310 : i32
    scf.if %cond3A_311 {
      %mul3A_312 = arith.constant 10000 : i32
      %mul3A_313 = arith.muli %arg0, %mul3A_312 : i32
      %add3A_314 = arith.addi %mul3A_313, %mul3A_12 : i32
      "tpu.region"() ({
        %run_scoped3A = tpu.sem_alloc : memref<!tpu.dma_semaphore, #tpu.memory_space<semaphore_mem>>
        %dma_start3A_315 = arith.constant 0 : i32
        %dma_start3A_316 = tpu.memref_slice %arg7[%add3A_314, %dma_start3A_315] : memref<20000x128xf32, #tpu.memory_space<hbm>> -> memref<640x128xf32, #tpu.memory_space<hbm>>
        %dma_start3A_317 = arith.constant 0 : i32
        %dma_start3A_318 = tpu.memref_slice %arg19[%mul3A_12, %dma_start3A_317] : memref<10000x128xf32, #tpu.memory_space<vmem_shared>> -> memref<640x128xf32, #tpu.memory_space<vmem_shared>>
        tpu.enqueue_dma source(%dma_start3A_318 : memref<640x128xf32, #tpu.memory_space<vmem_shared>>) target(%dma_start3A_316 : memref<640x128xf32, #tpu.memory_space<hbm>>) target_semaphore(%run_scoped3A : memref<!tpu.dma_semaphore, #tpu.memory_space<semaphore_mem>>)
        %dma_wait3A_319 = arith.constant 0 : i32
        %dma_wait3A_320 = tpu.memref_slice %arg7[%add3A_314, %dma_wait3A_319] : memref<20000x128xf32, #tpu.memory_space<hbm>> -> memref<640x128xf32, #tpu.memory_space<hbm>>
        %dma_wait3A_321 = arith.constant 0 : i32
        %dma_wait3A_322 = tpu.memref_slice %arg19[%mul3A_12, %dma_wait3A_321] : memref<10000x128xf32, #tpu.memory_space<vmem_shared>> -> memref<640x128xf32, #tpu.memory_space<vmem_shared>>
        tpu.wait_dma2 semaphore(%run_scoped3A : memref<!tpu.dma_semaphore, #tpu.memory_space<semaphore_mem>>) src(%dma_wait3A_322 : memref<640x128xf32, #tpu.memory_space<vmem_shared>>) dst(%dma_wait3A_320 : memref<640x128xf32, #tpu.memory_space<hbm>>)
        tpu.yield
      }) : () -> ()
    } else {
    }
    return
  }
}

module attributes {stable_mosaic.version = 14 : i64} {
  func.func @_h_body(%arg0: memref<10000x128xf32, #tpu.memory_space<vmem>>, %arg1: memref<128x128xf32, #tpu.memory_space<vmem>>, %arg2: memref<2500x128xf32, #tpu.memory_space<vmem>>, %arg3: memref<10000x128xf32, #tpu.memory_space<vmem>>, %arg4: memref<2500x128xf32, #tpu.memory_space<vmem>>) attributes {dimension_semantics = [], scalar_prefetch = 0 : i64, scratch_operands = 0 : i64, tpu.core_type = #tpu.core_type<tc>} {
    %get3A = arith.constant 0 : index
    %get3A_0 = arith.constant 0 : index
    %get3A_1 = vector.load %arg0[%get3A, %get3A_0] : memref<10000x128xf32, #tpu.memory_space<vmem>>, vector<10000x128xf32>
    %get3A_2 = arith.constant 0 : index
    %get3A_3 = arith.constant 0 : index
    %get3A_4 = vector.load %arg1[%get3A_2, %get3A_3] : memref<128x128xf32, #tpu.memory_space<vmem>>, vector<128x128xf32>
    %dot_general3A = arith.constant dense<0.000000e+00> : vector<10000x128xf32>
    %dot_general3A_5 = tpu.matmul %get3A_1, %get3A_4, %dot_general3A {dimension_numbers = #tpu.dot_dimension_numbers<[1], [0], [0], [1], [0, 0, 1, 1], [], []>, transpose_lhs_hint = false} : vector<10000x128xf32>, vector<128x128xf32>, vector<10000x128xf32> -> vector<10000x128xf32>
    %swap3A = arith.constant 0 : index
    %swap3A_6 = arith.constant 0 : index
    %swap3A_7 = vector.load %arg3[%swap3A, %swap3A_6] : memref<10000x128xf32, #tpu.memory_space<vmem>>, vector<10000x128xf32>
    tpu.vector_store %arg3[%swap3A, %swap3A_6], %dot_general3A_5 {strides = array<i32>} : memref<10000x128xf32, #tpu.memory_space<vmem>>, vector<10000x128xf32>,
    %get3A_8 = arith.constant 0 : index
    %get3A_9 = arith.constant 0 : index
    %get3A_10 = vector.load %arg2[%get3A_8, %get3A_9] : memref<2500x128xf32, #tpu.memory_space<vmem>>, vector<2500x128xf32>
    %mul3A = arith.constant 0.314159274 : f32
    %mul3A_11 = vector.broadcast %mul3A : f32 to vector<2500x128xf32>
    %mul3A_12 = arith.mulf %get3A_10, %mul3A_11 : vector<2500x128xf32>
    %cos3A = math.cos %mul3A_12 : vector<2500x128xf32>
    %add3A = arith.constant 1.000000e+00 : f32
    %add3A_13 = vector.broadcast %add3A : f32 to vector<2500x128xf32>
    %add3A_14 = arith.addf %cos3A, %add3A_13 : vector<2500x128xf32>
    %mul3A_15 = arith.constant 5.000000e-01 : f32
    %mul3A_16 = vector.broadcast %mul3A_15 : f32 to vector<2500x128xf32>
    %mul3A_17 = arith.mulf %mul3A_16, %add3A_14 : vector<2500x128xf32>
    %lt3A = arith.constant 1.000000e+01 : f32
    %lt3A_18 = vector.broadcast %lt3A : f32 to vector<2500x128xf32>
    %lt3A_19 = arith.cmpf olt, %get3A_10, %lt3A_18 : vector<2500x128xf32>
    %convert_element_type3A = arith.extui %lt3A_19 : vector<2500x128xi1> to vector<2500x128xi32>
    %convert_element_type3A_20 = arith.sitofp %convert_element_type3A : vector<2500x128xi32> to vector<2500x128xf32>
    %mul3A_21 = arith.mulf %mul3A_17, %convert_element_type3A_20 : vector<2500x128xf32>
    %swap3A_22 = arith.constant 0 : index
    %swap3A_23 = arith.constant 0 : index
    %swap3A_24 = vector.load %arg4[%swap3A_22, %swap3A_23] : memref<2500x128xf32, #tpu.memory_space<vmem>>, vector<2500x128xf32>
    tpu.vector_store %arg4[%swap3A_22, %swap3A_23], %mul3A_21 {strides = array<i32>} : memref<2500x128xf32, #tpu.memory_space<vmem>>, vector<2500x128xf32>,
    return
  }
}

module attributes {stable_mosaic.version = 14 : i64} {
  func.func @_filter_body(%arg0: i32, %arg1: memref<8000x16xf32, #tpu.memory_space<vmem>>, %arg2: memref<16x128xf32, #tpu.memory_space<vmem>>, %arg3: memref<1x128xf32, #tpu.memory_space<vmem>>, %arg4: memref<128x128xf32, #tpu.memory_space<vmem>>, %arg5: memref<1x128xf32, #tpu.memory_space<vmem>>, %arg6: memref<8000x64xi32, #tpu.memory_space<vmem>>) attributes {dimension_semantics = [#tpu.dimension_semantics<arbitrary>], iteration_bounds = array<i64: 20>, scalar_prefetch = 0 : i64, scratch_operands = 0 : i64, tpu.core_type = #tpu.core_type<tc>, window_params = [{transform_indices = @transform_0, window_bounds = array<i64: 8000, 16>}, {pipeline_mode = #tpu.pipeline_mode<synchronous>, transform_indices = @transform_1, window_bounds = array<i64: 16, 128>}, {pipeline_mode = #tpu.pipeline_mode<synchronous>, transform_indices = @transform_2, window_bounds = array<i64: 1, 128>}, {pipeline_mode = #tpu.pipeline_mode<synchronous>, transform_indices = @transform_3, window_bounds = array<i64: 128, 128>}, {pipeline_mode = #tpu.pipeline_mode<synchronous>, transform_indices = @transform_4, window_bounds = array<i64: 1, 128>}, {transform_indices = @transform_5, window_bounds = array<i64: 8000, 64>}]} {
    %get3A = arith.constant 0 : index
    %get3A_0 = arith.constant 0 : index
    %get3A_1 = vector.load %arg1[%get3A, %get3A_0] : memref<8000x16xf32, #tpu.memory_space<vmem>>, vector<8000x16xf32>
    %convert_element_type3A = arith.truncf %get3A_1 : vector<8000x16xf32> to vector<8000x16xbf16>
    %get3A_2 = arith.constant 0 : index
    %get3A_3 = arith.constant 0 : index
    %get3A_4 = vector.load %arg2[%get3A_2, %get3A_3] : memref<16x128xf32, #tpu.memory_space<vmem>>, vector<16x128xf32>
    %convert_element_type3A_5 = arith.truncf %get3A_4 : vector<16x128xf32> to vector<16x128xbf16>
    %dot_general3A = arith.constant dense<0.000000e+00> : vector<8000x128xf32>
    %dot_general3A_6 = tpu.matmul %convert_element_type3A, %convert_element_type3A_5, %dot_general3A {dimension_numbers = #tpu.dot_dimension_numbers<[1], [0], [0], [1], [0, 0, 1, 1], [], []>, transpose_lhs_hint = false} : vector<8000x16xbf16>, vector<16x128xbf16>, vector<8000x128xf32> -> vector<8000x128xf32>
    %get3A_7 = arith.constant 0 : index
    %get3A_8 = arith.constant 0 : index
    %get3A_9 = vector.load %arg3[%get3A_7, %get3A_8] : memref<1x128xf32, #tpu.memory_space<vmem>>, vector<1x128xf32>
    %add3A = vector.broadcast %get3A_9 : vector<1x128xf32> to vector<8000x128xf32>
    %add3A_10 = arith.addf %dot_general3A_6, %add3A : vector<8000x128xf32>
    %tanh3A = math.tanh %add3A_10 : vector<8000x128xf32>
    %convert_element_type3A_11 = arith.truncf %tanh3A : vector<8000x128xf32> to vector<8000x128xbf16>
    %get3A_12 = arith.constant 0 : index
    %get3A_13 = arith.constant 0 : index
    %get3A_14 = vector.load %arg4[%get3A_12, %get3A_13] : memref<128x128xf32, #tpu.memory_space<vmem>>, vector<128x128xf32>
    %convert_element_type3A_15 = arith.truncf %get3A_14 : vector<128x128xf32> to vector<128x128xbf16>
    %dot_general3A_16 = arith.constant dense<0.000000e+00> : vector<8000x128xf32>
    %dot_general3A_17 = tpu.matmul %convert_element_type3A_11, %convert_element_type3A_15, %dot_general3A_16 {dimension_numbers = #tpu.dot_dimension_numbers<[1], [0], [0], [1], [0, 0, 1, 1], [], []>, transpose_lhs_hint = false} : vector<8000x128xbf16>, vector<128x128xbf16>, vector<8000x128xf32> -> vector<8000x128xf32>
    %get3A_18 = arith.constant 0 : index
    %get3A_19 = arith.constant 0 : index
    %get3A_20 = vector.load %arg5[%get3A_18, %get3A_19] : memref<1x128xf32, #tpu.memory_space<vmem>>, vector<1x128xf32>
    %add3A_21 = vector.broadcast %get3A_20 : vector<1x128xf32> to vector<8000x128xf32>
    %add3A_22 = arith.addf %dot_general3A_17, %add3A_21 : vector<8000x128xf32>
    %convert_element_type3A_23 = arith.truncf %add3A_22 : vector<8000x128xf32> to vector<8000x128xbf16>
    %slice3A = vector.extract_strided_slice %convert_element_type3A_23 {offsets = [0, 0], sizes = [8000, 64], strides = [1, 1]} : vector<8000x128xbf16> to vector<8000x64xbf16>
    %bitcast_convert_type3A = tpu.bitcast %slice3A : vector<8000x64xbf16> -> vector<8000x64xi16>
    %convert_element_type3A_24 = arith.extui %bitcast_convert_type3A : vector<8000x64xi16> to vector<8000x64xi32>
    %slice3A_25 = vector.extract_strided_slice %convert_element_type3A_23 {offsets = [0, 64], sizes = [8000, 64], strides = [1, 1]} : vector<8000x128xbf16> to vector<8000x64xbf16>
    %bitcast_convert_type3A_26 = tpu.bitcast %slice3A_25 : vector<8000x64xbf16> -> vector<8000x64xi16>
    %convert_element_type3A_27 = arith.extui %bitcast_convert_type3A_26 : vector<8000x64xi16> to vector<8000x64xi32>
    %shift_left3A = arith.constant 16 : i32
    %shift_left3A_28 = vector.broadcast %shift_left3A : i32 to vector<8000x64xi32>
    %shift_left3A_29 = arith.shli %convert_element_type3A_27, %shift_left3A_28 : vector<8000x64xi32>
    %or3A = arith.ori %shift_left3A_29, %convert_element_type3A_24 : vector<8000x64xi32>
    %swap3A = arith.constant 0 : index
    %swap3A_30 = arith.constant 0 : index
    %swap3A_31 = vector.load %arg6[%swap3A, %swap3A_30] : memref<8000x64xi32, #tpu.memory_space<vmem>>, vector<8000x64xi32>
    tpu.vector_store %arg6[%swap3A, %swap3A_30], %or3A {strides = array<i32>} : memref<8000x64xi32, #tpu.memory_space<vmem>>, vector<8000x64xi32>,
    return
  }
  func.func @transform_0(%arg0: i32) -> (i32, i32) {
    %add3A = arith.constant 20 : i32
    %add3A_0 = arith.addi %arg0, %add3A : i32
    %c0_i32 = arith.constant 0 : i32
    %c0_i32_1 = arith.constant 0 : i32
    return %add3A_0, %c0_i32 : i32, i32
  }
  func.func @transform_1(%arg0: i32) -> (i32, i32) {
    %c0_i32 = arith.constant 0 : i32
    %c0_i32_0 = arith.constant 0 : i32
    %c0_i32_1 = arith.constant 0 : i32
    return %c0_i32, %c0_i32_0 : i32, i32
  }
  func.func @transform_2(%arg0: i32) -> (i32, i32) {
    %c0_i32 = arith.constant 0 : i32
    %c0_i32_0 = arith.constant 0 : i32
    %c0_i32_1 = arith.constant 0 : i32
    return %c0_i32, %c0_i32_0 : i32, i32
  }
  func.func @transform_3(%arg0: i32) -> (i32, i32) {
    %c0_i32 = arith.constant 0 : i32
    %c0_i32_0 = arith.constant 0 : i32
    %c0_i32_1 = arith.constant 0 : i32
    return %c0_i32, %c0_i32_0 : i32, i32
  }
  func.func @transform_4(%arg0: i32) -> (i32, i32) {
    %c0_i32 = arith.constant 0 : i32
    %c0_i32_0 = arith.constant 0 : i32
    %c0_i32_1 = arith.constant 0 : i32
    return %c0_i32, %c0_i32_0 : i32, i32
  }
  func.func @transform_5(%arg0: i32) -> (i32, i32) {
    %c0_i32 = arith.constant 0 : i32
    %c0_i32_0 = arith.constant 0 : i32
    return %arg0, %c0_i32 : i32, i32
  }
}

module attributes {stable_mosaic.version = 14 : i64} {
  func.func @_filter_body(%arg0: i32, %arg1: memref<8000x16xf32, #tpu.memory_space<vmem>>, %arg2: memref<16x128xf32, #tpu.memory_space<vmem>>, %arg3: memref<1x128xf32, #tpu.memory_space<vmem>>, %arg4: memref<128x128xf32, #tpu.memory_space<vmem>>, %arg5: memref<1x128xf32, #tpu.memory_space<vmem>>, %arg6: memref<8000x64xi32, #tpu.memory_space<vmem>>) attributes {dimension_semantics = [#tpu.dimension_semantics<arbitrary>], iteration_bounds = array<i64: 20>, scalar_prefetch = 0 : i64, scratch_operands = 0 : i64, tpu.core_type = #tpu.core_type<tc>, window_params = [{transform_indices = @transform_0, window_bounds = array<i64: 8000, 16>}, {pipeline_mode = #tpu.pipeline_mode<synchronous>, transform_indices = @transform_1, window_bounds = array<i64: 16, 128>}, {pipeline_mode = #tpu.pipeline_mode<synchronous>, transform_indices = @transform_2, window_bounds = array<i64: 1, 128>}, {pipeline_mode = #tpu.pipeline_mode<synchronous>, transform_indices = @transform_3, window_bounds = array<i64: 128, 128>}, {pipeline_mode = #tpu.pipeline_mode<synchronous>, transform_indices = @transform_4, window_bounds = array<i64: 1, 128>}, {transform_indices = @transform_5, window_bounds = array<i64: 8000, 64>}]} {
    %get3A = arith.constant 0 : index
    %get3A_0 = arith.constant 0 : index
    %get3A_1 = vector.load %arg1[%get3A, %get3A_0] : memref<8000x16xf32, #tpu.memory_space<vmem>>, vector<8000x16xf32>
    %convert_element_type3A = arith.truncf %get3A_1 : vector<8000x16xf32> to vector<8000x16xbf16>
    %get3A_2 = arith.constant 0 : index
    %get3A_3 = arith.constant 0 : index
    %get3A_4 = vector.load %arg2[%get3A_2, %get3A_3] : memref<16x128xf32, #tpu.memory_space<vmem>>, vector<16x128xf32>
    %convert_element_type3A_5 = arith.truncf %get3A_4 : vector<16x128xf32> to vector<16x128xbf16>
    %dot_general3A = arith.constant dense<0.000000e+00> : vector<8000x128xf32>
    %dot_general3A_6 = tpu.matmul %convert_element_type3A, %convert_element_type3A_5, %dot_general3A {dimension_numbers = #tpu.dot_dimension_numbers<[1], [0], [0], [1], [0, 0, 1, 1], [], []>, transpose_lhs_hint = false} : vector<8000x16xbf16>, vector<16x128xbf16>, vector<8000x128xf32> -> vector<8000x128xf32>
    %get3A_7 = arith.constant 0 : index
    %get3A_8 = arith.constant 0 : index
    %get3A_9 = vector.load %arg3[%get3A_7, %get3A_8] : memref<1x128xf32, #tpu.memory_space<vmem>>, vector<1x128xf32>
    %add3A = vector.broadcast %get3A_9 : vector<1x128xf32> to vector<8000x128xf32>
    %add3A_10 = arith.addf %dot_general3A_6, %add3A : vector<8000x128xf32>
    %tanh3A = math.tanh %add3A_10 : vector<8000x128xf32>
    %convert_element_type3A_11 = arith.truncf %tanh3A : vector<8000x128xf32> to vector<8000x128xbf16>
    %get3A_12 = arith.constant 0 : index
    %get3A_13 = arith.constant 0 : index
    %get3A_14 = vector.load %arg4[%get3A_12, %get3A_13] : memref<128x128xf32, #tpu.memory_space<vmem>>, vector<128x128xf32>
    %convert_element_type3A_15 = arith.truncf %get3A_14 : vector<128x128xf32> to vector<128x128xbf16>
    %dot_general3A_16 = arith.constant dense<0.000000e+00> : vector<8000x128xf32>
    %dot_general3A_17 = tpu.matmul %convert_element_type3A_11, %convert_element_type3A_15, %dot_general3A_16 {dimension_numbers = #tpu.dot_dimension_numbers<[1], [0], [0], [1], [0, 0, 1, 1], [], []>, transpose_lhs_hint = false} : vector<8000x128xbf16>, vector<128x128xbf16>, vector<8000x128xf32> -> vector<8000x128xf32>
    %get3A_18 = arith.constant 0 : index
    %get3A_19 = arith.constant 0 : index
    %get3A_20 = vector.load %arg5[%get3A_18, %get3A_19] : memref<1x128xf32, #tpu.memory_space<vmem>>, vector<1x128xf32>
    %add3A_21 = vector.broadcast %get3A_20 : vector<1x128xf32> to vector<8000x128xf32>
    %add3A_22 = arith.addf %dot_general3A_17, %add3A_21 : vector<8000x128xf32>
    %convert_element_type3A_23 = arith.truncf %add3A_22 : vector<8000x128xf32> to vector<8000x128xbf16>
    %slice3A = vector.extract_strided_slice %convert_element_type3A_23 {offsets = [0, 0], sizes = [8000, 64], strides = [1, 1]} : vector<8000x128xbf16> to vector<8000x64xbf16>
    %bitcast_convert_type3A = tpu.bitcast %slice3A : vector<8000x64xbf16> -> vector<8000x64xi16>
    %convert_element_type3A_24 = arith.extui %bitcast_convert_type3A : vector<8000x64xi16> to vector<8000x64xi32>
    %slice3A_25 = vector.extract_strided_slice %convert_element_type3A_23 {offsets = [0, 64], sizes = [8000, 64], strides = [1, 1]} : vector<8000x128xbf16> to vector<8000x64xbf16>
    %bitcast_convert_type3A_26 = tpu.bitcast %slice3A_25 : vector<8000x64xbf16> -> vector<8000x64xi16>
    %convert_element_type3A_27 = arith.extui %bitcast_convert_type3A_26 : vector<8000x64xi16> to vector<8000x64xi32>
    %shift_left3A = arith.constant 16 : i32
    %shift_left3A_28 = vector.broadcast %shift_left3A : i32 to vector<8000x64xi32>
    %shift_left3A_29 = arith.shli %convert_element_type3A_27, %shift_left3A_28 : vector<8000x64xi32>
    %or3A = arith.ori %shift_left3A_29, %convert_element_type3A_24 : vector<8000x64xi32>
    %swap3A = arith.constant 0 : index
    %swap3A_30 = arith.constant 0 : index
    %swap3A_31 = vector.load %arg6[%swap3A, %swap3A_30] : memref<8000x64xi32, #tpu.memory_space<vmem>>, vector<8000x64xi32>
    tpu.vector_store %arg6[%swap3A, %swap3A_30], %or3A {strides = array<i32>} : memref<8000x64xi32, #tpu.memory_space<vmem>>, vector<8000x64xi32>,
    return
  }
  func.func @transform_0(%arg0: i32) -> (i32, i32) {
    %add3A = arith.constant 0 : i32
    %add3A_0 = arith.addi %arg0, %add3A : i32
    %c0_i32 = arith.constant 0 : i32
    %c0_i32_1 = arith.constant 0 : i32
    return %add3A_0, %c0_i32 : i32, i32
  }
  func.func @transform_1(%arg0: i32) -> (i32, i32) {
    %c0_i32 = arith.constant 0 : i32
    %c0_i32_0 = arith.constant 0 : i32
    %c0_i32_1 = arith.constant 0 : i32
    return %c0_i32, %c0_i32_0 : i32, i32
  }
  func.func @transform_2(%arg0: i32) -> (i32, i32) {
    %c0_i32 = arith.constant 0 : i32
    %c0_i32_0 = arith.constant 0 : i32
    %c0_i32_1 = arith.constant 0 : i32
    return %c0_i32, %c0_i32_0 : i32, i32
  }
  func.func @transform_3(%arg0: i32) -> (i32, i32) {
    %c0_i32 = arith.constant 0 : i32
    %c0_i32_0 = arith.constant 0 : i32
    %c0_i32_1 = arith.constant 0 : i32
    return %c0_i32, %c0_i32_0 : i32, i32
  }
  func.func @transform_4(%arg0: i32) -> (i32, i32) {
    %c0_i32 = arith.constant 0 : i32
    %c0_i32_0 = arith.constant 0 : i32
    %c0_i32_1 = arith.constant 0 : i32
    return %c0_i32, %c0_i32_0 : i32, i32
  }
  func.func @transform_5(%arg0: i32) -> (i32, i32) {
    %c0_i32 = arith.constant 0 : i32
    %c0_i32_0 = arith.constant 0 : i32
    return %arg0, %c0_i32 : i32, i32
  }
}

module attributes {stable_mosaic.version = 14 : i64} {
  func.func @_out_body(%arg0: memref<20000x128xf32, #tpu.memory_space<vmem>>, %arg1: memref<20000x128xf32, #tpu.memory_space<vmem>>, %arg2: memref<128x128xf32, #tpu.memory_space<vmem>>, %arg3: memref<1x128xf32, #tpu.memory_space<vmem>>, %arg4: memref<128x128xf32, #tpu.memory_space<vmem>>, %arg5: memref<1x128xf32, #tpu.memory_space<vmem>>, %arg6: memref<10000x128xf32, #tpu.memory_space<vmem>>) attributes {dimension_semantics = [], scalar_prefetch = 0 : i64, scratch_operands = 0 : i64, tpu.core_type = #tpu.core_type<tc>} {
    %get3A = arith.constant 0 : index
    %get3A_0 = arith.constant 0 : index
    %get3A_1 = vector.load %arg0[%get3A, %get3A_0] : memref<20000x128xf32, #tpu.memory_space<vmem>>, vector<10000x128xf32>
    %get3A_2 = arith.constant 10000 : index
    %get3A_3 = arith.constant 0 : index
    %get3A_4 = vector.load %arg0[%get3A_2, %get3A_3] : memref<20000x128xf32, #tpu.memory_space<vmem>>, vector<10000x128xf32>
    %add3A = arith.addf %get3A_1, %get3A_4 : vector<10000x128xf32>
    %get3A_5 = arith.constant 0 : index
    %get3A_6 = arith.constant 0 : index
    %get3A_7 = vector.load %arg1[%get3A_5, %get3A_6] : memref<20000x128xf32, #tpu.memory_space<vmem>>, vector<10000x128xf32>
    %get3A_8 = arith.constant 10000 : index
    %get3A_9 = arith.constant 0 : index
    %get3A_10 = vector.load %arg1[%get3A_8, %get3A_9] : memref<20000x128xf32, #tpu.memory_space<vmem>>, vector<10000x128xf32>
    %add3A_11 = arith.addf %get3A_7, %get3A_10 : vector<10000x128xf32>
    %add3A_12 = arith.addf %add3A, %add3A_11 : vector<10000x128xf32>
    %get3A_13 = arith.constant 0 : index
    %get3A_14 = arith.constant 0 : index
    %get3A_15 = vector.load %arg2[%get3A_13, %get3A_14] : memref<128x128xf32, #tpu.memory_space<vmem>>, vector<128x128xf32>
    %dot_general3A = arith.constant dense<0.000000e+00> : vector<10000x128xf32>
    %dot_general3A_16 = tpu.matmul %add3A_12, %get3A_15, %dot_general3A {dimension_numbers = #tpu.dot_dimension_numbers<[1], [0], [0], [1], [0, 0, 1, 1], [], []>, transpose_lhs_hint = false} : vector<10000x128xf32>, vector<128x128xf32>, vector<10000x128xf32> -> vector<10000x128xf32>
    %get3A_17 = arith.constant 0 : index
    %get3A_18 = arith.constant 0 : index
    %get3A_19 = vector.load %arg3[%get3A_17, %get3A_18] : memref<1x128xf32, #tpu.memory_space<vmem>>, vector<1x128xf32>
    %add3A_20 = vector.broadcast %get3A_19 : vector<1x128xf32> to vector<10000x128xf32>
    %add3A_21 = arith.addf %dot_general3A_16, %add3A_20 : vector<10000x128xf32>
    %tanh3A = math.tanh %add3A_21 : vector<10000x128xf32>
    %get3A_22 = arith.constant 0 : index
    %get3A_23 = arith.constant 0 : index
    %get3A_24 = vector.load %arg4[%get3A_22, %get3A_23] : memref<128x128xf32, #tpu.memory_space<vmem>>, vector<128x128xf32>
    %dot_general3A_25 = arith.constant dense<0.000000e+00> : vector<10000x128xf32>
    %dot_general3A_26 = tpu.matmul %tanh3A, %get3A_24, %dot_general3A_25 {dimension_numbers = #tpu.dot_dimension_numbers<[1], [0], [0], [1], [0, 0, 1, 1], [], []>, transpose_lhs_hint = false} : vector<10000x128xf32>, vector<128x128xf32>, vector<10000x128xf32> -> vector<10000x128xf32>
    %get3A_27 = arith.constant 0 : index
    %get3A_28 = arith.constant 0 : index
    %get3A_29 = vector.load %arg5[%get3A_27, %get3A_28] : memref<1x128xf32, #tpu.memory_space<vmem>>, vector<1x128xf32>
    %add3A_30 = vector.broadcast %get3A_29 : vector<1x128xf32> to vector<10000x128xf32>
    %add3A_31 = arith.addf %dot_general3A_26, %add3A_30 : vector<10000x128xf32>
    %swap3A = arith.constant 0 : index
    %swap3A_32 = arith.constant 0 : index
    %swap3A_33 = vector.load %arg6[%swap3A, %swap3A_32] : memref<10000x128xf32, #tpu.memory_space<vmem>>, vector<10000x128xf32>
    tpu.vector_store %arg6[%swap3A, %swap3A_32], %add3A_31 {strides = array<i32>} : memref<10000x128xf32, #tpu.memory_space<vmem>>, vector<10000x128xf32>,
    return
  }
}

</mosaic_0001>

<sc_bundles>
// kernel: kernel.11.cloned.1.call-start
scs
__scs_entry_jumppad:
0x0: {  	(pc) =	sbr.rel $0x88, $3  }
0x1: {  	(tag) =	ssettag $0x0;
	lr =	simm.s32 $0x1  }
0x2: {  	[smem:$0x3F94] =	sst lr;
	_ =	strace $0xD0000000  }
0x3: {  	_ = 	snop  }
0x4: {  	_ = 	snop  }
0x5: {  	_ = 	snop  }
0x6: {  	_ = 	snop  }
0x7: {  	_ = 	snop  }
__scs_overlays_trampoline_lowered:
0x8: {  	[smem:$0x3FA3] =	sst s0  }
0x9: {  	[smem:$0x3FA4] =	sst s1  }
0xa: {  	[smem:$0x3FA5] =	sst s2  }
0xb: {  	[smem:$0x3FA6] =	sst s3  }
0xc: {  	[smem:$0x3FA7] =	sst s4  }
0xd: {  	[smem:$0x3FA8] =	sst s5  }
0xe: {  	[smem:$0x3FA9] =	sst s6  }
0xf: {  	[smem:$0x3FAA] =	sst s7  }
0x10: {  	[smem:$0x3FAB] =	sst s8  }
0x11: {  	[smem:$0x3FAC] =	sst s9;
	s0 =	simm.s32 @!p0 $0x0  }
0x12: {  	s1 =	sld [smem:$0x3F92];
	s0 =	simm.s32 @p0 $0x1  }
0x13: {  	[smem:$0x3FAD] =	sst s0;
	s0 =	simm.s32 @!p1 $0x0  }
0x14: {  	s2 =	sld [smem:$0x3F91];
	s0 =	simm.s32 @p1 $0x1  }
0x15: {  	[smem:$0x3FAE] =	sst s0;
	s0 =	simm.s32 @!p2 $0x0  }
0x16: {  	s3 =	sld [smem:$0x3FDB];
	s0 =	simm.s32 @p2 $0x1  }
0x17: {  	s4 =	simm.s32 $0x1BF5;
	[smem:$0x3FB0] =	sst s0  }
0x18: {  	s0 =	sld [smem:$0x3F93];
	_ =	swait.ge [sflag:s4], $0x0  }
0x19: {  	s7 =	sld [smem:$0x3F94]  }
0x1a: {  	s8 =	sadd.s32 $0xFFFFE003, lr  }
0x1b: {  	s9 =	sadd.s32 $0xFFFFFEF7, lr;
	s5 =	simm.s32 $0xFFFFFFFF;
	p2 =	slt.u32 s8, $0xFFFFF086  }
0x1c: {  	p1 =	slt.u32 s9, $0xF7A;
	s5 =	simm.s32 @!p2 $0x0  }
0x1d: {  	s5 =	simm.s32 @p1 $0x1;
	p0 =	seq.s32 s7, s2  }
0x1e: {  	s7 =	smul.u32 @!p0 $0xF7A, s2;
	p2 =	seq.s32 @!p0 s5, $0x0  }
0x1f: {  	s9 =	smul.u32 $0xF7A, s1;
	s8 =	simm.s32 @!p0 $0x1BF5;
	p2 =	por !p2, p0  }
0x20: {  	[sflag:s8] =	ssyncset.s32 @!p0 $0xFFFFF086;
	s6 =	sadd.s32 @!p0 s3, s7;
	s7 =	simm.s32 @!p0 $0x108  }
0x21: {  	s3 =	sadd.s32 s3, s9;
	s6 =	sadd.s32 @!p0 $0x88, s6;
	s7 =	simm.s32 @p2 $0x1082  }
0x22: {  	[simem:s7], [sflag:s8] =	dma.local @!p0 [hbm:s6], $0xF7A  }
0x23: {  	s9 =	sor.u32 $0xD0000000, s2;
	s6 =	simm.s32 $0x108;
	_ =	swait.ge @!p0 [sflag:s8], $0x0  }
0x24: {  	s3 =	sadd.s32 $0x88, s3;
	s6 =	simm.s32 @!p1 $0x1082;
	[sflag:s4] =	ssyncset.s32 $0xFFFFF086  }
0x25: {  	[simem:s6], [sflag:s4] =	dma.local [hbm:s3], $0xF7A  }
0x26: {  	[smem:$0x3F94] =	sst s1;
	(tag) =	ssettag s2;
	_ =	strace s9  }
0x27: {  	s1 =	sld [smem:$0x3FA4]  }
0x28: {  	s2 =	sld [smem:$0x3FA5]  }
0x29: {  	s4 =	sld [smem:$0x3FA7]  }
0x2a: {  	p0 =	seq.s32 s5, $0x0;
	s5 =	sld [smem:$0x3FA8]  }
0x2b: {  	s6 =	sld [smem:$0x3FA9]  }
0x2c: {  	s7 =	sld [smem:$0x3FAA]  }
0x2d: {  	s3 =	simm.s32 $0x108;
	s8 =	sld [smem:$0x3FAB]  }
0x2e: {  	s3 =	simm.s32 @!p0 $0x1082;
	s9 =	sld [smem:$0x3FAC]  }
0x2f: {  	lr =	sadd.s32 s0, s3;
	s0 =	sld [smem:$0x3FA3]  }
0x30: {  	s3 =	sld [smem:$0x3FA6]  }
0x31: {  	[smem:$0x3FAF] =	sst s10  }
0x32: {  	s10 =	sld [smem:$0x3FAD];
	_ =	sdelay $0x3  }
0x33: {  	p0 =	seq.s32 s10, $0x1;
	s10 =	sld [smem:$0x3FAF];
	_ =	sdelay $0x3  }
0x34: {  	[smem:$0x3FAF] =	sst s10  }
0x35: {  	s10 =	sld [smem:$0x3FAE];
	_ =	sdelay $0x3  }
0x36: {  	p1 =	seq.s32 s10, $0x1;
	s10 =	sld [smem:$0x3FAF];
	_ =	sdelay $0x3  }
0x37: {  	[smem:$0x3FAF] =	sst s10  }
0x38: {  	s10 =	sld [smem:$0x3FB0]  }
0x39: {  	_ = 	snop;
	(pc) =	sbr.ind lr, $3  }
0x3a: {  	_ = 	snop  }
0x3b: {  	_ = 	snop  }
0x3c: {  	p2 =	seq.s32 s10, $0x1;
	s10 =	sld [smem:$0x3FAF]  }
0x3d: {  	_ =	shalt  }
0x3e: {  	_ =	shalt  }
0x3f: {  	_ =	shalt  }
0x40: {  	_ =	shalt  }
0x41: {  	_ =	shalt  }
0x42: {  	_ =	shalt  }
0x43: {  	_ =	shalt  }
0x44: {  	_ =	shalt  }
0x45: {  	_ =	shalt  }
0x46: {  	_ =	shalt  }
0x47: {  	_ =	shalt  }
0x48: {  	_ =	shalt  }
0x49: {  	_ =	shalt  }
0x4a: {  	_ =	shalt  }
0x4b: {  	_ =	shalt  }
0x4c: {  	_ =	shalt  }
0x4d: {  	_ =	shalt  }
0x4e: {  	_ =	shalt  }
0x4f: {  	_ =	shalt  }
0x50: {  	_ =	shalt  }
0x51: {  	_ =	shalt  }
0x52: {  	_ =	shalt  }
0x53: {  	_ =	shalt  }
0x54: {  	_ =	shalt  }
0x55: {  	_ =	shalt  }
0x56: {  	_ =	shalt  }
0x57: {  	_ =	shalt  }
0x58: {  	_ =	shalt  }
0x59: {  	_ =	shalt  }
0x5a: {  	_ =	shalt  }
0x5b: {  	_ =	shalt  }
0x5c: {  	_ =	shalt  }
0x5d: {  	_ =	shalt  }
0x5e: {  	_ =	shalt  }
0x5f: {  	_ =	shalt  }
0x60: {  	_ =	shalt  }
0x61: {  	_ =	shalt  }
0x62: {  	_ =	shalt  }
0x63: {  	_ =	shalt  }
0x64: {  	_ =	shalt  }
0x65: {  	_ =	shalt  }
0x66: {  	_ =	shalt  }
0x67: {  	_ =	shalt  }
0x68: {  	_ =	shalt  }
0x69: {  	_ =	shalt  }
0x6a: {  	_ =	shalt  }
0x6b: {  	_ =	shalt  }
0x6c: {  	_ =	shalt  }
0x6d: {  	_ =	shalt  }
0x6e: {  	_ =	shalt  }
0x6f: {  	_ =	shalt  }
0x70: {  	_ =	shalt  }
0x71: {  	_ =	shalt  }
0x72: {  	_ =	shalt  }
0x73: {  	_ =	shalt  }
0x74: {  	_ =	shalt  }
0x75: {  	_ =	shalt  }
0x76: {  	_ =	shalt  }
0x77: {  	_ =	shalt  }
0x78: {  	_ =	shalt  }
0x79: {  	_ =	shalt  }
0x7a: {  	_ =	shalt  }
0x7b: {  	_ =	shalt  }
0x7c: {  	_ =	shalt  }
0x7d: {  	_ =	shalt  }
0x7e: {  	_ =	shalt  }
0x7f: {  	_ =	shalt  }
0x80: {  	_ =	shalt  }
0x81: {  	_ =	shalt  }
0x82: {  	_ =	shalt  }
0x83: {  	_ =	shalt  }
0x84: {  	_ =	shalt  }
0x85: {  	_ =	shalt  }
0x86: {  	_ =	shalt  }
0x87: {  	_ =	shalt  }
.Lfunc_end0:
.L_simem_size_0:
called_computation.1_lowered:
.L_overlay_start_0:
0x88: {  	s2 =	sld [smem:$0x3FD9]  }
0x89: {  	s3 =	sld [smem:$0x3FFE];
	_ =	sdelay $0x1  }
0x8a: {  	s1 =	srdreg.scid  }
0x8b: {  	s0 =	sand.u32 $0x1, s1  }
0x8c: {  	s17 =	sshll.u32 s0, $0xA;
	s2 =	sadd.s32 s3, s2  }
0x8d: {  	s2 =	sadd.s32 s2, s17  }
0x8e: {  	[smem:$0x3FBB] =	sst s2  }
0x8f: {  	_ = 	snop  }
0x90: {  	s2 =	sld [smem:$0x3FD0];
	(tm) =	ssettm $0x1  }
0x91: {  	s18 =	sld [smem:$0x3FFB];
	_ =	sdelay $0x3  }
0x92: {  	_ =	strace s18  }
0x93: {  	s3 =	sld [smem:$0x3FFC];
	_ =	sdelay $0x3  }
0x94: {  	_ =	strace s3  }
0x95: {  	s3 =	sld [smem:$0x3FFD];
	_ =	sdelay $0x3  }
0x96: {  	_ =	strace s3  }
0x97: {  	_ =	strace $0x8FFFFFFF  }
0x98: {  	s19 =	sld [smem:$0x3FDB];
	_ =	sdelay $0x1  }
0x99: {  	s4 =	simm.s32 $_scs_section_size  }
0x9a: {  	s5 =	simm.s32 $_size__tile_overlayer_lowered;
	s6 =	simm.s32 $_tile_overlayer_lowered  }
0x9b: {  	s22 =	simm.s32 $0x1BFF;
	s21 =	sshll.u32 s6, $0x1;
	s3 =	sadd.s32 s4, s19  }
0x9c: {  	s7 =	simm.s32 $0x0;
	s20 =	sshll.u32 s5, $0x1;
	s5 =	sadd.s32 s21, s3  }
0x9d: {  	[timem:s7], [sflag:s22] =	dma.local [hbm:s5], s20  }
0x9e: {  	_ =	swait.ge [sflag:s22], s20  }
0x9f: {  	s4 =	ssub.s32 $0x0, s20;
	[sflag:s22] =	ssyncset.done $0x0  }
0xa0: {  	[sflag:s22] =	ssyncadd.s32 s4;
	_ =	sdelay $0x1  }
0xa1: {  	s23 =	simm.s32 $0x1B8B  }
0xa2: {  	_ =	swait.ge [sflag:s23], $0x1  }
0xa3: {  	[sflag:s23] =	ssyncset.done $0x0  }
0xa4: {  	s25 =	simm.s32 $0x1B8E;
	s24 =	sld [smem:$0x3FFE];
	[sflag:s23] =	ssyncadd.s32 $0xFFFFFFFF  }
0xa5: {  	s26 =	simm.s32 $execute0_lowered;
	[smem:$0x3FD2] =	sst s25  }
0xa6: {  	s5 =	sshll.u32 s26, $0x1;
	_ =	strace $0x80000046;
	[dreg:$0x1] =	wrdreg $0xFFFFFFFF  }
0xa7: {  	s28 =	simm.s32 $_size_execute0_lowered;
	s3 =	sadd.s32 s3, s5;
	[dreg:$0x0] =	wrdreg $0x0  }
0xa8: {  	s5 =	sshll.u32 s28, $0x1;
	[dreg:$0x2] =	wrdreg s3  }
0xa9: {  	[dreg:$0x3] =	wrdreg s5  }
0xaa: {  	[dreg:$0x4] =	wrdreg $0xC0  }
0xab: {  	_ =	task [dreg:s7], $0x5FFFF  }
0xac: {  	[dreg:$0x1] =	wrdreg $0xFFFFFFFF  }
0xad: {  	[dreg:$0x0] =	wrdreg $0x60  }
0xae: {  	[dreg:$0x2] =	wrdreg s2  }
0xaf: {  	[dreg:$0x3] =	wrdreg s24  }
0xb0: {  	[dreg:$0x4] =	wrdreg $0x6B000  }
0xb1: {  	[dreg:$0x5] =	wrdreg $0xA  }
0xb2: {  	_ =	task.clear_ibuf [dreg:s7], $0x6FFFF;
	_ =	strace $0x90000046  }
0xb3: {  	s29 =	simm.s32 $0xA;
	_ =	strace $0x80000048  }
0xb4: {  	_ =	swait.ge [sflag:s29], $0x1  }
0xb5: {  	[sflag:s29] =	ssyncadd.s32 $0xFFFFFFFF  }
0xb6: {  	_ =	strace $0x90000048  }
0xb7: {  	_ =	sfence  }
0xb8: {  	s30 =	sld [smem:$0x0];
	_ =	sdelay $0x2  }
0xb9: {  	s31 =	sshll.u32 s1, $0xD;
	s1 =	sshrl.u32 s1, $0x2  }
0xba: {  	s3 =	sand.u32 $0x4000, s31;
	s1 =	sadd.s32 s1, s30  }
0xbb: {  	s0 =	sor.u32 s3, s0;
	s1 =	sshll.u32 s1, $0x11  }
0xbc: {  	s0 =	sor.u32 s1, s0  }
0xbd: {  	s0 =	sadd.s32 $0x8F2B, s0  }
0xbe: {  	[sflag:s0] =	ssyncadd.remote.s32 $0x1  }
0xbf: {  	_ =	sfence.sel $0xFFFF  }
0xc0: {  	[dreg:$0x0] =	wrdreg $0xFFFFFFFF;
	(pc) =	sbr.abs _section_cstart, $3  }
0xc1: {  	[dreg:$0x1] =	wrdreg $0xFFFFFFFF  }
0xc2: {  	_ =	task.clear_ibuf [dreg:s7], $0x2FFFF;
	_ =	strace $0x9FFFFFFF  }
0xc3: {  	(tm) =	ssettm $0x7FFFFFFF  }
tec
execute0_lowered:
.L_overlay_start_1:
0x0: {  	(tag) =	ssettag $0x1  }
0x1: {  	s18 =	rddreg [dreg:$0x0]  }
0x2: {  	s0 =	rddreg [dreg:$0x1]  }
0x3: {  	s21 =	rddreg [dreg:$0x2];
	s14 =	simm.s32 $0x0;
	s1 =	srdreg.scid  }
0x4: {  	s15 =	stileid.u32;
	s5 =	sadd.s32 $0x502200, s0;
	s6 =	sadd.s32 $0x4EE600, s0  }
0x5: {  	s1 =	sand.u32 $0x1, s1;
	s7 =	sadd.s32 $0x4E4800, s0;
	s25 =	smul.u32 $0x270, s15  }
0x6: {  	s9 =	sadd.s32 $0x4F8400, s0;
	s2 =	sshll.u32 s1, $0x4;
	s19 =	smul.u32 $0x2710, s1  }
0x7: {  	s3 =	ssub.s32 $0x2, s1;
	s1 =	smul.u32 $0x138800, s1;
	s2 =	sor.u32 s15, s2  }
0x8: {  	[smem:$0x7FF] =	sst s14;
	s0 =	sadd.s32 $0x773200, s0;
	s8 =	smul.u32 $0x1388, s2  }
0x9: {  	_ =	strace $0x80000047;
	s4 =	sshrl.u32 s3, $0x1;
	s13 =	smul.u32 $0x13880, s2  }
0xa: {  	s3 =	ssub.s32 s3, s4;
	s4 =	sadd.s32 s25, s19;
	s1 =	sshrl.u32 s1, $0x3  }
0xb: {  	s4 =	sshll.u32 s4, $0x4;
	s10 =	sadd.s32 $0x27100, s8;
	s13 =	sadd.s32 s5, s13  }
0xc: {  	s4 =	sadd.s32 s0, s4;
	s0 =	sadd.s32 s0, s1;
	[dreg:$0x8] =	wrdreg s13  }
0xd: {  	s12 =	sadd.s32 $0x27128, s8;
	[dreg:$0xc] =	wrdreg s4;
	s0 =	sadd.s32 $0x24900, s0  }
0xe: {  	s11 =	sshrl.u32 s10, $0x3;
	s4 =	sadd.s32 $0x271F0, s8;
	[dreg:$0x1b] =	wrdreg s0  }
0xf: {  	s12 =	sshrl.u32 s12, $0x3;
	s16 =	sadd.s32 s6, s11;
	[dreg:$0x1f] =	wrdreg s4  }
0x10: {  	s2 =	smul.u32 $0x9C400, s2;
	s26 =	sadd.s32 s6, s12;
	[dreg:$0x5] =	wrdreg s16  }
0x11: {  	p1 =	seq.s32 s15, $0xF;
	s17 =	sadd.s32 s7, s11;
	[dreg:$0x6] =	wrdreg s26  }
0x12: {  	s2 =	sshrl.u32 s2, $0x3;
	s11 =	sadd.s32 s9, s11;
	[dreg:$0x7] =	wrdreg s17  }
0x13: {  	s23 =	sadd.s32 $0x27178, s8;
	s20 =	sadd.s32 s9, s12;
	[dreg:$0x9] =	wrdreg s11  }
0x14: {  	s25 =	sshrl.u32 s23, $0x3;
	s12 =	sadd.s32 s7, s12;
	[dreg:$0xa] =	wrdreg s20  }
0x15: {  	s2 =	sadd.s32 s5, s2;
	s13 =	sadd.s32 s6, s25;
	[dreg:$0xb] =	wrdreg s12  }
0x16: {  	s23 =	smul.u32 $0x4E000, s15;
	s1 =	sadd.s32 s7, s25;
	[dreg:$0x10] =	wrdreg s13  }
0x17: {  	s0 =	sadd.s32 $0x124800, s21;
	s17 =	sadd.s32 s9, s25;
	[dreg:$0x12] =	wrdreg s1  }
0x18: {  	s12 =	sshrl.u32 s8, $0x3;
	s20 =	sadd.s32 $0x280, s2;
	[dreg:$0x11] =	wrdreg s17  }
0x19: {  	s1 =	sshrl.u32 s23, $0x2;
	s0 =	sshrl.u32 @p1 s0, $0x3;
	[dreg:$0x14] =	wrdreg s20  }
0x1a: {  	s22 =	sadd.s32 $0x4E2A, s12;
	s13 =	sadd.s32 s1, s21;
	[dreg:$0x1d] =	wrdreg s0  }
0x1b: {  	s24 =	sadd.s32 s6, s22;
	[dreg:$0x1a] =	wrdreg s13  }
0x1c: {  	s26 =	sadd.s32 s9, s22;
	[dreg:$0xd] =	wrdreg s24  }
0x1d: {  	s16 =	sadd.s32 s6, s12;
	s11 =	sadd.s32 s7, s22;
	[dreg:$0xe] =	wrdreg s26  }
0x1e: {  	s19 =	sadd.s32 $0x4E34, s16;
	[dreg:$0xf] =	wrdreg s11  }
0x1f: {  	s22 =	sadd.s32 $0x500, s2;
	[dreg:$0x13] =	wrdreg s19  }
0x20: {  	s25 =	sadd.s32 $0x508C, s12;
	s12 =	sadd.s32 $0x3000, s13;
	[dreg:$0x15] =	wrdreg s22  }
0x21: {  	p0 =	sne.s32 s15, $0xF;
	s15 =	sadd.s32 $0x4800, s13;
	[smem:$0x7F3] =	sst s12  }
0x22: {  	s31 =	simm.s32 $0x80;
	s16 =	sadd.s32 $0x6000, s13;
	[smem:$0x7F4] =	sst s15  }
0x23: {  	s30 =	simm.s32 $0x200;
	s17 =	sadd.s32 $0x7800, s13;
	[smem:$0x7F5] =	sst s16  }
0x24: {  	s28 =	simm.s32 $0x180;
	s20 =	sadd.s32 $0xA800, s13;
	[smem:$0x7F6] =	sst s17  }
0x25: {  	s29 =	simm.s32 $0xC;
	s23 =	sadd.s32 $0xD800, s13;
	[smem:$0x7F8] =	sst s20  }
0x26: {  	s4 =	simm.s32 $0x180;
	s24 =	sadd.s32 $0x780, s2;
	[smem:$0x7FA] =	sst s23  }
0x27: {  	s2 =	sadd.s32 $0x13600, s2;
	s26 =	sadd.s32 s9, s25;
	[dreg:$0x16] =	wrdreg s24  }
0x28: {  	s11 =	sadd.s32 $0x1800, s13;
	s19 =	sadd.s32 $0x9000, s13;
	[dreg:$0x17] =	wrdreg s2  }
0x29: {  	s22 =	sadd.s32 $0xC000, s13;
	s15 =	simm.s32 $0x100;
	[dreg:$0x18] =	wrdreg s26  }
0x2a: {  	s12 =	simm.s32 $0x28;
	s16 =	simm.s32 $0x5200;
	[smem:$0x7F2] =	sst s11  }
0x2b: {  	s17 =	simm.s32 $0x1600;
	s20 =	simm.s32 $0x5280;
	[smem:$0x7F7] =	sst s19  }
0x2c: {  	s23 =	simm.s32 $0x7;
	s2 =	sadd.s32 s7, s25;
	[smem:$0x7F9] =	sst s22  }
0x2d: {  	s24 =	sadd.s32 $0xF000, s13;
	s25 =	sadd.s32 $0x10800, s13;
	[dreg:$0x19] =	wrdreg s2  }
0x2e: {  	s26 =	sadd.s32 $0x12000, s13;
	s11 =	simm.s32 $0x1;
	[smem:$0x7FB] =	sst s24  }
0x2f: {  	s22 =	simm.s32 $0x5;
	s19 =	simm.s32 $0xA;
	[smem:$0x7FC] =	sst s25  }
0x30: {  	s2 =	smax.u32 s3, $0x1;
	s3 =	sadd.s32 $0x138000, s21;
	[smem:$0x7FD] =	sst s26  }
0x31: {  	s24 =	simm.s32 $0xB;
	s25 =	simm.s32 $0x3;
	[dreg:$0x1c] =	wrdreg s2  }
0x32: {  	v0 =	vimm.f32 $0.0e+00;
	s26 =	simm.s32 $0x9;
	[dreg:$0x1e] =	wrdreg s3;
	s3 =	simm.s32 $0x4  }
.LBB2_1:
0x33: {  	[dreg:$0x4] =	wrdreg s14;
	s0 =	simm.s32 $0x70;
	s1 =	simm.s32 $0x3C0  }
.LBB2_2:
0x34: {  	p2 =	sne.s32 s1, $0x5FC0;
	[tilespmem:s0+$0x5300] =	vst v0  }
0x35: {  	[tilespmem:s0+$0x5290] =	vst v0  }
0x36: {  	[tilespmem:s0+$0x52A0] =	vst v0  }
.Ltmp0:
0x37: {  	[tilespmem:s0+$0x52B0] =	vst v0;
	(pc) =	sbr.rel @p2 .LBB2_2-.Ltmp0, $4  }
0x38: {  	[tilespmem:s0+$0x52C0] =	vst v0  }
0x39: {  	[tilespmem:s0+$0x52D0] =	vst v0  }
0x3a: {  	[tilespmem:s0+$0x52E0] =	vst v0  }
0x3b: {  	[tilespmem:s0+$0x52F0] =	vst v0;
	s0 =	sshra.s32 s1, $0x2;
	s1 =	sadd.s32 $0x200, s1  }
0x3c: {  	[tilespmem:s0+$0x5300] =	vst v0  }
0x3d: {  	[tilespmem:s0+$0x5290] =	vst v0  }
0x3e: {  	[tilespmem:s0+$0x52A0] =	vst v0  }
0x3f: {  	[tilespmem:s0+$0x52B0] =	vst v0  }
0x40: {  	[tilespmem:s0+$0x52C0] =	vst v0  }
0x41: {  	[tilespmem:s0+$0x52D0] =	vst v0  }
0x42: {  	[tilespmem:s0+$0x52E0] =	vst v0  }
0x43: {  	[tilespmem:s0+$0x52F0] =	vst v0;
	s1 =	simm.s32 $0x5300;
	s2 =	sld [smem:$0x7F2]  }
0x44: {  	[spmem:s13] =	stream.linear.scatter [tilespmem:s1], [sflag:$0xD], $0x1800, $0x38;
	[tilespmem:$0x1A380] =	vst v63  }
0x45: {  	s13 =	sld [smem:$0x7F3]  }
0x46: {  	[spmem:s2] =	stream.linear.scatter [tilespmem:s1], [sflag:$0xD], $0x1800, $0x38;
	[tilespmem:$0x1A380] =	vst v63  }
0x47: {  	s14 =	sld [smem:$0x7F4]  }
0x48: {  	[spmem:s13] =	stream.linear.scatter [tilespmem:s1], [sflag:$0xD], $0x1800, $0x38;
	[tilespmem:$0x1A380] =	vst v63  }
0x49: {  	s2 =	sld [smem:$0x7F5]  }
0x4a: {  	[spmem:s14] =	stream.linear.scatter [tilespmem:s1], [sflag:$0xD], $0x1800, $0x38;
	[tilespmem:$0x1A380] =	vst v63  }
0x4b: {  	s13 =	sld [smem:$0x7F6]  }
0x4c: {  	[spmem:s2] =	stream.linear.scatter [tilespmem:s1], [sflag:$0xD], $0x1800, $0x38;
	[tilespmem:$0x1A380] =	vst v63  }
0x4d: {  	s14 =	sld [smem:$0x7F7]  }
0x4e: {  	[spmem:s13] =	stream.linear.scatter [tilespmem:s1], [sflag:$0xD], $0x1800, $0x38;
	[tilespmem:$0x1A380] =	vst v63  }
0x4f: {  	s2 =	sld [smem:$0x7F8]  }
0x50: {  	[spmem:s14] =	stream.linear.scatter [tilespmem:s1], [sflag:$0xD], $0x1800, $0x38;
	[tilespmem:$0x1A380] =	vst v63  }
0x51: {  	s13 =	sld [smem:$0x7F9]  }
0x52: {  	[spmem:s2] =	stream.linear.scatter [tilespmem:s1], [sflag:$0xD], $0x1800, $0x38;
	[tilespmem:$0x1A380] =	vst v63  }
0x53: {  	s14 =	sld [smem:$0x7FA]  }
0x54: {  	[spmem:s13] =	stream.linear.scatter [tilespmem:s1], [sflag:$0xD], $0x1800, $0x38;
	[tilespmem:$0x1A380] =	vst v63  }
0x55: {  	s2 =	sld [smem:$0x7FB]  }
0x56: {  	[spmem:s14] =	stream.linear.scatter [tilespmem:s1], [sflag:$0xD], $0x1800, $0x38;
	[tilespmem:$0x1A380] =	vst v63  }
0x57: {  	s13 =	sld [smem:$0x7FC]  }
0x58: {  	[spmem:s2] =	stream.linear.scatter [tilespmem:s1], [sflag:$0xD], $0x1800, $0x38;
	[tilespmem:$0x1A380] =	vst v63  }
0x59: {  	s14 =	sld [smem:$0x7FD]  }
0x5a: {  	[spmem:s13] =	stream.linear.scatter [tilespmem:s1], [sflag:$0xD], $0x1800, $0x38;
	[tilespmem:$0x1A380] =	vst v63  }
0x5b: {  	_ = 	snop  }
0x5c: {  	[spmem:s14] =	stream.linear.scatter [tilespmem:s1], [sflag:$0xD], $0x1800, $0x38;
	[tilespmem:$0x1A380] =	vst v63  }
0x5d: {  	s1 =	simm.s32 $0xD  }
0x5e: {  	_ =	swait.ge [sflag:s1], $0x1800  }
0x5f: {  	[sflag:s1] =	ssyncset.done $0x0  }
0x60: {  	[sflag:s1] =	ssyncadd.s32 $0xFFFFE800  }
0x61: {  	_ =	swait.ge [sflag:s1], $0x1800  }
0x62: {  	[sflag:s1] =	ssyncset.done $0x0  }
0x63: {  	[sflag:s1] =	ssyncadd.s32 $0xFFFFE800  }
0x64: {  	_ =	swait.ge [sflag:s1], $0x1800  }
0x65: {  	[sflag:s1] =	ssyncset.done $0x0  }
0x66: {  	[sflag:s1] =	ssyncadd.s32 $0xFFFFE800  }
0x67: {  	_ =	swait.ge [sflag:s1], $0x1800  }
0x68: {  	[sflag:s1] =	ssyncset.done $0x0  }
0x69: {  	[sflag:s1] =	ssyncadd.s32 $0xFFFFE800  }
0x6a: {  	_ =	swait.ge [sflag:s1], $0x1800  }
0x6b: {  	[sflag:s1] =	ssyncset.done $0x0  }
0x6c: {  	[sflag:s1] =	ssyncadd.s32 $0xFFFFE800  }
0x6d: {  	_ =	swait.ge [sflag:s1], $0x1800  }
0x6e: {  	[sflag:s1] =	ssyncset.done $0x0  }
0x6f: {  	[sflag:s1] =	ssyncadd.s32 $0xFFFFE800  }
0x70: {  	_ =	swait.ge [sflag:s1], $0x1800  }
0x71: {  	[sflag:s1] =	ssyncset.done $0x0  }
0x72: {  	[sflag:s1] =	ssyncadd.s32 $0xFFFFE800  }
0x73: {  	_ =	swait.ge [sflag:s1], $0x1800  }
0x74: {  	[sflag:s1] =	ssyncset.done $0x0  }
0x75: {  	[sflag:s1] =	ssyncadd.s32 $0xFFFFE800  }
0x76: {  	_ =	swait.ge [sflag:s1], $0x1800  }
0x77: {  	[sflag:s1] =	ssyncset.done $0x0  }
0x78: {  	[sflag:s1] =	ssyncadd.s32 $0xFFFFE800  }
0x79: {  	_ =	swait.ge [sflag:s1], $0x1800  }
0x7a: {  	[sflag:s1] =	ssyncset.done $0x0  }
0x7b: {  	[sflag:s1] =	ssyncadd.s32 $0xFFFFE800  }
0x7c: {  	_ =	swait.ge [sflag:s1], $0x1800  }
0x7d: {  	[sflag:s1] =	ssyncset.done $0x0  }
0x7e: {  	[sflag:s1] =	ssyncadd.s32 $0xFFFFE800  }
0x7f: {  	_ =	swait.ge [sflag:s1], $0x1800  }
0x80: {  	[sflag:s1] =	ssyncset.done $0x0  }
0x81: {  	[sflag:s1] =	ssyncadd.s32 $0xFFFFE800  }
0x82: {  	_ =	swait.ge [sflag:s1], $0x1800  }
0x83: {  	[sflag:s1] =	ssyncset.done $0x0  }
0x84: {  	s0 =	simm.s32 @!p0 $0x5300;
	[sflag:s1] =	ssyncadd.s32 $0xFFFFE800;
	s1 =	rddreg [dreg:$0x1e]  }
0x85: {  	[spmem:s1] =	stream.linear.scatter @!p0 [tilespmem:s0], [sflag:$0xE], $0x800, $0x38;
	[tilespmem:$0x1A380] =	vst v63  }
0x86: {  	s0 =	simm.s32 @!p0 $0xE  }
0x87: {  	_ =	swait.ge @!p0 [sflag:s0], $0x800  }
0x88: {  	[sflag:s0] =	ssyncset.done @!p0 $0x0  }
0x89: {  	[sflag:s0] =	ssyncadd.s32 @!p0 $0xFFFFF800  }
0x8a: {  	[bflag:$0x0] =	sbarrier.arrive $0xFFFF  }
0x8b: {  	s0 =	simm.s32 $0x0;
	s2 =	rddreg [dreg:$0x5]  }
0x8c: {  	[tilespmem:s0], [sflag:$0x1] =	stream.linear.gather [hbm4b:s2+s0], $0x28, $0x38;
	[tilespmem:$0x1A380] =	vst v63  }
0x8d: {  	s13 =	rddreg [dreg:$0x6]  }
0x8e: {  	[tilespmem:s31], [sflag:$0x2] =	stream.linear.gather [hbm4b:s13+s0], $0x28, $0x38;
	[tilespmem:$0x1A380] =	vst v63  }
0x8f: {  	s14 =	rddreg [dreg:$0x7]  }
0x90: {  	[tilespmem:s15], [sflag:$0x3] =	stream.linear.gather [hbm4b:s14+s0], $0x28, $0x38;
	[tilespmem:$0x1A380] =	vst v63  }
0x91: {  	_ =	swait.ge [sflag:s11], $0x28  }
0x92: {  	[sflag:s11] =	ssyncset.done $0x0  }
0x93: {  	[sflag:s11] =	ssyncadd.s32 $0xFFFFFFD8  }
0x94: {  	[tilespmem:s30], [sflag:$0x5] =	stream.indirect.gather [hbm4b:s18+s12], $0x80, s0, s12, $0xb8;
	[tilespmem:$0x1A380] =	vst v63  }
0x95: {  	s2 =	simm.s32 $0x2A00;
	s15 =	rddreg [dreg:$0x8]  }
0x96: {  	[tilespmem:s2], [sflag:$0x7] =	stream.linear.gather [hbm4b:s15+s0], $0x1400, $0x38;
	[tilespmem:$0x1A380] =	vst v63  }
0x97: {  	s30 =	rddreg [dreg:$0x9];
	s2 =	simm.s32 $0x2  }
0x98: {  	[tilespmem:s16], [sflag:$0xB] =	stream.linear.gather [hbm4b:s30+s0], $0x28, $0x38;
	[tilespmem:$0x1A380] =	vst v63  }
0x99: {  	_ =	swait.ge [sflag:s2], $0x28  }
0x9a: {  	[sflag:s2] =	ssyncset.done $0x0  }
0x9b: {  	[sflag:s2] =	ssyncadd.s32 $0xFFFFFFD8  }
0x9c: {  	[tilespmem:s17], [sflag:$0x6] =	stream.indirect.gather [hbm4b:s18+s12], $0x80, s31, s12, $0xb8;
	[tilespmem:$0x1A380] =	vst v63  }
0x9d: {  	s14 =	simm.s32 $0x3E00;
	s13 =	rddreg [dreg:$0x14]  }
0x9e: {  	[tilespmem:s14], [sflag:$0x8] =	stream.linear.gather [hbm4b:s13+s0], $0x1400, $0x38;
	[tilespmem:$0x1A380] =	vst v63  }
0x9f: {  	s15 =	rddreg [dreg:$0xa]  }
0xa0: {  	[tilespmem:s20], [sflag:$0xC] =	stream.linear.gather [hbm4b:s15+s0], $0x28, $0x38;
	[tilespmem:$0x1A380] =	vst v63  }
0xa1: {  	s17 =	rddreg [dreg:$0xb]  }
0xa2: {  	[tilespmem:s28], [sflag:$0x4] =	stream.linear.gather [hbm4b:s17+s0], $0x28, $0x38;
	[tilespmem:$0x1A380] =	vst v63  }
0xa3: {  	_ =	swait.ge [sflag:s22], $0x1400  }
0xa4: {  	[sflag:s22] =	ssyncset.done $0x0  }
0xa5: {  	[sflag:s22] =	ssyncadd.s32 $0xFFFFEC00  }
0xa6: {  	_ =	swait.ge [sflag:s23], $0x1400  }
0xa7: {  	[sflag:s23] =	ssyncset.done $0x0  }
0xa8: {  	[sflag:s23] =	ssyncadd.s32 $0xFFFFEC00  }
0xa9: {  	v1 =	vmov s0;
	_ =	swait.ge [sflag:s24], $0x28  }
0xaa: {  	[sflag:s24] =	ssyncset.done $0x0  }
0xab: {  	s1 =	simm.s32 $0x2A20;
	s30 =	rddreg [dreg:$0xd];
	[sflag:s24] =	ssyncadd.s32 $0xFFFFFFD8  }
0xac: {  	[tilespmem:s0], [sflag:$0x1] =	stream.linear.gather [hbm4b:s30+s0], $0x28, $0x38;
	[tilespmem:$0x1A380] =	vst v63  }
0xad: {  	v2 =	vld [tilespmem:s1+$0xFFFFFFE0]  }
0xae: {  	v4 =	vld.idx.msk [tilespmem:v1+s16+$0x0], $0xffff  }
0xaf: {  	s2 =	simm.s32 $0x240  }
0xb0: {  	v1 =	vld [tilespmem:s2+$0xFFFFFFC0]  }
0xb1: {  	v3 =	vld [tilespmem:s2+$0x0]  }
0xb2: {  	v5 =	vshll.u32 v2, $0x10  }
0xb3: {  	v2 =	vand.u32 $0xFFFF0000, v2;
	v5 =	vmul.f32 v5, v4  }
0xb4: {  	v2 =	vmul.f32 v2, v4  }
0xb5: {  	v1 =	vmul.f32 v5, v1  }
0xb6: {  	v2 =	vmul.f32 v2, v3  }
0xb7: {  	[tilespmem:s2+$0xFFFFFFC0] =	vst v1  }
0xb8: {  	[tilespmem:s2+$0x0] =	vst v2  }
0xb9: {  	v1 =	vld [tilespmem:s1+$0xFFFFFFF0];
	_ =	sdelay $0x2  }
0xba: {  	v2 =	vld [tilespmem:s2+$0xFFFFFFD0]  }
0xbb: {  	v3 =	vld [tilespmem:s2+$0x10]  }
0xbc: {  	v5 =	vshll.u32 v1, $0x10  }
0xbd: {  	v1 =	vand.u32 $0xFFFF0000, v1;
	v5 =	vmul.f32 v5, v4  }
0xbe: {  	v1 =	vmul.f32 v1, v4  }
0xbf: {  	v2 =	vmul.f32 v5, v2  }
0xc0: {  	v1 =	vmul.f32 v1, v3  }
0xc1: {  	[tilespmem:s2+$0xFFFFFFD0] =	vst v2  }
0xc2: {  	[tilespmem:s2+$0x10] =	vst v1  }
0xc3: {  	v1 =	vld [tilespmem:s1+$0x0];
	_ =	sdelay $0x2  }
0xc4: {  	v2 =	vld [tilespmem:s2+$0xFFFFFFE0]  }
0xc5: {  	v3 =	vld [tilespmem:s2+$0x20]  }
0xc6: {  	v5 =	vshll.u32 v1, $0x10  }
0xc7: {  	v1 =	vand.u32 $0xFFFF0000, v1;
	v5 =	vmul.f32 v5, v4  }
0xc8: {  	v1 =	vmul.f32 v1, v4  }
0xc9: {  	v2 =	vmul.f32 v5, v2  }
0xca: {  	v1 =	vmul.f32 v1, v3  }
0xcb: {  	[tilespmem:s2+$0xFFFFFFE0] =	vst v2  }
0xcc: {  	[tilespmem:s2+$0x20] =	vst v1  }
0xcd: {  	v2 =	vld [tilespmem:s1+$0x10];
	_ =	sdelay $0x3  }
0xce: {  	v1 =	vld [tilespmem:s2+$0xFFFFFFF0]  }
0xcf: {  	v3 =	vshll.u32 v2, $0x10;
	v5 =	vand.u32 $0xFFFF0000, v2;
	v2 =	vld [tilespmem:s2+$0x30];
	_ =	sdelay $0x2  }
0xd0: {  	s14 =	simm.s32 $0x1;
	s15 =	simm.s32 $0x240;
	v3 =	vmul.f32 v3, v4;
	v4 =	vmul.f32 v5, v4  }
.LBB2_4:
0xd1: {  	p2 =	sne.s32 s14, $0x27;
	s2 =	sadd.s32 $0x80, s2;
	s1 =	sadd.s32 $0x80, s1  }
0xd2: {  	v5 =	vmov s14;
	s14 =	sadd.s32 $0x1, s14;
	v1 =	vmul.f32 v3, v1;
	v2 =	vmul.f32 v4, v2;
	_ =	sdelay $0x1  }
0xd3: {  	[tilespmem:s15+$0xFFFFFFF0] =	vst v1  }
0xd4: {  	[tilespmem:s15+$0x30] =	vst v2;
	s15 =	smov.u32 s2  }
0xd5: {  	v1 =	vld [tilespmem:s1+$0xFFFFFFE0]  }
0xd6: {  	v4 =	vld.idx.msk [tilespmem:v5+s16+$0x0], $0xffff;
	_ =	sdelay $0x1  }
0xd7: {  	v2 =	vld [tilespmem:s2+$0x0]  }
0xd8: {  	v3 =	vld [tilespmem:s2+$0xFFFFFFC0];
	_ =	sdelay $0x1  }
0xd9: {  	v5 =	vshll.u32 v1, $0x10;
	v1 =	vand.u32 $0xFFFF0000, v1  }
0xda: {  	v5 =	vmul.f32 v5, v4;
	v1 =	vmul.f32 v1, v4;
	_ =	sdelay $0x1  }
0xdb: {  	v1 =	vmul.f32 v1, v2;
	v3 =	vmul.f32 v5, v3;
	_ =	sdelay $0x1  }
0xdc: {  	[tilespmem:s2+$0xFFFFFFC0] =	vst v3  }
0xdd: {  	[tilespmem:s2+$0x0] =	vst v1  }
0xde: {  	v1 =	vld [tilespmem:s1+$0xFFFFFFF0];
	_ =	sdelay $0x1  }
0xdf: {  	v2 =	vld [tilespmem:s2+$0x10]  }
0xe0: {  	v3 =	vld [tilespmem:s2+$0xFFFFFFD0];
	_ =	sdelay $0x1  }
0xe1: {  	v5 =	vshll.u32 v1, $0x10;
	v1 =	vand.u32 $0xFFFF0000, v1  }
0xe2: {  	v5 =	vmul.f32 v5, v4;
	v1 =	vmul.f32 v1, v4;
	_ =	sdelay $0x1  }
0xe3: {  	v3 =	vmul.f32 v5, v3;
	v1 =	vmul.f32 v1, v2;
	_ =	sdelay $0x1  }
0xe4: {  	[tilespmem:s2+$0xFFFFFFD0] =	vst v3  }
0xe5: {  	[tilespmem:s2+$0x10] =	vst v1  }
0xe6: {  	v1 =	vld [tilespmem:s1+$0x0];
	_ =	sdelay $0x1  }
0xe7: {  	v2 =	vld [tilespmem:s2+$0x20]  }
0xe8: {  	v3 =	vld [tilespmem:s2+$0xFFFFFFE0];
	_ =	sdelay $0x1  }
0xe9: {  	v5 =	vshll.u32 v1, $0x10;
	v1 =	vand.u32 $0xFFFF0000, v1  }
0xea: {  	v5 =	vmul.f32 v5, v4;
	v1 =	vmul.f32 v1, v4;
	_ =	sdelay $0x1  }
0xeb: {  	v3 =	vmul.f32 v5, v3;
	v1 =	vmul.f32 v1, v2;
	_ =	sdelay $0x1  }
0xec: {  	[tilespmem:s2+$0xFFFFFFE0] =	vst v3  }
0xed: {  	[tilespmem:s2+$0x20] =	vst v1;
	v1 =	vld [tilespmem:s2+$0xFFFFFFF0]  }
0xee: {  	v3 =	vld [tilespmem:s1+$0x10];
	_ =	sdelay $0x1  }
.Ltmp1:
0xef: {  	(pc) =	sbr.rel @p2 .LBB2_4-.Ltmp1, $3  }
0xf0: {  	v2 =	vld [tilespmem:s2+$0x30];
	_ =	sdelay $0x1  }
0xf1: {  	v5 =	vshll.u32 v3, $0x10;
	v6 =	vand.u32 $0xFFFF0000, v3  }
0xf2: {  	v3 =	vmul.f32 v5, v4;
	v4 =	vmul.f32 v6, v4  }
0xf3: {  	_ = 	snop  }
0xf4: {  	v1 =	vmul.f32 v3, v1  }
0xf5: {  	v2 =	vmul.f32 v4, v2  }
0xf6: {  	[tilespmem:s15+$0xFFFFFFF0] =	vst v1  }
0xf7: {  	[tilespmem:s15+$0x30] =	vst v2  }
0xf8: {  	_ =	swait.ge [sflag:s25], $0x28  }
0xf9: {  	[sflag:s25] =	ssyncset.done $0x0  }
0xfa: {  	s2 =	simm.s32 $0x100;
	s1 =	simm.s32 $0x200;
	[sflag:s25] =	ssyncadd.s32 $0xFFFFFFD8  }
0xfb: {  	[spmem:s21] =	stream.indirect.scatter.add.f32 [tilespmem:s1], [sflag:$0x9], $0x80, s2, s12, $0xb8;
	[tilespmem:$0x1A380] =	vst v63  }
0xfc: {  	_ =	swait.ge [sflag:s26], $0x1400  }
0xfd: {  	[sflag:s26] =	ssyncset.done $0x0  }
0xfe: {  	[sflag:s26] =	ssyncadd.s32 $0xFFFFEC00  }
0xff: {  	_ =	swait.ge [sflag:s11], $0x28  }
0x100: {  	[sflag:s11] =	ssyncset.done $0x0  }
0x101: {  	s0 =	simm.s32 $0x0;
	[sflag:s11] =	ssyncadd.s32 $0xFFFFFFD8  }
0x102: {  	[tilespmem:s1], [sflag:$0x5] =	stream.indirect.gather [hbm4b:s18+s12], $0x80, s0, s12, $0xb8;
	[tilespmem:$0x1A380] =	vst v63  }
0x103: {  	s14 =	simm.s32 $0x2A00;
	s13 =	rddreg [dreg:$0x15]  }
0x104: {  	[tilespmem:s14], [sflag:$0x7] =	stream.linear.gather [hbm4b:s13+s0], $0x1400, $0x38;
	[tilespmem:$0x1A380] =	vst v63  }
0x105: {  	s14 =	rddreg [dreg:$0xe]  }
0x106: {  	[tilespmem:s16], [sflag:$0xB] =	stream.linear.gather [hbm4b:s14+s0], $0x28, $0x38;
	[tilespmem:$0x1A380] =	vst v63  }
0x107: {  	s17 =	simm.s32 $0x6;
	s15 =	rddreg [dreg:$0xf]  }
0x108: {  	[tilespmem:s2], [sflag:$0x3] =	stream.linear.gather [hbm4b:s15+s0], $0x28, $0x38;
	[tilespmem:$0x1A380] =	vst v63  }
0x109: {  	_ =	swait.ge [sflag:s17], $0x1400  }
0x10a: {  	[sflag:s17] =	ssyncset.done $0x0  }
0x10b: {  	s28 =	simm.s32 $0x8;
	[sflag:s17] =	ssyncadd.s32 $0xFFFFEC00  }
0x10c: {  	_ =	swait.ge [sflag:s28], $0x1400  }
0x10d: {  	[sflag:s28] =	ssyncset.done $0x0  }
0x10e: {  	[sflag:s28] =	ssyncadd.s32 $0xFFFFEC00  }
0x10f: {  	v1 =	vmov s0;
	_ =	swait.ge [sflag:s29], $0x28  }
0x110: {  	[sflag:s29] =	ssyncset.done $0x0  }
0x111: {  	s1 =	simm.s32 $0x3E20;
	s30 =	rddreg [dreg:$0x10];
	[sflag:s29] =	ssyncadd.s32 $0xFFFFFFD8  }
0x112: {  	[tilespmem:s31], [sflag:$0x2] =	stream.linear.gather [hbm4b:s30+s0], $0x28, $0x38;
	[tilespmem:$0x1A380] =	vst v63  }
0x113: {  	v2 =	vld [tilespmem:s1+$0xFFFFFFE0]  }
0x114: {  	v4 =	vld.idx.msk [tilespmem:v1+s20+$0x0], $0xffff  }
0x115: {  	s2 =	simm.s32 $0x1640  }
0x116: {  	v1 =	vld [tilespmem:s2+$0xFFFFFFC0]  }
0x117: {  	v3 =	vld [tilespmem:s2+$0x0]  }
0x118: {  	v5 =	vshll.u32 v2, $0x10  }
0x119: {  	v2 =	vand.u32 $0xFFFF0000, v2;
	v5 =	vmul.f32 v5, v4  }
0x11a: {  	v2 =	vmul.f32 v2, v4  }
0x11b: {  	v1 =	vmul.f32 v5, v1  }
0x11c: {  	v2 =	vmul.f32 v2, v3  }
0x11d: {  	[tilespmem:s2+$0xFFFFFFC0] =	vst v1  }
0x11e: {  	[tilespmem:s2+$0x0] =	vst v2  }
0x11f: {  	v1 =	vld [tilespmem:s1+$0xFFFFFFF0];
	_ =	sdelay $0x2  }
0x120: {  	v2 =	vld [tilespmem:s2+$0xFFFFFFD0]  }
0x121: {  	v3 =	vld [tilespmem:s2+$0x10]  }
0x122: {  	v5 =	vshll.u32 v1, $0x10  }
0x123: {  	v1 =	vand.u32 $0xFFFF0000, v1;
	v5 =	vmul.f32 v5, v4  }
0x124: {  	v1 =	vmul.f32 v1, v4  }
0x125: {  	v2 =	vmul.f32 v5, v2  }
0x126: {  	v1 =	vmul.f32 v1, v3  }
0x127: {  	[tilespmem:s2+$0xFFFFFFD0] =	vst v2  }
0x128: {  	[tilespmem:s2+$0x10] =	vst v1  }
0x129: {  	v1 =	vld [tilespmem:s1+$0x0];
	_ =	sdelay $0x2  }
0x12a: {  	v2 =	vld [tilespmem:s2+$0xFFFFFFE0]  }
0x12b: {  	v3 =	vld [tilespmem:s2+$0x20]  }
0x12c: {  	v5 =	vshll.u32 v1, $0x10  }
0x12d: {  	v1 =	vand.u32 $0xFFFF0000, v1;
	v5 =	vmul.f32 v5, v4  }
0x12e: {  	v1 =	vmul.f32 v1, v4  }
0x12f: {  	v2 =	vmul.f32 v5, v2  }
0x130: {  	v1 =	vmul.f32 v1, v3  }
0x131: {  	[tilespmem:s2+$0xFFFFFFE0] =	vst v2  }
0x132: {  	[tilespmem:s2+$0x20] =	vst v1  }
0x133: {  	v2 =	vld [tilespmem:s1+$0x10];
	_ =	sdelay $0x3  }
0x134: {  	v1 =	vld [tilespmem:s2+$0xFFFFFFF0]  }
0x135: {  	v3 =	vshll.u32 v2, $0x10;
	v5 =	vand.u32 $0xFFFF0000, v2;
	v2 =	vld [tilespmem:s2+$0x30];
	_ =	sdelay $0x2  }
0x136: {  	s14 =	simm.s32 $0x1;
	s15 =	simm.s32 $0x1640;
	v3 =	vmul.f32 v3, v4;
	v4 =	vmul.f32 v5, v4  }
.LBB2_6:
0x137: {  	p2 =	sne.s32 s14, $0x27;
	s2 =	sadd.s32 $0x80, s2;
	s1 =	sadd.s32 $0x80, s1  }
0x138: {  	v5 =	vmov s14;
	s14 =	sadd.s32 $0x1, s14;
	v1 =	vmul.f32 v3, v1;
	v2 =	vmul.f32 v4, v2;
	_ =	sdelay $0x1  }
0x139: {  	[tilespmem:s15+$0xFFFFFFF0] =	vst v1  }
0x13a: {  	[tilespmem:s15+$0x30] =	vst v2;
	s15 =	smov.u32 s2  }
0x13b: {  	v1 =	vld [tilespmem:s1+$0xFFFFFFE0]  }
0x13c: {  	v4 =	vld.idx.msk [tilespmem:v5+s20+$0x0], $0xffff;
	_ =	sdelay $0x1  }
0x13d: {  	v2 =	vld [tilespmem:s2+$0x0]  }
0x13e: {  	v3 =	vld [tilespmem:s2+$0xFFFFFFC0];
	_ =	sdelay $0x1  }
0x13f: {  	v5 =	vshll.u32 v1, $0x10;
	v1 =	vand.u32 $0xFFFF0000, v1  }
0x140: {  	v5 =	vmul.f32 v5, v4;
	v1 =	vmul.f32 v1, v4;
	_ =	sdelay $0x1  }
0x141: {  	v1 =	vmul.f32 v1, v2;
	v3 =	vmul.f32 v5, v3;
	_ =	sdelay $0x1  }
0x142: {  	[tilespmem:s2+$0xFFFFFFC0] =	vst v3  }
0x143: {  	[tilespmem:s2+$0x0] =	vst v1  }
0x144: {  	v1 =	vld [tilespmem:s1+$0xFFFFFFF0];
	_ =	sdelay $0x1  }
0x145: {  	v2 =	vld [tilespmem:s2+$0x10]  }
0x146: {  	v3 =	vld [tilespmem:s2+$0xFFFFFFD0];
	_ =	sdelay $0x1  }
0x147: {  	v5 =	vshll.u32 v1, $0x10;
	v1 =	vand.u32 $0xFFFF0000, v1  }
0x148: {  	v5 =	vmul.f32 v5, v4;
	v1 =	vmul.f32 v1, v4;
	_ =	sdelay $0x1  }
0x149: {  	v3 =	vmul.f32 v5, v3;
	v1 =	vmul.f32 v1, v2;
	_ =	sdelay $0x1  }
0x14a: {  	[tilespmem:s2+$0xFFFFFFD0] =	vst v3  }
0x14b: {  	[tilespmem:s2+$0x10] =	vst v1  }
0x14c: {  	v1 =	vld [tilespmem:s1+$0x0];
	_ =	sdelay $0x1  }
0x14d: {  	v2 =	vld [tilespmem:s2+$0x20]  }
0x14e: {  	v3 =	vld [tilespmem:s2+$0xFFFFFFE0];
	_ =	sdelay $0x1  }
0x14f: {  	v5 =	vshll.u32 v1, $0x10;
	v1 =	vand.u32 $0xFFFF0000, v1  }
0x150: {  	v5 =	vmul.f32 v5, v4;
	v1 =	vmul.f32 v1, v4;
	_ =	sdelay $0x1  }
0x151: {  	v3 =	vmul.f32 v5, v3;
	v1 =	vmul.f32 v1, v2;
	_ =	sdelay $0x1  }
0x152: {  	[tilespmem:s2+$0xFFFFFFE0] =	vst v3  }
0x153: {  	[tilespmem:s2+$0x20] =	vst v1;
	v1 =	vld [tilespmem:s2+$0xFFFFFFF0]  }
0x154: {  	v3 =	vld [tilespmem:s1+$0x10];
	_ =	sdelay $0x1  }
.Ltmp2:
0x155: {  	(pc) =	sbr.rel @p2 .LBB2_6-.Ltmp2, $3  }
0x156: {  	v2 =	vld [tilespmem:s2+$0x30];
	_ =	sdelay $0x1  }
0x157: {  	v5 =	vshll.u32 v3, $0x10;
	v6 =	vand.u32 $0xFFFF0000, v3  }
0x158: {  	v3 =	vmul.f32 v5, v4;
	v4 =	vmul.f32 v6, v4  }
0x159: {  	_ = 	snop  }
0x15a: {  	v1 =	vmul.f32 v3, v1  }
0x15b: {  	v2 =	vmul.f32 v4, v2  }
0x15c: {  	[tilespmem:s15+$0xFFFFFFF0] =	vst v1  }
0x15d: {  	[tilespmem:s15+$0x30] =	vst v2  }
0x15e: {  	_ =	swait.ge [sflag:s3], $0x28  }
0x15f: {  	[sflag:s3] =	ssyncset.done $0x0  }
0x160: {  	s1 =	simm.s32 $0x1600;
	s13 =	simm.s32 $0x180;
	[sflag:s3] =	ssyncadd.s32 $0xFFFFFFD8  }
0x161: {  	[spmem:s21] =	stream.indirect.scatter.add.f32 [tilespmem:s1], [sflag:$0xA], $0x80, s13, s12, $0xb8;
	[tilespmem:$0x1A380] =	vst v63  }
0x162: {  	_ =	swait.ge [sflag:s19], $0x1400  }
0x163: {  	[sflag:s19] =	ssyncset.done $0x0  }
0x164: {  	s0 =	simm.s32 $0x2;
	[sflag:s19] =	ssyncadd.s32 $0xFFFFEC00  }
0x165: {  	_ =	swait.ge [sflag:s0], $0x28  }
0x166: {  	[sflag:s0] =	ssyncset.done $0x0  }
0x167: {  	[sflag:s0] =	ssyncadd.s32 $0xFFFFFFD8  }
0x168: {  	[tilespmem:s1], [sflag:$0x6] =	stream.indirect.gather [hbm4b:s18+s12], $0x80, s31, s12, $0xb8;
	[tilespmem:$0x1A380] =	vst v63  }
0x169: {  	s14 =	simm.s32 $0x0;
	s2 =	simm.s32 $0x3E00;
	s15 =	rddreg [dreg:$0x16]  }
0x16a: {  	[tilespmem:s2], [sflag:$0x8] =	stream.linear.gather [hbm4b:s15+s14], $0x1400, $0x38;
	[tilespmem:$0x1A380] =	vst v63  }
0x16b: {  	s17 =	rddreg [dreg:$0x11]  }
0x16c: {  	[tilespmem:s20], [sflag:$0xC] =	stream.linear.gather [hbm4b:s17+s14], $0x28, $0x38;
	[tilespmem:$0x1A380] =	vst v63  }
0x16d: {  	s28 =	rddreg [dreg:$0x12]  }
0x16e: {  	[tilespmem:s13], [sflag:$0x4] =	stream.linear.gather [hbm4b:s28+s14], $0x28, $0x38;
	[tilespmem:$0x1A380] =	vst v63  }
0x16f: {  	_ =	swait.ge [sflag:s22], $0x1400  }
0x170: {  	[sflag:s22] =	ssyncset.done $0x0  }
0x171: {  	[sflag:s22] =	ssyncadd.s32 $0xFFFFEC00  }
0x172: {  	_ =	swait.ge [sflag:s23], $0x1400  }
0x173: {  	[sflag:s23] =	ssyncset.done $0x0  }
0x174: {  	[sflag:s23] =	ssyncadd.s32 $0xFFFFEC00  }
0x175: {  	v1 =	vmov s14;
	_ =	swait.ge [sflag:s24], $0x28  }
0x176: {  	[sflag:s24] =	ssyncset.done $0x0  }
0x177: {  	s1 =	simm.s32 $0x2A20;
	s30 =	rddreg [dreg:$0x13];
	[sflag:s24] =	ssyncadd.s32 $0xFFFFFFD8  }
0x178: {  	[tilespmem:s14], [sflag:$0x1] =	stream.linear.gather [hbm4b:s30+s14], $0x28, $0x38;
	[tilespmem:$0x1A380] =	vst v63  }
0x179: {  	v2 =	vld [tilespmem:s1+$0xFFFFFFE0]  }
0x17a: {  	v4 =	vld.idx.msk [tilespmem:v1+s16+$0x0], $0xffff  }
0x17b: {  	s2 =	simm.s32 $0x240  }
0x17c: {  	v1 =	vld [tilespmem:s2+$0xFFFFFFC0]  }
0x17d: {  	v3 =	vld [tilespmem:s2+$0x0]  }
0x17e: {  	v5 =	vshll.u32 v2, $0x10  }
0x17f: {  	v2 =	vand.u32 $0xFFFF0000, v2;
	v5 =	vmul.f32 v5, v4  }
0x180: {  	v2 =	vmul.f32 v2, v4  }
0x181: {  	v1 =	vmul.f32 v5, v1  }
0x182: {  	v2 =	vmul.f32 v2, v3  }
0x183: {  	[tilespmem:s2+$0xFFFFFFC0] =	vst v1  }
0x184: {  	[tilespmem:s2+$0x0] =	vst v2  }
0x185: {  	v1 =	vld [tilespmem:s1+$0xFFFFFFF0];
	_ =	sdelay $0x2  }
0x186: {  	v2 =	vld [tilespmem:s2+$0xFFFFFFD0]  }
0x187: {  	v3 =	vld [tilespmem:s2+$0x10]  }
0x188: {  	v5 =	vshll.u32 v1, $0x10  }
0x189: {  	v1 =	vand.u32 $0xFFFF0000, v1;
	v5 =	vmul.f32 v5, v4  }
0x18a: {  	v1 =	vmul.f32 v1, v4  }
0x18b: {  	v2 =	vmul.f32 v5, v2  }
0x18c: {  	v1 =	vmul.f32 v1, v3  }
0x18d: {  	[tilespmem:s2+$0xFFFFFFD0] =	vst v2  }
0x18e: {  	[tilespmem:s2+$0x10] =	vst v1  }
0x18f: {  	v1 =	vld [tilespmem:s1+$0x0];
	_ =	sdelay $0x2  }
0x190: {  	v2 =	vld [tilespmem:s2+$0xFFFFFFE0]  }
0x191: {  	v3 =	vld [tilespmem:s2+$0x20]  }
0x192: {  	v5 =	vshll.u32 v1, $0x10  }
0x193: {  	v1 =	vand.u32 $0xFFFF0000, v1;
	v5 =	vmul.f32 v5, v4  }
0x194: {  	v1 =	vmul.f32 v1, v4  }
0x195: {  	v2 =	vmul.f32 v5, v2  }
0x196: {  	v1 =	vmul.f32 v1, v3  }
0x197: {  	[tilespmem:s2+$0xFFFFFFE0] =	vst v2  }
0x198: {  	[tilespmem:s2+$0x20] =	vst v1  }
0x199: {  	v2 =	vld [tilespmem:s1+$0x10];
	_ =	sdelay $0x3  }
0x19a: {  	v1 =	vld [tilespmem:s2+$0xFFFFFFF0]  }
0x19b: {  	v3 =	vshll.u32 v2, $0x10;
	v5 =	vand.u32 $0xFFFF0000, v2;
	v2 =	vld [tilespmem:s2+$0x30];
	_ =	sdelay $0x2  }
0x19c: {  	s15 =	simm.s32 $0x240;
	s14 =	simm.s32 $0x1;
	v3 =	vmul.f32 v3, v4;
	v4 =	vmul.f32 v5, v4  }
.LBB2_8:
0x19d: {  	p2 =	sne.s32 s14, $0x27;
	s2 =	sadd.s32 $0x80, s2;
	s1 =	sadd.s32 $0x80, s1  }
0x19e: {  	v5 =	vmov s14;
	s14 =	sadd.s32 $0x1, s14;
	v1 =	vmul.f32 v3, v1;
	v2 =	vmul.f32 v4, v2;
	_ =	sdelay $0x1  }
0x19f: {  	[tilespmem:s15+$0xFFFFFFF0] =	vst v1  }
0x1a0: {  	[tilespmem:s15+$0x30] =	vst v2;
	s15 =	smov.u32 s2  }
0x1a1: {  	v1 =	vld [tilespmem:s1+$0xFFFFFFE0]  }
0x1a2: {  	v4 =	vld.idx.msk [tilespmem:v5+s16+$0x0], $0xffff;
	_ =	sdelay $0x1  }
0x1a3: {  	v2 =	vld [tilespmem:s2+$0x0]  }
0x1a4: {  	v3 =	vld [tilespmem:s2+$0xFFFFFFC0];
	_ =	sdelay $0x1  }
0x1a5: {  	v5 =	vshll.u32 v1, $0x10;
	v1 =	vand.u32 $0xFFFF0000, v1  }
0x1a6: {  	v5 =	vmul.f32 v5, v4;
	v1 =	vmul.f32 v1, v4;
	_ =	sdelay $0x1  }
0x1a7: {  	v1 =	vmul.f32 v1, v2;
	v3 =	vmul.f32 v5, v3;
	_ =	sdelay $0x1  }
0x1a8: {  	[tilespmem:s2+$0xFFFFFFC0] =	vst v3  }
0x1a9: {  	[tilespmem:s2+$0x0] =	vst v1  }
0x1aa: {  	v1 =	vld [tilespmem:s1+$0xFFFFFFF0];
	_ =	sdelay $0x1  }
0x1ab: {  	v2 =	vld [tilespmem:s2+$0x10]  }
0x1ac: {  	v3 =	vld [tilespmem:s2+$0xFFFFFFD0];
	_ =	sdelay $0x1  }
0x1ad: {  	v5 =	vshll.u32 v1, $0x10;
	v1 =	vand.u32 $0xFFFF0000, v1  }
0x1ae: {  	v5 =	vmul.f32 v5, v4;
	v1 =	vmul.f32 v1, v4;
	_ =	sdelay $0x1  }
0x1af: {  	v3 =	vmul.f32 v5, v3;
	v1 =	vmul.f32 v1, v2;
	_ =	sdelay $0x1  }
0x1b0: {  	[tilespmem:s2+$0xFFFFFFD0] =	vst v3  }
0x1b1: {  	[tilespmem:s2+$0x10] =	vst v1  }
0x1b2: {  	v1 =	vld [tilespmem:s1+$0x0];
	_ =	sdelay $0x1  }
0x1b3: {  	v2 =	vld [tilespmem:s2+$0x20]  }
0x1b4: {  	v3 =	vld [tilespmem:s2+$0xFFFFFFE0];
	_ =	sdelay $0x1  }
0x1b5: {  	v5 =	vshll.u32 v1, $0x10;
	v1 =	vand.u32 $0xFFFF0000, v1  }
0x1b6: {  	v5 =	vmul.f32 v5, v4;
	v1 =	vmul.f32 v1, v4;
	_ =	sdelay $0x1  }
0x1b7: {  	v3 =	vmul.f32 v5, v3;
	v1 =	vmul.f32 v1, v2;
	_ =	sdelay $0x1  }
0x1b8: {  	[tilespmem:s2+$0xFFFFFFE0] =	vst v3  }
0x1b9: {  	[tilespmem:s2+$0x20] =	vst v1;
	v1 =	vld [tilespmem:s2+$0xFFFFFFF0]  }
0x1ba: {  	v3 =	vld [tilespmem:s1+$0x10];
	_ =	sdelay $0x1  }
.Ltmp3:
0x1bb: {  	(pc) =	sbr.rel @p2 .LBB2_8-.Ltmp3, $3  }
0x1bc: {  	v2 =	vld [tilespmem:s2+$0x30];
	_ =	sdelay $0x1  }
0x1bd: {  	v5 =	vshll.u32 v3, $0x10;
	v6 =	vand.u32 $0xFFFF0000, v3  }
0x1be: {  	v3 =	vmul.f32 v5, v4;
	v4 =	vmul.f32 v6, v4  }
0x1bf: {  	_ = 	snop  }
0x1c0: {  	v1 =	vmul.f32 v3, v1  }
0x1c1: {  	v2 =	vmul.f32 v4, v2  }
0x1c2: {  	[tilespmem:s15+$0xFFFFFFF0] =	vst v1  }
0x1c3: {  	[tilespmem:s15+$0x30] =	vst v2  }
0x1c4: {  	_ =	swait.ge [sflag:s25], $0x28  }
0x1c5: {  	s2 =	simm.s32 $0x100;
	s1 =	simm.s32 $0x200;
	[sflag:s25] =	ssyncset.done $0x0  }
0x1c6: {  	s14 =	simm.s32 $0x0;
	s30 =	simm.s32 $0x0;
	[sflag:s25] =	ssyncadd.s32 $0xFFFFFFD8  }
0x1c7: {  	[spmem:s21] =	stream.indirect.scatter.add.f32 [tilespmem:s1], [sflag:$0x9], $0x80, s2, s12, $0xb8;
	[tilespmem:$0x1A380] =	vst v63  }
.LBB2_10:
0x1c8: {  	_ =	swait.ge [sflag:s26], $0x1400  }
0x1c9: {  	[sflag:s26] =	ssyncset.done $0x0  }
0x1ca: {  	[sflag:s26] =	ssyncadd.s32 $0xFFFFEC00  }
0x1cb: {  	s15 =	smul.u32 $0x50, s30;
	_ =	swait.ge [sflag:s11], $0x28  }
0x1cc: {  	[sflag:s11] =	ssyncset.done $0x0  }
0x1cd: {  	s0 =	sadd.s32 $0xA0, s15;
	[sflag:s11] =	ssyncadd.s32 $0xFFFFFFD8  }
0x1ce: {  	[tilespmem:s1], [sflag:$0x5] =	stream.indirect.gather [hbm4b:s18+s12], $0x80, s14, s12, $0xb8;
	[tilespmem:$0x1A380] =	vst v63  }
0x1cf: {  	s13 =	smov.u32 s18;
	s18 =	sadd.s32 s8, s0  }
0x1d0: {  	s17 =	smov.u32 s21;
	s0 =	sadd.s32 s10, s0;
	s1 =	sshll.u32 s18, $0x4  }
0x1d1: {  	s21 =	simm.s32 $0x2A00;
	s0 =	sshrl.u32 s0, $0x3;
	s1 =	sadd.s32 s5, s1  }
0x1d2: {  	[tilespmem:s21], [sflag:$0x7] =	stream.linear.gather [hbm4b:s1+s14], $0x1400, $0x38;
	[tilespmem:$0x1A380] =	vst v63  }
0x1d3: {  	s28 =	sadd.s32 s9, s0  }
0x1d4: {  	[tilespmem:s16], [sflag:$0xB] =	stream.linear.gather [hbm4b:s28+s14], $0x28, $0x38;
	[tilespmem:$0x1A380] =	vst v63  }
0x1d5: {  	s18 =	simm.s32 $0x6;
	s0 =	sadd.s32 s7, s0  }
0x1d6: {  	[tilespmem:s2], [sflag:$0x3] =	stream.linear.gather [hbm4b:s0+s14], $0x28, $0x38;
	[tilespmem:$0x1A380] =	vst v63  }
0x1d7: {  	_ =	swait.ge [sflag:s18], $0x1400  }
0x1d8: {  	[sflag:s18] =	ssyncset.done $0x0  }
0x1d9: {  	s21 =	simm.s32 $0x8;
	[sflag:s18] =	ssyncadd.s32 $0xFFFFEC00  }
0x1da: {  	_ =	swait.ge [sflag:s21], $0x1400  }
0x1db: {  	[sflag:s21] =	ssyncset.done $0x0  }
0x1dc: {  	s2 =	sadd.s32 $0xC8, s15;
	[sflag:s21] =	ssyncadd.s32 $0xFFFFEC00  }
0x1dd: {  	s28 =	sadd.s32 s10, s2;
	_ =	swait.ge [sflag:s29], $0x28  }
0x1de: {  	v1 =	vmov s14;
	s1 =	sshrl.u32 s28, $0x3;
	[sflag:s29] =	ssyncset.done $0x0  }
0x1df: {  	s0 =	sadd.s32 s6, s1;
	[sflag:s29] =	ssyncadd.s32 $0xFFFFFFD8  }
0x1e0: {  	[tilespmem:s31], [sflag:$0x2] =	stream.linear.gather [hbm4b:s0+s14], $0x28, $0x38;
	[tilespmem:$0x1A380] =	vst v63  }
0x1e1: {  	s31 =	simm.s32 $0x3E20  }
0x1e2: {  	v2 =	vld [tilespmem:s31+$0xFFFFFFE0]  }
0x1e3: {  	v4 =	vld.idx.msk [tilespmem:v1+s20+$0x0], $0xffff  }
0x1e4: {  	s18 =	simm.s32 $0x1640  }
0x1e5: {  	v1 =	vld [tilespmem:s18+$0xFFFFFFC0]  }
0x1e6: {  	v3 =	vld [tilespmem:s18+$0x0]  }
0x1e7: {  	v5 =	vshll.u32 v2, $0x10  }
0x1e8: {  	v2 =	vand.u32 $0xFFFF0000, v2;
	v5 =	vmul.f32 v5, v4  }
0x1e9: {  	v2 =	vmul.f32 v2, v4  }
0x1ea: {  	v1 =	vmul.f32 v5, v1  }
0x1eb: {  	v2 =	vmul.f32 v2, v3  }
0x1ec: {  	[tilespmem:s18+$0xFFFFFFC0] =	vst v1  }
0x1ed: {  	[tilespmem:s18+$0x0] =	vst v2  }
0x1ee: {  	v1 =	vld [tilespmem:s31+$0xFFFFFFF0];
	_ =	sdelay $0x2  }
0x1ef: {  	v2 =	vld [tilespmem:s18+$0xFFFFFFD0]  }
0x1f0: {  	v3 =	vld [tilespmem:s18+$0x10]  }
0x1f1: {  	v5 =	vshll.u32 v1, $0x10  }
0x1f2: {  	v1 =	vand.u32 $0xFFFF0000, v1;
	v5 =	vmul.f32 v5, v4  }
0x1f3: {  	v1 =	vmul.f32 v1, v4  }
0x1f4: {  	v2 =	vmul.f32 v5, v2  }
0x1f5: {  	v1 =	vmul.f32 v1, v3  }
0x1f6: {  	[tilespmem:s18+$0xFFFFFFD0] =	vst v2  }
0x1f7: {  	[tilespmem:s18+$0x10] =	vst v1  }
0x1f8: {  	v1 =	vld [tilespmem:s31+$0x0];
	_ =	sdelay $0x2  }
0x1f9: {  	v2 =	vld [tilespmem:s18+$0xFFFFFFE0]  }
0x1fa: {  	v3 =	vld [tilespmem:s18+$0x20]  }
0x1fb: {  	v5 =	vshll.u32 v1, $0x10  }
0x1fc: {  	v1 =	vand.u32 $0xFFFF0000, v1;
	v5 =	vmul.f32 v5, v4  }
0x1fd: {  	v1 =	vmul.f32 v1, v4  }
0x1fe: {  	v2 =	vmul.f32 v5, v2  }
0x1ff: {  	v1 =	vmul.f32 v1, v3  }
0x200: {  	[tilespmem:s18+$0xFFFFFFE0] =	vst v2  }
0x201: {  	[tilespmem:s18+$0x20] =	vst v1  }
0x202: {  	v2 =	vld [tilespmem:s31+$0x10];
	_ =	sdelay $0x3  }
0x203: {  	v1 =	vld [tilespmem:s18+$0xFFFFFFF0]  }
0x204: {  	v3 =	vshll.u32 v2, $0x10;
	v5 =	vand.u32 $0xFFFF0000, v2;
	v2 =	vld [tilespmem:s18+$0x30];
	_ =	sdelay $0x2  }
0x205: {  	s21 =	simm.s32 $0x1;
	s0 =	simm.s32 $0x1640;
	v3 =	vmul.f32 v3, v4;
	v4 =	vmul.f32 v5, v4  }
.LBB2_11:
0x206: {  	p2 =	sne.s32 s21, $0x27;
	s18 =	sadd.s32 $0x80, s18;
	s31 =	sadd.s32 $0x80, s31  }
0x207: {  	v5 =	vmov s21;
	s21 =	sadd.s32 $0x1, s21;
	v1 =	vmul.f32 v3, v1;
	v2 =	vmul.f32 v4, v2;
	_ =	sdelay $0x1  }
0x208: {  	[tilespmem:s0+$0xFFFFFFF0] =	vst v1  }
0x209: {  	[tilespmem:s0+$0x30] =	vst v2;
	s0 =	smov.u32 s18  }
0x20a: {  	v1 =	vld [tilespmem:s31+$0xFFFFFFE0]  }
0x20b: {  	v4 =	vld.idx.msk [tilespmem:v5+s20+$0x0], $0xffff;
	_ =	sdelay $0x1  }
0x20c: {  	v2 =	vld [tilespmem:s18+$0x0]  }
0x20d: {  	v3 =	vld [tilespmem:s18+$0xFFFFFFC0];
	_ =	sdelay $0x1  }
0x20e: {  	v5 =	vshll.u32 v1, $0x10;
	v1 =	vand.u32 $0xFFFF0000, v1  }
0x20f: {  	v5 =	vmul.f32 v5, v4;
	v1 =	vmul.f32 v1, v4;
	_ =	sdelay $0x1  }
0x210: {  	v1 =	vmul.f32 v1, v2;
	v3 =	vmul.f32 v5, v3;
	_ =	sdelay $0x1  }
0x211: {  	[tilespmem:s18+$0xFFFFFFC0] =	vst v3  }
0x212: {  	[tilespmem:s18+$0x0] =	vst v1  }
0x213: {  	v1 =	vld [tilespmem:s31+$0xFFFFFFF0];
	_ =	sdelay $0x1  }
0x214: {  	v2 =	vld [tilespmem:s18+$0x10]  }
0x215: {  	v3 =	vld [tilespmem:s18+$0xFFFFFFD0];
	_ =	sdelay $0x1  }
0x216: {  	v5 =	vshll.u32 v1, $0x10;
	v1 =	vand.u32 $0xFFFF0000, v1  }
0x217: {  	v5 =	vmul.f32 v5, v4;
	v1 =	vmul.f32 v1, v4;
	_ =	sdelay $0x1  }
0x218: {  	v3 =	vmul.f32 v5, v3;
	v1 =	vmul.f32 v1, v2;
	_ =	sdelay $0x1  }
0x219: {  	[tilespmem:s18+$0xFFFFFFD0] =	vst v3  }
0x21a: {  	[tilespmem:s18+$0x10] =	vst v1  }
0x21b: {  	v1 =	vld [tilespmem:s31+$0x0];
	_ =	sdelay $0x1  }
0x21c: {  	v2 =	vld [tilespmem:s18+$0x20]  }
0x21d: {  	v3 =	vld [tilespmem:s18+$0xFFFFFFE0];
	_ =	sdelay $0x1  }
0x21e: {  	v5 =	vshll.u32 v1, $0x10;
	v1 =	vand.u32 $0xFFFF0000, v1  }
0x21f: {  	v5 =	vmul.f32 v5, v4;
	v1 =	vmul.f32 v1, v4;
	_ =	sdelay $0x1  }
0x220: {  	v3 =	vmul.f32 v5, v3;
	v1 =	vmul.f32 v1, v2;
	_ =	sdelay $0x1  }
0x221: {  	[tilespmem:s18+$0xFFFFFFE0] =	vst v3  }
0x222: {  	[tilespmem:s18+$0x20] =	vst v1;
	v1 =	vld [tilespmem:s18+$0xFFFFFFF0]  }
0x223: {  	v3 =	vld [tilespmem:s31+$0x10];
	_ =	sdelay $0x1  }
.Ltmp4:
0x224: {  	(pc) =	sbr.rel @p2 .LBB2_11-.Ltmp4, $3  }
0x225: {  	v2 =	vld [tilespmem:s18+$0x30];
	_ =	sdelay $0x1  }
0x226: {  	v5 =	vshll.u32 v3, $0x10;
	v6 =	vand.u32 $0xFFFF0000, v3  }
0x227: {  	v3 =	vmul.f32 v5, v4;
	v4 =	vmul.f32 v6, v4  }
0x228: {  	_ = 	snop  }
0x229: {  	v1 =	vmul.f32 v3, v1  }
0x22a: {  	v2 =	vmul.f32 v4, v2  }
0x22b: {  	[tilespmem:s0+$0xFFFFFFF0] =	vst v1  }
0x22c: {  	[tilespmem:s0+$0x30] =	vst v2  }
0x22d: {  	_ =	swait.ge [sflag:s3], $0x28  }
0x22e: {  	[sflag:s3] =	ssyncset.done $0x0  }
0x22f: {  	s28 =	simm.s32 $0x1600;
	[sflag:s3] =	ssyncadd.s32 $0xFFFFFFD8  }
0x230: {  	[spmem:s17] =	stream.indirect.scatter.add.f32 [tilespmem:s28], [sflag:$0xA], $0x80, s4, s12, $0xb8;
	[tilespmem:$0x1A380] =	vst v63  }
0x231: {  	_ =	swait.ge [sflag:s19], $0x1400  }
0x232: {  	[sflag:s19] =	ssyncset.done $0x0  }
0x233: {  	s18 =	simm.s32 $0x2;
	[sflag:s19] =	ssyncadd.s32 $0xFFFFEC00  }
0x234: {  	_ =	swait.ge [sflag:s18], $0x28  }
0x235: {  	s31 =	simm.s32 $0x80;
	s2 =	sadd.s32 s8, s2;
	[sflag:s18] =	ssyncset.done $0x0  }
0x236: {  	s0 =	sshll.u32 s2, $0x4;
	s2 =	simm.s32 $0x0;
	[sflag:s18] =	ssyncadd.s32 $0xFFFFFFD8  }
0x237: {  	[tilespmem:s28], [sflag:$0x6] =	stream.indirect.gather [hbm4b:s13+s12], $0x80, s31, s12, $0xb8;
	[tilespmem:$0x1A380] =	vst v63  }
0x238: {  	s0 =	sadd.s32 s5, s0;
	s18 =	smov.u32 s13;
	s13 =	simm.s32 $0x3E00  }
0x239: {  	[tilespmem:s13], [sflag:$0x8] =	stream.linear.gather [hbm4b:s0+s2], $0x1400, $0x38;
	[tilespmem:$0x1A380] =	vst v63  }
0x23a: {  	s13 =	sadd.s32 s9, s1  }
0x23b: {  	[tilespmem:s20], [sflag:$0xC] =	stream.linear.gather [hbm4b:s13+s2], $0x28, $0x38;
	[tilespmem:$0x1A380] =	vst v63  }
0x23c: {  	s1 =	sadd.s32 s7, s1  }
0x23d: {  	[tilespmem:s4], [sflag:$0x4] =	stream.linear.gather [hbm4b:s1+s2], $0x28, $0x38;
	[tilespmem:$0x1A380] =	vst v63  }
0x23e: {  	_ =	swait.ge [sflag:s22], $0x1400  }
0x23f: {  	[sflag:s22] =	ssyncset.done $0x0  }
0x240: {  	[sflag:s22] =	ssyncadd.s32 $0xFFFFEC00  }
0x241: {  	_ =	swait.ge [sflag:s23], $0x1400  }
0x242: {  	[sflag:s23] =	ssyncset.done $0x0  }
0x243: {  	[sflag:s23] =	ssyncadd.s32 $0xFFFFEC00  }
0x244: {  	_ =	swait.ge [sflag:s24], $0x28  }
0x245: {  	s13 =	rddreg [dreg:$0x1f]  }
0x246: {  	v1 =	vmov s2;
	s0 =	sadd.s32 s15, s13  }
0x247: {  	[sflag:s24] =	ssyncset.done $0x0;
	s0 =	sshrl.u32 s0, $0x3  }
0x248: {  	s1 =	simm.s32 $0x2A20;
	[sflag:s24] =	ssyncadd.s32 $0xFFFFFFD8;
	s0 =	sadd.s32 s6, s0  }
0x249: {  	[tilespmem:s2], [sflag:$0x1] =	stream.linear.gather [hbm4b:s0+s2], $0x28, $0x38;
	[tilespmem:$0x1A380] =	vst v63  }
0x24a: {  	v2 =	vld [tilespmem:s1+$0xFFFFFFE0]  }
0x24b: {  	v4 =	vld.idx.msk [tilespmem:v1+s16+$0x0], $0xffff  }
0x24c: {  	s2 =	simm.s32 $0x240  }
0x24d: {  	v1 =	vld [tilespmem:s2+$0xFFFFFFC0]  }
0x24e: {  	v3 =	vld [tilespmem:s2+$0x0]  }
0x24f: {  	v5 =	vshll.u32 v2, $0x10  }
0x250: {  	v2 =	vand.u32 $0xFFFF0000, v2;
	v5 =	vmul.f32 v5, v4  }
0x251: {  	v2 =	vmul.f32 v2, v4  }
0x252: {  	v1 =	vmul.f32 v5, v1  }
0x253: {  	v2 =	vmul.f32 v2, v3  }
0x254: {  	[tilespmem:s2+$0xFFFFFFC0] =	vst v1  }
0x255: {  	[tilespmem:s2+$0x0] =	vst v2  }
0x256: {  	v1 =	vld [tilespmem:s1+$0xFFFFFFF0];
	_ =	sdelay $0x2  }
0x257: {  	v2 =	vld [tilespmem:s2+$0xFFFFFFD0]  }
0x258: {  	v3 =	vld [tilespmem:s2+$0x10]  }
0x259: {  	v5 =	vshll.u32 v1, $0x10  }
0x25a: {  	v1 =	vand.u32 $0xFFFF0000, v1;
	v5 =	vmul.f32 v5, v4  }
0x25b: {  	v1 =	vmul.f32 v1, v4  }
0x25c: {  	v2 =	vmul.f32 v5, v2  }
0x25d: {  	v1 =	vmul.f32 v1, v3  }
0x25e: {  	[tilespmem:s2+$0xFFFFFFD0] =	vst v2  }
0x25f: {  	[tilespmem:s2+$0x10] =	vst v1  }
0x260: {  	v1 =	vld [tilespmem:s1+$0x0];
	_ =	sdelay $0x2  }
0x261: {  	v2 =	vld [tilespmem:s2+$0xFFFFFFE0]  }
0x262: {  	v3 =	vld [tilespmem:s2+$0x20]  }
0x263: {  	v5 =	vshll.u32 v1, $0x10  }
0x264: {  	v1 =	vand.u32 $0xFFFF0000, v1;
	v5 =	vmul.f32 v5, v4  }
0x265: {  	v1 =	vmul.f32 v1, v4  }
0x266: {  	v2 =	vmul.f32 v5, v2  }
0x267: {  	v1 =	vmul.f32 v1, v3  }
0x268: {  	[tilespmem:s2+$0xFFFFFFE0] =	vst v2  }
0x269: {  	[tilespmem:s2+$0x20] =	vst v1  }
0x26a: {  	v2 =	vld [tilespmem:s1+$0x10];
	_ =	sdelay $0x3  }
0x26b: {  	v1 =	vld [tilespmem:s2+$0xFFFFFFF0]  }
0x26c: {  	v3 =	vshll.u32 v2, $0x10;
	v5 =	vand.u32 $0xFFFF0000, v2;
	v2 =	vld [tilespmem:s2+$0x30];
	_ =	sdelay $0x1  }
0x26d: {  	s21 =	smov.u32 s17;
	s17 =	simm.s32 $0x1600  }
0x26e: {  	s28 =	simm.s32 $0x180;
	s15 =	simm.s32 $0x1;
	s0 =	simm.s32 $0x240;
	v3 =	vmul.f32 v3, v4;
	v4 =	vmul.f32 v5, v4  }
.LBB2_13:
0x26f: {  	p2 =	sne.s32 s15, $0x27;
	s2 =	sadd.s32 $0x80, s2;
	s1 =	sadd.s32 $0x80, s1  }
0x270: {  	v5 =	vmov s15;
	s15 =	sadd.s32 $0x1, s15;
	v1 =	vmul.f32 v3, v1;
	v2 =	vmul.f32 v4, v2;
	_ =	sdelay $0x1  }
0x271: {  	[tilespmem:s0+$0xFFFFFFF0] =	vst v1  }
0x272: {  	[tilespmem:s0+$0x30] =	vst v2;
	s0 =	smov.u32 s2  }
0x273: {  	v1 =	vld [tilespmem:s1+$0xFFFFFFE0]  }
0x274: {  	v4 =	vld.idx.msk [tilespmem:v5+s16+$0x0], $0xffff;
	_ =	sdelay $0x1  }
0x275: {  	v2 =	vld [tilespmem:s2+$0x0]  }
0x276: {  	v3 =	vld [tilespmem:s2+$0xFFFFFFC0];
	_ =	sdelay $0x1  }
0x277: {  	v5 =	vshll.u32 v1, $0x10;
	v1 =	vand.u32 $0xFFFF0000, v1  }
0x278: {  	v5 =	vmul.f32 v5, v4;
	v1 =	vmul.f32 v1, v4;
	_ =	sdelay $0x1  }
0x279: {  	v1 =	vmul.f32 v1, v2;
	v3 =	vmul.f32 v5, v3;
	_ =	sdelay $0x1  }
0x27a: {  	[tilespmem:s2+$0xFFFFFFC0] =	vst v3  }
0x27b: {  	[tilespmem:s2+$0x0] =	vst v1  }
0x27c: {  	v1 =	vld [tilespmem:s1+$0xFFFFFFF0];
	_ =	sdelay $0x1  }
0x27d: {  	v2 =	vld [tilespmem:s2+$0x10]  }
0x27e: {  	v3 =	vld [tilespmem:s2+$0xFFFFFFD0];
	_ =	sdelay $0x1  }
0x27f: {  	v5 =	vshll.u32 v1, $0x10;
	v1 =	vand.u32 $0xFFFF0000, v1  }
0x280: {  	v5 =	vmul.f32 v5, v4;
	v1 =	vmul.f32 v1, v4;
	_ =	sdelay $0x1  }
0x281: {  	v3 =	vmul.f32 v5, v3;
	v1 =	vmul.f32 v1, v2;
	_ =	sdelay $0x1  }
0x282: {  	[tilespmem:s2+$0xFFFFFFD0] =	vst v3  }
0x283: {  	[tilespmem:s2+$0x10] =	vst v1  }
0x284: {  	v1 =	vld [tilespmem:s1+$0x0];
	_ =	sdelay $0x1  }
0x285: {  	v2 =	vld [tilespmem:s2+$0x20]  }
0x286: {  	v3 =	vld [tilespmem:s2+$0xFFFFFFE0];
	_ =	sdelay $0x1  }
0x287: {  	v5 =	vshll.u32 v1, $0x10;
	v1 =	vand.u32 $0xFFFF0000, v1  }
0x288: {  	v5 =	vmul.f32 v5, v4;
	v1 =	vmul.f32 v1, v4;
	_ =	sdelay $0x1  }
0x289: {  	v3 =	vmul.f32 v5, v3;
	v1 =	vmul.f32 v1, v2;
	_ =	sdelay $0x1  }
0x28a: {  	[tilespmem:s2+$0xFFFFFFE0] =	vst v3  }
0x28b: {  	[tilespmem:s2+$0x20] =	vst v1;
	v1 =	vld [tilespmem:s2+$0xFFFFFFF0]  }
0x28c: {  	v3 =	vld [tilespmem:s1+$0x10];
	_ =	sdelay $0x1  }
.Ltmp5:
0x28d: {  	(pc) =	sbr.rel @p2 .LBB2_13-.Ltmp5, $3  }
0x28e: {  	v2 =	vld [tilespmem:s2+$0x30];
	_ =	sdelay $0x1  }
0x28f: {  	v5 =	vshll.u32 v3, $0x10;
	v6 =	vand.u32 $0xFFFF0000, v3  }
0x290: {  	v3 =	vmul.f32 v5, v4;
	v4 =	vmul.f32 v6, v4  }
0x291: {  	_ = 	snop  }
0x292: {  	v1 =	vmul.f32 v3, v1  }
0x293: {  	s30 =	sadd.s32 $0x1, s30;
	v2 =	vmul.f32 v4, v2  }
0x294: {  	p2 =	sne.s32 s30, $0x3C;
	[tilespmem:s0+$0xFFFFFFF0] =	vst v1  }
.Ltmp6:
0x295: {  	[tilespmem:s0+$0x30] =	vst v2;
	(pc) =	sbr.rel @p2 .LBB2_10-.Ltmp6, $4  }
0x296: {  	_ =	swait.ge [sflag:s25], $0x28  }
0x297: {  	[sflag:s25] =	ssyncset.done $0x0  }
0x298: {  	s2 =	simm.s32 $0x100;
	s1 =	simm.s32 $0x200;
	[sflag:s25] =	ssyncadd.s32 $0xFFFFFFD8  }
0x299: {  	[spmem:s21] =	stream.indirect.scatter.add.f32 [tilespmem:s1], [sflag:$0x9], $0x80, s2, s12, $0xb8;
	[tilespmem:$0x1A380] =	vst v63  }
0x29a: {  	_ =	swait.ge [sflag:s26], $0x1400  }
0x29b: {  	[sflag:s26] =	ssyncset.done $0x0  }
0x29c: {  	[sflag:s26] =	ssyncadd.s32 $0xFFFFEC00  }
0x29d: {  	_ =	swait.ge [sflag:s11], $0x28  }
0x29e: {  	[sflag:s11] =	ssyncset.done $0x0  }
0x29f: {  	s0 =	simm.s32 $0x0;
	[sflag:s11] =	ssyncadd.s32 $0xFFFFFFD8  }
0x2a0: {  	[tilespmem:s1], [sflag:$0x5] =	stream.indirect.gather [hbm4b:s18+s12], $0x80, s0, s12, $0xb8;
	[tilespmem:$0x1A380] =	vst v63  }
0x2a1: {  	s13 =	simm.s32 $0x2A00;
	s15 =	rddreg [dreg:$0x17]  }
0x2a2: {  	[tilespmem:s13], [sflag:$0x7] =	stream.linear.gather [hbm4b:s15+s0], $0x1400, $0x38;
	[tilespmem:$0x1A380] =	vst v63  }
0x2a3: {  	s13 =	rddreg [dreg:$0x18]  }
0x2a4: {  	[tilespmem:s16], [sflag:$0xB] =	stream.linear.gather [hbm4b:s13+s0], $0x28, $0x38;
	[tilespmem:$0x1A380] =	vst v63  }
0x2a5: {  	s14 =	rddreg [dreg:$0x19];
	s13 =	simm.s32 $0x6  }
0x2a6: {  	[tilespmem:s2], [sflag:$0x3] =	stream.linear.gather [hbm4b:s14+s0], $0x28, $0x38;
	[tilespmem:$0x1A380] =	vst v63  }
0x2a7: {  	_ =	swait.ge [sflag:s13], $0x1400  }
0x2a8: {  	[sflag:s13] =	ssyncset.done $0x0  }
0x2a9: {  	s14 =	simm.s32 $0x8;
	[sflag:s13] =	ssyncadd.s32 $0xFFFFEC00  }
0x2aa: {  	_ =	swait.ge [sflag:s14], $0x1400  }
0x2ab: {  	[sflag:s14] =	ssyncset.done $0x0  }
0x2ac: {  	v1 =	vmov s0;
	[sflag:s14] =	ssyncadd.s32 $0xFFFFEC00  }
0x2ad: {  	_ =	swait.ge [sflag:s29], $0x28  }
0x2ae: {  	[sflag:s29] =	ssyncset.done $0x0  }
0x2af: {  	s1 =	simm.s32 $0x3E20;
	[sflag:s29] =	ssyncadd.s32 $0xFFFFFFD8  }
0x2b0: {  	v2 =	vld [tilespmem:s1+$0xFFFFFFE0]  }
0x2b1: {  	v4 =	vld.idx.msk [tilespmem:v1+s20+$0x0], $0xffff  }
0x2b2: {  	s2 =	simm.s32 $0x1640  }
0x2b3: {  	v1 =	vld [tilespmem:s2+$0xFFFFFFC0]  }
0x2b4: {  	v3 =	vld [tilespmem:s2+$0x0]  }
0x2b5: {  	v5 =	vshll.u32 v2, $0x10  }
0x2b6: {  	v2 =	vand.u32 $0xFFFF0000, v2;
	v5 =	vmul.f32 v5, v4  }
0x2b7: {  	v2 =	vmul.f32 v2, v4  }
0x2b8: {  	v1 =	vmul.f32 v5, v1  }
0x2b9: {  	v2 =	vmul.f32 v2, v3  }
0x2ba: {  	[tilespmem:s2+$0xFFFFFFC0] =	vst v1  }
0x2bb: {  	[tilespmem:s2+$0x0] =	vst v2  }
0x2bc: {  	v1 =	vld [tilespmem:s1+$0xFFFFFFF0];
	_ =	sdelay $0x2  }
0x2bd: {  	v2 =	vld [tilespmem:s2+$0xFFFFFFD0]  }
0x2be: {  	v3 =	vld [tilespmem:s2+$0x10]  }
0x2bf: {  	v5 =	vshll.u32 v1, $0x10  }
0x2c0: {  	v1 =	vand.u32 $0xFFFF0000, v1;
	v5 =	vmul.f32 v5, v4  }
0x2c1: {  	v1 =	vmul.f32 v1, v4  }
0x2c2: {  	v2 =	vmul.f32 v5, v2  }
0x2c3: {  	v1 =	vmul.f32 v1, v3  }
0x2c4: {  	[tilespmem:s2+$0xFFFFFFD0] =	vst v2  }
0x2c5: {  	[tilespmem:s2+$0x10] =	vst v1  }
0x2c6: {  	v1 =	vld [tilespmem:s1+$0x0];
	_ =	sdelay $0x2  }
0x2c7: {  	v2 =	vld [tilespmem:s2+$0xFFFFFFE0]  }
0x2c8: {  	v3 =	vld [tilespmem:s2+$0x20]  }
0x2c9: {  	v5 =	vshll.u32 v1, $0x10  }
0x2ca: {  	v1 =	vand.u32 $0xFFFF0000, v1;
	v5 =	vmul.f32 v5, v4  }
0x2cb: {  	v1 =	vmul.f32 v1, v4  }
0x2cc: {  	v2 =	vmul.f32 v5, v2  }
0x2cd: {  	v1 =	vmul.f32 v1, v3  }
0x2ce: {  	[tilespmem:s2+$0xFFFFFFE0] =	vst v2  }
0x2cf: {  	[tilespmem:s2+$0x20] =	vst v1  }
0x2d0: {  	v2 =	vld [tilespmem:s1+$0x10];
	_ =	sdelay $0x3  }
0x2d1: {  	v1 =	vld [tilespmem:s2+$0xFFFFFFF0]  }
0x2d2: {  	v3 =	vshll.u32 v2, $0x10;
	v5 =	vand.u32 $0xFFFF0000, v2;
	v2 =	vld [tilespmem:s2+$0x30];
	_ =	sdelay $0x1  }
0x2d3: {  	s30 =	simm.s32 $0x200  }
0x2d4: {  	s15 =	simm.s32 $0x100;
	s0 =	simm.s32 $0x1640;
	s14 =	simm.s32 $0x1;
	v3 =	vmul.f32 v3, v4;
	v4 =	vmul.f32 v5, v4  }
.LBB2_16:
0x2d5: {  	p2 =	sne.s32 s14, $0x27;
	s2 =	sadd.s32 $0x80, s2;
	s1 =	sadd.s32 $0x80, s1  }
0x2d6: {  	v5 =	vmov s14;
	s14 =	sadd.s32 $0x1, s14;
	v1 =	vmul.f32 v3, v1;
	v2 =	vmul.f32 v4, v2;
	_ =	sdelay $0x1  }
0x2d7: {  	[tilespmem:s0+$0xFFFFFFF0] =	vst v1  }
0x2d8: {  	[tilespmem:s0+$0x30] =	vst v2;
	s0 =	smov.u32 s2  }
0x2d9: {  	v1 =	vld [tilespmem:s1+$0xFFFFFFE0]  }
0x2da: {  	v4 =	vld.idx.msk [tilespmem:v5+s20+$0x0], $0xffff;
	_ =	sdelay $0x1  }
0x2db: {  	v2 =	vld [tilespmem:s2+$0x0]  }
0x2dc: {  	v3 =	vld [tilespmem:s2+$0xFFFFFFC0];
	_ =	sdelay $0x1  }
0x2dd: {  	v5 =	vshll.u32 v1, $0x10;
	v1 =	vand.u32 $0xFFFF0000, v1  }
0x2de: {  	v5 =	vmul.f32 v5, v4;
	v1 =	vmul.f32 v1, v4;
	_ =	sdelay $0x1  }
0x2df: {  	v1 =	vmul.f32 v1, v2;
	v3 =	vmul.f32 v5, v3;
	_ =	sdelay $0x1  }
0x2e0: {  	[tilespmem:s2+$0xFFFFFFC0] =	vst v3  }
0x2e1: {  	[tilespmem:s2+$0x0] =	vst v1  }
0x2e2: {  	v1 =	vld [tilespmem:s1+$0xFFFFFFF0];
	_ =	sdelay $0x1  }
0x2e3: {  	v2 =	vld [tilespmem:s2+$0x10]  }
0x2e4: {  	v3 =	vld [tilespmem:s2+$0xFFFFFFD0];
	_ =	sdelay $0x1  }
0x2e5: {  	v5 =	vshll.u32 v1, $0x10;
	v1 =	vand.u32 $0xFFFF0000, v1  }
0x2e6: {  	v5 =	vmul.f32 v5, v4;
	v1 =	vmul.f32 v1, v4;
	_ =	sdelay $0x1  }
0x2e7: {  	v3 =	vmul.f32 v5, v3;
	v1 =	vmul.f32 v1, v2;
	_ =	sdelay $0x1  }
0x2e8: {  	[tilespmem:s2+$0xFFFFFFD0] =	vst v3  }
0x2e9: {  	[tilespmem:s2+$0x10] =	vst v1  }
0x2ea: {  	v1 =	vld [tilespmem:s1+$0x0];
	_ =	sdelay $0x1  }
0x2eb: {  	v2 =	vld [tilespmem:s2+$0x20]  }
0x2ec: {  	v3 =	vld [tilespmem:s2+$0xFFFFFFE0];
	_ =	sdelay $0x1  }
0x2ed: {  	v5 =	vshll.u32 v1, $0x10;
	v1 =	vand.u32 $0xFFFF0000, v1  }
0x2ee: {  	v5 =	vmul.f32 v5, v4;
	v1 =	vmul.f32 v1, v4;
	_ =	sdelay $0x1  }
0x2ef: {  	v3 =	vmul.f32 v5, v3;
	v1 =	vmul.f32 v1, v2;
	_ =	sdelay $0x1  }
0x2f0: {  	[tilespmem:s2+$0xFFFFFFE0] =	vst v3  }
0x2f1: {  	[tilespmem:s2+$0x20] =	vst v1;
	v1 =	vld [tilespmem:s2+$0xFFFFFFF0]  }
0x2f2: {  	v3 =	vld [tilespmem:s1+$0x10];
	_ =	sdelay $0x1  }
.Ltmp7:
0x2f3: {  	(pc) =	sbr.rel @p2 .LBB2_16-.Ltmp7, $3  }
0x2f4: {  	v2 =	vld [tilespmem:s2+$0x30];
	_ =	sdelay $0x1  }
0x2f5: {  	v5 =	vshll.u32 v3, $0x10;
	v6 =	vand.u32 $0xFFFF0000, v3  }
0x2f6: {  	v3 =	vmul.f32 v5, v4;
	v4 =	vmul.f32 v6, v4  }
0x2f7: {  	_ = 	snop  }
0x2f8: {  	v1 =	vmul.f32 v3, v1  }
0x2f9: {  	v2 =	vmul.f32 v4, v2  }
0x2fa: {  	[tilespmem:s0+$0xFFFFFFF0] =	vst v1  }
0x2fb: {  	[tilespmem:s0+$0x30] =	vst v2  }
0x2fc: {  	_ =	swait.ge [sflag:s3], $0x28  }
0x2fd: {  	[sflag:s3] =	ssyncset.done $0x0  }
0x2fe: {  	[sflag:s3] =	ssyncadd.s32 $0xFFFFFFD8  }
0x2ff: {  	[spmem:s21] =	stream.indirect.scatter.add.f32 [tilespmem:s17], [sflag:$0xA], $0x80, s28, s12, $0xb8;
	[tilespmem:$0x1A380] =	vst v63  }
0x300: {  	_ =	swait.ge [sflag:s19], $0x1400  }
0x301: {  	[sflag:s19] =	ssyncset.done $0x0  }
0x302: {  	[sflag:s19] =	ssyncadd.s32 $0xFFFFEC00  }
0x303: {  	_ =	swait.ge [sflag:s22], $0x1400  }
0x304: {  	[sflag:s22] =	ssyncset.done $0x0  }
0x305: {  	[sflag:s22] =	ssyncadd.s32 $0xFFFFEC00  }
0x306: {  	_ =	swait.ge [sflag:s23], $0x1400  }
0x307: {  	s14 =	simm.s32 $0x0;
	[sflag:s23] =	ssyncset.done $0x0  }
0x308: {  	v1 =	vmov s14;
	[sflag:s23] =	ssyncadd.s32 $0xFFFFEC00  }
0x309: {  	_ =	swait.ge [sflag:s24], $0x28  }
0x30a: {  	[sflag:s24] =	ssyncset.done $0x0  }
0x30b: {  	s1 =	simm.s32 $0x2A20;
	[sflag:s24] =	ssyncadd.s32 $0xFFFFFFD8  }
0x30c: {  	v2 =	vld [tilespmem:s1+$0xFFFFFFE0]  }
0x30d: {  	v4 =	vld.idx.msk [tilespmem:v1+s16+$0x0], $0xffff  }
0x30e: {  	s2 =	simm.s32 $0x240  }
0x30f: {  	v1 =	vld [tilespmem:s2+$0xFFFFFFC0]  }
0x310: {  	v3 =	vld [tilespmem:s2+$0x0]  }
0x311: {  	v5 =	vshll.u32 v2, $0x10  }
0x312: {  	v2 =	vand.u32 $0xFFFF0000, v2;
	v5 =	vmul.f32 v5, v4  }
0x313: {  	v2 =	vmul.f32 v2, v4  }
0x314: {  	v1 =	vmul.f32 v5, v1  }
0x315: {  	v2 =	vmul.f32 v2, v3  }
0x316: {  	[tilespmem:s2+$0xFFFFFFC0] =	vst v1  }
0x317: {  	[tilespmem:s2+$0x0] =	vst v2  }
0x318: {  	v1 =	vld [tilespmem:s1+$0xFFFFFFF0];
	_ =	sdelay $0x2  }
0x319: {  	v2 =	vld [tilespmem:s2+$0xFFFFFFD0]  }
0x31a: {  	v3 =	vld [tilespmem:s2+$0x10]  }
0x31b: {  	v5 =	vshll.u32 v1, $0x10  }
0x31c: {  	v1 =	vand.u32 $0xFFFF0000, v1;
	v5 =	vmul.f32 v5, v4  }
0x31d: {  	v1 =	vmul.f32 v1, v4  }
0x31e: {  	v2 =	vmul.f32 v5, v2  }
0x31f: {  	v1 =	vmul.f32 v1, v3  }
0x320: {  	[tilespmem:s2+$0xFFFFFFD0] =	vst v2  }
0x321: {  	[tilespmem:s2+$0x10] =	vst v1  }
0x322: {  	v1 =	vld [tilespmem:s1+$0x0];
	_ =	sdelay $0x2  }
0x323: {  	v2 =	vld [tilespmem:s2+$0xFFFFFFE0]  }
0x324: {  	v3 =	vld [tilespmem:s2+$0x20]  }
0x325: {  	v5 =	vshll.u32 v1, $0x10  }
0x326: {  	v1 =	vand.u32 $0xFFFF0000, v1;
	v5 =	vmul.f32 v5, v4  }
0x327: {  	v1 =	vmul.f32 v1, v4  }
0x328: {  	v2 =	vmul.f32 v5, v2  }
0x329: {  	v1 =	vmul.f32 v1, v3  }
0x32a: {  	[tilespmem:s2+$0xFFFFFFE0] =	vst v2  }
0x32b: {  	[tilespmem:s2+$0x20] =	vst v1  }
0x32c: {  	v2 =	vld [tilespmem:s1+$0x10];
	_ =	sdelay $0x3  }
0x32d: {  	v1 =	vld [tilespmem:s2+$0xFFFFFFF0]  }
0x32e: {  	v3 =	vshll.u32 v2, $0x10;
	v5 =	vand.u32 $0xFFFF0000, v2;
	v2 =	vld [tilespmem:s2+$0x30];
	_ =	sdelay $0x2  }
0x32f: {  	s14 =	simm.s32 $0x1;
	s0 =	simm.s32 $0x240;
	s13 =	rddreg [dreg:$0x1a];
	v3 =	vmul.f32 v3, v4;
	v4 =	vmul.f32 v5, v4  }
.LBB2_18:
0x330: {  	p2 =	sne.s32 s14, $0x27;
	s2 =	sadd.s32 $0x80, s2;
	s1 =	sadd.s32 $0x80, s1  }
0x331: {  	v5 =	vmov s14;
	s14 =	sadd.s32 $0x1, s14;
	v1 =	vmul.f32 v3, v1;
	v2 =	vmul.f32 v4, v2;
	_ =	sdelay $0x1  }
0x332: {  	[tilespmem:s0+$0xFFFFFFF0] =	vst v1  }
0x333: {  	[tilespmem:s0+$0x30] =	vst v2;
	s0 =	smov.u32 s2  }
0x334: {  	v1 =	vld [tilespmem:s1+$0xFFFFFFE0]  }
0x335: {  	v4 =	vld.idx.msk [tilespmem:v5+s16+$0x0], $0xffff;
	_ =	sdelay $0x1  }
0x336: {  	v2 =	vld [tilespmem:s2+$0x0]  }
0x337: {  	v3 =	vld [tilespmem:s2+$0xFFFFFFC0];
	_ =	sdelay $0x1  }
0x338: {  	v5 =	vshll.u32 v1, $0x10;
	v1 =	vand.u32 $0xFFFF0000, v1  }
0x339: {  	v5 =	vmul.f32 v5, v4;
	v1 =	vmul.f32 v1, v4;
	_ =	sdelay $0x1  }
0x33a: {  	v1 =	vmul.f32 v1, v2;
	v3 =	vmul.f32 v5, v3;
	_ =	sdelay $0x1  }
0x33b: {  	[tilespmem:s2+$0xFFFFFFC0] =	vst v3  }
0x33c: {  	[tilespmem:s2+$0x0] =	vst v1  }
0x33d: {  	v1 =	vld [tilespmem:s1+$0xFFFFFFF0];
	_ =	sdelay $0x1  }
0x33e: {  	v2 =	vld [tilespmem:s2+$0x10]  }
0x33f: {  	v3 =	vld [tilespmem:s2+$0xFFFFFFD0];
	_ =	sdelay $0x1  }
0x340: {  	v5 =	vshll.u32 v1, $0x10;
	v1 =	vand.u32 $0xFFFF0000, v1  }
0x341: {  	v5 =	vmul.f32 v5, v4;
	v1 =	vmul.f32 v1, v4;
	_ =	sdelay $0x1  }
0x342: {  	v3 =	vmul.f32 v5, v3;
	v1 =	vmul.f32 v1, v2;
	_ =	sdelay $0x1  }
0x343: {  	[tilespmem:s2+$0xFFFFFFD0] =	vst v3  }
0x344: {  	[tilespmem:s2+$0x10] =	vst v1  }
0x345: {  	v1 =	vld [tilespmem:s1+$0x0];
	_ =	sdelay $0x1  }
0x346: {  	v2 =	vld [tilespmem:s2+$0x20]  }
0x347: {  	v3 =	vld [tilespmem:s2+$0xFFFFFFE0];
	_ =	sdelay $0x1  }
0x348: {  	v5 =	vshll.u32 v1, $0x10;
	v1 =	vand.u32 $0xFFFF0000, v1  }
0x349: {  	v5 =	vmul.f32 v5, v4;
	v1 =	vmul.f32 v1, v4;
	_ =	sdelay $0x1  }
0x34a: {  	v3 =	vmul.f32 v5, v3;
	v1 =	vmul.f32 v1, v2;
	_ =	sdelay $0x1  }
0x34b: {  	[tilespmem:s2+$0xFFFFFFE0] =	vst v3  }
0x34c: {  	[tilespmem:s2+$0x20] =	vst v1;
	v1 =	vld [tilespmem:s2+$0xFFFFFFF0]  }
0x34d: {  	v3 =	vld [tilespmem:s1+$0x10];
	_ =	sdelay $0x1  }
.Ltmp8:
0x34e: {  	(pc) =	sbr.rel @p2 .LBB2_18-.Ltmp8, $3  }
0x34f: {  	v2 =	vld [tilespmem:s2+$0x30];
	_ =	sdelay $0x1  }
0x350: {  	v5 =	vshll.u32 v3, $0x10;
	v6 =	vand.u32 $0xFFFF0000, v3  }
0x351: {  	v3 =	vmul.f32 v5, v4;
	v4 =	vmul.f32 v6, v4  }
0x352: {  	_ = 	snop  }
0x353: {  	v1 =	vmul.f32 v3, v1  }
0x354: {  	v2 =	vmul.f32 v4, v2  }
0x355: {  	[tilespmem:s0+$0xFFFFFFF0] =	vst v1  }
0x356: {  	[tilespmem:s0+$0x30] =	vst v2  }
0x357: {  	_ =	swait.ge [sflag:s25], $0x28  }
0x358: {  	[sflag:s25] =	ssyncset.done $0x0  }
0x359: {  	[sflag:s25] =	ssyncadd.s32 $0xFFFFFFD8  }
0x35a: {  	[spmem:s21] =	stream.indirect.scatter.add.f32 [tilespmem:s30], [sflag:$0x9], $0x80, s15, s12, $0xb8;
	[tilespmem:$0x1A380] =	vst v63  }
0x35b: {  	_ =	swait.ge [sflag:s26], $0x1400  }
0x35c: {  	[sflag:s26] =	ssyncset.done $0x0  }
0x35d: {  	[sflag:s26] =	ssyncadd.s32 $0xFFFFEC00  }
0x35e: {  	[bflag:$0x0] =	sbarrier.arrive $0xFFFF  }
0x35f: {  	s1 =	rddreg [dreg:$0x1b]  }
0x360: {  	s0 =	simm.s32 @p1 $0x1FCE;
	s2 =	rddreg [dreg:$0x1d]  }
0x361: {  	[hbm:s1], [sflag:s0] =	dma.local @p1 [spmem:s2], $0x2800  }
0x362: {  	s0 =	simm.s32 @p1 $0xE  }
0x363: {  	s1 =	stileid.u32;
	_ =	swait.ge @p1 [sflag:s0], $0x2800  }
0x364: {  	s1 =	sshll.u32 @!p1 s1, $0x6;
	[sflag:s0] =	ssyncset.done @p1 $0x0;
	s2 =	rddreg [dreg:$0xc]  }
0x365: {  	[sflag:s0] =	ssyncadd.s32 @p1 $0xFFFFD800;
	s0 =	sor.u32 @!p1 $0x1C0E, s1;
	s1 =	sshrl.u32 @!p1 s13, $0x3  }
0x366: {  	[hbm:s2], [sflag:s0] =	dma.local @!p1 [spmem:s1], $0x2700  }
0x367: {  	s0 =	simm.s32 @!p1 $0xE  }
0x368: {  	_ =	swait.ge @!p1 [sflag:s0], $0x2700  }
0x369: {  	s14 =	rddreg [dreg:$0x4]  }
0x36a: {  	s2 =	rddreg [dreg:$0x1c];
	s14 =	sadd.s32 $0x1, s14  }
0x36b: {  	p2 =	sne.s32 s14, s2  }
.Ltmp9:
0x36c: {  	_ = 	snop;
	(pc) =	sbr.rel @p2 .LBB2_1-.Ltmp9, $3  }
0x36d: {  	_ =	sdelay $0x1  }
0x36e: {  	[sflag:s0] =	ssyncset.done @!p1 $0x0  }
0x36f: {  	[sflag:s0] =	ssyncadd.s32 @!p1 $0xFFFFD900  }
0x370: {  	_ =	sfence.sel $0x180000  }
0x371: {  	[bflag:$0x0] =	sbarrier.arrive $0xFFFF  }
0x372: {  	_ =	strace $0x90000047  }
0x373: {  	s0 =	stileid.u32;
	[bflag:$0x2] =	sbarrier.arrive $0xFFFF  }
0x374: {  	p0 =	sne.s32 s0, $0x0;
	s0 =	rddreg [dreg:$0x3]  }
0x375: {  	s0 =	sadd.s32 @!p0 $0x100000, s0  }
0x376: {  	[sflag:s0] =	ssyncadd.tile.s32 @!p0 $0x1;
	_ =	shalt  }
.Lfunc_end2:
_tile_overlayer_lowered:
.L_overlay_start_2:
0x377: {  	(tag) =	ssettag $0x2  }
0x378: {  	s0 =	rddreg [dreg:$0x0];
	s2 =	stileid.u32  }
0x379: {  	s1 =	rddreg [dreg:$0x1];
	p0 =	sne.s32 s2, $0x0  }
0x37a: {  	s3 =	rddreg [dreg:$0x2];
	[bflag:$0x3] =	sbarrier.arrive $0xFFFF;
	s2 =	simm.s32 @!p0 $0x1C0E  }
0x37b: {  	[timem:s3], [sflag:s2] =	dma.local @!p0 [hbm:s0], s1  }
0x37c: {  	s0 =	simm.s32 @!p0 $0xE  }
0x37d: {  	_ =	swait.ge @!p0 [sflag:s0], s1  }
0x37e: {  	s1 =	ssub.s32 @!p0 $0x0, s1;
	[sflag:s0] =	ssyncset.done @!p0 $0x0  }
0x37f: {  	[sflag:s0] =	ssyncadd.s32 @!p0 s1  }
0x380: {  	[bflag:$0x3] =	sbarrier.arrive $0xFFFF  }
0x381: {  	_ =	shalt  }

// kernel: kernel.8.cloned.1.call-start
scs
__scs_entry_jumppad:
0x0: {  	(pc) =	sbr.rel $0x88, $3  }
0x1: {  	(tag) =	ssettag $0x0;
	lr =	simm.s32 $0x1  }
0x2: {  	[smem:$0x3F94] =	sst lr;
	_ =	strace $0xD0000000  }
0x3: {  	_ = 	snop  }
0x4: {  	_ = 	snop  }
0x5: {  	_ = 	snop  }
0x6: {  	_ = 	snop  }
0x7: {  	_ = 	snop  }
__scs_overlays_trampoline_lowered:
0x8: {  	[smem:$0x3FA3] =	sst s0  }
0x9: {  	[smem:$0x3FA4] =	sst s1  }
0xa: {  	[smem:$0x3FA5] =	sst s2  }
0xb: {  	[smem:$0x3FA6] =	sst s3  }
0xc: {  	[smem:$0x3FA7] =	sst s4  }
0xd: {  	[smem:$0x3FA8] =	sst s5  }
0xe: {  	[smem:$0x3FA9] =	sst s6  }
0xf: {  	[smem:$0x3FAA] =	sst s7  }
0x10: {  	[smem:$0x3FAB] =	sst s8  }
0x11: {  	[smem:$0x3FAC] =	sst s9;
	s0 =	simm.s32 @!p0 $0x0  }
0x12: {  	s1 =	sld [smem:$0x3F92];
	s0 =	simm.s32 @p0 $0x1  }
0x13: {  	[smem:$0x3FAD] =	sst s0;
	s0 =	simm.s32 @!p1 $0x0  }
0x14: {  	s2 =	sld [smem:$0x3F91];
	s0 =	simm.s32 @p1 $0x1  }
0x15: {  	[smem:$0x3FAE] =	sst s0;
	s0 =	simm.s32 @!p2 $0x0  }
0x16: {  	s3 =	sld [smem:$0x3FDB];
	s0 =	simm.s32 @p2 $0x1  }
0x17: {  	s4 =	simm.s32 $0x1BF5;
	[smem:$0x3FB0] =	sst s0  }
0x18: {  	s0 =	sld [smem:$0x3F93];
	_ =	swait.ge [sflag:s4], $0x0  }
0x19: {  	s7 =	sld [smem:$0x3F94]  }
0x1a: {  	s8 =	sadd.s32 $0xFFFFE003, lr  }
0x1b: {  	s9 =	sadd.s32 $0xFFFFFEF7, lr;
	s5 =	simm.s32 $0xFFFFFFFF;
	p2 =	slt.u32 s8, $0xFFFFF086  }
0x1c: {  	p1 =	slt.u32 s9, $0xF7A;
	s5 =	simm.s32 @!p2 $0x0  }
0x1d: {  	s5 =	simm.s32 @p1 $0x1;
	p0 =	seq.s32 s7, s2  }
0x1e: {  	s7 =	smul.u32 @!p0 $0xF7A, s2;
	p2 =	seq.s32 @!p0 s5, $0x0  }
0x1f: {  	s9 =	smul.u32 $0xF7A, s1;
	s8 =	simm.s32 @!p0 $0x1BF5;
	p2 =	por !p2, p0  }
0x20: {  	[sflag:s8] =	ssyncset.s32 @!p0 $0xFFFFF086;
	s6 =	sadd.s32 @!p0 s3, s7;
	s7 =	simm.s32 @!p0 $0x108  }
0x21: {  	s3 =	sadd.s32 s3, s9;
	s6 =	sadd.s32 @!p0 $0x88, s6;
	s7 =	simm.s32 @p2 $0x1082  }
0x22: {  	[simem:s7], [sflag:s8] =	dma.local @!p0 [hbm:s6], $0xF7A  }
0x23: {  	s9 =	sor.u32 $0xD0000000, s2;
	s6 =	simm.s32 $0x108;
	_ =	swait.ge @!p0 [sflag:s8], $0x0  }
0x24: {  	s3 =	sadd.s32 $0x88, s3;
	s6 =	simm.s32 @!p1 $0x1082;
	[sflag:s4] =	ssyncset.s32 $0xFFFFF086  }
0x25: {  	[simem:s6], [sflag:s4] =	dma.local [hbm:s3], $0xF7A  }
0x26: {  	[smem:$0x3F94] =	sst s1;
	(tag) =	ssettag s2;
	_ =	strace s9  }
0x27: {  	s1 =	sld [smem:$0x3FA4]  }
0x28: {  	s2 =	sld [smem:$0x3FA5]  }
0x29: {  	s4 =	sld [smem:$0x3FA7]  }
0x2a: {  	p0 =	seq.s32 s5, $0x0;
	s5 =	sld [smem:$0x3FA8]  }
0x2b: {  	s6 =	sld [smem:$0x3FA9]  }
0x2c: {  	s7 =	sld [smem:$0x3FAA]  }
0x2d: {  	s3 =	simm.s32 $0x108;
	s8 =	sld [smem:$0x3FAB]  }
0x2e: {  	s3 =	simm.s32 @!p0 $0x1082;
	s9 =	sld [smem:$0x3FAC]  }
0x2f: {  	lr =	sadd.s32 s0, s3;
	s0 =	sld [smem:$0x3FA3]  }
0x30: {  	s3 =	sld [smem:$0x3FA6]  }
0x31: {  	[smem:$0x3FAF] =	sst s10  }
0x32: {  	s10 =	sld [smem:$0x3FAD];
	_ =	sdelay $0x3  }
0x33: {  	p0 =	seq.s32 s10, $0x1;
	s10 =	sld [smem:$0x3FAF];
	_ =	sdelay $0x3  }
0x34: {  	[smem:$0x3FAF] =	sst s10  }
0x35: {  	s10 =	sld [smem:$0x3FAE];
	_ =	sdelay $0x3  }
0x36: {  	p1 =	seq.s32 s10, $0x1;
	s10 =	sld [smem:$0x3FAF];
	_ =	sdelay $0x3  }
0x37: {  	[smem:$0x3FAF] =	sst s10  }
0x38: {  	s10 =	sld [smem:$0x3FB0]  }
0x39: {  	_ = 	snop;
	(pc) =	sbr.ind lr, $3  }
0x3a: {  	_ = 	snop  }
0x3b: {  	_ = 	snop  }
0x3c: {  	p2 =	seq.s32 s10, $0x1;
	s10 =	sld [smem:$0x3FAF]  }
0x3d: {  	_ =	shalt  }
0x3e: {  	_ =	shalt  }
0x3f: {  	_ =	shalt  }
0x40: {  	_ =	shalt  }
0x41: {  	_ =	shalt  }
0x42: {  	_ =	shalt  }
0x43: {  	_ =	shalt  }
0x44: {  	_ =	shalt  }
0x45: {  	_ =	shalt  }
0x46: {  	_ =	shalt  }
0x47: {  	_ =	shalt  }
0x48: {  	_ =	shalt  }
0x49: {  	_ =	shalt  }
0x4a: {  	_ =	shalt  }
0x4b: {  	_ =	shalt  }
0x4c: {  	_ =	shalt  }
0x4d: {  	_ =	shalt  }
0x4e: {  	_ =	shalt  }
0x4f: {  	_ =	shalt  }
0x50: {  	_ =	shalt  }
0x51: {  	_ =	shalt  }
0x52: {  	_ =	shalt  }
0x53: {  	_ =	shalt  }
0x54: {  	_ =	shalt  }
0x55: {  	_ =	shalt  }
0x56: {  	_ =	shalt  }
0x57: {  	_ =	shalt  }
0x58: {  	_ =	shalt  }
0x59: {  	_ =	shalt  }
0x5a: {  	_ =	shalt  }
0x5b: {  	_ =	shalt  }
0x5c: {  	_ =	shalt  }
0x5d: {  	_ =	shalt  }
0x5e: {  	_ =	shalt  }
0x5f: {  	_ =	shalt  }
0x60: {  	_ =	shalt  }
0x61: {  	_ =	shalt  }
0x62: {  	_ =	shalt  }
0x63: {  	_ =	shalt  }
0x64: {  	_ =	shalt  }
0x65: {  	_ =	shalt  }
0x66: {  	_ =	shalt  }
0x67: {  	_ =	shalt  }
0x68: {  	_ =	shalt  }
0x69: {  	_ =	shalt  }
0x6a: {  	_ =	shalt  }
0x6b: {  	_ =	shalt  }
0x6c: {  	_ =	shalt  }
0x6d: {  	_ =	shalt  }
0x6e: {  	_ =	shalt  }
0x6f: {  	_ =	shalt  }
0x70: {  	_ =	shalt  }
0x71: {  	_ =	shalt  }
0x72: {  	_ =	shalt  }
0x73: {  	_ =	shalt  }
0x74: {  	_ =	shalt  }
0x75: {  	_ =	shalt  }
0x76: {  	_ =	shalt  }
0x77: {  	_ =	shalt  }
0x78: {  	_ =	shalt  }
0x79: {  	_ =	shalt  }
0x7a: {  	_ =	shalt  }
0x7b: {  	_ =	shalt  }
0x7c: {  	_ =	shalt  }
0x7d: {  	_ =	shalt  }
0x7e: {  	_ =	shalt  }
0x7f: {  	_ =	shalt  }
0x80: {  	_ =	shalt  }
0x81: {  	_ =	shalt  }
0x82: {  	_ =	shalt  }
0x83: {  	_ =	shalt  }
0x84: {  	_ =	shalt  }
0x85: {  	_ =	shalt  }
0x86: {  	_ =	shalt  }
0x87: {  	_ =	shalt  }
.Lfunc_end0:
.L_simem_size_0:
called_computation_lowered:
.L_overlay_start_0:
0x88: {  	s2 =	sld [smem:$0x3FD9]  }
0x89: {  	s3 =	sld [smem:$0x3FFE];
	_ =	sdelay $0x1  }
0x8a: {  	s1 =	srdreg.scid  }
0x8b: {  	s0 =	sand.u32 $0x1, s1  }
0x8c: {  	s17 =	sshll.u32 s0, $0xA;
	s2 =	sadd.s32 s3, s2  }
0x8d: {  	s2 =	sadd.s32 s2, s17  }
0x8e: {  	[smem:$0x3FBB] =	sst s2  }
0x8f: {  	_ = 	snop  }
0x90: {  	s18 =	sld [smem:$0x3FD0];
	(tm) =	ssettm $0x1  }
0x91: {  	s19 =	sld [smem:$0x3FFB];
	_ =	sdelay $0x3  }
0x92: {  	_ =	strace s19  }
0x93: {  	s2 =	sld [smem:$0x3FFC];
	_ =	sdelay $0x3  }
0x94: {  	_ =	strace s2  }
0x95: {  	s2 =	sld [smem:$0x3FFD];
	_ =	sdelay $0x3  }
0x96: {  	_ =	strace s2  }
0x97: {  	_ =	strace $0x8FFFFFFF  }
0x98: {  	s20 =	sld [smem:$0x3FDB];
	_ =	sdelay $0x1  }
0x99: {  	s4 =	simm.s32 $_scs_section_size  }
0x9a: {  	s5 =	simm.s32 $_size__tile_overlayer_lowered;
	s6 =	simm.s32 $_tile_overlayer_lowered  }
0x9b: {  	s7 =	simm.s32 $0x1BFF;
	s21 =	sshll.u32 s6, $0x1;
	s4 =	sadd.s32 s4, s20  }
0x9c: {  	s22 =	simm.s32 $0x0;
	s5 =	sshll.u32 s5, $0x1;
	s6 =	sadd.s32 s21, s4  }
0x9d: {  	[timem:s22], [sflag:s7] =	dma.local [hbm:s6], s5  }
0x9e: {  	_ =	swait.ge [sflag:s7], s5  }
0x9f: {  	s5 =	ssub.s32 $0x0, s5;
	[sflag:s7] =	ssyncset.done $0x0  }
0xa0: {  	[sflag:s7] =	ssyncadd.s32 s5;
	_ =	sdelay $0x1  }
0xa1: {  	s23 =	simm.s32 $0x1B8B  }
0xa2: {  	_ =	swait.ge [sflag:s23], $0x1  }
0xa3: {  	[sflag:s23] =	ssyncset.done $0x0  }
0xa4: {  	[sflag:s23] =	ssyncadd.s32 $0xFFFFFFFF  }
0xa5: {  	s5 =	sld [smem:$0x0]  }
0xa6: {  	s6 =	sand.u32 $0xFFFFFFFE, s1  }
0xa7: {  	p0 =	sne.s32 s1, s6  }
0xa8: {  	s6 =	sshll.u32 @p0 s6, $0xE  }
0xa9: {  	s6 =	sadd.s32 @p0 $0x11B8D, s6;
	s7 =	sshll.u32 @p0 s5, $0x11  }
0xaa: {  	s6 =	sor.u32 @p0 s7, s6  }
0xab: {  	[sflag:s6] =	ssyncadd.remote.s32 @p0 $0x1;
	_ =	sdelay $0x1  }
0xac: {  	s6 =	simm.s32 @p0 $0x1B8D  }
0xad: {  	_ =	swait.eq @p0 [sflag:s6], $0x1  }
0xae: {  	[sflag:s6] =	ssyncadd.s32 @p0 $0xFFFFFFFF  }
0xaf: {  	s7 =	sshll.u32 @!p0 s1, $0xE  }
0xb0: {  	s7 =	sor.u32 @!p0 $0x4000, s7;
	s6 =	simm.s32 @!p0 $0x1B8D  }
0xb1: {  	s5 =	sshll.u32 @!p0 s5, $0x11;
	s7 =	sadd.s32 @!p0 $0x11B8D, s7;
	_ =	swait.eq @!p0 [sflag:s6], $0x1  }
0xb2: {  	s5 =	sor.u32 @!p0 s5, s7;
	[sflag:s6] =	ssyncadd.s32 @!p0 $0xFFFFFFFF  }
0xb3: {  	s25 =	simm.s32 $0x1B8E;
	s24 =	sld [smem:$0x3FFE];
	[sflag:s5] =	ssyncadd.remote.s32 @!p0 $0x1  }
0xb4: {  	s26 =	simm.s32 $execute0_lowered;
	[smem:$0x3FD2] =	sst s25  }
0xb5: {  	s6 =	sshll.u32 s26, $0x1;
	_ =	strace $0x80000049;
	[dreg:$0x1] =	wrdreg $0xFFFFFFFF  }
0xb6: {  	s28 =	simm.s32 $_size_execute0_lowered;
	s4 =	sadd.s32 s4, s6;
	[dreg:$0x0] =	wrdreg $0x0  }
0xb7: {  	s6 =	sshll.u32 s28, $0x1;
	[dreg:$0x2] =	wrdreg s4  }
0xb8: {  	[dreg:$0x3] =	wrdreg s6  }
0xb9: {  	[dreg:$0x4] =	wrdreg $0xC0  }
0xba: {  	_ =	task [dreg:s22], $0x5FFFF  }
0xbb: {  	[dreg:$0x1] =	wrdreg $0xFFFFFFFF  }
0xbc: {  	[dreg:$0x0] =	wrdreg $0x60  }
0xbd: {  	[dreg:$0x2] =	wrdreg s18  }
0xbe: {  	[dreg:$0x3] =	wrdreg s24  }
0xbf: {  	[dreg:$0x4] =	wrdreg $0x6B000  }
0xc0: {  	[dreg:$0x5] =	wrdreg $0x9  }
0xc1: {  	_ =	task.clear_ibuf [dreg:s22], $0x6FFFF;
	_ =	strace $0x90000049  }
0xc2: {  	s29 =	simm.s32 $0x9;
	_ =	strace $0x8000004B  }
0xc3: {  	_ =	swait.ge [sflag:s29], $0x1  }
0xc4: {  	[sflag:s29] =	ssyncadd.s32 $0xFFFFFFFF  }
0xc5: {  	_ =	strace $0x9000004B  }
0xc6: {  	_ =	sfence  }
0xc7: {  	s30 =	sld [smem:$0x0];
	_ =	sdelay $0x2  }
0xc8: {  	s31 =	sshll.u32 s1, $0xD;
	s1 =	sshrl.u32 s1, $0x2  }
0xc9: {  	s4 =	sand.u32 $0x4000, s31;
	s1 =	sadd.s32 s1, s30  }
0xca: {  	s0 =	sor.u32 s4, s0;
	s1 =	sshll.u32 s1, $0x11  }
0xcb: {  	s0 =	sor.u32 s1, s0  }
0xcc: {  	s0 =	sadd.s32 $0x8F2B, s0  }
0xcd: {  	[sflag:s0] =	ssyncadd.remote.s32 $0x1  }
0xce: {  	_ =	sfence.sel $0xFFFF  }
0xcf: {  	[dreg:$0x0] =	wrdreg $0xFFFFFFFF;
	(pc) =	sbr.abs _section_cstart, $3  }
0xd0: {  	[dreg:$0x1] =	wrdreg $0xFFFFFFFF  }
0xd1: {  	_ =	task.clear_ibuf [dreg:s22], $0x2FFFF;
	_ =	strace $0x9FFFFFFF  }
0xd2: {  	(tm) =	ssettm $0x7FFFFFFF  }
0xd3: {  	_ =	shalt  }
tec
execute0_lowered:
.L_overlay_start_1:
0x0: {  	(tag) =	ssettag $0x1  }
0x1: {  	s1 =	srdreg.scid  }
0x2: {  	s1 =	sand.u32 $0x1, s1  }
0x3: {  	s0 =	rddreg [dreg:$0x1];
	s14 =	stileid.u32;
	s2 =	sshll.u32 s1, $0x4  }
0x4: {  	s5 =	sadd.s32 $0x7C1400, s0;
	s2 =	sor.u32 s14, s2  }
0x5: {  	s13 =	rddreg [dreg:$0x2];
	s6 =	sadd.s32 $0x4EE600, s0;
	s4 =	smul.u32 $0x1388, s2  }
0x6: {  	s16 =	simm.s32 $0x0;
	s7 =	sadd.s32 $0x4E4800, s0;
	s2 =	smul.u32 $0x13880, s2  }
0x7: {  	[smem:$0x7FF] =	sst s16;
	s8 =	sadd.s32 $0x4F8400, s0;
	s19 =	smul.u32 $0x270, s14  }
0x8: {  	_ =	strace $0x8000004A;
	s11 =	sshrl.u32 s4, $0x3;
	s2 =	sadd.s32 s5, s2  }
0x9: {  	s3 =	ssub.s32 $0x2, s1;
	s15 =	sadd.s32 s6, s11;
	[dreg:$0x8] =	wrdreg s2  }
0xa: {  	s10 =	sadd.s32 $0x28, s4;
	s21 =	sadd.s32 s7, s11;
	[dreg:$0x5] =	wrdreg s15  }
0xb: {  	s12 =	sshrl.u32 s10, $0x3;
	s22 =	sadd.s32 s8, s11;
	[dreg:$0x7] =	wrdreg s21  }
0xc: {  	s23 =	sshll.u32 s10, $0x4;
	s20 =	sadd.s32 s6, s12;
	[dreg:$0x9] =	wrdreg s22  }
0xd: {  	s9 =	sshrl.u32 s3, $0x1;
	s2 =	sadd.s32 s5, s23;
	[dreg:$0x6] =	wrdreg s20  }
0xe: {  	s25 =	sadd.s32 $0x50, s4;
	s24 =	sadd.s32 s8, s12;
	[dreg:$0xa] =	wrdreg s2  }
0xf: {  	s31 =	sshrl.u32 s25, $0x3;
	s26 =	sadd.s32 s7, s12;
	[dreg:$0xb] =	wrdreg s24  }
0x10: {  	s3 =	ssub.s32 s3, s9;
	s17 =	sadd.s32 s6, s31;
	[dreg:$0xc] =	wrdreg s26  }
0x11: {  	s15 =	smul.u32 $0x2710, s1;
	s23 =	sadd.s32 $0xA0, s4;
	[dreg:$0xd] =	wrdreg s17  }
0x12: {  	s21 =	sadd.s32 $0x78, s4;
	s12 =	smax.u32 s3, $0x1;
	[dreg:$0x12] =	wrdreg s23  }
0x13: {  	s2 =	sshll.u32 s25, $0x4;
	s20 =	sadd.s32 s7, s31;
	[dreg:$0x1f] =	wrdreg s12  }
0x14: {  	s22 =	sshrl.u32 s21, $0x3;
	s2 =	sadd.s32 s5, s2;
	[dreg:$0x10] =	wrdreg s20  }
0x15: {  	s18 =	sadd.s32 s19, s15;
	s19 =	sadd.s32 s8, s31;
	[dreg:$0xe] =	wrdreg s2  }
0x16: {  	s24 =	sadd.s32 s6, s22;
	[dreg:$0xf] =	wrdreg s19  }
0x17: {  	s1 =	smul.u32 $0x138800, s1;
	s26 =	sadd.s32 s8, s22;
	[dreg:$0x14] =	wrdreg s24  }
0x18: {  	s0 =	sadd.s32 $0x2800, s0;
	s31 =	sadd.s32 $0xC8, s4;
	[dreg:$0x15] =	wrdreg s26  }
0x19: {  	s1 =	sshrl.u32 s1, $0x3;
	s2 =	sshll.u32 s18, $0x4;
	[dreg:$0x18] =	wrdreg s31  }
0x1a: {  	s2 =	sadd.s32 s0, s2;
	s0 =	sadd.s32 s0, s1;
	s1 =	sshll.u32 s21, $0x4  }
0x1b: {  	p0 =	seq.s32 s14, $0xF;
	[dreg:$0x11] =	wrdreg s2;
	s1 =	sadd.s32 s5, s1  }
0x1c: {  	s9 =	smul.u32 $0x4E000, s14;
	s2 =	sadd.s32 s7, s22;
	[dreg:$0x13] =	wrdreg s1  }
0x1d: {  	s25 =	sshrl.u32 s23, $0x3;
	s0 =	sadd.s32 $0x24900, s0;
	[dreg:$0x16] =	wrdreg s2  }
0x1e: {  	s1 =	sadd.s32 s6, s25;
	s2 =	sadd.s32 $0x1360, s4;
	[dreg:$0x1e] =	wrdreg s0  }
0x1f: {  	s4 =	sadd.s32 $0xF0, s4;
	s0 =	sadd.s32 $0x124800, s13;
	[dreg:$0x17] =	wrdreg s1  }
0x20: {  	[dreg:$0x19] =	wrdreg s4;
	s10 =	sshll.u32 s2, $0x4;
	s0 =	sshrl.u32 @p0 s0, $0x3  }
0x21: {  	s1 =	sshrl.u32 s2, $0x3;
	s4 =	sadd.s32 s5, s10;
	[smem:$0x7F0] =	sst s0  }
0x22: {  	s11 =	sadd.s32 s8, s1;
	[dreg:$0x1a] =	wrdreg s4  }
0x23: {  	s2 =	sshrl.u32 s9, $0x2;
	s1 =	sadd.s32 s7, s1;
	[dreg:$0x1b] =	wrdreg s11  }
0x24: {  	s22 =	sadd.s32 s2, s13;
	s13 =	sadd.s32 $0x138000, s13;
	[dreg:$0x1c] =	wrdreg s1  }
0x25: {  	[smem:$0x7F1] =	sst s13  }
0x26: {  	p1 =	sne.s32 s14, $0xF;
	s14 =	sadd.s32 $0x1800, s22;
	[dreg:$0x1d] =	wrdreg s22  }
0x27: {  	s15 =	sadd.s32 $0x3000, s22;
	[smem:$0x7F2] =	sst s14  }
0x28: {  	s17 =	sadd.s32 $0x4800, s22;
	[smem:$0x7F3] =	sst s15  }
0x29: {  	s18 =	sadd.s32 $0x6000, s22;
	[smem:$0x7F4] =	sst s17  }
0x2a: {  	s29 =	simm.s32 $0x100;
	s19 =	sadd.s32 $0x7800, s22;
	[smem:$0x7F5] =	sst s18  }
0x2b: {  	s30 =	simm.s32 $0x180;
	s20 =	sadd.s32 $0x9000, s22;
	[smem:$0x7F6] =	sst s19  }
0x2c: {  	s28 =	simm.s32 $0xC;
	s21 =	sadd.s32 $0xA800, s22;
	[smem:$0x7F7] =	sst s20  }
0x2d: {  	s3 =	simm.s32 $0x4;
	s23 =	sadd.s32 $0xC000, s22;
	[smem:$0x7F8] =	sst s21  }
0x2e: {  	s12 =	simm.s32 $0x200;
	s24 =	sadd.s32 $0xD800, s22;
	[smem:$0x7F9] =	sst s23  }
0x2f: {  	s9 =	simm.s32 $0x8;
	s25 =	sadd.s32 $0xF000, s22;
	[smem:$0x7FA] =	sst s24  }
0x30: {  	s10 =	simm.s32 $0x1;
	s26 =	sadd.s32 $0x10800, s22;
	[smem:$0x7FB] =	sst s25  }
0x31: {  	s31 =	sadd.s32 $0x12000, s22;
	s11 =	simm.s32 $0x28;
	[smem:$0x7FC] =	sst s26  }
0x32: {  	s4 =	simm.s32 $0x1600;
	[smem:$0x7FD] =	sst s31;
	s14 =	simm.s32 $0x5200  }
0x33: {  	s15 =	simm.s32 $0x2;
	s18 =	simm.s32 $0x5280;
	s20 =	simm.s32 $0x5  }
0x34: {  	s21 =	simm.s32 $0x7;
	s23 =	simm.s32 $0xB;
	s24 =	simm.s32 $0x3  }
0x35: {  	v0 =	vimm.f32 $0.0e+00;
	s25 =	simm.s32 $0x9;
	s26 =	simm.s32 $0x6;
	s17 =	simm.s32 $0xA  }
.LBB2_1:
0x36: {  	s0 =	simm.s32 $0x70;
	s1 =	simm.s32 $0x3C0  }
.LBB2_2:
0x37: {  	p2 =	sne.s32 s1, $0x5FC0;
	[tilespmem:s0+$0x5300] =	vst v0  }
0x38: {  	[tilespmem:s0+$0x5290] =	vst v0  }
0x39: {  	[tilespmem:s0+$0x52A0] =	vst v0  }
.Ltmp0:
0x3a: {  	[tilespmem:s0+$0x52B0] =	vst v0;
	(pc) =	sbr.rel @p2 .LBB2_2-.Ltmp0, $4  }
0x3b: {  	[tilespmem:s0+$0x52C0] =	vst v0  }
0x3c: {  	[tilespmem:s0+$0x52D0] =	vst v0  }
0x3d: {  	[tilespmem:s0+$0x52E0] =	vst v0  }
0x3e: {  	[tilespmem:s0+$0x52F0] =	vst v0;
	s0 =	sshra.s32 s1, $0x2;
	s1 =	sadd.s32 $0x200, s1  }
0x3f: {  	[tilespmem:s0+$0x5300] =	vst v0  }
0x40: {  	[tilespmem:s0+$0x5290] =	vst v0  }
0x41: {  	[tilespmem:s0+$0x52A0] =	vst v0  }
0x42: {  	[tilespmem:s0+$0x52B0] =	vst v0  }
0x43: {  	[tilespmem:s0+$0x52C0] =	vst v0  }
0x44: {  	[tilespmem:s0+$0x52D0] =	vst v0  }
0x45: {  	[tilespmem:s0+$0x52E0] =	vst v0  }
0x46: {  	[tilespmem:s0+$0x52F0] =	vst v0;
	s1 =	simm.s32 $0x5300;
	s13 =	sld [smem:$0x7F2]  }
0x47: {  	[spmem:s22] =	stream.linear.scatter [tilespmem:s1], [sflag:$0xD], $0x1800, $0x38;
	[tilespmem:$0x1A380] =	vst v63  }
0x48: {  	s19 =	sld [smem:$0x7F3]  }
0x49: {  	[spmem:s13] =	stream.linear.scatter [tilespmem:s1], [sflag:$0xD], $0x1800, $0x38;
	[tilespmem:$0x1A380] =	vst v63  }
0x4a: {  	s22 =	sld [smem:$0x7F4]  }
0x4b: {  	[spmem:s19] =	stream.linear.scatter [tilespmem:s1], [sflag:$0xD], $0x1800, $0x38;
	[tilespmem:$0x1A380] =	vst v63  }
0x4c: {  	s31 =	sld [smem:$0x7F5]  }
0x4d: {  	[spmem:s22] =	stream.linear.scatter [tilespmem:s1], [sflag:$0xD], $0x1800, $0x38;
	[tilespmem:$0x1A380] =	vst v63  }
0x4e: {  	s2 =	sld [smem:$0x7F6]  }
0x4f: {  	[spmem:s31] =	stream.linear.scatter [tilespmem:s1], [sflag:$0xD], $0x1800, $0x38;
	[tilespmem:$0x1A380] =	vst v63  }
0x50: {  	s13 =	sld [smem:$0x7F7]  }
0x51: {  	[spmem:s2] =	stream.linear.scatter [tilespmem:s1], [sflag:$0xD], $0x1800, $0x38;
	[tilespmem:$0x1A380] =	vst v63  }
0x52: {  	s19 =	sld [smem:$0x7F8]  }
0x53: {  	[spmem:s13] =	stream.linear.scatter [tilespmem:s1], [sflag:$0xD], $0x1800, $0x38;
	[tilespmem:$0x1A380] =	vst v63  }
0x54: {  	s22 =	sld [smem:$0x7F9]  }
0x55: {  	[spmem:s19] =	stream.linear.scatter [tilespmem:s1], [sflag:$0xD], $0x1800, $0x38;
	[tilespmem:$0x1A380] =	vst v63  }
0x56: {  	s31 =	sld [smem:$0x7FA]  }
0x57: {  	[spmem:s22] =	stream.linear.scatter [tilespmem:s1], [sflag:$0xD], $0x1800, $0x38;
	[tilespmem:$0x1A380] =	vst v63  }
0x58: {  	s2 =	sld [smem:$0x7FB]  }
0x59: {  	[spmem:s31] =	stream.linear.scatter [tilespmem:s1], [sflag:$0xD], $0x1800, $0x38;
	[tilespmem:$0x1A380] =	vst v63  }
0x5a: {  	s13 =	sld [smem:$0x7FC]  }
0x5b: {  	[spmem:s2] =	stream.linear.scatter [tilespmem:s1], [sflag:$0xD], $0x1800, $0x38;
	[tilespmem:$0x1A380] =	vst v63  }
0x5c: {  	s19 =	sld [smem:$0x7FD]  }
0x5d: {  	[spmem:s13] =	stream.linear.scatter [tilespmem:s1], [sflag:$0xD], $0x1800, $0x38;
	[tilespmem:$0x1A380] =	vst v63  }
0x5e: {  	s22 =	simm.s32 $0xD  }
0x5f: {  	[spmem:s19] =	stream.linear.scatter [tilespmem:s1], [sflag:$0xD], $0x1800, $0x38;
	[tilespmem:$0x1A380] =	vst v63  }
0x60: {  	_ =	swait.ge [sflag:s22], $0x1800  }
0x61: {  	[sflag:s22] =	ssyncset.done $0x0  }
0x62: {  	[sflag:s22] =	ssyncadd.s32 $0xFFFFE800  }
0x63: {  	_ =	swait.ge [sflag:s22], $0x1800  }
0x64: {  	[sflag:s22] =	ssyncset.done $0x0  }
0x65: {  	[sflag:s22] =	ssyncadd.s32 $0xFFFFE800  }
0x66: {  	_ =	swait.ge [sflag:s22], $0x1800  }
0x67: {  	[sflag:s22] =	ssyncset.done $0x0  }
0x68: {  	[sflag:s22] =	ssyncadd.s32 $0xFFFFE800  }
0x69: {  	_ =	swait.ge [sflag:s22], $0x1800  }
0x6a: {  	[sflag:s22] =	ssyncset.done $0x0  }
0x6b: {  	[sflag:s22] =	ssyncadd.s32 $0xFFFFE800  }
0x6c: {  	_ =	swait.ge [sflag:s22], $0x1800  }
0x6d: {  	[sflag:s22] =	ssyncset.done $0x0  }
0x6e: {  	[sflag:s22] =	ssyncadd.s32 $0xFFFFE800  }
0x6f: {  	_ =	swait.ge [sflag:s22], $0x1800  }
0x70: {  	[sflag:s22] =	ssyncset.done $0x0  }
0x71: {  	[sflag:s22] =	ssyncadd.s32 $0xFFFFE800  }
0x72: {  	_ =	swait.ge [sflag:s22], $0x1800  }
0x73: {  	[sflag:s22] =	ssyncset.done $0x0  }
0x74: {  	[sflag:s22] =	ssyncadd.s32 $0xFFFFE800  }
0x75: {  	_ =	swait.ge [sflag:s22], $0x1800  }
0x76: {  	[sflag:s22] =	ssyncset.done $0x0  }
0x77: {  	[sflag:s22] =	ssyncadd.s32 $0xFFFFE800  }
0x78: {  	_ =	swait.ge [sflag:s22], $0x1800  }
0x79: {  	[sflag:s22] =	ssyncset.done $0x0  }
0x7a: {  	[sflag:s22] =	ssyncadd.s32 $0xFFFFE800  }
0x7b: {  	_ =	swait.ge [sflag:s22], $0x1800  }
0x7c: {  	[sflag:s22] =	ssyncset.done $0x0  }
0x7d: {  	[sflag:s22] =	ssyncadd.s32 $0xFFFFE800  }
0x7e: {  	_ =	swait.ge [sflag:s22], $0x1800  }
0x7f: {  	[sflag:s22] =	ssyncset.done $0x0  }
0x80: {  	[sflag:s22] =	ssyncadd.s32 $0xFFFFE800  }
0x81: {  	_ =	swait.ge [sflag:s22], $0x1800  }
0x82: {  	[sflag:s22] =	ssyncset.done $0x0  }
0x83: {  	[sflag:s22] =	ssyncadd.s32 $0xFFFFE800  }
0x84: {  	_ =	swait.ge [sflag:s22], $0x1800  }
0x85: {  	s1 =	sld [smem:$0x7F1]  }
0x86: {  	[sflag:s22] =	ssyncset.done $0x0  }
0x87: {  	s0 =	simm.s32 @!p1 $0x5300;
	[sflag:s22] =	ssyncadd.s32 $0xFFFFE800  }
0x88: {  	[spmem:s1] =	stream.linear.scatter @!p1 [tilespmem:s0], [sflag:$0xE], $0x800, $0x38;
	[tilespmem:$0x1A380] =	vst v63  }
0x89: {  	s0 =	simm.s32 @!p1 $0xE  }
0x8a: {  	_ =	swait.ge @!p1 [sflag:s0], $0x800  }
0x8b: {  	[sflag:s0] =	ssyncset.done @!p1 $0x0  }
0x8c: {  	[sflag:s0] =	ssyncadd.s32 @!p1 $0xFFFFF800  }
0x8d: {  	[bflag:$0x0] =	sbarrier.arrive $0xFFFF  }
0x8e: {  	s0 =	simm.s32 $0x0;
	s31 =	rddreg [dreg:$0x5]  }
0x8f: {  	[tilespmem:s0], [sflag:$0x1] =	stream.linear.gather [hbm4b:s31+s0], $0x28, $0x38;
	[tilespmem:$0x1A380] =	vst v63  }
0x90: {  	s13 =	simm.s32 $0x80;
	s2 =	rddreg [dreg:$0x6]  }
0x91: {  	[tilespmem:s13], [sflag:$0x2] =	stream.linear.gather [hbm4b:s2+s0], $0x28, $0x38;
	[tilespmem:$0x1A380] =	vst v63  }
0x92: {  	s19 =	rddreg [dreg:$0x7]  }
0x93: {  	[tilespmem:s29], [sflag:$0x3] =	stream.linear.gather [hbm4b:s19+s0], $0x28, $0x38;
	[tilespmem:$0x1A380] =	vst v63  }
0x94: {  	_ =	swait.ge [sflag:s10], $0x28  }
0x95: {  	[sflag:s10] =	ssyncset.done $0x0  }
0x96: {  	[sflag:s10] =	ssyncadd.s32 $0xFFFFFFD8  }
0x97: {  	s22 =	rddreg [dreg:$0x0]  }
0x98: {  	[tilespmem:s12], [sflag:$0x5] =	stream.indirect.gather [hbm4b:s22+s11], $0x80, s0, s11, $0xb8;
	[tilespmem:$0x1A380] =	vst v63  }
0x99: {  	s19 =	simm.s32 $0x2A00;
	s2 =	rddreg [dreg:$0x8]  }
0x9a: {  	[tilespmem:s19], [sflag:$0x7] =	stream.linear.gather [hbm4b:s2+s0], $0x1400, $0x38;
	[tilespmem:$0x1A380] =	vst v63  }
0x9b: {  	s31 =	rddreg [dreg:$0x9]  }
0x9c: {  	[tilespmem:s14], [sflag:$0xB] =	stream.linear.gather [hbm4b:s31+s0], $0x28, $0x38;
	[tilespmem:$0x1A380] =	vst v63  }
0x9d: {  	_ =	swait.ge [sflag:s15], $0x28  }
0x9e: {  	[sflag:s15] =	ssyncset.done $0x0  }
0x9f: {  	[sflag:s15] =	ssyncadd.s32 $0xFFFFFFD8  }
0xa0: {  	[tilespmem:s4], [sflag:$0x6] =	stream.indirect.gather [hbm4b:s22+s11], $0x80, s13, s11, $0xb8;
	[tilespmem:$0x1A380] =	vst v63  }
0xa1: {  	s2 =	rddreg [dreg:$0xa];
	s4 =	simm.s32 $0x3E00  }
0xa2: {  	[tilespmem:s4], [sflag:$0x8] =	stream.linear.gather [hbm4b:s2+s0], $0x1400, $0x38;
	[tilespmem:$0x1A380] =	vst v63  }
0xa3: {  	s13 =	rddreg [dreg:$0xb]  }
0xa4: {  	[tilespmem:s18], [sflag:$0xC] =	stream.linear.gather [hbm4b:s13+s0], $0x28, $0x38;
	[tilespmem:$0x1A380] =	vst v63  }
0xa5: {  	s22 =	rddreg [dreg:$0xc]  }
0xa6: {  	[tilespmem:s30], [sflag:$0x4] =	stream.linear.gather [hbm4b:s22+s0], $0x28, $0x38;
	[tilespmem:$0x1A380] =	vst v63  }
0xa7: {  	_ =	swait.ge [sflag:s20], $0x1400  }
0xa8: {  	[sflag:s20] =	ssyncset.done $0x0  }
0xa9: {  	[sflag:s20] =	ssyncadd.s32 $0xFFFFEC00  }
0xaa: {  	_ =	swait.ge [sflag:s21], $0x1400  }
0xab: {  	[sflag:s21] =	ssyncset.done $0x0  }
0xac: {  	[sflag:s21] =	ssyncadd.s32 $0xFFFFEC00  }
0xad: {  	v1 =	vmov s0;
	_ =	swait.ge [sflag:s23], $0x28  }
0xae: {  	[sflag:s23] =	ssyncset.done $0x0  }
0xaf: {  	s13 =	simm.s32 $0x2A20;
	s31 =	rddreg [dreg:$0xd];
	[sflag:s23] =	ssyncadd.s32 $0xFFFFFFD8  }
0xb0: {  	[tilespmem:s0], [sflag:$0x1] =	stream.linear.gather [hbm4b:s31+s0], $0x28, $0x38;
	[tilespmem:$0x1A380] =	vst v63  }
0xb1: {  	v2 =	vld [tilespmem:s13+$0xFFFFFFE0]  }
0xb2: {  	v4 =	vld.idx.msk [tilespmem:v1+s14+$0x0], $0xffff  }
0xb3: {  	s1 =	simm.s32 $0x240  }
0xb4: {  	v1 =	vld [tilespmem:s1+$0xFFFFFFC0]  }
0xb5: {  	v3 =	vld [tilespmem:s1+$0x0]  }
0xb6: {  	v5 =	vshll.u32 v2, $0x10  }
0xb7: {  	v2 =	vand.u32 $0xFFFF0000, v2;
	v5 =	vmul.f32 v5, v4  }
0xb8: {  	v2 =	vmul.f32 v2, v4  }
0xb9: {  	v1 =	vmul.f32 v5, v1  }
0xba: {  	v2 =	vmul.f32 v2, v3  }
0xbb: {  	[tilespmem:s1+$0xFFFFFFC0] =	vst v1  }
0xbc: {  	[tilespmem:s1+$0x0] =	vst v2  }
0xbd: {  	v1 =	vld [tilespmem:s13+$0xFFFFFFF0];
	_ =	sdelay $0x2  }
0xbe: {  	v2 =	vld [tilespmem:s1+$0xFFFFFFD0]  }
0xbf: {  	v3 =	vld [tilespmem:s1+$0x10]  }
0xc0: {  	v5 =	vshll.u32 v1, $0x10  }
0xc1: {  	v1 =	vand.u32 $0xFFFF0000, v1;
	v5 =	vmul.f32 v5, v4  }
0xc2: {  	v1 =	vmul.f32 v1, v4  }
0xc3: {  	v2 =	vmul.f32 v5, v2  }
0xc4: {  	v1 =	vmul.f32 v1, v3  }
0xc5: {  	[tilespmem:s1+$0xFFFFFFD0] =	vst v2  }
0xc6: {  	[tilespmem:s1+$0x10] =	vst v1  }
0xc7: {  	v1 =	vld [tilespmem:s13+$0x0];
	_ =	sdelay $0x2  }
0xc8: {  	v2 =	vld [tilespmem:s1+$0xFFFFFFE0]  }
0xc9: {  	v3 =	vld [tilespmem:s1+$0x20]  }
0xca: {  	v5 =	vshll.u32 v1, $0x10  }
0xcb: {  	v1 =	vand.u32 $0xFFFF0000, v1;
	v5 =	vmul.f32 v5, v4  }
0xcc: {  	v1 =	vmul.f32 v1, v4  }
0xcd: {  	v2 =	vmul.f32 v5, v2  }
0xce: {  	v1 =	vmul.f32 v1, v3  }
0xcf: {  	[tilespmem:s1+$0xFFFFFFE0] =	vst v2  }
0xd0: {  	[tilespmem:s1+$0x20] =	vst v1  }
0xd1: {  	v2 =	vld [tilespmem:s13+$0x10];
	_ =	sdelay $0x3  }
0xd2: {  	v1 =	vld [tilespmem:s1+$0xFFFFFFF0]  }
0xd3: {  	v3 =	vshll.u32 v2, $0x10;
	v5 =	vand.u32 $0xFFFF0000, v2;
	v2 =	vld [tilespmem:s1+$0x30];
	_ =	sdelay $0x2  }
0xd4: {  	s19 =	simm.s32 $0x80;
	s2 =	simm.s32 $0x1;
	s0 =	simm.s32 $0x240;
	v3 =	vmul.f32 v3, v4;
	v4 =	vmul.f32 v5, v4  }
.LBB2_4:
0xd5: {  	p2 =	sne.s32 s2, $0x27;
	s1 =	sadd.s32 $0x80, s1;
	s13 =	sadd.s32 $0x80, s13  }
0xd6: {  	v5 =	vmov s2;
	s2 =	sadd.s32 $0x1, s2;
	v1 =	vmul.f32 v3, v1;
	v2 =	vmul.f32 v4, v2;
	_ =	sdelay $0x1  }
0xd7: {  	[tilespmem:s0+$0xFFFFFFF0] =	vst v1  }
0xd8: {  	[tilespmem:s0+$0x30] =	vst v2;
	s0 =	smov.u32 s1  }
0xd9: {  	v1 =	vld [tilespmem:s13+$0xFFFFFFE0]  }
0xda: {  	v4 =	vld.idx.msk [tilespmem:v5+s14+$0x0], $0xffff;
	_ =	sdelay $0x1  }
0xdb: {  	v2 =	vld [tilespmem:s1+$0x0]  }
0xdc: {  	v3 =	vld [tilespmem:s1+$0xFFFFFFC0];
	_ =	sdelay $0x1  }
0xdd: {  	v5 =	vshll.u32 v1, $0x10;
	v1 =	vand.u32 $0xFFFF0000, v1  }
0xde: {  	v5 =	vmul.f32 v5, v4;
	v1 =	vmul.f32 v1, v4;
	_ =	sdelay $0x1  }
0xdf: {  	v1 =	vmul.f32 v1, v2;
	v3 =	vmul.f32 v5, v3;
	_ =	sdelay $0x1  }
0xe0: {  	[tilespmem:s1+$0xFFFFFFC0] =	vst v3  }
0xe1: {  	[tilespmem:s1+$0x0] =	vst v1  }
0xe2: {  	v1 =	vld [tilespmem:s13+$0xFFFFFFF0];
	_ =	sdelay $0x1  }
0xe3: {  	v2 =	vld [tilespmem:s1+$0x10]  }
0xe4: {  	v3 =	vld [tilespmem:s1+$0xFFFFFFD0];
	_ =	sdelay $0x1  }
0xe5: {  	v5 =	vshll.u32 v1, $0x10;
	v1 =	vand.u32 $0xFFFF0000, v1  }
0xe6: {  	v5 =	vmul.f32 v5, v4;
	v1 =	vmul.f32 v1, v4;
	_ =	sdelay $0x1  }
0xe7: {  	v3 =	vmul.f32 v5, v3;
	v1 =	vmul.f32 v1, v2;
	_ =	sdelay $0x1  }
0xe8: {  	[tilespmem:s1+$0xFFFFFFD0] =	vst v3  }
0xe9: {  	[tilespmem:s1+$0x10] =	vst v1  }
0xea: {  	v1 =	vld [tilespmem:s13+$0x0];
	_ =	sdelay $0x1  }
0xeb: {  	v2 =	vld [tilespmem:s1+$0x20]  }
0xec: {  	v3 =	vld [tilespmem:s1+$0xFFFFFFE0];
	_ =	sdelay $0x1  }
0xed: {  	v5 =	vshll.u32 v1, $0x10;
	v1 =	vand.u32 $0xFFFF0000, v1  }
0xee: {  	v5 =	vmul.f32 v5, v4;
	v1 =	vmul.f32 v1, v4;
	_ =	sdelay $0x1  }
0xef: {  	v3 =	vmul.f32 v5, v3;
	v1 =	vmul.f32 v1, v2;
	_ =	sdelay $0x1  }
0xf0: {  	[tilespmem:s1+$0xFFFFFFE0] =	vst v3  }
0xf1: {  	[tilespmem:s1+$0x20] =	vst v1;
	v1 =	vld [tilespmem:s1+$0xFFFFFFF0]  }
0xf2: {  	v3 =	vld [tilespmem:s13+$0x10];
	_ =	sdelay $0x1  }
.Ltmp1:
0xf3: {  	(pc) =	sbr.rel @p2 .LBB2_4-.Ltmp1, $3  }
0xf4: {  	v2 =	vld [tilespmem:s1+$0x30];
	_ =	sdelay $0x1  }
0xf5: {  	v5 =	vshll.u32 v3, $0x10;
	v6 =	vand.u32 $0xFFFF0000, v3  }
0xf6: {  	v3 =	vmul.f32 v5, v4;
	v4 =	vmul.f32 v6, v4  }
0xf7: {  	_ = 	snop  }
0xf8: {  	v1 =	vmul.f32 v3, v1  }
0xf9: {  	v2 =	vmul.f32 v4, v2  }
0xfa: {  	[tilespmem:s0+$0xFFFFFFF0] =	vst v1  }
0xfb: {  	[tilespmem:s0+$0x30] =	vst v2  }
0xfc: {  	_ =	swait.ge [sflag:s24], $0x28  }
0xfd: {  	[sflag:s24] =	ssyncset.done $0x0  }
0xfe: {  	[sflag:s24] =	ssyncadd.s32 $0xFFFFFFD8  }
0xff: {  	s2 =	rddreg [dreg:$0x2]  }
0x100: {  	[spmem:s2] =	stream.indirect.scatter.add.f32 [tilespmem:s12], [sflag:$0x9], $0x80, s29, s11, $0xb8;
	[tilespmem:$0x1A380] =	vst v63  }
0x101: {  	_ =	swait.ge [sflag:s25], $0x1400  }
0x102: {  	[sflag:s25] =	ssyncset.done $0x0  }
0x103: {  	[sflag:s25] =	ssyncadd.s32 $0xFFFFEC00  }
0x104: {  	_ =	swait.ge [sflag:s10], $0x28  }
0x105: {  	[sflag:s10] =	ssyncset.done $0x0  }
0x106: {  	[sflag:s10] =	ssyncadd.s32 $0xFFFFFFD8  }
0x107: {  	s4 =	simm.s32 $0x0;
	s1 =	rddreg [dreg:$0x0]  }
0x108: {  	[tilespmem:s12], [sflag:$0x5] =	stream.indirect.gather [hbm4b:s1+s11], $0x80, s4, s11, $0xb8;
	[tilespmem:$0x1A380] =	vst v63  }
0x109: {  	s2 =	simm.s32 $0x2A00;
	s13 =	rddreg [dreg:$0xe]  }
0x10a: {  	[tilespmem:s2], [sflag:$0x7] =	stream.linear.gather [hbm4b:s13+s4], $0x1400, $0x38;
	[tilespmem:$0x1A380] =	vst v63  }
0x10b: {  	s22 =	rddreg [dreg:$0xf]  }
0x10c: {  	[tilespmem:s14], [sflag:$0xB] =	stream.linear.gather [hbm4b:s22+s4], $0x28, $0x38;
	[tilespmem:$0x1A380] =	vst v63  }
0x10d: {  	s30 =	rddreg [dreg:$0x10]  }
0x10e: {  	[tilespmem:s29], [sflag:$0x3] =	stream.linear.gather [hbm4b:s30+s4], $0x28, $0x38;
	[tilespmem:$0x1A380] =	vst v63  }
0x10f: {  	_ =	swait.ge [sflag:s26], $0x1400  }
0x110: {  	[sflag:s26] =	ssyncset.done $0x0  }
0x111: {  	[sflag:s26] =	ssyncadd.s32 $0xFFFFEC00  }
0x112: {  	_ =	swait.ge [sflag:s9], $0x1400  }
0x113: {  	[sflag:s9] =	ssyncset.done $0x0  }
0x114: {  	[sflag:s9] =	ssyncadd.s32 $0xFFFFEC00  }
0x115: {  	v1 =	vmov s4;
	_ =	swait.ge [sflag:s28], $0x28  }
0x116: {  	[sflag:s28] =	ssyncset.done $0x0  }
0x117: {  	s13 =	simm.s32 $0x3E20;
	s31 =	rddreg [dreg:$0x14];
	[sflag:s28] =	ssyncadd.s32 $0xFFFFFFD8  }
0x118: {  	[tilespmem:s19], [sflag:$0x2] =	stream.linear.gather [hbm4b:s31+s4], $0x28, $0x38;
	[tilespmem:$0x1A380] =	vst v63  }
0x119: {  	v2 =	vld [tilespmem:s13+$0xFFFFFFE0]  }
0x11a: {  	v4 =	vld.idx.msk [tilespmem:v1+s18+$0x0], $0xffff  }
0x11b: {  	s1 =	simm.s32 $0x1640  }
0x11c: {  	v1 =	vld [tilespmem:s1+$0xFFFFFFC0]  }
0x11d: {  	v3 =	vld [tilespmem:s1+$0x0]  }
0x11e: {  	v5 =	vshll.u32 v2, $0x10  }
0x11f: {  	v2 =	vand.u32 $0xFFFF0000, v2;
	v5 =	vmul.f32 v5, v4  }
0x120: {  	v2 =	vmul.f32 v2, v4  }
0x121: {  	v1 =	vmul.f32 v5, v1  }
0x122: {  	v2 =	vmul.f32 v2, v3  }
0x123: {  	[tilespmem:s1+$0xFFFFFFC0] =	vst v1  }
0x124: {  	[tilespmem:s1+$0x0] =	vst v2  }
0x125: {  	v1 =	vld [tilespmem:s13+$0xFFFFFFF0];
	_ =	sdelay $0x2  }
0x126: {  	v2 =	vld [tilespmem:s1+$0xFFFFFFD0]  }
0x127: {  	v3 =	vld [tilespmem:s1+$0x10]  }
0x128: {  	v5 =	vshll.u32 v1, $0x10  }
0x129: {  	v1 =	vand.u32 $0xFFFF0000, v1;
	v5 =	vmul.f32 v5, v4  }
0x12a: {  	v1 =	vmul.f32 v1, v4  }
0x12b: {  	v2 =	vmul.f32 v5, v2  }
0x12c: {  	v1 =	vmul.f32 v1, v3  }
0x12d: {  	[tilespmem:s1+$0xFFFFFFD0] =	vst v2  }
0x12e: {  	[tilespmem:s1+$0x10] =	vst v1  }
0x12f: {  	v1 =	vld [tilespmem:s13+$0x0];
	_ =	sdelay $0x2  }
0x130: {  	v2 =	vld [tilespmem:s1+$0xFFFFFFE0]  }
0x131: {  	v3 =	vld [tilespmem:s1+$0x20]  }
0x132: {  	v5 =	vshll.u32 v1, $0x10  }
0x133: {  	v1 =	vand.u32 $0xFFFF0000, v1;
	v5 =	vmul.f32 v5, v4  }
0x134: {  	v1 =	vmul.f32 v1, v4  }
0x135: {  	v2 =	vmul.f32 v5, v2  }
0x136: {  	v1 =	vmul.f32 v1, v3  }
0x137: {  	[tilespmem:s1+$0xFFFFFFE0] =	vst v2  }
0x138: {  	[tilespmem:s1+$0x20] =	vst v1  }
0x139: {  	v2 =	vld [tilespmem:s13+$0x10];
	_ =	sdelay $0x3  }
0x13a: {  	v1 =	vld [tilespmem:s1+$0xFFFFFFF0]  }
0x13b: {  	v3 =	vshll.u32 v2, $0x10;
	v5 =	vand.u32 $0xFFFF0000, v2;
	v2 =	vld [tilespmem:s1+$0x30];
	_ =	sdelay $0x2  }
0x13c: {  	s0 =	simm.s32 $0x1640;
	s2 =	simm.s32 $0x1;
	v3 =	vmul.f32 v3, v4;
	v4 =	vmul.f32 v5, v4  }
.LBB2_6:
0x13d: {  	p2 =	sne.s32 s2, $0x27;
	s1 =	sadd.s32 $0x80, s1;
	s13 =	sadd.s32 $0x80, s13  }
0x13e: {  	v5 =	vmov s2;
	s2 =	sadd.s32 $0x1, s2;
	v1 =	vmul.f32 v3, v1;
	v2 =	vmul.f32 v4, v2;
	_ =	sdelay $0x1  }
0x13f: {  	[tilespmem:s0+$0xFFFFFFF0] =	vst v1  }
0x140: {  	[tilespmem:s0+$0x30] =	vst v2;
	s0 =	smov.u32 s1  }
0x141: {  	v1 =	vld [tilespmem:s13+$0xFFFFFFE0]  }
0x142: {  	v4 =	vld.idx.msk [tilespmem:v5+s18+$0x0], $0xffff;
	_ =	sdelay $0x1  }
0x143: {  	v2 =	vld [tilespmem:s1+$0x0]  }
0x144: {  	v3 =	vld [tilespmem:s1+$0xFFFFFFC0];
	_ =	sdelay $0x1  }
0x145: {  	v5 =	vshll.u32 v1, $0x10;
	v1 =	vand.u32 $0xFFFF0000, v1  }
0x146: {  	v5 =	vmul.f32 v5, v4;
	v1 =	vmul.f32 v1, v4;
	_ =	sdelay $0x1  }
0x147: {  	v1 =	vmul.f32 v1, v2;
	v3 =	vmul.f32 v5, v3;
	_ =	sdelay $0x1  }
0x148: {  	[tilespmem:s1+$0xFFFFFFC0] =	vst v3  }
0x149: {  	[tilespmem:s1+$0x0] =	vst v1  }
0x14a: {  	v1 =	vld [tilespmem:s13+$0xFFFFFFF0];
	_ =	sdelay $0x1  }
0x14b: {  	v2 =	vld [tilespmem:s1+$0x10]  }
0x14c: {  	v3 =	vld [tilespmem:s1+$0xFFFFFFD0];
	_ =	sdelay $0x1  }
0x14d: {  	v5 =	vshll.u32 v1, $0x10;
	v1 =	vand.u32 $0xFFFF0000, v1  }
0x14e: {  	v5 =	vmul.f32 v5, v4;
	v1 =	vmul.f32 v1, v4;
	_ =	sdelay $0x1  }
0x14f: {  	v3 =	vmul.f32 v5, v3;
	v1 =	vmul.f32 v1, v2;
	_ =	sdelay $0x1  }
0x150: {  	[tilespmem:s1+$0xFFFFFFD0] =	vst v3  }
0x151: {  	[tilespmem:s1+$0x10] =	vst v1  }
0x152: {  	v1 =	vld [tilespmem:s13+$0x0];
	_ =	sdelay $0x1  }
0x153: {  	v2 =	vld [tilespmem:s1+$0x20]  }
0x154: {  	v3 =	vld [tilespmem:s1+$0xFFFFFFE0];
	_ =	sdelay $0x1  }
0x155: {  	v5 =	vshll.u32 v1, $0x10;
	v1 =	vand.u32 $0xFFFF0000, v1  }
0x156: {  	v5 =	vmul.f32 v5, v4;
	v1 =	vmul.f32 v1, v4;
	_ =	sdelay $0x1  }
0x157: {  	v3 =	vmul.f32 v5, v3;
	v1 =	vmul.f32 v1, v2;
	_ =	sdelay $0x1  }
0x158: {  	[tilespmem:s1+$0xFFFFFFE0] =	vst v3  }
0x159: {  	[tilespmem:s1+$0x20] =	vst v1;
	v1 =	vld [tilespmem:s1+$0xFFFFFFF0]  }
0x15a: {  	v3 =	vld [tilespmem:s13+$0x10];
	_ =	sdelay $0x1  }
.Ltmp2:
0x15b: {  	(pc) =	sbr.rel @p2 .LBB2_6-.Ltmp2, $3  }
0x15c: {  	v2 =	vld [tilespmem:s1+$0x30];
	_ =	sdelay $0x1  }
0x15d: {  	v5 =	vshll.u32 v3, $0x10;
	v6 =	vand.u32 $0xFFFF0000, v3  }
0x15e: {  	v3 =	vmul.f32 v5, v4;
	v4 =	vmul.f32 v6, v4  }
0x15f: {  	_ = 	snop  }
0x160: {  	v1 =	vmul.f32 v3, v1  }
0x161: {  	v2 =	vmul.f32 v4, v2  }
0x162: {  	[tilespmem:s0+$0xFFFFFFF0] =	vst v1  }
0x163: {  	[dreg:$0x4] =	wrdreg s16;
	[tilespmem:s0+$0x30] =	vst v2  }
0x164: {  	_ =	swait.ge [sflag:s3], $0x28  }
0x165: {  	[sflag:s3] =	ssyncset.done $0x0  }
0x166: {  	[sflag:s3] =	ssyncadd.s32 $0xFFFFFFD8  }
0x167: {  	s1 =	simm.s32 $0x1600;
	s4 =	simm.s32 $0x180;
	s31 =	rddreg [dreg:$0x2]  }
0x168: {  	[spmem:s31] =	stream.indirect.scatter.add.f32 [tilespmem:s1], [sflag:$0xA], $0x80, s4, s11, $0xb8;
	[tilespmem:$0x1A380] =	vst v63  }
0x169: {  	_ =	swait.ge [sflag:s17], $0x1400  }
0x16a: {  	[sflag:s17] =	ssyncset.done $0x0  }
0x16b: {  	[sflag:s17] =	ssyncadd.s32 $0xFFFFEC00  }
0x16c: {  	_ =	swait.ge [sflag:s15], $0x28  }
0x16d: {  	[sflag:s15] =	ssyncset.done $0x0  }
0x16e: {  	[sflag:s15] =	ssyncadd.s32 $0xFFFFFFD8  }
0x16f: {  	s2 =	rddreg [dreg:$0x0]  }
0x170: {  	[tilespmem:s1], [sflag:$0x6] =	stream.indirect.gather [hbm4b:s2+s11], $0x80, s19, s11, $0xb8;
	[tilespmem:$0x1A380] =	vst v63  }
0x171: {  	s13 =	simm.s32 $0x0;
	s16 =	rddreg [dreg:$0x13];
	s2 =	simm.s32 $0x3E00  }
0x172: {  	[tilespmem:s2], [sflag:$0x8] =	stream.linear.gather [hbm4b:s16+s13], $0x1400, $0x38;
	[tilespmem:$0x1A380] =	vst v63  }
0x173: {  	s22 =	rddreg [dreg:$0x15]  }
0x174: {  	[tilespmem:s18], [sflag:$0xC] =	stream.linear.gather [hbm4b:s22+s13], $0x28, $0x38;
	[tilespmem:$0x1A380] =	vst v63  }
0x175: {  	s30 =	rddreg [dreg:$0x16]  }
0x176: {  	[tilespmem:s4], [sflag:$0x4] =	stream.linear.gather [hbm4b:s30+s13], $0x28, $0x38;
	[tilespmem:$0x1A380] =	vst v63  }
0x177: {  	_ =	swait.ge [sflag:s20], $0x1400  }
0x178: {  	[sflag:s20] =	ssyncset.done $0x0  }
0x179: {  	[sflag:s20] =	ssyncadd.s32 $0xFFFFEC00  }
0x17a: {  	_ =	swait.ge [sflag:s21], $0x1400  }
0x17b: {  	[sflag:s21] =	ssyncset.done $0x0  }
0x17c: {  	[sflag:s21] =	ssyncadd.s32 $0xFFFFEC00  }
0x17d: {  	_ =	swait.ge [sflag:s23], $0x28  }
0x17e: {  	v1 =	vmov s13;
	[sflag:s23] =	ssyncset.done $0x0  }
0x17f: {  	s31 =	rddreg [dreg:$0x17];
	[sflag:s23] =	ssyncadd.s32 $0xFFFFFFD8  }
0x180: {  	[tilespmem:s13], [sflag:$0x1] =	stream.linear.gather [hbm4b:s31+s13], $0x28, $0x38;
	[tilespmem:$0x1A380] =	vst v63  }
0x181: {  	s13 =	simm.s32 $0x2A20  }
0x182: {  	v2 =	vld [tilespmem:s13+$0xFFFFFFE0]  }
0x183: {  	v4 =	vld.idx.msk [tilespmem:v1+s14+$0x0], $0xffff  }
0x184: {  	s1 =	simm.s32 $0x240  }
0x185: {  	v1 =	vld [tilespmem:s1+$0xFFFFFFC0]  }
0x186: {  	v3 =	vld [tilespmem:s1+$0x0]  }
0x187: {  	v5 =	vshll.u32 v2, $0x10  }
0x188: {  	v2 =	vand.u32 $0xFFFF0000, v2;
	v5 =	vmul.f32 v5, v4  }
0x189: {  	v2 =	vmul.f32 v2, v4  }
0x18a: {  	v1 =	vmul.f32 v5, v1  }
0x18b: {  	v2 =	vmul.f32 v2, v3  }
0x18c: {  	[tilespmem:s1+$0xFFFFFFC0] =	vst v1  }
0x18d: {  	[tilespmem:s1+$0x0] =	vst v2  }
0x18e: {  	v1 =	vld [tilespmem:s13+$0xFFFFFFF0];
	_ =	sdelay $0x2  }
0x18f: {  	v2 =	vld [tilespmem:s1+$0xFFFFFFD0]  }
0x190: {  	v3 =	vld [tilespmem:s1+$0x10]  }
0x191: {  	v5 =	vshll.u32 v1, $0x10  }
0x192: {  	v1 =	vand.u32 $0xFFFF0000, v1;
	v5 =	vmul.f32 v5, v4  }
0x193: {  	v1 =	vmul.f32 v1, v4  }
0x194: {  	v2 =	vmul.f32 v5, v2  }
0x195: {  	v1 =	vmul.f32 v1, v3  }
0x196: {  	[tilespmem:s1+$0xFFFFFFD0] =	vst v2  }
0x197: {  	[tilespmem:s1+$0x10] =	vst v1  }
0x198: {  	v1 =	vld [tilespmem:s13+$0x0];
	_ =	sdelay $0x2  }
0x199: {  	v2 =	vld [tilespmem:s1+$0xFFFFFFE0]  }
0x19a: {  	v3 =	vld [tilespmem:s1+$0x20]  }
0x19b: {  	v5 =	vshll.u32 v1, $0x10  }
0x19c: {  	v1 =	vand.u32 $0xFFFF0000, v1;
	v5 =	vmul.f32 v5, v4  }
0x19d: {  	v1 =	vmul.f32 v1, v4  }
0x19e: {  	v2 =	vmul.f32 v5, v2  }
0x19f: {  	v1 =	vmul.f32 v1, v3  }
0x1a0: {  	[tilespmem:s1+$0xFFFFFFE0] =	vst v2  }
0x1a1: {  	[tilespmem:s1+$0x20] =	vst v1  }
0x1a2: {  	v2 =	vld [tilespmem:s13+$0x10];
	_ =	sdelay $0x3  }
0x1a3: {  	v1 =	vld [tilespmem:s1+$0xFFFFFFF0]  }
0x1a4: {  	v3 =	vshll.u32 v2, $0x10;
	v5 =	vand.u32 $0xFFFF0000, v2;
	v2 =	vld [tilespmem:s1+$0x30];
	_ =	sdelay $0x2  }
0x1a5: {  	s0 =	simm.s32 $0x240;
	s2 =	simm.s32 $0x1;
	v3 =	vmul.f32 v3, v4;
	v4 =	vmul.f32 v5, v4  }
.LBB2_8:
0x1a6: {  	p2 =	sne.s32 s2, $0x27;
	s1 =	sadd.s32 $0x80, s1;
	s13 =	sadd.s32 $0x80, s13  }
0x1a7: {  	v5 =	vmov s2;
	s2 =	sadd.s32 $0x1, s2;
	v1 =	vmul.f32 v3, v1;
	v2 =	vmul.f32 v4, v2;
	_ =	sdelay $0x1  }
0x1a8: {  	[tilespmem:s0+$0xFFFFFFF0] =	vst v1  }
0x1a9: {  	[tilespmem:s0+$0x30] =	vst v2;
	s0 =	smov.u32 s1  }
0x1aa: {  	v1 =	vld [tilespmem:s13+$0xFFFFFFE0]  }
0x1ab: {  	v4 =	vld.idx.msk [tilespmem:v5+s14+$0x0], $0xffff;
	_ =	sdelay $0x1  }
0x1ac: {  	v2 =	vld [tilespmem:s1+$0x0]  }
0x1ad: {  	v3 =	vld [tilespmem:s1+$0xFFFFFFC0];
	_ =	sdelay $0x1  }
0x1ae: {  	v5 =	vshll.u32 v1, $0x10;
	v1 =	vand.u32 $0xFFFF0000, v1  }
0x1af: {  	v5 =	vmul.f32 v5, v4;
	v1 =	vmul.f32 v1, v4;
	_ =	sdelay $0x1  }
0x1b0: {  	v1 =	vmul.f32 v1, v2;
	v3 =	vmul.f32 v5, v3;
	_ =	sdelay $0x1  }
0x1b1: {  	[tilespmem:s1+$0xFFFFFFC0] =	vst v3  }
0x1b2: {  	[tilespmem:s1+$0x0] =	vst v1  }
0x1b3: {  	v1 =	vld [tilespmem:s13+$0xFFFFFFF0];
	_ =	sdelay $0x1  }
0x1b4: {  	v2 =	vld [tilespmem:s1+$0x10]  }
0x1b5: {  	v3 =	vld [tilespmem:s1+$0xFFFFFFD0];
	_ =	sdelay $0x1  }
0x1b6: {  	v5 =	vshll.u32 v1, $0x10;
	v1 =	vand.u32 $0xFFFF0000, v1  }
0x1b7: {  	v5 =	vmul.f32 v5, v4;
	v1 =	vmul.f32 v1, v4;
	_ =	sdelay $0x1  }
0x1b8: {  	v3 =	vmul.f32 v5, v3;
	v1 =	vmul.f32 v1, v2;
	_ =	sdelay $0x1  }
0x1b9: {  	[tilespmem:s1+$0xFFFFFFD0] =	vst v3  }
0x1ba: {  	[tilespmem:s1+$0x10] =	vst v1  }
0x1bb: {  	v1 =	vld [tilespmem:s13+$0x0];
	_ =	sdelay $0x1  }
0x1bc: {  	v2 =	vld [tilespmem:s1+$0x20]  }
0x1bd: {  	v3 =	vld [tilespmem:s1+$0xFFFFFFE0];
	_ =	sdelay $0x1  }
0x1be: {  	v5 =	vshll.u32 v1, $0x10;
	v1 =	vand.u32 $0xFFFF0000, v1  }
0x1bf: {  	v5 =	vmul.f32 v5, v4;
	v1 =	vmul.f32 v1, v4;
	_ =	sdelay $0x1  }
0x1c0: {  	v3 =	vmul.f32 v5, v3;
	v1 =	vmul.f32 v1, v2;
	_ =	sdelay $0x1  }
0x1c1: {  	[tilespmem:s1+$0xFFFFFFE0] =	vst v3  }
0x1c2: {  	[tilespmem:s1+$0x20] =	vst v1;
	v1 =	vld [tilespmem:s1+$0xFFFFFFF0]  }
0x1c3: {  	v3 =	vld [tilespmem:s13+$0x10];
	_ =	sdelay $0x1  }
.Ltmp3:
0x1c4: {  	(pc) =	sbr.rel @p2 .LBB2_8-.Ltmp3, $3  }
0x1c5: {  	v2 =	vld [tilespmem:s1+$0x30];
	_ =	sdelay $0x1  }
0x1c6: {  	v5 =	vshll.u32 v3, $0x10;
	v6 =	vand.u32 $0xFFFF0000, v3  }
0x1c7: {  	v3 =	vmul.f32 v5, v4;
	v4 =	vmul.f32 v6, v4  }
0x1c8: {  	_ = 	snop  }
0x1c9: {  	v1 =	vmul.f32 v3, v1  }
0x1ca: {  	v2 =	vmul.f32 v4, v2  }
0x1cb: {  	[tilespmem:s0+$0xFFFFFFF0] =	vst v1  }
0x1cc: {  	[tilespmem:s0+$0x30] =	vst v2  }
0x1cd: {  	_ =	swait.ge [sflag:s24], $0x28  }
0x1ce: {  	[sflag:s24] =	ssyncset.done $0x0  }
0x1cf: {  	[sflag:s24] =	ssyncadd.s32 $0xFFFFFFD8  }
0x1d0: {  	s13 =	simm.s32 $0x0;
	s31 =	simm.s32 $0x0;
	s30 =	rddreg [dreg:$0x2]  }
0x1d1: {  	[spmem:s30] =	stream.indirect.scatter.add.f32 [tilespmem:s12], [sflag:$0x9], $0x80, s29, s11, $0xb8;
	[tilespmem:$0x1A380] =	vst v63  }
.LBB2_10:
0x1d2: {  	_ =	swait.ge [sflag:s25], $0x1400  }
0x1d3: {  	[sflag:s25] =	ssyncset.done $0x0  }
0x1d4: {  	[sflag:s25] =	ssyncadd.s32 $0xFFFFEC00  }
0x1d5: {  	_ =	swait.ge [sflag:s10], $0x28  }
0x1d6: {  	[sflag:s10] =	ssyncset.done $0x0  }
0x1d7: {  	s1 =	rddreg [dreg:$0x12];
	[sflag:s10] =	ssyncadd.s32 $0xFFFFFFD8  }
0x1d8: {  	s22 =	smul.u32 $0x50, s31;
	s0 =	rddreg [dreg:$0x0]  }
0x1d9: {  	[tilespmem:s12], [sflag:$0x5] =	stream.indirect.gather [hbm4b:s0+s11], $0x80, s13, s11, $0xb8;
	[tilespmem:$0x1A380] =	vst v63  }
0x1da: {  	s0 =	sadd.s32 s22, s1  }
0x1db: {  	s1 =	sshll.u32 s0, $0x4  }
0x1dc: {  	s2 =	simm.s32 $0x2A00;
	s0 =	sshrl.u32 s0, $0x3;
	s1 =	sadd.s32 s5, s1  }
0x1dd: {  	[tilespmem:s2], [sflag:$0x7] =	stream.linear.gather [hbm4b:s1+s13], $0x1400, $0x38;
	[tilespmem:$0x1A380] =	vst v63  }
0x1de: {  	s2 =	sadd.s32 s8, s0  }
0x1df: {  	[tilespmem:s14], [sflag:$0xB] =	stream.linear.gather [hbm4b:s2+s13], $0x28, $0x38;
	[tilespmem:$0x1A380] =	vst v63  }
0x1e0: {  	s0 =	sadd.s32 s7, s0  }
0x1e1: {  	[tilespmem:s29], [sflag:$0x3] =	stream.linear.gather [hbm4b:s0+s13], $0x28, $0x38;
	[tilespmem:$0x1A380] =	vst v63  }
0x1e2: {  	_ =	swait.ge [sflag:s26], $0x1400  }
0x1e3: {  	[sflag:s26] =	ssyncset.done $0x0  }
0x1e4: {  	[sflag:s26] =	ssyncadd.s32 $0xFFFFEC00  }
0x1e5: {  	_ =	swait.ge [sflag:s9], $0x1400  }
0x1e6: {  	[sflag:s9] =	ssyncset.done $0x0  }
0x1e7: {  	[sflag:s9] =	ssyncadd.s32 $0xFFFFEC00  }
0x1e8: {  	_ =	swait.ge [sflag:s28], $0x28  }
0x1e9: {  	s4 =	rddreg [dreg:$0x18]  }
0x1ea: {  	v1 =	vmov s13;
	s30 =	sadd.s32 s22, s4  }
0x1eb: {  	[sflag:s28] =	ssyncset.done $0x0;
	s29 =	sshrl.u32 s30, $0x3  }
0x1ec: {  	s1 =	simm.s32 $0x3E20;
	[sflag:s28] =	ssyncadd.s32 $0xFFFFFFD8;
	s16 =	sadd.s32 s6, s29  }
0x1ed: {  	[tilespmem:s19], [sflag:$0x2] =	stream.linear.gather [hbm4b:s16+s13], $0x28, $0x38;
	[tilespmem:$0x1A380] =	vst v63  }
0x1ee: {  	v2 =	vld [tilespmem:s1+$0xFFFFFFE0]  }
0x1ef: {  	v4 =	vld.idx.msk [tilespmem:v1+s18+$0x0], $0xffff  }
0x1f0: {  	s2 =	simm.s32 $0x1640  }
0x1f1: {  	v1 =	vld [tilespmem:s2+$0xFFFFFFC0]  }
0x1f2: {  	v3 =	vld [tilespmem:s2+$0x0]  }
0x1f3: {  	v5 =	vshll.u32 v2, $0x10  }
0x1f4: {  	v2 =	vand.u32 $0xFFFF0000, v2;
	v5 =	vmul.f32 v5, v4  }
0x1f5: {  	v2 =	vmul.f32 v2, v4  }
0x1f6: {  	v1 =	vmul.f32 v5, v1  }
0x1f7: {  	v2 =	vmul.f32 v2, v3  }
0x1f8: {  	[tilespmem:s2+$0xFFFFFFC0] =	vst v1  }
0x1f9: {  	[tilespmem:s2+$0x0] =	vst v2  }
0x1fa: {  	v1 =	vld [tilespmem:s1+$0xFFFFFFF0];
	_ =	sdelay $0x2  }
0x1fb: {  	v2 =	vld [tilespmem:s2+$0xFFFFFFD0]  }
0x1fc: {  	v3 =	vld [tilespmem:s2+$0x10]  }
0x1fd: {  	v5 =	vshll.u32 v1, $0x10  }
0x1fe: {  	v1 =	vand.u32 $0xFFFF0000, v1;
	v5 =	vmul.f32 v5, v4  }
0x1ff: {  	v1 =	vmul.f32 v1, v4  }
0x200: {  	v2 =	vmul.f32 v5, v2  }
0x201: {  	v1 =	vmul.f32 v1, v3  }
0x202: {  	[tilespmem:s2+$0xFFFFFFD0] =	vst v2  }
0x203: {  	[tilespmem:s2+$0x10] =	vst v1  }
0x204: {  	v1 =	vld [tilespmem:s1+$0x0];
	_ =	sdelay $0x2  }
0x205: {  	v2 =	vld [tilespmem:s2+$0xFFFFFFE0]  }
0x206: {  	v3 =	vld [tilespmem:s2+$0x20]  }
0x207: {  	v5 =	vshll.u32 v1, $0x10  }
0x208: {  	v1 =	vand.u32 $0xFFFF0000, v1;
	v5 =	vmul.f32 v5, v4  }
0x209: {  	v1 =	vmul.f32 v1, v4  }
0x20a: {  	v2 =	vmul.f32 v5, v2  }
0x20b: {  	v1 =	vmul.f32 v1, v3  }
0x20c: {  	[tilespmem:s2+$0xFFFFFFE0] =	vst v2  }
0x20d: {  	[tilespmem:s2+$0x20] =	vst v1  }
0x20e: {  	v2 =	vld [tilespmem:s1+$0x10];
	_ =	sdelay $0x3  }
0x20f: {  	v1 =	vld [tilespmem:s2+$0xFFFFFFF0]  }
0x210: {  	v3 =	vshll.u32 v2, $0x10;
	v5 =	vand.u32 $0xFFFF0000, v2;
	v2 =	vld [tilespmem:s2+$0x30];
	_ =	sdelay $0x2  }
0x211: {  	s0 =	simm.s32 $0x1;
	s16 =	simm.s32 $0x1640;
	v3 =	vmul.f32 v3, v4;
	v4 =	vmul.f32 v5, v4  }
.LBB2_11:
0x212: {  	p2 =	sne.s32 s0, $0x27;
	s2 =	sadd.s32 $0x80, s2;
	s1 =	sadd.s32 $0x80, s1  }
0x213: {  	v5 =	vmov s0;
	s0 =	sadd.s32 $0x1, s0;
	v1 =	vmul.f32 v3, v1;
	v2 =	vmul.f32 v4, v2;
	_ =	sdelay $0x1  }
0x214: {  	[tilespmem:s16+$0xFFFFFFF0] =	vst v1  }
0x215: {  	[tilespmem:s16+$0x30] =	vst v2;
	s16 =	smov.u32 s2  }
0x216: {  	v1 =	vld [tilespmem:s1+$0xFFFFFFE0]  }
0x217: {  	v4 =	vld.idx.msk [tilespmem:v5+s18+$0x0], $0xffff;
	_ =	sdelay $0x1  }
0x218: {  	v2 =	vld [tilespmem:s2+$0x0]  }
0x219: {  	v3 =	vld [tilespmem:s2+$0xFFFFFFC0];
	_ =	sdelay $0x1  }
0x21a: {  	v5 =	vshll.u32 v1, $0x10;
	v1 =	vand.u32 $0xFFFF0000, v1  }
0x21b: {  	v5 =	vmul.f32 v5, v4;
	v1 =	vmul.f32 v1, v4;
	_ =	sdelay $0x1  }
0x21c: {  	v1 =	vmul.f32 v1, v2;
	v3 =	vmul.f32 v5, v3;
	_ =	sdelay $0x1  }
0x21d: {  	[tilespmem:s2+$0xFFFFFFC0] =	vst v3  }
0x21e: {  	[tilespmem:s2+$0x0] =	vst v1  }
0x21f: {  	v1 =	vld [tilespmem:s1+$0xFFFFFFF0];
	_ =	sdelay $0x1  }
0x220: {  	v2 =	vld [tilespmem:s2+$0x10]  }
0x221: {  	v3 =	vld [tilespmem:s2+$0xFFFFFFD0];
	_ =	sdelay $0x1  }
0x222: {  	v5 =	vshll.u32 v1, $0x10;
	v1 =	vand.u32 $0xFFFF0000, v1  }
0x223: {  	v5 =	vmul.f32 v5, v4;
	v1 =	vmul.f32 v1, v4;
	_ =	sdelay $0x1  }
0x224: {  	v3 =	vmul.f32 v5, v3;
	v1 =	vmul.f32 v1, v2;
	_ =	sdelay $0x1  }
0x225: {  	[tilespmem:s2+$0xFFFFFFD0] =	vst v3  }
0x226: {  	[tilespmem:s2+$0x10] =	vst v1  }
0x227: {  	v1 =	vld [tilespmem:s1+$0x0];
	_ =	sdelay $0x1  }
0x228: {  	v2 =	vld [tilespmem:s2+$0x20]  }
0x229: {  	v3 =	vld [tilespmem:s2+$0xFFFFFFE0];
	_ =	sdelay $0x1  }
0x22a: {  	v5 =	vshll.u32 v1, $0x10;
	v1 =	vand.u32 $0xFFFF0000, v1  }
0x22b: {  	v5 =	vmul.f32 v5, v4;
	v1 =	vmul.f32 v1, v4;
	_ =	sdelay $0x1  }
0x22c: {  	v3 =	vmul.f32 v5, v3;
	v1 =	vmul.f32 v1, v2;
	_ =	sdelay $0x1  }
0x22d: {  	[tilespmem:s2+$0xFFFFFFE0] =	vst v3  }
0x22e: {  	[tilespmem:s2+$0x20] =	vst v1;
	v1 =	vld [tilespmem:s2+$0xFFFFFFF0]  }
0x22f: {  	v3 =	vld [tilespmem:s1+$0x10];
	_ =	sdelay $0x1  }
.Ltmp4:
0x230: {  	(pc) =	sbr.rel @p2 .LBB2_11-.Ltmp4, $3  }
0x231: {  	v2 =	vld [tilespmem:s2+$0x30];
	_ =	sdelay $0x1  }
0x232: {  	v5 =	vshll.u32 v3, $0x10;
	v6 =	vand.u32 $0xFFFF0000, v3  }
0x233: {  	v3 =	vmul.f32 v5, v4;
	v4 =	vmul.f32 v6, v4  }
0x234: {  	_ = 	snop  }
0x235: {  	v1 =	vmul.f32 v3, v1  }
0x236: {  	v2 =	vmul.f32 v4, v2  }
0x237: {  	[tilespmem:s16+$0xFFFFFFF0] =	vst v1  }
0x238: {  	[tilespmem:s16+$0x30] =	vst v2  }
0x239: {  	_ =	swait.ge [sflag:s3], $0x28  }
0x23a: {  	[sflag:s3] =	ssyncset.done $0x0  }
0x23b: {  	[sflag:s3] =	ssyncadd.s32 $0xFFFFFFD8  }
0x23c: {  	s1 =	simm.s32 $0x1600;
	s16 =	simm.s32 $0x180;
	s0 =	rddreg [dreg:$0x2]  }
0x23d: {  	[spmem:s0] =	stream.indirect.scatter.add.f32 [tilespmem:s1], [sflag:$0xA], $0x80, s16, s11, $0xb8;
	[tilespmem:$0x1A380] =	vst v63  }
0x23e: {  	_ =	swait.ge [sflag:s17], $0x1400  }
0x23f: {  	[sflag:s17] =	ssyncset.done $0x0  }
0x240: {  	[sflag:s17] =	ssyncadd.s32 $0xFFFFEC00  }
0x241: {  	_ =	swait.ge [sflag:s15], $0x28  }
0x242: {  	[sflag:s15] =	ssyncset.done $0x0  }
0x243: {  	[sflag:s15] =	ssyncadd.s32 $0xFFFFFFD8  }
0x244: {  	s2 =	rddreg [dreg:$0x0]  }
0x245: {  	[tilespmem:s1], [sflag:$0x6] =	stream.indirect.gather [hbm4b:s2+s11], $0x80, s19, s11, $0xb8;
	[tilespmem:$0x1A380] =	vst v63  }
0x246: {  	s1 =	sshll.u32 s30, $0x4  }
0x247: {  	s2 =	simm.s32 $0x3E00;
	s0 =	sadd.s32 s5, s1;
	s1 =	simm.s32 $0x0  }
0x248: {  	[tilespmem:s2], [sflag:$0x8] =	stream.linear.gather [hbm4b:s0+s1], $0x1400, $0x38;
	[tilespmem:$0x1A380] =	vst v63  }
0x249: {  	s2 =	sadd.s32 s8, s29  }
0x24a: {  	[tilespmem:s18], [sflag:$0xC] =	stream.linear.gather [hbm4b:s2+s1], $0x28, $0x38;
	[tilespmem:$0x1A380] =	vst v63  }
0x24b: {  	s2 =	sadd.s32 s7, s29  }
0x24c: {  	[tilespmem:s16], [sflag:$0x4] =	stream.linear.gather [hbm4b:s2+s1], $0x28, $0x38;
	[tilespmem:$0x1A380] =	vst v63  }
0x24d: {  	_ =	swait.ge [sflag:s20], $0x1400  }
0x24e: {  	[sflag:s20] =	ssyncset.done $0x0  }
0x24f: {  	[sflag:s20] =	ssyncadd.s32 $0xFFFFEC00  }
0x250: {  	_ =	swait.ge [sflag:s21], $0x1400  }
0x251: {  	[sflag:s21] =	ssyncset.done $0x0  }
0x252: {  	[sflag:s21] =	ssyncadd.s32 $0xFFFFEC00  }
0x253: {  	_ =	swait.ge [sflag:s23], $0x28  }
0x254: {  	s29 =	rddreg [dreg:$0x19]  }
0x255: {  	s0 =	sadd.s32 s22, s29  }
0x256: {  	v1 =	vmov s1;
	[sflag:s23] =	ssyncset.done $0x0;
	s0 =	sshrl.u32 s0, $0x3  }
0x257: {  	[sflag:s23] =	ssyncadd.s32 $0xFFFFFFD8;
	s0 =	sadd.s32 s6, s0  }
0x258: {  	[tilespmem:s1], [sflag:$0x1] =	stream.linear.gather [hbm4b:s0+s1], $0x28, $0x38;
	[tilespmem:$0x1A380] =	vst v63  }
0x259: {  	s1 =	simm.s32 $0x2A20  }
0x25a: {  	v2 =	vld [tilespmem:s1+$0xFFFFFFE0]  }
0x25b: {  	v4 =	vld.idx.msk [tilespmem:v1+s14+$0x0], $0xffff  }
0x25c: {  	s2 =	simm.s32 $0x240  }
0x25d: {  	v1 =	vld [tilespmem:s2+$0xFFFFFFC0]  }
0x25e: {  	v3 =	vld [tilespmem:s2+$0x0]  }
0x25f: {  	v5 =	vshll.u32 v2, $0x10  }
0x260: {  	v2 =	vand.u32 $0xFFFF0000, v2;
	v5 =	vmul.f32 v5, v4  }
0x261: {  	v2 =	vmul.f32 v2, v4  }
0x262: {  	v1 =	vmul.f32 v5, v1  }
0x263: {  	v2 =	vmul.f32 v2, v3  }
0x264: {  	[tilespmem:s2+$0xFFFFFFC0] =	vst v1  }
0x265: {  	[tilespmem:s2+$0x0] =	vst v2  }
0x266: {  	v1 =	vld [tilespmem:s1+$0xFFFFFFF0];
	_ =	sdelay $0x2  }
0x267: {  	v2 =	vld [tilespmem:s2+$0xFFFFFFD0]  }
0x268: {  	v3 =	vld [tilespmem:s2+$0x10]  }
0x269: {  	v5 =	vshll.u32 v1, $0x10  }
0x26a: {  	v1 =	vand.u32 $0xFFFF0000, v1;
	v5 =	vmul.f32 v5, v4  }
0x26b: {  	v1 =	vmul.f32 v1, v4  }
0x26c: {  	v2 =	vmul.f32 v5, v2  }
0x26d: {  	v1 =	vmul.f32 v1, v3  }
0x26e: {  	[tilespmem:s2+$0xFFFFFFD0] =	vst v2  }
0x26f: {  	[tilespmem:s2+$0x10] =	vst v1  }
0x270: {  	v1 =	vld [tilespmem:s1+$0x0];
	_ =	sdelay $0x2  }
0x271: {  	v2 =	vld [tilespmem:s2+$0xFFFFFFE0]  }
0x272: {  	v3 =	vld [tilespmem:s2+$0x20]  }
0x273: {  	v5 =	vshll.u32 v1, $0x10  }
0x274: {  	v1 =	vand.u32 $0xFFFF0000, v1;
	v5 =	vmul.f32 v5, v4  }
0x275: {  	v1 =	vmul.f32 v1, v4  }
0x276: {  	v2 =	vmul.f32 v5, v2  }
0x277: {  	v1 =	vmul.f32 v1, v3  }
0x278: {  	[tilespmem:s2+$0xFFFFFFE0] =	vst v2  }
0x279: {  	[tilespmem:s2+$0x20] =	vst v1  }
0x27a: {  	v2 =	vld [tilespmem:s1+$0x10];
	_ =	sdelay $0x3  }
0x27b: {  	v1 =	vld [tilespmem:s2+$0xFFFFFFF0]  }
0x27c: {  	v3 =	vshll.u32 v2, $0x10;
	v5 =	vand.u32 $0xFFFF0000, v2;
	v2 =	vld [tilespmem:s2+$0x30];
	_ =	sdelay $0x1  }
0x27d: {  	s4 =	simm.s32 $0x1600  }
0x27e: {  	s30 =	simm.s32 $0x180;
	s16 =	simm.s32 $0x240;
	s0 =	simm.s32 $0x1;
	v3 =	vmul.f32 v3, v4;
	v4 =	vmul.f32 v5, v4  }
.LBB2_13:
0x27f: {  	p2 =	sne.s32 s0, $0x27;
	s2 =	sadd.s32 $0x80, s2;
	s1 =	sadd.s32 $0x80, s1  }
0x280: {  	v5 =	vmov s0;
	s0 =	sadd.s32 $0x1, s0;
	v1 =	vmul.f32 v3, v1;
	v2 =	vmul.f32 v4, v2;
	_ =	sdelay $0x1  }
0x281: {  	[tilespmem:s16+$0xFFFFFFF0] =	vst v1  }
0x282: {  	[tilespmem:s16+$0x30] =	vst v2;
	s16 =	smov.u32 s2  }
0x283: {  	v1 =	vld [tilespmem:s1+$0xFFFFFFE0]  }
0x284: {  	v4 =	vld.idx.msk [tilespmem:v5+s14+$0x0], $0xffff;
	_ =	sdelay $0x1  }
0x285: {  	v2 =	vld [tilespmem:s2+$0x0]  }
0x286: {  	v3 =	vld [tilespmem:s2+$0xFFFFFFC0];
	_ =	sdelay $0x1  }
0x287: {  	v5 =	vshll.u32 v1, $0x10;
	v1 =	vand.u32 $0xFFFF0000, v1  }
0x288: {  	v5 =	vmul.f32 v5, v4;
	v1 =	vmul.f32 v1, v4;
	_ =	sdelay $0x1  }
0x289: {  	v1 =	vmul.f32 v1, v2;
	v3 =	vmul.f32 v5, v3;
	_ =	sdelay $0x1  }
0x28a: {  	[tilespmem:s2+$0xFFFFFFC0] =	vst v3  }
0x28b: {  	[tilespmem:s2+$0x0] =	vst v1  }
0x28c: {  	v1 =	vld [tilespmem:s1+$0xFFFFFFF0];
	_ =	sdelay $0x1  }
0x28d: {  	v2 =	vld [tilespmem:s2+$0x10]  }
0x28e: {  	v3 =	vld [tilespmem:s2+$0xFFFFFFD0];
	_ =	sdelay $0x1  }
0x28f: {  	v5 =	vshll.u32 v1, $0x10;
	v1 =	vand.u32 $0xFFFF0000, v1  }
0x290: {  	v5 =	vmul.f32 v5, v4;
	v1 =	vmul.f32 v1, v4;
	_ =	sdelay $0x1  }
0x291: {  	v3 =	vmul.f32 v5, v3;
	v1 =	vmul.f32 v1, v2;
	_ =	sdelay $0x1  }
0x292: {  	[tilespmem:s2+$0xFFFFFFD0] =	vst v3  }
0x293: {  	[tilespmem:s2+$0x10] =	vst v1  }
0x294: {  	v1 =	vld [tilespmem:s1+$0x0];
	_ =	sdelay $0x1  }
0x295: {  	v2 =	vld [tilespmem:s2+$0x20]  }
0x296: {  	v3 =	vld [tilespmem:s2+$0xFFFFFFE0];
	_ =	sdelay $0x1  }
0x297: {  	v5 =	vshll.u32 v1, $0x10;
	v1 =	vand.u32 $0xFFFF0000, v1  }
0x298: {  	v5 =	vmul.f32 v5, v4;
	v1 =	vmul.f32 v1, v4;
	_ =	sdelay $0x1  }
0x299: {  	v3 =	vmul.f32 v5, v3;
	v1 =	vmul.f32 v1, v2;
	_ =	sdelay $0x1  }
0x29a: {  	[tilespmem:s2+$0xFFFFFFE0] =	vst v3  }
0x29b: {  	[tilespmem:s2+$0x20] =	vst v1;
	v1 =	vld [tilespmem:s2+$0xFFFFFFF0]  }
0x29c: {  	v3 =	vld [tilespmem:s1+$0x10];
	_ =	sdelay $0x1  }
.Ltmp5:
0x29d: {  	(pc) =	sbr.rel @p2 .LBB2_13-.Ltmp5, $3  }
0x29e: {  	v2 =	vld [tilespmem:s2+$0x30];
	_ =	sdelay $0x1  }
0x29f: {  	v5 =	vshll.u32 v3, $0x10;
	v6 =	vand.u32 $0xFFFF0000, v3  }
0x2a0: {  	v3 =	vmul.f32 v5, v4;
	v4 =	vmul.f32 v6, v4  }
0x2a1: {  	_ = 	snop  }
0x2a2: {  	v1 =	vmul.f32 v3, v1  }
0x2a3: {  	v2 =	vmul.f32 v4, v2  }
0x2a4: {  	s31 =	sadd.s32 $0x1, s31;
	[tilespmem:s16+$0xFFFFFFF0] =	vst v1  }
0x2a5: {  	p2 =	sne.s32 s31, $0x3C;
	[tilespmem:s16+$0x30] =	vst v2  }
.Ltmp6:
0x2a6: {  	_ =	swait.ge [sflag:s24], $0x28;
	(pc) =	sbr.rel @p2 .LBB2_10-.Ltmp6, $4  }
0x2a7: {  	[sflag:s24] =	ssyncset.done $0x0  }
0x2a8: {  	[sflag:s24] =	ssyncadd.s32 $0xFFFFFFD8  }
0x2a9: {  	s29 =	simm.s32 $0x100;
	s0 =	rddreg [dreg:$0x2]  }
0x2aa: {  	[spmem:s0] =	stream.indirect.scatter.add.f32 [tilespmem:s12], [sflag:$0x9], $0x80, s29, s11, $0xb8;
	[tilespmem:$0x1A380] =	vst v63  }
0x2ab: {  	_ =	swait.ge [sflag:s25], $0x1400  }
0x2ac: {  	[sflag:s25] =	ssyncset.done $0x0  }
0x2ad: {  	[sflag:s25] =	ssyncadd.s32 $0xFFFFEC00  }
0x2ae: {  	_ =	swait.ge [sflag:s10], $0x28  }
0x2af: {  	[sflag:s10] =	ssyncset.done $0x0  }
0x2b0: {  	[sflag:s10] =	ssyncadd.s32 $0xFFFFFFD8  }
0x2b1: {  	s0 =	simm.s32 $0x0;
	s1 =	rddreg [dreg:$0x0]  }
0x2b2: {  	[tilespmem:s12], [sflag:$0x5] =	stream.indirect.gather [hbm4b:s1+s11], $0x80, s0, s11, $0xb8;
	[tilespmem:$0x1A380] =	vst v63  }
0x2b3: {  	s2 =	simm.s32 $0x2A00;
	s19 =	rddreg [dreg:$0x1a]  }
0x2b4: {  	[tilespmem:s2], [sflag:$0x7] =	stream.linear.gather [hbm4b:s19+s0], $0x1400, $0x38;
	[tilespmem:$0x1A380] =	vst v63  }
0x2b5: {  	s22 =	rddreg [dreg:$0x1b]  }
0x2b6: {  	[tilespmem:s14], [sflag:$0xB] =	stream.linear.gather [hbm4b:s22+s0], $0x28, $0x38;
	[tilespmem:$0x1A380] =	vst v63  }
0x2b7: {  	s31 =	rddreg [dreg:$0x1c]  }
0x2b8: {  	[tilespmem:s29], [sflag:$0x3] =	stream.linear.gather [hbm4b:s31+s0], $0x28, $0x38;
	[tilespmem:$0x1A380] =	vst v63  }
0x2b9: {  	_ =	swait.ge [sflag:s26], $0x1400  }
0x2ba: {  	[sflag:s26] =	ssyncset.done $0x0  }
0x2bb: {  	[sflag:s26] =	ssyncadd.s32 $0xFFFFEC00  }
0x2bc: {  	_ =	swait.ge [sflag:s9], $0x1400  }
0x2bd: {  	[sflag:s9] =	ssyncset.done $0x0  }
0x2be: {  	v1 =	vmov s0;
	[sflag:s9] =	ssyncadd.s32 $0xFFFFEC00  }
0x2bf: {  	_ =	swait.ge [sflag:s28], $0x28  }
0x2c0: {  	[sflag:s28] =	ssyncset.done $0x0  }
0x2c1: {  	s1 =	simm.s32 $0x3E20;
	[sflag:s28] =	ssyncadd.s32 $0xFFFFFFD8  }
0x2c2: {  	v2 =	vld [tilespmem:s1+$0xFFFFFFE0]  }
0x2c3: {  	v4 =	vld.idx.msk [tilespmem:v1+s18+$0x0], $0xffff  }
0x2c4: {  	s2 =	simm.s32 $0x1640  }
0x2c5: {  	v1 =	vld [tilespmem:s2+$0xFFFFFFC0]  }
0x2c6: {  	v3 =	vld [tilespmem:s2+$0x0]  }
0x2c7: {  	v5 =	vshll.u32 v2, $0x10  }
0x2c8: {  	v2 =	vand.u32 $0xFFFF0000, v2;
	v5 =	vmul.f32 v5, v4  }
0x2c9: {  	v2 =	vmul.f32 v2, v4  }
0x2ca: {  	v1 =	vmul.f32 v5, v1  }
0x2cb: {  	v2 =	vmul.f32 v2, v3  }
0x2cc: {  	[tilespmem:s2+$0xFFFFFFC0] =	vst v1  }
0x2cd: {  	[tilespmem:s2+$0x0] =	vst v2  }
0x2ce: {  	v1 =	vld [tilespmem:s1+$0xFFFFFFF0];
	_ =	sdelay $0x2  }
0x2cf: {  	v2 =	vld [tilespmem:s2+$0xFFFFFFD0]  }
0x2d0: {  	v3 =	vld [tilespmem:s2+$0x10]  }
0x2d1: {  	v5 =	vshll.u32 v1, $0x10  }
0x2d2: {  	v1 =	vand.u32 $0xFFFF0000, v1;
	v5 =	vmul.f32 v5, v4  }
0x2d3: {  	v1 =	vmul.f32 v1, v4  }
0x2d4: {  	v2 =	vmul.f32 v5, v2  }
0x2d5: {  	v1 =	vmul.f32 v1, v3  }
0x2d6: {  	[tilespmem:s2+$0xFFFFFFD0] =	vst v2  }
0x2d7: {  	[tilespmem:s2+$0x10] =	vst v1  }
0x2d8: {  	v1 =	vld [tilespmem:s1+$0x0];
	_ =	sdelay $0x2  }
0x2d9: {  	v2 =	vld [tilespmem:s2+$0xFFFFFFE0]  }
0x2da: {  	v3 =	vld [tilespmem:s2+$0x20]  }
0x2db: {  	v5 =	vshll.u32 v1, $0x10  }
0x2dc: {  	v1 =	vand.u32 $0xFFFF0000, v1;
	v5 =	vmul.f32 v5, v4  }
0x2dd: {  	v1 =	vmul.f32 v1, v4  }
0x2de: {  	v2 =	vmul.f32 v5, v2  }
0x2df: {  	v1 =	vmul.f32 v1, v3  }
0x2e0: {  	[tilespmem:s2+$0xFFFFFFE0] =	vst v2  }
0x2e1: {  	[tilespmem:s2+$0x20] =	vst v1  }
0x2e2: {  	v2 =	vld [tilespmem:s1+$0x10];
	_ =	sdelay $0x3  }
0x2e3: {  	v1 =	vld [tilespmem:s2+$0xFFFFFFF0]  }
0x2e4: {  	v3 =	vshll.u32 v2, $0x10;
	v5 =	vand.u32 $0xFFFF0000, v2;
	v2 =	vld [tilespmem:s2+$0x30];
	_ =	sdelay $0x2  }
0x2e5: {  	s13 =	simm.s32 $0x1640;
	s0 =	simm.s32 $0x1;
	v3 =	vmul.f32 v3, v4;
	v4 =	vmul.f32 v5, v4  }
.LBB2_16:
0x2e6: {  	p2 =	sne.s32 s0, $0x27;
	s2 =	sadd.s32 $0x80, s2;
	s1 =	sadd.s32 $0x80, s1  }
0x2e7: {  	v5 =	vmov s0;
	s0 =	sadd.s32 $0x1, s0;
	v1 =	vmul.f32 v3, v1;
	v2 =	vmul.f32 v4, v2;
	_ =	sdelay $0x1  }
0x2e8: {  	[tilespmem:s13+$0xFFFFFFF0] =	vst v1  }
0x2e9: {  	[tilespmem:s13+$0x30] =	vst v2;
	s13 =	smov.u32 s2  }
0x2ea: {  	v1 =	vld [tilespmem:s1+$0xFFFFFFE0]  }
0x2eb: {  	v4 =	vld.idx.msk [tilespmem:v5+s18+$0x0], $0xffff;
	_ =	sdelay $0x1  }
0x2ec: {  	v2 =	vld [tilespmem:s2+$0x0]  }
0x2ed: {  	v3 =	vld [tilespmem:s2+$0xFFFFFFC0];
	_ =	sdelay $0x1  }
0x2ee: {  	v5 =	vshll.u32 v1, $0x10;
	v1 =	vand.u32 $0xFFFF0000, v1  }
0x2ef: {  	v5 =	vmul.f32 v5, v4;
	v1 =	vmul.f32 v1, v4;
	_ =	sdelay $0x1  }
0x2f0: {  	v1 =	vmul.f32 v1, v2;
	v3 =	vmul.f32 v5, v3;
	_ =	sdelay $0x1  }
0x2f1: {  	[tilespmem:s2+$0xFFFFFFC0] =	vst v3  }
0x2f2: {  	[tilespmem:s2+$0x0] =	vst v1  }
0x2f3: {  	v1 =	vld [tilespmem:s1+$0xFFFFFFF0];
	_ =	sdelay $0x1  }
0x2f4: {  	v2 =	vld [tilespmem:s2+$0x10]  }
0x2f5: {  	v3 =	vld [tilespmem:s2+$0xFFFFFFD0];
	_ =	sdelay $0x1  }
0x2f6: {  	v5 =	vshll.u32 v1, $0x10;
	v1 =	vand.u32 $0xFFFF0000, v1  }
0x2f7: {  	v5 =	vmul.f32 v5, v4;
	v1 =	vmul.f32 v1, v4;
	_ =	sdelay $0x1  }
0x2f8: {  	v3 =	vmul.f32 v5, v3;
	v1 =	vmul.f32 v1, v2;
	_ =	sdelay $0x1  }
0x2f9: {  	[tilespmem:s2+$0xFFFFFFD0] =	vst v3  }
0x2fa: {  	[tilespmem:s2+$0x10] =	vst v1  }
0x2fb: {  	v1 =	vld [tilespmem:s1+$0x0];
	_ =	sdelay $0x1  }
0x2fc: {  	v2 =	vld [tilespmem:s2+$0x20]  }
0x2fd: {  	v3 =	vld [tilespmem:s2+$0xFFFFFFE0];
	_ =	sdelay $0x1  }
0x2fe: {  	v5 =	vshll.u32 v1, $0x10;
	v1 =	vand.u32 $0xFFFF0000, v1  }
0x2ff: {  	v5 =	vmul.f32 v5, v4;
	v1 =	vmul.f32 v1, v4;
	_ =	sdelay $0x1  }
0x300: {  	v3 =	vmul.f32 v5, v3;
	v1 =	vmul.f32 v1, v2;
	_ =	sdelay $0x1  }
0x301: {  	[tilespmem:s2+$0xFFFFFFE0] =	vst v3  }
0x302: {  	[tilespmem:s2+$0x20] =	vst v1;
	v1 =	vld [tilespmem:s2+$0xFFFFFFF0]  }
0x303: {  	v3 =	vld [tilespmem:s1+$0x10];
	_ =	sdelay $0x1  }
.Ltmp7:
0x304: {  	(pc) =	sbr.rel @p2 .LBB2_16-.Ltmp7, $3  }
0x305: {  	v2 =	vld [tilespmem:s2+$0x30];
	_ =	sdelay $0x1  }
0x306: {  	v5 =	vshll.u32 v3, $0x10;
	v6 =	vand.u32 $0xFFFF0000, v3  }
0x307: {  	v3 =	vmul.f32 v5, v4;
	v4 =	vmul.f32 v6, v4  }
0x308: {  	_ = 	snop  }
0x309: {  	v1 =	vmul.f32 v3, v1  }
0x30a: {  	v2 =	vmul.f32 v4, v2  }
0x30b: {  	[tilespmem:s13+$0xFFFFFFF0] =	vst v1  }
0x30c: {  	[tilespmem:s13+$0x30] =	vst v2  }
0x30d: {  	_ =	swait.ge [sflag:s3], $0x28  }
0x30e: {  	[sflag:s3] =	ssyncset.done $0x0  }
0x30f: {  	[sflag:s3] =	ssyncadd.s32 $0xFFFFFFD8  }
0x310: {  	s0 =	rddreg [dreg:$0x2]  }
0x311: {  	[spmem:s0] =	stream.indirect.scatter.add.f32 [tilespmem:s4], [sflag:$0xA], $0x80, s30, s11, $0xb8;
	[tilespmem:$0x1A380] =	vst v63  }
0x312: {  	_ =	swait.ge [sflag:s17], $0x1400  }
0x313: {  	[sflag:s17] =	ssyncset.done $0x0  }
0x314: {  	[sflag:s17] =	ssyncadd.s32 $0xFFFFEC00  }
0x315: {  	_ =	swait.ge [sflag:s20], $0x1400  }
0x316: {  	[sflag:s20] =	ssyncset.done $0x0  }
0x317: {  	[sflag:s20] =	ssyncadd.s32 $0xFFFFEC00  }
0x318: {  	_ =	swait.ge [sflag:s21], $0x1400  }
0x319: {  	s31 =	simm.s32 $0x0;
	[sflag:s21] =	ssyncset.done $0x0  }
0x31a: {  	v1 =	vmov s31;
	[sflag:s21] =	ssyncadd.s32 $0xFFFFEC00  }
0x31b: {  	_ =	swait.ge [sflag:s23], $0x28  }
0x31c: {  	[sflag:s23] =	ssyncset.done $0x0  }
0x31d: {  	s1 =	simm.s32 $0x2A20;
	[sflag:s23] =	ssyncadd.s32 $0xFFFFFFD8  }
0x31e: {  	v2 =	vld [tilespmem:s1+$0xFFFFFFE0]  }
0x31f: {  	v4 =	vld.idx.msk [tilespmem:v1+s14+$0x0], $0xffff  }
0x320: {  	s2 =	simm.s32 $0x240  }
0x321: {  	v1 =	vld [tilespmem:s2+$0xFFFFFFC0]  }
0x322: {  	v3 =	vld [tilespmem:s2+$0x0]  }
0x323: {  	v5 =	vshll.u32 v2, $0x10  }
0x324: {  	v2 =	vand.u32 $0xFFFF0000, v2;
	v5 =	vmul.f32 v5, v4  }
0x325: {  	v2 =	vmul.f32 v2, v4  }
0x326: {  	v1 =	vmul.f32 v5, v1  }
0x327: {  	v2 =	vmul.f32 v2, v3  }
0x328: {  	[tilespmem:s2+$0xFFFFFFC0] =	vst v1  }
0x329: {  	[tilespmem:s2+$0x0] =	vst v2  }
0x32a: {  	v1 =	vld [tilespmem:s1+$0xFFFFFFF0];
	_ =	sdelay $0x2  }
0x32b: {  	v2 =	vld [tilespmem:s2+$0xFFFFFFD0]  }
0x32c: {  	v3 =	vld [tilespmem:s2+$0x10]  }
0x32d: {  	v5 =	vshll.u32 v1, $0x10  }
0x32e: {  	v1 =	vand.u32 $0xFFFF0000, v1;
	v5 =	vmul.f32 v5, v4  }
0x32f: {  	v1 =	vmul.f32 v1, v4  }
0x330: {  	v2 =	vmul.f32 v5, v2  }
0x331: {  	v1 =	vmul.f32 v1, v3  }
0x332: {  	[tilespmem:s2+$0xFFFFFFD0] =	vst v2  }
0x333: {  	[tilespmem:s2+$0x10] =	vst v1  }
0x334: {  	v1 =	vld [tilespmem:s1+$0x0];
	_ =	sdelay $0x2  }
0x335: {  	v2 =	vld [tilespmem:s2+$0xFFFFFFE0]  }
0x336: {  	v3 =	vld [tilespmem:s2+$0x20]  }
0x337: {  	v5 =	vshll.u32 v1, $0x10  }
0x338: {  	v1 =	vand.u32 $0xFFFF0000, v1;
	v5 =	vmul.f32 v5, v4  }
0x339: {  	v1 =	vmul.f32 v1, v4  }
0x33a: {  	v2 =	vmul.f32 v5, v2  }
0x33b: {  	v1 =	vmul.f32 v1, v3  }
0x33c: {  	[tilespmem:s2+$0xFFFFFFE0] =	vst v2  }
0x33d: {  	[tilespmem:s2+$0x20] =	vst v1  }
0x33e: {  	v2 =	vld [tilespmem:s1+$0x10];
	_ =	sdelay $0x3  }
0x33f: {  	v1 =	vld [tilespmem:s2+$0xFFFFFFF0]  }
0x340: {  	v3 =	vshll.u32 v2, $0x10;
	v5 =	vand.u32 $0xFFFF0000, v2;
	v2 =	vld [tilespmem:s2+$0x30];
	_ =	sdelay $0x1  }
0x341: {  	s16 =	rddreg [dreg:$0x4]  }
0x342: {  	s13 =	simm.s32 $0x240;
	s0 =	simm.s32 $0x1;
	s22 =	rddreg [dreg:$0x1d];
	v3 =	vmul.f32 v3, v4;
	v4 =	vmul.f32 v5, v4  }
.LBB2_18:
0x343: {  	p2 =	sne.s32 s0, $0x27;
	s2 =	sadd.s32 $0x80, s2;
	s1 =	sadd.s32 $0x80, s1  }
0x344: {  	v5 =	vmov s0;
	s0 =	sadd.s32 $0x1, s0;
	v1 =	vmul.f32 v3, v1;
	v2 =	vmul.f32 v4, v2;
	_ =	sdelay $0x1  }
0x345: {  	[tilespmem:s13+$0xFFFFFFF0] =	vst v1  }
0x346: {  	[tilespmem:s13+$0x30] =	vst v2;
	s13 =	smov.u32 s2  }
0x347: {  	v1 =	vld [tilespmem:s1+$0xFFFFFFE0]  }
0x348: {  	v4 =	vld.idx.msk [tilespmem:v5+s14+$0x0], $0xffff;
	_ =	sdelay $0x1  }
0x349: {  	v2 =	vld [tilespmem:s2+$0x0]  }
0x34a: {  	v3 =	vld [tilespmem:s2+$0xFFFFFFC0];
	_ =	sdelay $0x1  }
0x34b: {  	v5 =	vshll.u32 v1, $0x10;
	v1 =	vand.u32 $0xFFFF0000, v1  }
0x34c: {  	v5 =	vmul.f32 v5, v4;
	v1 =	vmul.f32 v1, v4;
	_ =	sdelay $0x1  }
0x34d: {  	v1 =	vmul.f32 v1, v2;
	v3 =	vmul.f32 v5, v3;
	_ =	sdelay $0x1  }
0x34e: {  	[tilespmem:s2+$0xFFFFFFC0] =	vst v3  }
0x34f: {  	[tilespmem:s2+$0x0] =	vst v1  }
0x350: {  	v1 =	vld [tilespmem:s1+$0xFFFFFFF0];
	_ =	sdelay $0x1  }
0x351: {  	v2 =	vld [tilespmem:s2+$0x10]  }
0x352: {  	v3 =	vld [tilespmem:s2+$0xFFFFFFD0];
	_ =	sdelay $0x1  }
0x353: {  	v5 =	vshll.u32 v1, $0x10;
	v1 =	vand.u32 $0xFFFF0000, v1  }
0x354: {  	v5 =	vmul.f32 v5, v4;
	v1 =	vmul.f32 v1, v4;
	_ =	sdelay $0x1  }
0x355: {  	v3 =	vmul.f32 v5, v3;
	v1 =	vmul.f32 v1, v2;
	_ =	sdelay $0x1  }
0x356: {  	[tilespmem:s2+$0xFFFFFFD0] =	vst v3  }
0x357: {  	[tilespmem:s2+$0x10] =	vst v1  }
0x358: {  	v1 =	vld [tilespmem:s1+$0x0];
	_ =	sdelay $0x1  }
0x359: {  	v2 =	vld [tilespmem:s2+$0x20]  }
0x35a: {  	v3 =	vld [tilespmem:s2+$0xFFFFFFE0];
	_ =	sdelay $0x1  }
0x35b: {  	v5 =	vshll.u32 v1, $0x10;
	v1 =	vand.u32 $0xFFFF0000, v1  }
0x35c: {  	v5 =	vmul.f32 v5, v4;
	v1 =	vmul.f32 v1, v4;
	_ =	sdelay $0x1  }
0x35d: {  	v3 =	vmul.f32 v5, v3;
	v1 =	vmul.f32 v1, v2;
	_ =	sdelay $0x1  }
0x35e: {  	[tilespmem:s2+$0xFFFFFFE0] =	vst v3  }
0x35f: {  	[tilespmem:s2+$0x20] =	vst v1;
	v1 =	vld [tilespmem:s2+$0xFFFFFFF0]  }
0x360: {  	v3 =	vld [tilespmem:s1+$0x10];
	_ =	sdelay $0x1  }
.Ltmp8:
0x361: {  	(pc) =	sbr.rel @p2 .LBB2_18-.Ltmp8, $3  }
0x362: {  	v2 =	vld [tilespmem:s2+$0x30];
	_ =	sdelay $0x1  }
0x363: {  	v5 =	vshll.u32 v3, $0x10;
	v6 =	vand.u32 $0xFFFF0000, v3  }
0x364: {  	v3 =	vmul.f32 v5, v4;
	v4 =	vmul.f32 v6, v4  }
0x365: {  	_ = 	snop  }
0x366: {  	v1 =	vmul.f32 v3, v1  }
0x367: {  	v2 =	vmul.f32 v4, v2  }
0x368: {  	[tilespmem:s13+$0xFFFFFFF0] =	vst v1  }
0x369: {  	[tilespmem:s13+$0x30] =	vst v2  }
0x36a: {  	_ =	swait.ge [sflag:s24], $0x28  }
0x36b: {  	[sflag:s24] =	ssyncset.done $0x0  }
0x36c: {  	[sflag:s24] =	ssyncadd.s32 $0xFFFFFFD8  }
0x36d: {  	s0 =	rddreg [dreg:$0x2]  }
0x36e: {  	[spmem:s0] =	stream.indirect.scatter.add.f32 [tilespmem:s12], [sflag:$0x9], $0x80, s29, s11, $0xb8;
	[tilespmem:$0x1A380] =	vst v63  }
0x36f: {  	_ =	swait.ge [sflag:s25], $0x1400  }
0x370: {  	[sflag:s25] =	ssyncset.done $0x0  }
0x371: {  	[sflag:s25] =	ssyncadd.s32 $0xFFFFEC00  }
0x372: {  	[bflag:$0x0] =	sbarrier.arrive $0xFFFF  }
0x373: {  	s2 =	sld [smem:$0x7F0];
	_ =	sdelay $0x1  }
0x374: {  	s0 =	simm.s32 @p0 $0x1FCE;
	s1 =	rddreg [dreg:$0x1e]  }
0x375: {  	[hbm:s1], [sflag:s0] =	dma.local @p0 [spmem:s2], $0x2800  }
0x376: {  	s0 =	simm.s32 @p0 $0xE  }
0x377: {  	s1 =	stileid.u32;
	_ =	swait.ge @p0 [sflag:s0], $0x2800  }
0x378: {  	s1 =	sshll.u32 @!p0 s1, $0x6;
	[sflag:s0] =	ssyncset.done @p0 $0x0;
	s2 =	rddreg [dreg:$0x11]  }
0x379: {  	[sflag:s0] =	ssyncadd.s32 @p0 $0xFFFFD800;
	s0 =	sor.u32 @!p0 $0x1C0E, s1;
	s1 =	sshrl.u32 @!p0 s22, $0x3  }
0x37a: {  	[hbm:s2], [sflag:s0] =	dma.local @!p0 [spmem:s1], $0x2700  }
0x37b: {  	s0 =	simm.s32 @!p0 $0xE  }
0x37c: {  	_ =	swait.ge @!p0 [sflag:s0], $0x2700  }
0x37d: {  	s16 =	sadd.s32 $0x1, s16;
	s31 =	rddreg [dreg:$0x1f]  }
0x37e: {  	p2 =	sne.s32 s16, s31  }
.Ltmp9:
0x37f: {  	_ = 	snop;
	(pc) =	sbr.rel @p2 .LBB2_1-.Ltmp9, $3  }
0x380: {  	_ =	sdelay $0x1  }
0x381: {  	[sflag:s0] =	ssyncset.done @!p0 $0x0  }
0x382: {  	[sflag:s0] =	ssyncadd.s32 @!p0 $0xFFFFD900  }
0x383: {  	_ =	sfence.sel $0x180000  }
0x384: {  	[bflag:$0x0] =	sbarrier.arrive $0xFFFF  }
0x385: {  	_ =	strace $0x9000004A  }
0x386: {  	s0 =	stileid.u32;
	[bflag:$0x2] =	sbarrier.arrive $0xFFFF  }
0x387: {  	p0 =	sne.s32 s0, $0x0;
	s0 =	rddreg [dreg:$0x3]  }
0x388: {  	s0 =	sadd.s32 @!p0 $0x100000, s0  }
0x389: {  	[sflag:s0] =	ssyncadd.tile.s32 @!p0 $0x1;
	_ =	shalt  }
.Lfunc_end2:
_tile_overlayer_lowered:
.L_overlay_start_2:
0x38a: {  	(tag) =	ssettag $0x2  }
0x38b: {  	s0 =	rddreg [dreg:$0x0];
	s2 =	stileid.u32  }
0x38c: {  	s1 =	rddreg [dreg:$0x1];
	p0 =	sne.s32 s2, $0x0  }
0x38d: {  	s3 =	rddreg [dreg:$0x2];
	[bflag:$0x3] =	sbarrier.arrive $0xFFFF;
	s2 =	simm.s32 @!p0 $0x1C0E  }
0x38e: {  	[timem:s3], [sflag:s2] =	dma.local @!p0 [hbm:s0], s1  }
0x38f: {  	s0 =	simm.s32 @!p0 $0xE  }
0x390: {  	_ =	swait.ge @!p0 [sflag:s0], s1  }
0x391: {  	s1 =	ssub.s32 @!p0 $0x0, s1;
	[sflag:s0] =	ssyncset.done @!p0 $0x0  }
0x392: {  	[sflag:s0] =	ssyncadd.s32 @!p0 s1  }
0x393: {  	[bflag:$0x3] =	sbarrier.arrive $0xFFFF  }
0x394: {  	_ =	shalt  }

</sc_bundles>
